<compile_context>
chip_gen: v7x
topology: tpu7x:2x2x1
jax: 0.10.2.dev20260603
libtpu: 0.0.44.dev20260713+nightly
codegen_flags: <defaults>
</compile_context>

<pallas_src>
import functools

import jax
import jax.numpy as jnp
from jax import lax
from jax.experimental import pallas as pl
from jax.experimental.pallas import tpu as pltpu
from jax.experimental.pallas import tpu_sc as plsc

N = 10000
NP = 10240
D = 128
B = 64
EPS = 1e-5
NTILES = 32
CHUNK = 128
KC = 84
HKC = KC // 2
EPAD = NTILES * KC * CHUNK
ROWS_PER_TILE = NP // 16


def _sc_edge_body(zeros_hbm, h_hbm, src_hbm, dst_hbm, out_hbm,
                  src_v, dst_v, rows_a, rows_b, acc,
                  sem_a, sem_b, sem_c, sem_d):
    c = lax.axis_index("c")
    s = lax.axis_index("s")
    tid = c * 16 + s

    pltpu.sync_copy(src_hbm.at[tid * 2], src_v)
    pltpu.sync_copy(dst_hbm.at[tid * 2], dst_v)
    pltpu.sync_copy(zeros_hbm, acc.at[pl.ds(s * ROWS_PER_TILE, ROWS_PER_TILE)])
    plsc.subcore_barrier()

    for half in range(2):
        if half:
            pltpu.sync_copy(src_hbm.at[tid * 2 + half], src_v)
            pltpu.sync_copy(dst_hbm.at[tid * 2 + half], dst_v)

        def step(k, carry):
            j0 = 2 * k
            j1 = j0 + 1
            ga = pltpu.async_copy(h_hbm.at[src_v.at[j0]], rows_a, sem_a)
            gb = pltpu.async_copy(h_hbm.at[src_v.at[j1]], rows_b, sem_b)
            ga.wait()
            sa = pltpu.async_copy(rows_a, acc.at[dst_v.at[j0]], sem_c,
                                  add=True)
            gb.wait()
            sb = pltpu.async_copy(rows_b, acc.at[dst_v.at[j1]], sem_d,
                                  add=True)
            sa.wait()
            sb.wait()
            return carry

        lax.fori_loop(0, HKC // 2, step, 0)
    plsc.subcore_barrier()

    pltpu.sync_copy(acc.at[pl.ds(s * ROWS_PER_TILE, ROWS_PER_TILE)],
                    out_hbm.at[c, pl.ds(s * ROWS_PER_TILE, ROWS_PER_TILE)])


def _sc_deg_body(zeros_hbm, ones_hbm, dst_hbm, out_hbm,
                 dst_v, rows_a, acc, sem_c, sem_d):
    c = lax.axis_index("c")
    s = lax.axis_index("s")
    tid = c * 16 + s

    pltpu.sync_copy(dst_hbm.at[tid * 2], dst_v)
    pltpu.sync_copy(ones_hbm, rows_a)
    pltpu.sync_copy(zeros_hbm, acc.at[pl.ds(s * ROWS_PER_TILE, ROWS_PER_TILE)])
    plsc.subcore_barrier()

    for half in range(2):
        if half:
            pltpu.sync_copy(dst_hbm.at[tid * 2 + half], dst_v)

        def step(k, carry):
            j0 = 2 * k
            sa = pltpu.async_copy(rows_a, acc.at[dst_v.at[j0]], sem_c,
                                  add=True)
            sb = pltpu.async_copy(rows_a, acc.at[dst_v.at[j0 + 1]], sem_d,
                                  add=True)
            sa.wait()
            sb.wait()
            return carry

        lax.fori_loop(0, HKC // 2, step, 0)
    plsc.subcore_barrier()

    pltpu.sync_copy(acc.at[pl.ds(s * ROWS_PER_TILE, ROWS_PER_TILE)],
                    out_hbm.at[c, pl.ds(s * ROWS_PER_TILE, ROWS_PER_TILE)])


def _sc_mesh():
    return plsc.VectorSubcoreMesh(core_axis_name="c", subcore_axis_name="s")


def _make_edge_pass():
    return pl.kernel(
        _sc_edge_body,
        out_type=jax.ShapeDtypeStruct((2, NP, D), jnp.float32),
        mesh=_sc_mesh(),
        scratch_types=[
            pltpu.VMEM((HKC, CHUNK), jnp.int32),
            pltpu.VMEM((HKC, CHUNK), jnp.int32),
            pltpu.VMEM((CHUNK, D), jnp.float32),
            pltpu.VMEM((CHUNK, D), jnp.float32),
            pltpu.VMEM_SHARED((NP, D), jnp.float32),
            pltpu.SemaphoreType.DMA,
            pltpu.SemaphoreType.DMA,
            pltpu.SemaphoreType.DMA,
            pltpu.SemaphoreType.DMA,
        ],
    )


def _make_deg_pass():
    return pl.kernel(
        _sc_deg_body,
        out_type=jax.ShapeDtypeStruct((2, NP, D), jnp.float32),
        mesh=_sc_mesh(),
        scratch_types=[
            pltpu.VMEM((HKC, CHUNK), jnp.int32),
            pltpu.VMEM((CHUNK, D), jnp.float32),
            pltpu.VMEM_SHARED((NP, D), jnp.float32),
            pltpu.SemaphoreType.DMA,
            pltpu.SemaphoreType.DMA,
        ],
    )


_RB = 512
_GRID = NP // _RB


def _t0_body(deg_ref, x_ref, w_ref, dis_ref, g_ref):
    deg = deg_ref[0] + deg_ref[1]
    dis = lax.rsqrt(jnp.maximum(deg, 1.0))
    dis_ref[...] = dis
    g_ref[...] = jnp.dot(x_ref[...], w_ref[...],
                         preferred_element_type=jnp.float32) * dis


def _combine_body(do_relu, has_prev, has_next, *refs):
    if has_prev and has_next:
        agg_ref, dis_ref, b_ref, gm_ref, bt_ref, prev_ref, w_ref, h_ref, g_ref = refs
    elif has_next:
        agg_ref, dis_ref, b_ref, gm_ref, bt_ref, w_ref, h_ref, g_ref = refs
    else:
        agg_ref, dis_ref, b_ref, gm_ref, bt_ref, prev_ref, h_ref = refs
    dis = dis_ref[...]
    z = (agg_ref[0] + agg_ref[1]) * dis + b_ref[...]
    mu = jnp.mean(z, axis=-1, keepdims=True)
    zc = z - mu
    var = jnp.mean(zc * zc, axis=-1, keepdims=True)
    h = zc * lax.rsqrt(var + EPS) * gm_ref[...] + bt_ref[...]
    if do_relu:
        h = jnp.maximum(h, 0.0)
    if has_prev:
        h = h + prev_ref[...]
    h_ref[...] = h
    if has_next:
        g_ref[...] = jnp.dot(h, w_ref[...],
                             preferred_element_type=jnp.float32) * dis


def _pool_body(h_ref, bf_ref, lw_ref, lb_ref, out_ref, sums_s, cnts_s):
    k = pl.program_id(0)

    @pl.when(k == 0)
    def _():
        sums_s[...] = jnp.zeros_like(sums_s)
        cnts_s[...] = jnp.zeros_like(cnts_s)

    bf = bf_ref[...]
    seg = lax.broadcasted_iota(jnp.int32, (_RB, D), 1).astype(jnp.float32)
    oh = (bf == seg).astype(jnp.float32)
    dn = (((0,), (0,)), ((), ()))
    sums_s[...] += lax.dot_general(oh, h_ref[...], dn,
                                   preferred_element_type=jnp.float32)
    cnts_s[...] += lax.dot_general(oh, jnp.ones((_RB, D), jnp.float32), dn,
                                   preferred_element_type=jnp.float32)

    @pl.when(k == _GRID - 1)
    def _():
        pooled = sums_s[...] / jnp.maximum(cnts_s[...], 1.0)
        out_ref[...] = jnp.dot(pooled, lw_ref[...],
                               preferred_element_type=jnp.float32) + lb_ref[...]


def _row_spec(n_lead=0):
    if n_lead:
        return pl.BlockSpec((n_lead, _RB, D), lambda k: (0, k, 0))
    return pl.BlockSpec((_RB, D), lambda k: (k, 0))


_FULL = pl.BlockSpec((D, D), lambda k: (0, 0))
_ROW1 = pl.BlockSpec((1, D), lambda k: (0, 0))


def _t0_call(deg2, xpad, w0):
    return pl.pallas_call(
        _t0_body,
        grid=(_GRID,),
        in_specs=[_row_spec(2), _row_spec(), _FULL],
        out_specs=[_row_spec(), _row_spec()],
        out_shape=[jax.ShapeDtypeStruct((NP, D), jnp.float32),
                   jax.ShapeDtypeStruct((NP, D), jnp.float32)],
    )(deg2, xpad, w0)


def _combine_call(do_relu, has_prev, has_next, agg2, dis, b, gm, bt,
                  prev=None, wnext=None):
    ins = [agg2, dis, b, gm, bt]
    specs = [_row_spec(2), _row_spec(), _ROW1, _ROW1, _ROW1]
    if has_prev:
        ins.append(prev)
        specs.append(_row_spec())
    if has_next:
        ins.append(wnext)
        specs.append(_FULL)
        out_specs = [_row_spec(), _row_spec()]
        out_shape = [jax.ShapeDtypeStruct((NP, D), jnp.float32),
                     jax.ShapeDtypeStruct((NP, D), jnp.float32)]
    else:
        out_specs = [_row_spec()]
        out_shape = [jax.ShapeDtypeStruct((NP, D), jnp.float32)]
    return pl.pallas_call(
        functools.partial(_combine_body, do_relu, has_prev, has_next),
        grid=(_GRID,),
        in_specs=specs,
        out_specs=out_specs,
        out_shape=out_shape,
    )(*ins)


def _pool_call(h, batchf, lwpad, lbbc):
    return pl.pallas_call(
        _pool_body,
        grid=(_GRID,),
        in_specs=[_row_spec(), _row_spec(), _FULL, _ROW1],
        out_specs=pl.BlockSpec((D, D), lambda k: (0, 0)),
        out_shape=jax.ShapeDtypeStruct((D, D), jnp.float32),
        scratch_shapes=[pltpu.VMEM((D, D), jnp.float32),
                        pltpu.VMEM((D, D), jnp.float32)],
    )(h, batchf, lwpad, lbbc)


def kernel(x, edge_index, batch, Ws, bs, gammas, betas, linW, linb):
    f32 = jnp.float32
    loop = jnp.arange(N, dtype=edge_index.dtype)
    src = jnp.concatenate([edge_index[0], loop])
    dst = jnp.concatenate([edge_index[1], loop])
    npad = EPAD - src.shape[0]
    src3 = jnp.concatenate(
        [src, (jnp.arange(npad) % N).astype(src.dtype)]
    ).reshape(NTILES * 2, HKC, CHUNK)
    dst3 = jnp.concatenate(
        [dst, (N + (jnp.arange(npad) % (NP - N))).astype(dst.dtype)]
    ).reshape(NTILES * 2, HKC, CHUNK)

    xpad = jnp.zeros((NP, D), f32).at[:N].set(x)
    ones_c = jnp.ones((CHUNK, D), f32)
    zeros_t = jnp.zeros((ROWS_PER_TILE, D), f32)
    batchf = jnp.broadcast_to(
        jnp.concatenate([batch, jnp.full((NP - N,), B, batch.dtype)]
                        ).astype(f32)[:, None], (NP, D))
    lwpad = jnp.zeros((D, D), f32).at[:, :1].set(linW)
    lbbc = jnp.broadcast_to(linb.reshape(1, 1), (1, D))

    edge_pass = _make_edge_pass()

    deg2 = _make_deg_pass()(zeros_t, ones_c, dst3)
    dis, g = _t0_call(deg2, xpad, Ws[0])

    h = None
    for i in range(7):
        agg2 = edge_pass(zeros_t, g, src3, dst3)
        b_i = bs[i].reshape(1, D)
        gm_i = gammas[i].reshape(1, D)
        bt_i = betas[i].reshape(1, D)
        if i == 0:
            h, g = _combine_call(True, False, True, agg2, dis,
                                 b_i, gm_i, bt_i, wnext=Ws[1])
        elif i < 6:
            h, g = _combine_call(True, True, True, agg2, dis,
                                 b_i, gm_i, bt_i, prev=h, wnext=Ws[i + 1])
        else:
            (h,) = _combine_call(False, True, False, agg2, dis,
                                 b_i, gm_i, bt_i, prev=h)

    out = _pool_call(h, batchf, lwpad, lbbc)
    return out[:B, :1]

# --- scband reference (transcript-rebuilt; emitter-appended) ---
"""Pipeline reference for scband-mathilde-gcn-69226282877222 (READ-ONLY COPY).

The authoritative reference and input builder live on the scoring server;
editing this copy changes nothing except your own understanding.
"""

import jax, jax.numpy as jnp
import numpy as np

N = 10000
E = 320000
D = 128
H = 128
L = 7
B = 64
EPS = 1e-5


def layer_norm(x, g, b):
    mu = jnp.mean(x, axis=-1, keepdims=True)
    var = jnp.mean((x - mu) ** 2, axis=-1, keepdims=True)
    return (x - mu) / jnp.sqrt(var + EPS) * g + b


def setup_inputs(seed: int = 0) -> dict:
    key = jax.random.key(seed)
    ks = jax.random.split(key, 8)
    x = jax.random.normal(ks[0], (N, D), dtype=jnp.float32)
    edge_index = jax.random.randint(ks[1], (2, E), 0, N, dtype=jnp.int32)
    batch = jnp.sort(jax.random.randint(ks[2], (N,), 0, B, dtype=jnp.int32))
    Ws = jax.random.normal(ks[3], (L, D, H), dtype=jnp.float32) * 0.05
    bs = jnp.zeros((L, H), dtype=jnp.float32)
    gammas = jnp.ones((L, H), dtype=jnp.float32)
    betas = jnp.zeros((L, H), dtype=jnp.float32)
    linW = jax.random.normal(ks[4], (H, 1), dtype=jnp.float32) * 0.05
    linb = jnp.zeros((1,), dtype=jnp.float32)
    return {"x": x, "edge_index": edge_index, "batch": batch, "Ws": Ws, "bs": bs,
            "gammas": gammas, "betas": betas, "linW": linW, "linb": linb}


def reference(x, edge_index, batch, Ws, bs, gammas, betas, linW, linb):
    loop = jnp.arange(N, dtype=edge_index.dtype)
    src = jnp.concatenate([edge_index[0], loop])
    dst = jnp.concatenate([edge_index[1], loop])
    deg = jnp.zeros((N,), dtype=jnp.float32).at[dst].add(1.0)
    dis = 1.0 / jnp.sqrt(deg)
    norm = (dis[src] * dis[dst])[:, None]

    def conv(h, W, b):
        h = h @ W
        msg = h[src] * norm
        agg = jnp.zeros((N, W.shape[1]), dtype=jnp.float32).at[dst].add(msg)
        return agg + b

    h = jax.nn.relu(layer_norm(conv(x, Ws[0], bs[0]), gammas[0], betas[0]))
    prev = h
    for i in range(1, 6):
        h = jax.nn.relu(layer_norm(conv(h, Ws[i], bs[i]), gammas[i], betas[i]))
        h = h + prev
        prev = h
    h = layer_norm(conv(h, Ws[6], bs[6]), gammas[6], betas[6])
    h = h + prev
    sums = jax.ops.segment_sum(h, batch, num_segments=B)
    cnts = jax.ops.segment_sum(jnp.ones((N,), dtype=jnp.float32), batch, num_segments=B)
    pooled = sums / jnp.maximum(cnts, 1.0)[:, None]
    return pooled @ linW + linb

if __name__ == "__main__":
    import jax
    _d = setup_inputs()
    print(jax.jit(kernel)(*tuple(_d.values())))

</pallas_src>

<mosaic_0001>
#map = affine_map<(d0, d1) -> (0, 0)>
#map1 = affine_map<(d0, d1) -> (0, 0, 0)>
module attributes {stable_mosaic.version = 14 : i64} {
  func.func @_sc_deg_body(%arg0: i32, %arg1: i32, %arg2: memref<640x128xf32, #tpu.memory_space<hbm>>, %arg3: memref<128x128xf32, #tpu.memory_space<hbm>>, %arg4: memref<64x42x128xi32, #tpu.memory_space<hbm>>, %arg5: memref<2x10240x128xf32, #tpu.memory_space<hbm>>, %arg6: memref<42x128xi32, #tpu.memory_space<vmem>>, %arg7: memref<128x128xf32, #tpu.memory_space<vmem>>, %arg8: memref<10240x128xf32, #tpu.memory_space<vmem_shared>>, %arg9: memref<!tpu.dma_semaphore, #tpu.memory_space<semaphore_mem>>, %arg10: memref<!tpu.dma_semaphore, #tpu.memory_space<semaphore_mem>>) attributes {dimension_semantics = [#tpu.dimension_semantics<core_parallel>, #tpu.dimension_semantics<subcore_parallel>], iteration_bounds = array<i64: 2, 16>, scalar_prefetch = 0 : i64, scratch_operands = 5 : i64, tpu.core_type = #tpu.core_type<sc_vector_subcore>, window_params = [{transform_indices = #map}, {transform_indices = #map}, {transform_indices = #map1}, {transform_indices = #map1}]} {
    %mul3A = arith.constant 16 : i32
    %mul3A_0 = arith.muli %arg0, %mul3A : i32
    %add3A = arith.addi %mul3A_0, %arg1 : i32
    %mul3A_1 = arith.constant 2 : i32
    %mul3A_2 = arith.muli %add3A, %mul3A_1 : i32
    "tpu.region"() ({
      %run_scoped3A = tpu.sem_alloc : memref<!tpu.dma_semaphore, #tpu.memory_space<semaphore_mem>>
      %dma_start3A = arith.constant 0 : i32
      %dma_start3A_25 = arith.constant 0 : i32
      %dma_start3A_26 = tpu.memref_slice %arg4[%mul3A_2, %dma_start3A, %dma_start3A_25] : memref<64x42x128xi32, #tpu.memory_space<hbm>> -> memref<1x42x128xi32, #tpu.memory_space<hbm>>
      %dma_start3A_27 = tpu.memref_squeeze %dma_start3A_26 : memref<1x42x128xi32, #tpu.memory_space<hbm>> -> memref<42x128xi32, #tpu.memory_space<hbm>>
      %dma_start3A_28 = arith.constant 0 : i32
      %dma_start3A_29 = arith.constant 0 : i32
      %dma_start3A_30 = tpu.memref_slice %arg4[%mul3A_2, %dma_start3A_28, %dma_start3A_29] : memref<64x42x128xi32, #tpu.memory_space<hbm>> -> memref<1x42x128xi32, #tpu.memory_space<hbm>>
      %dma_start3A_31 = tpu.memref_squeeze %dma_start3A_30 : memref<1x42x128xi32, #tpu.memory_space<hbm>> -> memref<42x128xi32, #tpu.memory_space<hbm>>
      tpu.enqueue_dma source(%dma_start3A_31 : memref<42x128xi32, #tpu.memory_space<hbm>>) target(%arg6 : memref<42x128xi32, #tpu.memory_space<vmem>>) target_semaphore(%run_scoped3A : memref<!tpu.dma_semaphore, #tpu.memory_space<semaphore_mem>>)
      %dma_wait3A = arith.constant 0 : i32
      %dma_wait3A_32 = arith.constant 0 : i32
      %dma_wait3A_33 = tpu.memref_slice %arg4[%mul3A_2, %dma_wait3A, %dma_wait3A_32] : memref<64x42x128xi32, #tpu.memory_space<hbm>> -> memref<1x42x128xi32, #tpu.memory_space<hbm>>
      %dma_wait3A_34 = tpu.memref_squeeze %dma_wait3A_33 : memref<1x42x128xi32, #tpu.memory_space<hbm>> -> memref<42x128xi32, #tpu.memory_space<hbm>>
      %dma_wait3A_35 = arith.constant 0 : i32
      %dma_wait3A_36 = arith.constant 0 : i32
      %dma_wait3A_37 = tpu.memref_slice %arg4[%mul3A_2, %dma_wait3A_35, %dma_wait3A_36] : memref<64x42x128xi32, #tpu.memory_space<hbm>> -> memref<1x42x128xi32, #tpu.memory_space<hbm>>
      %dma_wait3A_38 = tpu.memref_squeeze %dma_wait3A_37 : memref<1x42x128xi32, #tpu.memory_space<hbm>> -> memref<42x128xi32, #tpu.memory_space<hbm>>
      tpu.wait_dma2 semaphore(%run_scoped3A : memref<!tpu.dma_semaphore, #tpu.memory_space<semaphore_mem>>) src(%dma_wait3A_38 : memref<42x128xi32, #tpu.memory_space<hbm>>) dst(%arg6 : memref<42x128xi32, #tpu.memory_space<vmem>>)
      tpu.yield
    }) : () -> ()
    "tpu.region"() ({
      %run_scoped3A = tpu.sem_alloc : memref<!tpu.dma_semaphore, #tpu.memory_space<semaphore_mem>>
      tpu.enqueue_dma source(%arg3 : memref<128x128xf32, #tpu.memory_space<hbm>>) target(%arg7 : memref<128x128xf32, #tpu.memory_space<vmem>>) target_semaphore(%run_scoped3A : memref<!tpu.dma_semaphore, #tpu.memory_space<semaphore_mem>>)
      tpu.wait_dma2 semaphore(%run_scoped3A : memref<!tpu.dma_semaphore, #tpu.memory_space<semaphore_mem>>) src(%arg3 : memref<128x128xf32, #tpu.memory_space<hbm>>) dst(%arg7 : memref<128x128xf32, #tpu.memory_space<vmem>>)
      tpu.yield
    }) : () -> ()
    %mul3A_3 = arith.constant 640 : i32
    %mul3A_4 = arith.muli %arg1, %mul3A_3 : i32
    "tpu.region"() ({
      %run_scoped3A = tpu.sem_alloc : memref<!tpu.dma_semaphore, #tpu.memory_space<semaphore_mem>>
      %dma_start3A = arith.constant 0 : i32
      %dma_start3A_25 = tpu.memref_slice %arg8[%mul3A_4, %dma_start3A] : memref<10240x128xf32, #tpu.memory_space<vmem_shared>> -> memref<640x128xf32, #tpu.memory_space<vmem_shared>>
      tpu.enqueue_dma source(%arg2 : memref<640x128xf32, #tpu.memory_space<hbm>>) target(%dma_start3A_25 : memref<640x128xf32, #tpu.memory_space<vmem_shared>>) target_semaphore(%run_scoped3A : memref<!tpu.dma_semaphore, #tpu.memory_space<semaphore_mem>>)
      %dma_wait3A = arith.constant 0 : i32
      %dma_wait3A_26 = tpu.memref_slice %arg8[%mul3A_4, %dma_wait3A] : memref<10240x128xf32, #tpu.memory_space<vmem_shared>> -> memref<640x128xf32, #tpu.memory_space<vmem_shared>>
      tpu.wait_dma2 semaphore(%run_scoped3A : memref<!tpu.dma_semaphore, #tpu.memory_space<semaphore_mem>>) src(%arg2 : memref<640x128xf32, #tpu.memory_space<hbm>>) dst(%dma_wait3A_26 : memref<640x128xf32, #tpu.memory_space<vmem_shared>>)
      tpu.yield
    }) : () -> ()
    %barrier3A = arith.constant 0 : index
    tpu.barrier barrier_id(%barrier3A)
    %scan3A = arith.constant 0 : i32
    %scan3A_5 = arith.constant 0 : i32
    %scan3A_6 = arith.constant 21 : i32
    %scan3A_7 = arith.addi %scan3A_5, %scan3A_6 : i32
    %scan3A_8 = arith.constant 1 : i32
    scf.for %scan3A_25 = %scan3A_5 to %scan3A_7 step %scan3A_8  : i32 {
      %mul3A_26 = arith.constant 2 : i32
      %mul3A_27 = arith.muli %mul3A_26, %scan3A_25 : i32
      %dma_start3A = arith.constant 0 : i32
      %dma_start3A_28 = tpu.memref_slice %arg6[%mul3A_27, %dma_start3A] : memref<42x128xi32, #tpu.memory_space<vmem>> -> memref<1x128xi32, #tpu.memory_space<vmem>>
      %dma_start3A_29 = tpu.memref_squeeze %dma_start3A_28 : memref<1x128xi32, #tpu.memory_space<vmem>> -> memref<128xi32, #tpu.memory_space<vmem>>
      %dma_start3A_30 = arith.constant 0 : i32
      %dma_start3A_31 = arith.constant 0 : i32
      %dma_start3A_32 = tpu.memref_slice %arg8[%dma_start3A_30, %dma_start3A_31] : memref<10240x128xf32, #tpu.memory_space<vmem_shared>> -> memref<10240x128xf32, #tpu.memory_space<vmem_shared>>
      tpu.enqueue_indirect_dma source(%arg7 : memref<128x128xf32, #tpu.memory_space<vmem>>) target(%dma_start3A_32 : memref<10240x128xf32, #tpu.memory_space<vmem_shared>>) offsets(%dma_start3A_29 : memref<128xi32, #tpu.memory_space<vmem>>) semaphore(%arg9 : memref<!tpu.dma_semaphore, #tpu.memory_space<semaphore_mem>>) {add = true}
      %add3A_33 = arith.constant 1 : i32
      %add3A_34 = arith.addi %mul3A_27, %add3A_33 : i32
      %dma_start3A_35 = arith.constant 0 : i32
      %dma_start3A_36 = tpu.memref_slice %arg6[%add3A_34, %dma_start3A_35] : memref<42x128xi32, #tpu.memory_space<vmem>> -> memref<1x128xi32, #tpu.memory_space<vmem>>
      %dma_start3A_37 = tpu.memref_squeeze %dma_start3A_36 : memref<1x128xi32, #tpu.memory_space<vmem>> -> memref<128xi32, #tpu.memory_space<vmem>>
      %dma_start3A_38 = arith.constant 0 : i32
      %dma_start3A_39 = arith.constant 0 : i32
      %dma_start3A_40 = tpu.memref_slice %arg8[%dma_start3A_38, %dma_start3A_39] : memref<10240x128xf32, #tpu.memory_space<vmem_shared>> -> memref<10240x128xf32, #tpu.memory_space<vmem_shared>>
      tpu.enqueue_indirect_dma source(%arg7 : memref<128x128xf32, #tpu.memory_space<vmem>>) target(%dma_start3A_40 : memref<10240x128xf32, #tpu.memory_space<vmem_shared>>) offsets(%dma_start3A_37 : memref<128xi32, #tpu.memory_space<vmem>>) semaphore(%arg10 : memref<!tpu.dma_semaphore, #tpu.memory_space<semaphore_mem>>) {add = true}
      %dma_wait3A = arith.constant 0 : i32
      %dma_wait3A_41 = tpu.memref_slice %arg6[%mul3A_27, %dma_wait3A] : memref<42x128xi32, #tpu.memory_space<vmem>> -> memref<1x128xi32, #tpu.memory_space<vmem>>
      %dma_wait3A_42 = tpu.memref_squeeze %dma_wait3A_41 : memref<1x128xi32, #tpu.memory_space<vmem>> -> memref<128xi32, #tpu.memory_space<vmem>>
      %dma_wait3A_43 = arith.constant 0 : i32
      %dma_wait3A_44 = arith.constant 0 : i32
      %dma_wait3A_45 = tpu.memref_slice %arg8[%dma_wait3A_43, %dma_wait3A_44] : memref<10240x128xf32, #tpu.memory_space<vmem_shared>> -> memref<10240x128xf32, #tpu.memory_space<vmem_shared>>
      tpu.wait_indirect_dma semaphore(%arg9 : memref<!tpu.dma_semaphore, #tpu.memory_space<semaphore_mem>>) src(%arg7 : memref<128x128xf32, #tpu.memory_space<vmem>>) dst(%dma_wait3A_45 : memref<10240x128xf32, #tpu.memory_space<vmem_shared>>)
      %dma_wait3A_46 = arith.constant 0 : i32
      %dma_wait3A_47 = tpu.memref_slice %arg6[%add3A_34, %dma_wait3A_46] : memref<42x128xi32, #tpu.memory_space<vmem>> -> memref<1x128xi32, #tpu.memory_space<vmem>>
      %dma_wait3A_48 = tpu.memref_squeeze %dma_wait3A_47 : memref<1x128xi32, #tpu.memory_space<vmem>> -> memref<128xi32, #tpu.memory_space<vmem>>
      %dma_wait3A_49 = arith.constant 0 : i32
      %dma_wait3A_50 = arith.constant 0 : i32
      %dma_wait3A_51 = tpu.memref_slice %arg8[%dma_wait3A_49, %dma_wait3A_50] : memref<10240x128xf32, #tpu.memory_space<vmem_shared>> -> memref<10240x128xf32, #tpu.memory_space<vmem_shared>>
      tpu.wait_indirect_dma semaphore(%arg10 : memref<!tpu.dma_semaphore, #tpu.memory_space<semaphore_mem>>) src(%arg7 : memref<128x128xf32, #tpu.memory_space<vmem>>) dst(%dma_wait3A_51 : memref<10240x128xf32, #tpu.memory_space<vmem_shared>>)
    }
    %scan3A_9 = arith.constant 21 : i32
    %mul3A_10 = arith.constant 2 : i32
    %mul3A_11 = arith.muli %add3A, %mul3A_10 : i32
    %add3A_12 = arith.constant 1 : i32
    %add3A_13 = arith.addi %mul3A_11, %add3A_12 : i32
    "tpu.region"() ({
      %run_scoped3A = tpu.sem_alloc : memref<!tpu.dma_semaphore, #tpu.memory_space<semaphore_mem>>
      %dma_start3A = arith.constant 0 : i32
      %dma_start3A_25 = arith.constant 0 : i32
      %dma_start3A_26 = tpu.memref_slice %arg4[%add3A_13, %dma_start3A, %dma_start3A_25] : memref<64x42x128xi32, #tpu.memory_space<hbm>> -> memref<1x42x128xi32, #tpu.memory_space<hbm>>
      %dma_start3A_27 = tpu.memref_squeeze %dma_start3A_26 : memref<1x42x128xi32, #tpu.memory_space<hbm>> -> memref<42x128xi32, #tpu.memory_space<hbm>>
      %dma_start3A_28 = arith.constant 0 : i32
      %dma_start3A_29 = arith.constant 0 : i32
      %dma_start3A_30 = tpu.memref_slice %arg4[%add3A_13, %dma_start3A_28, %dma_start3A_29] : memref<64x42x128xi32, #tpu.memory_space<hbm>> -> memref<1x42x128xi32, #tpu.memory_space<hbm>>
      %dma_start3A_31 = tpu.memref_squeeze %dma_start3A_30 : memref<1x42x128xi32, #tpu.memory_space<hbm>> -> memref<42x128xi32, #tpu.memory_space<hbm>>
      tpu.enqueue_dma source(%dma_start3A_31 : memref<42x128xi32, #tpu.memory_space<hbm>>) target(%arg6 : memref<42x128xi32, #tpu.memory_space<vmem>>) target_semaphore(%run_scoped3A : memref<!tpu.dma_semaphore, #tpu.memory_space<semaphore_mem>>)
      %dma_wait3A = arith.constant 0 : i32
      %dma_wait3A_32 = arith.constant 0 : i32
      %dma_wait3A_33 = tpu.memref_slice %arg4[%add3A_13, %dma_wait3A, %dma_wait3A_32] : memref<64x42x128xi32, #tpu.memory_space<hbm>> -> memref<1x42x128xi32, #tpu.memory_space<hbm>>
      %dma_wait3A_34 = tpu.memref_squeeze %dma_wait3A_33 : memref<1x42x128xi32, #tpu.memory_space<hbm>> -> memref<42x128xi32, #tpu.memory_space<hbm>>
      %dma_wait3A_35 = arith.constant 0 : i32
      %dma_wait3A_36 = arith.constant 0 : i32
      %dma_wait3A_37 = tpu.memref_slice %arg4[%add3A_13, %dma_wait3A_35, %dma_wait3A_36] : memref<64x42x128xi32, #tpu.memory_space<hbm>> -> memref<1x42x128xi32, #tpu.memory_space<hbm>>
      %dma_wait3A_38 = tpu.memref_squeeze %dma_wait3A_37 : memref<1x42x128xi32, #tpu.memory_space<hbm>> -> memref<42x128xi32, #tpu.memory_space<hbm>>
      tpu.wait_dma2 semaphore(%run_scoped3A : memref<!tpu.dma_semaphore, #tpu.memory_space<semaphore_mem>>) src(%dma_wait3A_38 : memref<42x128xi32, #tpu.memory_space<hbm>>) dst(%arg6 : memref<42x128xi32, #tpu.memory_space<vmem>>)
      tpu.yield
    }) : () -> ()
    %scan3A_14 = arith.constant 0 : i32
    %scan3A_15 = arith.constant 0 : i32
    %scan3A_16 = arith.constant 21 : i32
    %scan3A_17 = arith.addi %scan3A_15, %scan3A_16 : i32
    %scan3A_18 = arith.constant 1 : i32
    scf.for %scan3A_25 = %scan3A_15 to %scan3A_17 step %scan3A_18  : i32 {
      %mul3A_26 = arith.constant 2 : i32
      %mul3A_27 = arith.muli %mul3A_26, %scan3A_25 : i32
      %dma_start3A = arith.constant 0 : i32
      %dma_start3A_28 = tpu.memref_slice %arg6[%mul3A_27, %dma_start3A] : memref<42x128xi32, #tpu.memory_space<vmem>> -> memref<1x128xi32, #tpu.memory_space<vmem>>
      %dma_start3A_29 = tpu.memref_squeeze %dma_start3A_28 : memref<1x128xi32, #tpu.memory_space<vmem>> -> memref<128xi32, #tpu.memory_space<vmem>>
      %dma_start3A_30 = arith.constant 0 : i32
      %dma_start3A_31 = arith.constant 0 : i32
      %dma_start3A_32 = tpu.memref_slice %arg8[%dma_start3A_30, %dma_start3A_31] : memref<10240x128xf32, #tpu.memory_space<vmem_shared>> -> memref<10240x128xf32, #tpu.memory_space<vmem_shared>>
      tpu.enqueue_indirect_dma source(%arg7 : memref<128x128xf32, #tpu.memory_space<vmem>>) target(%dma_start3A_32 : memref<10240x128xf32, #tpu.memory_space<vmem_shared>>) offsets(%dma_start3A_29 : memref<128xi32, #tpu.memory_space<vmem>>) semaphore(%arg9 : memref<!tpu.dma_semaphore, #tpu.memory_space<semaphore_mem>>) {add = true}
      %add3A_33 = arith.constant 1 : i32
      %add3A_34 = arith.addi %mul3A_27, %add3A_33 : i32
      %dma_start3A_35 = arith.constant 0 : i32
      %dma_start3A_36 = tpu.memref_slice %arg6[%add3A_34, %dma_start3A_35] : memref<42x128xi32, #tpu.memory_space<vmem>> -> memref<1x128xi32, #tpu.memory_space<vmem>>
      %dma_start3A_37 = tpu.memref_squeeze %dma_start3A_36 : memref<1x128xi32, #tpu.memory_space<vmem>> -> memref<128xi32, #tpu.memory_space<vmem>>
      %dma_start3A_38 = arith.constant 0 : i32
      %dma_start3A_39 = arith.constant 0 : i32
      %dma_start3A_40 = tpu.memref_slice %arg8[%dma_start3A_38, %dma_start3A_39] : memref<10240x128xf32, #tpu.memory_space<vmem_shared>> -> memref<10240x128xf32, #tpu.memory_space<vmem_shared>>
      tpu.enqueue_indirect_dma source(%arg7 : memref<128x128xf32, #tpu.memory_space<vmem>>) target(%dma_start3A_40 : memref<10240x128xf32, #tpu.memory_space<vmem_shared>>) offsets(%dma_start3A_37 : memref<128xi32, #tpu.memory_space<vmem>>) semaphore(%arg10 : memref<!tpu.dma_semaphore, #tpu.memory_space<semaphore_mem>>) {add = true}
      %dma_wait3A = arith.constant 0 : i32
      %dma_wait3A_41 = tpu.memref_slice %arg6[%mul3A_27, %dma_wait3A] : memref<42x128xi32, #tpu.memory_space<vmem>> -> memref<1x128xi32, #tpu.memory_space<vmem>>
      %dma_wait3A_42 = tpu.memref_squeeze %dma_wait3A_41 : memref<1x128xi32, #tpu.memory_space<vmem>> -> memref<128xi32, #tpu.memory_space<vmem>>
      %dma_wait3A_43 = arith.constant 0 : i32
      %dma_wait3A_44 = arith.constant 0 : i32
      %dma_wait3A_45 = tpu.memref_slice %arg8[%dma_wait3A_43, %dma_wait3A_44] : memref<10240x128xf32, #tpu.memory_space<vmem_shared>> -> memref<10240x128xf32, #tpu.memory_space<vmem_shared>>
      tpu.wait_indirect_dma semaphore(%arg9 : memref<!tpu.dma_semaphore, #tpu.memory_space<semaphore_mem>>) src(%arg7 : memref<128x128xf32, #tpu.memory_space<vmem>>) dst(%dma_wait3A_45 : memref<10240x128xf32, #tpu.memory_space<vmem_shared>>)
      %dma_wait3A_46 = arith.constant 0 : i32
      %dma_wait3A_47 = tpu.memref_slice %arg6[%add3A_34, %dma_wait3A_46] : memref<42x128xi32, #tpu.memory_space<vmem>> -> memref<1x128xi32, #tpu.memory_space<vmem>>
      %dma_wait3A_48 = tpu.memref_squeeze %dma_wait3A_47 : memref<1x128xi32, #tpu.memory_space<vmem>> -> memref<128xi32, #tpu.memory_space<vmem>>
      %dma_wait3A_49 = arith.constant 0 : i32
      %dma_wait3A_50 = arith.constant 0 : i32
      %dma_wait3A_51 = tpu.memref_slice %arg8[%dma_wait3A_49, %dma_wait3A_50] : memref<10240x128xf32, #tpu.memory_space<vmem_shared>> -> memref<10240x128xf32, #tpu.memory_space<vmem_shared>>
      tpu.wait_indirect_dma semaphore(%arg10 : memref<!tpu.dma_semaphore, #tpu.memory_space<semaphore_mem>>) src(%arg7 : memref<128x128xf32, #tpu.memory_space<vmem>>) dst(%dma_wait3A_51 : memref<10240x128xf32, #tpu.memory_space<vmem_shared>>)
    }
    %scan3A_19 = arith.constant 21 : i32
    %barrier3A_20 = arith.constant 0 : index
    tpu.barrier barrier_id(%barrier3A_20)
    %mul3A_21 = arith.constant 640 : i32
    %mul3A_22 = arith.muli %arg1, %mul3A_21 : i32
    %mul3A_23 = arith.constant 640 : i32
    %mul3A_24 = arith.muli %arg1, %mul3A_23 : i32
    "tpu.region"() ({
      %run_scoped3A = tpu.sem_alloc : memref<!tpu.dma_semaphore, #tpu.memory_space<semaphore_mem>>
      %dma_start3A = arith.constant 0 : i32
      %dma_start3A_25 = tpu.memref_slice %arg5[%arg0, %mul3A_24, %dma_start3A] : memref<2x10240x128xf32, #tpu.memory_space<hbm>> -> memref<1x640x128xf32, #tpu.memory_space<hbm>>
      %dma_start3A_26 = tpu.memref_squeeze %dma_start3A_25 : memref<1x640x128xf32, #tpu.memory_space<hbm>> -> memref<640x128xf32, #tpu.memory_space<hbm>>
      %dma_start3A_27 = arith.constant 0 : i32
      %dma_start3A_28 = tpu.memref_slice %arg8[%mul3A_22, %dma_start3A_27] : memref<10240x128xf32, #tpu.memory_space<vmem_shared>> -> memref<640x128xf32, #tpu.memory_space<vmem_shared>>
      tpu.enqueue_dma source(%dma_start3A_28 : memref<640x128xf32, #tpu.memory_space<vmem_shared>>) target(%dma_start3A_26 : memref<640x128xf32, #tpu.memory_space<hbm>>) target_semaphore(%run_scoped3A : memref<!tpu.dma_semaphore, #tpu.memory_space<semaphore_mem>>)
      %dma_wait3A = arith.constant 0 : i32
      %dma_wait3A_29 = tpu.memref_slice %arg5[%arg0, %mul3A_24, %dma_wait3A] : memref<2x10240x128xf32, #tpu.memory_space<hbm>> -> memref<1x640x128xf32, #tpu.memory_space<hbm>>
      %dma_wait3A_30 = tpu.memref_squeeze %dma_wait3A_29 : memref<1x640x128xf32, #tpu.memory_space<hbm>> -> memref<640x128xf32, #tpu.memory_space<hbm>>
      %dma_wait3A_31 = arith.constant 0 : i32
      %dma_wait3A_32 = tpu.memref_slice %arg8[%mul3A_22, %dma_wait3A_31] : memref<10240x128xf32, #tpu.memory_space<vmem_shared>> -> memref<640x128xf32, #tpu.memory_space<vmem_shared>>
      tpu.wait_dma2 semaphore(%run_scoped3A : memref<!tpu.dma_semaphore, #tpu.memory_space<semaphore_mem>>) src(%dma_wait3A_32 : memref<640x128xf32, #tpu.memory_space<vmem_shared>>) dst(%dma_wait3A_30 : memref<640x128xf32, #tpu.memory_space<hbm>>)
      tpu.yield
    }) : () -> ()
    return
  }
}

#map = affine_map<(d0, d1) -> (0, 0)>
#map1 = affine_map<(d0, d1) -> (0, 0, 0)>
module attributes {stable_mosaic.version = 14 : i64} {
  func.func @_sc_edge_body(%arg0: i32, %arg1: i32, %arg2: memref<640x128xf32, #tpu.memory_space<hbm>>, %arg3: memref<10240x128xf32, #tpu.memory_space<hbm>>, %arg4: memref<64x42x128xi32, #tpu.memory_space<hbm>>, %arg5: memref<64x42x128xi32, #tpu.memory_space<hbm>>, %arg6: memref<2x10240x128xf32, #tpu.memory_space<hbm>>, %arg7: memref<42x128xi32, #tpu.memory_space<vmem>>, %arg8: memref<42x128xi32, #tpu.memory_space<vmem>>, %arg9: memref<128x128xf32, #tpu.memory_space<vmem>>, %arg10: memref<128x128xf32, #tpu.memory_space<vmem>>, %arg11: memref<10240x128xf32, #tpu.memory_space<vmem_shared>>, %arg12: memref<!tpu.dma_semaphore, #tpu.memory_space<semaphore_mem>>, %arg13: memref<!tpu.dma_semaphore, #tpu.memory_space<semaphore_mem>>, %arg14: memref<!tpu.dma_semaphore, #tpu.memory_space<semaphore_mem>>, %arg15: memref<!tpu.dma_semaphore, #tpu.memory_space<semaphore_mem>>) attributes {dimension_semantics = [#tpu.dimension_semantics<core_parallel>, #tpu.dimension_semantics<subcore_parallel>], iteration_bounds = array<i64: 2, 16>, scalar_prefetch = 0 : i64, scratch_operands = 9 : i64, tpu.core_type = #tpu.core_type<sc_vector_subcore>, window_params = [{transform_indices = #map}, {transform_indices = #map}, {transform_indices = #map1}, {transform_indices = #map1}, {transform_indices = #map1}]} {
    %mul3A = arith.constant 16 : i32
    %mul3A_0 = arith.muli %arg0, %mul3A : i32
    %add3A = arith.addi %mul3A_0, %arg1 : i32
    %mul3A_1 = arith.constant 2 : i32
    %mul3A_2 = arith.muli %add3A, %mul3A_1 : i32
    "tpu.region"() ({
      %run_scoped3A = tpu.sem_alloc : memref<!tpu.dma_semaphore, #tpu.memory_space<semaphore_mem>>
      %dma_start3A = arith.constant 0 : i32
      %dma_start3A_31 = arith.constant 0 : i32
      %dma_start3A_32 = tpu.memref_slice %arg4[%mul3A_2, %dma_start3A, %dma_start3A_31] : memref<64x42x128xi32, #tpu.memory_space<hbm>> -> memref<1x42x128xi32, #tpu.memory_space<hbm>>
      %dma_start3A_33 = tpu.memref_squeeze %dma_start3A_32 : memref<1x42x128xi32, #tpu.memory_space<hbm>> -> memref<42x128xi32, #tpu.memory_space<hbm>>
      %dma_start3A_34 = arith.constant 0 : i32
      %dma_start3A_35 = arith.constant 0 : i32
      %dma_start3A_36 = tpu.memref_slice %arg4[%mul3A_2, %dma_start3A_34, %dma_start3A_35] : memref<64x42x128xi32, #tpu.memory_space<hbm>> -> memref<1x42x128xi32, #tpu.memory_space<hbm>>
      %dma_start3A_37 = tpu.memref_squeeze %dma_start3A_36 : memref<1x42x128xi32, #tpu.memory_space<hbm>> -> memref<42x128xi32, #tpu.memory_space<hbm>>
      tpu.enqueue_dma source(%dma_start3A_37 : memref<42x128xi32, #tpu.memory_space<hbm>>) target(%arg7 : memref<42x128xi32, #tpu.memory_space<vmem>>) target_semaphore(%run_scoped3A : memref<!tpu.dma_semaphore, #tpu.memory_space<semaphore_mem>>)
      %dma_wait3A = arith.constant 0 : i32
      %dma_wait3A_38 = arith.constant 0 : i32
      %dma_wait3A_39 = tpu.memref_slice %arg4[%mul3A_2, %dma_wait3A, %dma_wait3A_38] : memref<64x42x128xi32, #tpu.memory_space<hbm>> -> memref<1x42x128xi32, #tpu.memory_space<hbm>>
      %dma_wait3A_40 = tpu.memref_squeeze %dma_wait3A_39 : memref<1x42x128xi32, #tpu.memory_space<hbm>> -> memref<42x128xi32, #tpu.memory_space<hbm>>
      %dma_wait3A_41 = arith.constant 0 : i32
      %dma_wait3A_42 = arith.constant 0 : i32
      %dma_wait3A_43 = tpu.memref_slice %arg4[%mul3A_2, %dma_wait3A_41, %dma_wait3A_42] : memref<64x42x128xi32, #tpu.memory_space<hbm>> -> memref<1x42x128xi32, #tpu.memory_space<hbm>>
      %dma_wait3A_44 = tpu.memref_squeeze %dma_wait3A_43 : memref<1x42x128xi32, #tpu.memory_space<hbm>> -> memref<42x128xi32, #tpu.memory_space<hbm>>
      tpu.wait_dma2 semaphore(%run_scoped3A : memref<!tpu.dma_semaphore, #tpu.memory_space<semaphore_mem>>) src(%dma_wait3A_44 : memref<42x128xi32, #tpu.memory_space<hbm>>) dst(%arg7 : memref<42x128xi32, #tpu.memory_space<vmem>>)
      tpu.yield
    }) : () -> ()
    %mul3A_3 = arith.constant 2 : i32
    %mul3A_4 = arith.muli %add3A, %mul3A_3 : i32
    "tpu.region"() ({
      %run_scoped3A = tpu.sem_alloc : memref<!tpu.dma_semaphore, #tpu.memory_space<semaphore_mem>>
      %dma_start3A = arith.constant 0 : i32
      %dma_start3A_31 = arith.constant 0 : i32
      %dma_start3A_32 = tpu.memref_slice %arg5[%mul3A_4, %dma_start3A, %dma_start3A_31] : memref<64x42x128xi32, #tpu.memory_space<hbm>> -> memref<1x42x128xi32, #tpu.memory_space<hbm>>
      %dma_start3A_33 = tpu.memref_squeeze %dma_start3A_32 : memref<1x42x128xi32, #tpu.memory_space<hbm>> -> memref<42x128xi32, #tpu.memory_space<hbm>>
      %dma_start3A_34 = arith.constant 0 : i32
      %dma_start3A_35 = arith.constant 0 : i32
      %dma_start3A_36 = tpu.memref_slice %arg5[%mul3A_4, %dma_start3A_34, %dma_start3A_35] : memref<64x42x128xi32, #tpu.memory_space<hbm>> -> memref<1x42x128xi32, #tpu.memory_space<hbm>>
      %dma_start3A_37 = tpu.memref_squeeze %dma_start3A_36 : memref<1x42x128xi32, #tpu.memory_space<hbm>> -> memref<42x128xi32, #tpu.memory_space<hbm>>
      tpu.enqueue_dma source(%dma_start3A_37 : memref<42x128xi32, #tpu.memory_space<hbm>>) target(%arg8 : memref<42x128xi32, #tpu.memory_space<vmem>>) target_semaphore(%run_scoped3A : memref<!tpu.dma_semaphore, #tpu.memory_space<semaphore_mem>>)
      %dma_wait3A = arith.constant 0 : i32
      %dma_wait3A_38 = arith.constant 0 : i32
      %dma_wait3A_39 = tpu.memref_slice %arg5[%mul3A_4, %dma_wait3A, %dma_wait3A_38] : memref<64x42x128xi32, #tpu.memory_space<hbm>> -> memref<1x42x128xi32, #tpu.memory_space<hbm>>
      %dma_wait3A_40 = tpu.memref_squeeze %dma_wait3A_39 : memref<1x42x128xi32, #tpu.memory_space<hbm>> -> memref<42x128xi32, #tpu.memory_space<hbm>>
      %dma_wait3A_41 = arith.constant 0 : i32
      %dma_wait3A_42 = arith.constant 0 : i32
      %dma_wait3A_43 = tpu.memref_slice %arg5[%mul3A_4, %dma_wait3A_41, %dma_wait3A_42] : memref<64x42x128xi32, #tpu.memory_space<hbm>> -> memref<1x42x128xi32, #tpu.memory_space<hbm>>
      %dma_wait3A_44 = tpu.memref_squeeze %dma_wait3A_43 : memref<1x42x128xi32, #tpu.memory_space<hbm>> -> memref<42x128xi32, #tpu.memory_space<hbm>>
      tpu.wait_dma2 semaphore(%run_scoped3A : memref<!tpu.dma_semaphore, #tpu.memory_space<semaphore_mem>>) src(%dma_wait3A_44 : memref<42x128xi32, #tpu.memory_space<hbm>>) dst(%arg8 : memref<42x128xi32, #tpu.memory_space<vmem>>)
      tpu.yield
    }) : () -> ()
    %mul3A_5 = arith.constant 640 : i32
    %mul3A_6 = arith.muli %arg1, %mul3A_5 : i32
    "tpu.region"() ({
      %run_scoped3A = tpu.sem_alloc : memref<!tpu.dma_semaphore, #tpu.memory_space<semaphore_mem>>
      %dma_start3A = arith.constant 0 : i32
      %dma_start3A_31 = tpu.memref_slice %arg11[%mul3A_6, %dma_start3A] : memref<10240x128xf32, #tpu.memory_space<vmem_shared>> -> memref<640x128xf32, #tpu.memory_space<vmem_shared>>
      tpu.enqueue_dma source(%arg2 : memref<640x128xf32, #tpu.memory_space<hbm>>) target(%dma_start3A_31 : memref<640x128xf32, #tpu.memory_space<vmem_shared>>) target_semaphore(%run_scoped3A : memref<!tpu.dma_semaphore, #tpu.memory_space<semaphore_mem>>)
      %dma_wait3A = arith.constant 0 : i32
      %dma_wait3A_32 = tpu.memref_slice %arg11[%mul3A_6, %dma_wait3A] : memref<10240x128xf32, #tpu.memory_space<vmem_shared>> -> memref<640x128xf32, #tpu.memory_space<vmem_shared>>
      tpu.wait_dma2 semaphore(%run_scoped3A : memref<!tpu.dma_semaphore, #tpu.memory_space<semaphore_mem>>) src(%arg2 : memref<640x128xf32, #tpu.memory_space<hbm>>) dst(%dma_wait3A_32 : memref<640x128xf32, #tpu.memory_space<vmem_shared>>)
      tpu.yield
    }) : () -> ()
    %barrier3A = arith.constant 0 : index
    tpu.barrier barrier_id(%barrier3A)
    %scan3A = arith.constant 0 : i32
    %scan3A_7 = arith.constant 0 : i32
    %scan3A_8 = arith.constant 21 : i32
    %scan3A_9 = arith.addi %scan3A_7, %scan3A_8 : i32
    %scan3A_10 = arith.constant 1 : i32
    scf.for %scan3A_31 = %scan3A_7 to %scan3A_9 step %scan3A_10  : i32 {
      %mul3A_32 = arith.constant 2 : i32
      %mul3A_33 = arith.muli %mul3A_32, %scan3A_31 : i32
      %add3A_34 = arith.constant 1 : i32
      %add3A_35 = arith.addi %mul3A_33, %add3A_34 : i32
      %dma_start3A = arith.constant 0 : i32
      %dma_start3A_36 = tpu.memref_slice %arg7[%mul3A_33, %dma_start3A] : memref<42x128xi32, #tpu.memory_space<vmem>> -> memref<1x128xi32, #tpu.memory_space<vmem>>
      %dma_start3A_37 = tpu.memref_squeeze %dma_start3A_36 : memref<1x128xi32, #tpu.memory_space<vmem>> -> memref<128xi32, #tpu.memory_space<vmem>>
      %dma_start3A_38 = arith.constant 0 : i32
      %dma_start3A_39 = arith.constant 0 : i32
      %dma_start3A_40 = tpu.memref_slice %arg3[%dma_start3A_38, %dma_start3A_39] : memref<10240x128xf32, #tpu.memory_space<hbm>> -> memref<10240x128xf32, #tpu.memory_space<hbm>>
      tpu.enqueue_indirect_dma source(%dma_start3A_40 : memref<10240x128xf32, #tpu.memory_space<hbm>>) target(%arg9 : memref<128x128xf32, #tpu.memory_space<vmem>>) offsets(%dma_start3A_37 : memref<128xi32, #tpu.memory_space<vmem>>) semaphore(%arg12 : memref<!tpu.dma_semaphore, #tpu.memory_space<semaphore_mem>>)
      %dma_start3A_41 = arith.constant 0 : i32
      %dma_start3A_42 = tpu.memref_slice %arg7[%add3A_35, %dma_start3A_41] : memref<42x128xi32, #tpu.memory_space<vmem>> -> memref<1x128xi32, #tpu.memory_space<vmem>>
      %dma_start3A_43 = tpu.memref_squeeze %dma_start3A_42 : memref<1x128xi32, #tpu.memory_space<vmem>> -> memref<128xi32, #tpu.memory_space<vmem>>
      %dma_start3A_44 = arith.constant 0 : i32
      %dma_start3A_45 = arith.constant 0 : i32
      %dma_start3A_46 = tpu.memref_slice %arg3[%dma_start3A_44, %dma_start3A_45] : memref<10240x128xf32, #tpu.memory_space<hbm>> -> memref<10240x128xf32, #tpu.memory_space<hbm>>
      tpu.enqueue_indirect_dma source(%dma_start3A_46 : memref<10240x128xf32, #tpu.memory_space<hbm>>) target(%arg10 : memref<128x128xf32, #tpu.memory_space<vmem>>) offsets(%dma_start3A_43 : memref<128xi32, #tpu.memory_space<vmem>>) semaphore(%arg13 : memref<!tpu.dma_semaphore, #tpu.memory_space<semaphore_mem>>)
      %dma_wait3A = arith.constant 0 : i32
      %dma_wait3A_47 = tpu.memref_slice %arg7[%mul3A_33, %dma_wait3A] : memref<42x128xi32, #tpu.memory_space<vmem>> -> memref<1x128xi32, #tpu.memory_space<vmem>>
      %dma_wait3A_48 = tpu.memref_squeeze %dma_wait3A_47 : memref<1x128xi32, #tpu.memory_space<vmem>> -> memref<128xi32, #tpu.memory_space<vmem>>
      %dma_wait3A_49 = arith.constant 0 : i32
      %dma_wait3A_50 = arith.constant 0 : i32
      %dma_wait3A_51 = tpu.memref_slice %arg3[%dma_wait3A_49, %dma_wait3A_50] : memref<10240x128xf32, #tpu.memory_space<hbm>> -> memref<10240x128xf32, #tpu.memory_space<hbm>>
      tpu.wait_indirect_dma semaphore(%arg12 : memref<!tpu.dma_semaphore, #tpu.memory_space<semaphore_mem>>) src(%dma_wait3A_51 : memref<10240x128xf32, #tpu.memory_space<hbm>>) dst(%arg9 : memref<128x128xf32, #tpu.memory_space<vmem>>)
      %dma_start3A_52 = arith.constant 0 : i32
      %dma_start3A_53 = tpu.memref_slice %arg8[%mul3A_33, %dma_start3A_52] : memref<42x128xi32, #tpu.memory_space<vmem>> -> memref<1x128xi32, #tpu.memory_space<vmem>>
      %dma_start3A_54 = tpu.memref_squeeze %dma_start3A_53 : memref<1x128xi32, #tpu.memory_space<vmem>> -> memref<128xi32, #tpu.memory_space<vmem>>
      %dma_start3A_55 = arith.constant 0 : i32
      %dma_start3A_56 = arith.constant 0 : i32
      %dma_start3A_57 = tpu.memref_slice %arg11[%dma_start3A_55, %dma_start3A_56] : memref<10240x128xf32, #tpu.memory_space<vmem_shared>> -> memref<10240x128xf32, #tpu.memory_space<vmem_shared>>
      tpu.enqueue_indirect_dma source(%arg9 : memref<128x128xf32, #tpu.memory_space<vmem>>) target(%dma_start3A_57 : memref<10240x128xf32, #tpu.memory_space<vmem_shared>>) offsets(%dma_start3A_54 : memref<128xi32, #tpu.memory_space<vmem>>) semaphore(%arg14 : memref<!tpu.dma_semaphore, #tpu.memory_space<semaphore_mem>>) {add = true}
      %dma_wait3A_58 = arith.constant 0 : i32
      %dma_wait3A_59 = tpu.memref_slice %arg7[%add3A_35, %dma_wait3A_58] : memref<42x128xi32, #tpu.memory_space<vmem>> -> memref<1x128xi32, #tpu.memory_space<vmem>>
      %dma_wait3A_60 = tpu.memref_squeeze %dma_wait3A_59 : memref<1x128xi32, #tpu.memory_space<vmem>> -> memref<128xi32, #tpu.memory_space<vmem>>
      %dma_wait3A_61 = arith.constant 0 : i32
      %dma_wait3A_62 = arith.constant 0 : i32
      %dma_wait3A_63 = tpu.memref_slice %arg3[%dma_wait3A_61, %dma_wait3A_62] : memref<10240x128xf32, #tpu.memory_space<hbm>> -> memref<10240x128xf32, #tpu.memory_space<hbm>>
      tpu.wait_indirect_dma semaphore(%arg13 : memref<!tpu.dma_semaphore, #tpu.memory_space<semaphore_mem>>) src(%dma_wait3A_63 : memref<10240x128xf32, #tpu.memory_space<hbm>>) dst(%arg10 : memref<128x128xf32, #tpu.memory_space<vmem>>)
      %dma_start3A_64 = arith.constant 0 : i32
      %dma_start3A_65 = tpu.memref_slice %arg8[%add3A_35, %dma_start3A_64] : memref<42x128xi32, #tpu.memory_space<vmem>> -> memref<1x128xi32, #tpu.memory_space<vmem>>
      %dma_start3A_66 = tpu.memref_squeeze %dma_start3A_65 : memref<1x128xi32, #tpu.memory_space<vmem>> -> memref<128xi32, #tpu.memory_space<vmem>>
      %dma_start3A_67 = arith.constant 0 : i32
      %dma_start3A_68 = arith.constant 0 : i32
      %dma_start3A_69 = tpu.memref_slice %arg11[%dma_start3A_67, %dma_start3A_68] : memref<10240x128xf32, #tpu.memory_space<vmem_shared>> -> memref<10240x128xf32, #tpu.memory_space<vmem_shared>>
      tpu.enqueue_indirect_dma source(%arg10 : memref<128x128xf32, #tpu.memory_space<vmem>>) target(%dma_start3A_69 : memref<10240x128xf32, #tpu.memory_space<vmem_shared>>) offsets(%dma_start3A_66 : memref<128xi32, #tpu.memory_space<vmem>>) semaphore(%arg15 : memref<!tpu.dma_semaphore, #tpu.memory_space<semaphore_mem>>) {add = true}
      %dma_wait3A_70 = arith.constant 0 : i32
      %dma_wait3A_71 = tpu.memref_slice %arg8[%mul3A_33, %dma_wait3A_70] : memref<42x128xi32, #tpu.memory_space<vmem>> -> memref<1x128xi32, #tpu.memory_space<vmem>>
      %dma_wait3A_72 = tpu.memref_squeeze %dma_wait3A_71 : memref<1x128xi32, #tpu.memory_space<vmem>> -> memref<128xi32, #tpu.memory_space<vmem>>
      %dma_wait3A_73 = arith.constant 0 : i32
      %dma_wait3A_74 = arith.constant 0 : i32
      %dma_wait3A_75 = tpu.memref_slice %arg11[%dma_wait3A_73, %dma_wait3A_74] : memref<10240x128xf32, #tpu.memory_space<vmem_shared>> -> memref<10240x128xf32, #tpu.memory_space<vmem_shared>>
      tpu.wait_indirect_dma semaphore(%arg14 : memref<!tpu.dma_semaphore, #tpu.memory_space<semaphore_mem>>) src(%arg9 : memref<128x128xf32, #tpu.memory_space<vmem>>) dst(%dma_wait3A_75 : memref<10240x128xf32, #tpu.memory_space<vmem_shared>>)
      %dma_wait3A_76 = arith.constant 0 : i32
      %dma_wait3A_77 = tpu.memref_slice %arg8[%add3A_35, %dma_wait3A_76] : memref<42x128xi32, #tpu.memory_space<vmem>> -> memref<1x128xi32, #tpu.memory_space<vmem>>
      %dma_wait3A_78 = tpu.memref_squeeze %dma_wait3A_77 : memref<1x128xi32, #tpu.memory_space<vmem>> -> memref<128xi32, #tpu.memory_space<vmem>>
      %dma_wait3A_79 = arith.constant 0 : i32
      %dma_wait3A_80 = arith.constant 0 : i32
      %dma_wait3A_81 = tpu.memref_slice %arg11[%dma_wait3A_79, %dma_wait3A_80] : memref<10240x128xf32, #tpu.memory_space<vmem_shared>> -> memref<10240x128xf32, #tpu.memory_space<vmem_shared>>
      tpu.wait_indirect_dma semaphore(%arg15 : memref<!tpu.dma_semaphore, #tpu.memory_space<semaphore_mem>>) src(%arg10 : memref<128x128xf32, #tpu.memory_space<vmem>>) dst(%dma_wait3A_81 : memref<10240x128xf32, #tpu.memory_space<vmem_shared>>)
    }
    %scan3A_11 = arith.constant 21 : i32
    %mul3A_12 = arith.constant 2 : i32
    %mul3A_13 = arith.muli %add3A, %mul3A_12 : i32
    %add3A_14 = arith.constant 1 : i32
    %add3A_15 = arith.addi %mul3A_13, %add3A_14 : i32
    "tpu.region"() ({
      %run_scoped3A = tpu.sem_alloc : memref<!tpu.dma_semaphore, #tpu.memory_space<semaphore_mem>>
      %dma_start3A = arith.constant 0 : i32
      %dma_start3A_31 = arith.constant 0 : i32
      %dma_start3A_32 = tpu.memref_slice %arg4[%add3A_15, %dma_start3A, %dma_start3A_31] : memref<64x42x128xi32, #tpu.memory_space<hbm>> -> memref<1x42x128xi32, #tpu.memory_space<hbm>>
      %dma_start3A_33 = tpu.memref_squeeze %dma_start3A_32 : memref<1x42x128xi32, #tpu.memory_space<hbm>> -> memref<42x128xi32, #tpu.memory_space<hbm>>
      %dma_start3A_34 = arith.constant 0 : i32
      %dma_start3A_35 = arith.constant 0 : i32
      %dma_start3A_36 = tpu.memref_slice %arg4[%add3A_15, %dma_start3A_34, %dma_start3A_35] : memref<64x42x128xi32, #tpu.memory_space<hbm>> -> memref<1x42x128xi32, #tpu.memory_space<hbm>>
      %dma_start3A_37 = tpu.memref_squeeze %dma_start3A_36 : memref<1x42x128xi32, #tpu.memory_space<hbm>> -> memref<42x128xi32, #tpu.memory_space<hbm>>
      tpu.enqueue_dma source(%dma_start3A_37 : memref<42x128xi32, #tpu.memory_space<hbm>>) target(%arg7 : memref<42x128xi32, #tpu.memory_space<vmem>>) target_semaphore(%run_scoped3A : memref<!tpu.dma_semaphore, #tpu.memory_space<semaphore_mem>>)
      %dma_wait3A = arith.constant 0 : i32
      %dma_wait3A_38 = arith.constant 0 : i32
      %dma_wait3A_39 = tpu.memref_slice %arg4[%add3A_15, %dma_wait3A, %dma_wait3A_38] : memref<64x42x128xi32, #tpu.memory_space<hbm>> -> memref<1x42x128xi32, #tpu.memory_space<hbm>>
      %dma_wait3A_40 = tpu.memref_squeeze %dma_wait3A_39 : memref<1x42x128xi32, #tpu.memory_space<hbm>> -> memref<42x128xi32, #tpu.memory_space<hbm>>
      %dma_wait3A_41 = arith.constant 0 : i32
      %dma_wait3A_42 = arith.constant 0 : i32
      %dma_wait3A_43 = tpu.memref_slice %arg4[%add3A_15, %dma_wait3A_41, %dma_wait3A_42] : memref<64x42x128xi32, #tpu.memory_space<hbm>> -> memref<1x42x128xi32, #tpu.memory_space<hbm>>
      %dma_wait3A_44 = tpu.memref_squeeze %dma_wait3A_43 : memref<1x42x128xi32, #tpu.memory_space<hbm>> -> memref<42x128xi32, #tpu.memory_space<hbm>>
      tpu.wait_dma2 semaphore(%run_scoped3A : memref<!tpu.dma_semaphore, #tpu.memory_space<semaphore_mem>>) src(%dma_wait3A_44 : memref<42x128xi32, #tpu.memory_space<hbm>>) dst(%arg7 : memref<42x128xi32, #tpu.memory_space<vmem>>)
      tpu.yield
    }) : () -> ()
    %mul3A_16 = arith.constant 2 : i32
    %mul3A_17 = arith.muli %add3A, %mul3A_16 : i32
    %add3A_18 = arith.constant 1 : i32
    %add3A_19 = arith.addi %mul3A_17, %add3A_18 : i32
    "tpu.region"() ({
      %run_scoped3A = tpu.sem_alloc : memref<!tpu.dma_semaphore, #tpu.memory_space<semaphore_mem>>
      %dma_start3A = arith.constant 0 : i32
      %dma_start3A_31 = arith.constant 0 : i32
      %dma_start3A_32 = tpu.memref_slice %arg5[%add3A_19, %dma_start3A, %dma_start3A_31] : memref<64x42x128xi32, #tpu.memory_space<hbm>> -> memref<1x42x128xi32, #tpu.memory_space<hbm>>
      %dma_start3A_33 = tpu.memref_squeeze %dma_start3A_32 : memref<1x42x128xi32, #tpu.memory_space<hbm>> -> memref<42x128xi32, #tpu.memory_space<hbm>>
      %dma_start3A_34 = arith.constant 0 : i32
      %dma_start3A_35 = arith.constant 0 : i32
      %dma_start3A_36 = tpu.memref_slice %arg5[%add3A_19, %dma_start3A_34, %dma_start3A_35] : memref<64x42x128xi32, #tpu.memory_space<hbm>> -> memref<1x42x128xi32, #tpu.memory_space<hbm>>
      %dma_start3A_37 = tpu.memref_squeeze %dma_start3A_36 : memref<1x42x128xi32, #tpu.memory_space<hbm>> -> memref<42x128xi32, #tpu.memory_space<hbm>>
      tpu.enqueue_dma source(%dma_start3A_37 : memref<42x128xi32, #tpu.memory_space<hbm>>) target(%arg8 : memref<42x128xi32, #tpu.memory_space<vmem>>) target_semaphore(%run_scoped3A : memref<!tpu.dma_semaphore, #tpu.memory_space<semaphore_mem>>)
      %dma_wait3A = arith.constant 0 : i32
      %dma_wait3A_38 = arith.constant 0 : i32
      %dma_wait3A_39 = tpu.memref_slice %arg5[%add3A_19, %dma_wait3A, %dma_wait3A_38] : memref<64x42x128xi32, #tpu.memory_space<hbm>> -> memref<1x42x128xi32, #tpu.memory_space<hbm>>
      %dma_wait3A_40 = tpu.memref_squeeze %dma_wait3A_39 : memref<1x42x128xi32, #tpu.memory_space<hbm>> -> memref<42x128xi32, #tpu.memory_space<hbm>>
      %dma_wait3A_41 = arith.constant 0 : i32
      %dma_wait3A_42 = arith.constant 0 : i32
      %dma_wait3A_43 = tpu.memref_slice %arg5[%add3A_19, %dma_wait3A_41, %dma_wait3A_42] : memref<64x42x128xi32, #tpu.memory_space<hbm>> -> memref<1x42x128xi32, #tpu.memory_space<hbm>>
      %dma_wait3A_44 = tpu.memref_squeeze %dma_wait3A_43 : memref<1x42x128xi32, #tpu.memory_space<hbm>> -> memref<42x128xi32, #tpu.memory_space<hbm>>
      tpu.wait_dma2 semaphore(%run_scoped3A : memref<!tpu.dma_semaphore, #tpu.memory_space<semaphore_mem>>) src(%dma_wait3A_44 : memref<42x128xi32, #tpu.memory_space<hbm>>) dst(%arg8 : memref<42x128xi32, #tpu.memory_space<vmem>>)
      tpu.yield
    }) : () -> ()
    %scan3A_20 = arith.constant 0 : i32
    %scan3A_21 = arith.constant 0 : i32
    %scan3A_22 = arith.constant 21 : i32
    %scan3A_23 = arith.addi %scan3A_21, %scan3A_22 : i32
    %scan3A_24 = arith.constant 1 : i32
    scf.for %scan3A_31 = %scan3A_21 to %scan3A_23 step %scan3A_24  : i32 {
      %mul3A_32 = arith.constant 2 : i32
      %mul3A_33 = arith.muli %mul3A_32, %scan3A_31 : i32
      %add3A_34 = arith.constant 1 : i32
      %add3A_35 = arith.addi %mul3A_33, %add3A_34 : i32
      %dma_start3A = arith.constant 0 : i32
      %dma_start3A_36 = tpu.memref_slice %arg7[%mul3A_33, %dma_start3A] : memref<42x128xi32, #tpu.memory_space<vmem>> -> memref<1x128xi32, #tpu.memory_space<vmem>>
      %dma_start3A_37 = tpu.memref_squeeze %dma_start3A_36 : memref<1x128xi32, #tpu.memory_space<vmem>> -> memref<128xi32, #tpu.memory_space<vmem>>
      %dma_start3A_38 = arith.constant 0 : i32
      %dma_start3A_39 = arith.constant 0 : i32
      %dma_start3A_40 = tpu.memref_slice %arg3[%dma_start3A_38, %dma_start3A_39] : memref<10240x128xf32, #tpu.memory_space<hbm>> -> memref<10240x128xf32, #tpu.memory_space<hbm>>
      tpu.enqueue_indirect_dma source(%dma_start3A_40 : memref<10240x128xf32, #tpu.memory_space<hbm>>) target(%arg9 : memref<128x128xf32, #tpu.memory_space<vmem>>) offsets(%dma_start3A_37 : memref<128xi32, #tpu.memory_space<vmem>>) semaphore(%arg12 : memref<!tpu.dma_semaphore, #tpu.memory_space<semaphore_mem>>)
      %dma_start3A_41 = arith.constant 0 : i32
      %dma_start3A_42 = tpu.memref_slice %arg7[%add3A_35, %dma_start3A_41] : memref<42x128xi32, #tpu.memory_space<vmem>> -> memref<1x128xi32, #tpu.memory_space<vmem>>
      %dma_start3A_43 = tpu.memref_squeeze %dma_start3A_42 : memref<1x128xi32, #tpu.memory_space<vmem>> -> memref<128xi32, #tpu.memory_space<vmem>>
      %dma_start3A_44 = arith.constant 0 : i32
      %dma_start3A_45 = arith.constant 0 : i32
      %dma_start3A_46 = tpu.memref_slice %arg3[%dma_start3A_44, %dma_start3A_45] : memref<10240x128xf32, #tpu.memory_space<hbm>> -> memref<10240x128xf32, #tpu.memory_space<hbm>>
      tpu.enqueue_indirect_dma source(%dma_start3A_46 : memref<10240x128xf32, #tpu.memory_space<hbm>>) target(%arg10 : memref<128x128xf32, #tpu.memory_space<vmem>>) offsets(%dma_start3A_43 : memref<128xi32, #tpu.memory_space<vmem>>) semaphore(%arg13 : memref<!tpu.dma_semaphore, #tpu.memory_space<semaphore_mem>>)
      %dma_wait3A = arith.constant 0 : i32
      %dma_wait3A_47 = tpu.memref_slice %arg7[%mul3A_33, %dma_wait3A] : memref<42x128xi32, #tpu.memory_space<vmem>> -> memref<1x128xi32, #tpu.memory_space<vmem>>
      %dma_wait3A_48 = tpu.memref_squeeze %dma_wait3A_47 : memref<1x128xi32, #tpu.memory_space<vmem>> -> memref<128xi32, #tpu.memory_space<vmem>>
      %dma_wait3A_49 = arith.constant 0 : i32
      %dma_wait3A_50 = arith.constant 0 : i32
      %dma_wait3A_51 = tpu.memref_slice %arg3[%dma_wait3A_49, %dma_wait3A_50] : memref<10240x128xf32, #tpu.memory_space<hbm>> -> memref<10240x128xf32, #tpu.memory_space<hbm>>
      tpu.wait_indirect_dma semaphore(%arg12 : memref<!tpu.dma_semaphore, #tpu.memory_space<semaphore_mem>>) src(%dma_wait3A_51 : memref<10240x128xf32, #tpu.memory_space<hbm>>) dst(%arg9 : memref<128x128xf32, #tpu.memory_space<vmem>>)
      %dma_start3A_52 = arith.constant 0 : i32
      %dma_start3A_53 = tpu.memref_slice %arg8[%mul3A_33, %dma_start3A_52] : memref<42x128xi32, #tpu.memory_space<vmem>> -> memref<1x128xi32, #tpu.memory_space<vmem>>
      %dma_start3A_54 = tpu.memref_squeeze %dma_start3A_53 : memref<1x128xi32, #tpu.memory_space<vmem>> -> memref<128xi32, #tpu.memory_space<vmem>>
      %dma_start3A_55 = arith.constant 0 : i32
      %dma_start3A_56 = arith.constant 0 : i32
      %dma_start3A_57 = tpu.memref_slice %arg11[%dma_start3A_55, %dma_start3A_56] : memref<10240x128xf32, #tpu.memory_space<vmem_shared>> -> memref<10240x128xf32, #tpu.memory_space<vmem_shared>>
      tpu.enqueue_indirect_dma source(%arg9 : memref<128x128xf32, #tpu.memory_space<vmem>>) target(%dma_start3A_57 : memref<10240x128xf32, #tpu.memory_space<vmem_shared>>) offsets(%dma_start3A_54 : memref<128xi32, #tpu.memory_space<vmem>>) semaphore(%arg14 : memref<!tpu.dma_semaphore, #tpu.memory_space<semaphore_mem>>) {add = true}
      %dma_wait3A_58 = arith.constant 0 : i32
      %dma_wait3A_59 = tpu.memref_slice %arg7[%add3A_35, %dma_wait3A_58] : memref<42x128xi32, #tpu.memory_space<vmem>> -> memref<1x128xi32, #tpu.memory_space<vmem>>
      %dma_wait3A_60 = tpu.memref_squeeze %dma_wait3A_59 : memref<1x128xi32, #tpu.memory_space<vmem>> -> memref<128xi32, #tpu.memory_space<vmem>>
      %dma_wait3A_61 = arith.constant 0 : i32
      %dma_wait3A_62 = arith.constant 0 : i32
      %dma_wait3A_63 = tpu.memref_slice %arg3[%dma_wait3A_61, %dma_wait3A_62] : memref<10240x128xf32, #tpu.memory_space<hbm>> -> memref<10240x128xf32, #tpu.memory_space<hbm>>
      tpu.wait_indirect_dma semaphore(%arg13 : memref<!tpu.dma_semaphore, #tpu.memory_space<semaphore_mem>>) src(%dma_wait3A_63 : memref<10240x128xf32, #tpu.memory_space<hbm>>) dst(%arg10 : memref<128x128xf32, #tpu.memory_space<vmem>>)
      %dma_start3A_64 = arith.constant 0 : i32
      %dma_start3A_65 = tpu.memref_slice %arg8[%add3A_35, %dma_start3A_64] : memref<42x128xi32, #tpu.memory_space<vmem>> -> memref<1x128xi32, #tpu.memory_space<vmem>>
      %dma_start3A_66 = tpu.memref_squeeze %dma_start3A_65 : memref<1x128xi32, #tpu.memory_space<vmem>> -> memref<128xi32, #tpu.memory_space<vmem>>
      %dma_start3A_67 = arith.constant 0 : i32
      %dma_start3A_68 = arith.constant 0 : i32
      %dma_start3A_69 = tpu.memref_slice %arg11[%dma_start3A_67, %dma_start3A_68] : memref<10240x128xf32, #tpu.memory_space<vmem_shared>> -> memref<10240x128xf32, #tpu.memory_space<vmem_shared>>
      tpu.enqueue_indirect_dma source(%arg10 : memref<128x128xf32, #tpu.memory_space<vmem>>) target(%dma_start3A_69 : memref<10240x128xf32, #tpu.memory_space<vmem_shared>>) offsets(%dma_start3A_66 : memref<128xi32, #tpu.memory_space<vmem>>) semaphore(%arg15 : memref<!tpu.dma_semaphore, #tpu.memory_space<semaphore_mem>>) {add = true}
      %dma_wait3A_70 = arith.constant 0 : i32
      %dma_wait3A_71 = tpu.memref_slice %arg8[%mul3A_33, %dma_wait3A_70] : memref<42x128xi32, #tpu.memory_space<vmem>> -> memref<1x128xi32, #tpu.memory_space<vmem>>
      %dma_wait3A_72 = tpu.memref_squeeze %dma_wait3A_71 : memref<1x128xi32, #tpu.memory_space<vmem>> -> memref<128xi32, #tpu.memory_space<vmem>>
      %dma_wait3A_73 = arith.constant 0 : i32
      %dma_wait3A_74 = arith.constant 0 : i32
      %dma_wait3A_75 = tpu.memref_slice %arg11[%dma_wait3A_73, %dma_wait3A_74] : memref<10240x128xf32, #tpu.memory_space<vmem_shared>> -> memref<10240x128xf32, #tpu.memory_space<vmem_shared>>
      tpu.wait_indirect_dma semaphore(%arg14 : memref<!tpu.dma_semaphore, #tpu.memory_space<semaphore_mem>>) src(%arg9 : memref<128x128xf32, #tpu.memory_space<vmem>>) dst(%dma_wait3A_75 : memref<10240x128xf32, #tpu.memory_space<vmem_shared>>)
      %dma_wait3A_76 = arith.constant 0 : i32
      %dma_wait3A_77 = tpu.memref_slice %arg8[%add3A_35, %dma_wait3A_76] : memref<42x128xi32, #tpu.memory_space<vmem>> -> memref<1x128xi32, #tpu.memory_space<vmem>>
      %dma_wait3A_78 = tpu.memref_squeeze %dma_wait3A_77 : memref<1x128xi32, #tpu.memory_space<vmem>> -> memref<128xi32, #tpu.memory_space<vmem>>
      %dma_wait3A_79 = arith.constant 0 : i32
      %dma_wait3A_80 = arith.constant 0 : i32
      %dma_wait3A_81 = tpu.memref_slice %arg11[%dma_wait3A_79, %dma_wait3A_80] : memref<10240x128xf32, #tpu.memory_space<vmem_shared>> -> memref<10240x128xf32, #tpu.memory_space<vmem_shared>>
      tpu.wait_indirect_dma semaphore(%arg15 : memref<!tpu.dma_semaphore, #tpu.memory_space<semaphore_mem>>) src(%arg10 : memref<128x128xf32, #tpu.memory_space<vmem>>) dst(%dma_wait3A_81 : memref<10240x128xf32, #tpu.memory_space<vmem_shared>>)
    }
    %scan3A_25 = arith.constant 21 : i32
    %barrier3A_26 = arith.constant 0 : index
    tpu.barrier barrier_id(%barrier3A_26)
    %mul3A_27 = arith.constant 640 : i32
    %mul3A_28 = arith.muli %arg1, %mul3A_27 : i32
    %mul3A_29 = arith.constant 640 : i32
    %mul3A_30 = arith.muli %arg1, %mul3A_29 : i32
    "tpu.region"() ({
      %run_scoped3A = tpu.sem_alloc : memref<!tpu.dma_semaphore, #tpu.memory_space<semaphore_mem>>
      %dma_start3A = arith.constant 0 : i32
      %dma_start3A_31 = tpu.memref_slice %arg6[%arg0, %mul3A_30, %dma_start3A] : memref<2x10240x128xf32, #tpu.memory_space<hbm>> -> memref<1x640x128xf32, #tpu.memory_space<hbm>>
      %dma_start3A_32 = tpu.memref_squeeze %dma_start3A_31 : memref<1x640x128xf32, #tpu.memory_space<hbm>> -> memref<640x128xf32, #tpu.memory_space<hbm>>
      %dma_start3A_33 = arith.constant 0 : i32
      %dma_start3A_34 = tpu.memref_slice %arg11[%mul3A_28, %dma_start3A_33] : memref<10240x128xf32, #tpu.memory_space<vmem_shared>> -> memref<640x128xf32, #tpu.memory_space<vmem_shared>>
      tpu.enqueue_dma source(%dma_start3A_34 : memref<640x128xf32, #tpu.memory_space<vmem_shared>>) target(%dma_start3A_32 : memref<640x128xf32, #tpu.memory_space<hbm>>) target_semaphore(%run_scoped3A : memref<!tpu.dma_semaphore, #tpu.memory_space<semaphore_mem>>)
      %dma_wait3A = arith.constant 0 : i32
      %dma_wait3A_35 = tpu.memref_slice %arg6[%arg0, %mul3A_30, %dma_wait3A] : memref<2x10240x128xf32, #tpu.memory_space<hbm>> -> memref<1x640x128xf32, #tpu.memory_space<hbm>>
      %dma_wait3A_36 = tpu.memref_squeeze %dma_wait3A_35 : memref<1x640x128xf32, #tpu.memory_space<hbm>> -> memref<640x128xf32, #tpu.memory_space<hbm>>
      %dma_wait3A_37 = arith.constant 0 : i32
      %dma_wait3A_38 = tpu.memref_slice %arg11[%mul3A_28, %dma_wait3A_37] : memref<10240x128xf32, #tpu.memory_space<vmem_shared>> -> memref<640x128xf32, #tpu.memory_space<vmem_shared>>
      tpu.wait_dma2 semaphore(%run_scoped3A : memref<!tpu.dma_semaphore, #tpu.memory_space<semaphore_mem>>) src(%dma_wait3A_38 : memref<640x128xf32, #tpu.memory_space<vmem_shared>>) dst(%dma_wait3A_36 : memref<640x128xf32, #tpu.memory_space<hbm>>)
      tpu.yield
    }) : () -> ()
    return
  }
}

#map = affine_map<(d0, d1) -> (0, 0)>
#map1 = affine_map<(d0, d1) -> (0, 0, 0)>
module attributes {stable_mosaic.version = 14 : i64} {
  func.func @_sc_edge_body(%arg0: i32, %arg1: i32, %arg2: memref<640x128xf32, #tpu.memory_space<hbm>>, %arg3: memref<10240x128xf32, #tpu.memory_space<hbm>>, %arg4: memref<64x42x128xi32, #tpu.memory_space<hbm>>, %arg5: memref<64x42x128xi32, #tpu.memory_space<hbm>>, %arg6: memref<2x10240x128xf32, #tpu.memory_space<hbm>>, %arg7: memref<42x128xi32, #tpu.memory_space<vmem>>, %arg8: memref<42x128xi32, #tpu.memory_space<vmem>>, %arg9: memref<128x128xf32, #tpu.memory_space<vmem>>, %arg10: memref<128x128xf32, #tpu.memory_space<vmem>>, %arg11: memref<10240x128xf32, #tpu.memory_space<vmem_shared>>, %arg12: memref<!tpu.dma_semaphore, #tpu.memory_space<semaphore_mem>>, %arg13: memref<!tpu.dma_semaphore, #tpu.memory_space<semaphore_mem>>, %arg14: memref<!tpu.dma_semaphore, #tpu.memory_space<semaphore_mem>>, %arg15: memref<!tpu.dma_semaphore, #tpu.memory_space<semaphore_mem>>) attributes {dimension_semantics = [#tpu.dimension_semantics<core_parallel>, #tpu.dimension_semantics<subcore_parallel>], iteration_bounds = array<i64: 2, 16>, scalar_prefetch = 0 : i64, scratch_operands = 9 : i64, tpu.core_type = #tpu.core_type<sc_vector_subcore>, window_params = [{transform_indices = #map}, {transform_indices = #map}, {transform_indices = #map1}, {transform_indices = #map1}, {transform_indices = #map1}]} {
    %mul3A = arith.constant 16 : i32
    %mul3A_0 = arith.muli %arg0, %mul3A : i32
    %add3A = arith.addi %mul3A_0, %arg1 : i32
    %mul3A_1 = arith.constant 2 : i32
    %mul3A_2 = arith.muli %add3A, %mul3A_1 : i32
    "tpu.region"() ({
      %run_scoped3A = tpu.sem_alloc : memref<!tpu.dma_semaphore, #tpu.memory_space<semaphore_mem>>
      %dma_start3A = arith.constant 0 : i32
      %dma_start3A_31 = arith.constant 0 : i32
      %dma_start3A_32 = tpu.memref_slice %arg4[%mul3A_2, %dma_start3A, %dma_start3A_31] : memref<64x42x128xi32, #tpu.memory_space<hbm>> -> memref<1x42x128xi32, #tpu.memory_space<hbm>>
      %dma_start3A_33 = tpu.memref_squeeze %dma_start3A_32 : memref<1x42x128xi32, #tpu.memory_space<hbm>> -> memref<42x128xi32, #tpu.memory_space<hbm>>
      %dma_start3A_34 = arith.constant 0 : i32
      %dma_start3A_35 = arith.constant 0 : i32
      %dma_start3A_36 = tpu.memref_slice %arg4[%mul3A_2, %dma_start3A_34, %dma_start3A_35] : memref<64x42x128xi32, #tpu.memory_space<hbm>> -> memref<1x42x128xi32, #tpu.memory_space<hbm>>
      %dma_start3A_37 = tpu.memref_squeeze %dma_start3A_36 : memref<1x42x128xi32, #tpu.memory_space<hbm>> -> memref<42x128xi32, #tpu.memory_space<hbm>>
      tpu.enqueue_dma source(%dma_start3A_37 : memref<42x128xi32, #tpu.memory_space<hbm>>) target(%arg7 : memref<42x128xi32, #tpu.memory_space<vmem>>) target_semaphore(%run_scoped3A : memref<!tpu.dma_semaphore, #tpu.memory_space<semaphore_mem>>)
      %dma_wait3A = arith.constant 0 : i32
      %dma_wait3A_38 = arith.constant 0 : i32
      %dma_wait3A_39 = tpu.memref_slice %arg4[%mul3A_2, %dma_wait3A, %dma_wait3A_38] : memref<64x42x128xi32, #tpu.memory_space<hbm>> -> memref<1x42x128xi32, #tpu.memory_space<hbm>>
      %dma_wait3A_40 = tpu.memref_squeeze %dma_wait3A_39 : memref<1x42x128xi32, #tpu.memory_space<hbm>> -> memref<42x128xi32, #tpu.memory_space<hbm>>
      %dma_wait3A_41 = arith.constant 0 : i32
      %dma_wait3A_42 = arith.constant 0 : i32
      %dma_wait3A_43 = tpu.memref_slice %arg4[%mul3A_2, %dma_wait3A_41, %dma_wait3A_42] : memref<64x42x128xi32, #tpu.memory_space<hbm>> -> memref<1x42x128xi32, #tpu.memory_space<hbm>>
      %dma_wait3A_44 = tpu.memref_squeeze %dma_wait3A_43 : memref<1x42x128xi32, #tpu.memory_space<hbm>> -> memref<42x128xi32, #tpu.memory_space<hbm>>
      tpu.wait_dma2 semaphore(%run_scoped3A : memref<!tpu.dma_semaphore, #tpu.memory_space<semaphore_mem>>) src(%dma_wait3A_44 : memref<42x128xi32, #tpu.memory_space<hbm>>) dst(%arg7 : memref<42x128xi32, #tpu.memory_space<vmem>>)
      tpu.yield
    }) : () -> ()
    %mul3A_3 = arith.constant 2 : i32
    %mul3A_4 = arith.muli %add3A, %mul3A_3 : i32
    "tpu.region"() ({
      %run_scoped3A = tpu.sem_alloc : memref<!tpu.dma_semaphore, #tpu.memory_space<semaphore_mem>>
      %dma_start3A = arith.constant 0 : i32
      %dma_start3A_31 = arith.constant 0 : i32
      %dma_start3A_32 = tpu.memref_slice %arg5[%mul3A_4, %dma_start3A, %dma_start3A_31] : memref<64x42x128xi32, #tpu.memory_space<hbm>> -> memref<1x42x128xi32, #tpu.memory_space<hbm>>
      %dma_start3A_33 = tpu.memref_squeeze %dma_start3A_32 : memref<1x42x128xi32, #tpu.memory_space<hbm>> -> memref<42x128xi32, #tpu.memory_space<hbm>>
      %dma_start3A_34 = arith.constant 0 : i32
      %dma_start3A_35 = arith.constant 0 : i32
      %dma_start3A_36 = tpu.memref_slice %arg5[%mul3A_4, %dma_start3A_34, %dma_start3A_35] : memref<64x42x128xi32, #tpu.memory_space<hbm>> -> memref<1x42x128xi32, #tpu.memory_space<hbm>>
      %dma_start3A_37 = tpu.memref_squeeze %dma_start3A_36 : memref<1x42x128xi32, #tpu.memory_space<hbm>> -> memref<42x128xi32, #tpu.memory_space<hbm>>
      tpu.enqueue_dma source(%dma_start3A_37 : memref<42x128xi32, #tpu.memory_space<hbm>>) target(%arg8 : memref<42x128xi32, #tpu.memory_space<vmem>>) target_semaphore(%run_scoped3A : memref<!tpu.dma_semaphore, #tpu.memory_space<semaphore_mem>>)
      %dma_wait3A = arith.constant 0 : i32
      %dma_wait3A_38 = arith.constant 0 : i32
      %dma_wait3A_39 = tpu.memref_slice %arg5[%mul3A_4, %dma_wait3A, %dma_wait3A_38] : memref<64x42x128xi32, #tpu.memory_space<hbm>> -> memref<1x42x128xi32, #tpu.memory_space<hbm>>
      %dma_wait3A_40 = tpu.memref_squeeze %dma_wait3A_39 : memref<1x42x128xi32, #tpu.memory_space<hbm>> -> memref<42x128xi32, #tpu.memory_space<hbm>>
      %dma_wait3A_41 = arith.constant 0 : i32
      %dma_wait3A_42 = arith.constant 0 : i32
      %dma_wait3A_43 = tpu.memref_slice %arg5[%mul3A_4, %dma_wait3A_41, %dma_wait3A_42] : memref<64x42x128xi32, #tpu.memory_space<hbm>> -> memref<1x42x128xi32, #tpu.memory_space<hbm>>
      %dma_wait3A_44 = tpu.memref_squeeze %dma_wait3A_43 : memref<1x42x128xi32, #tpu.memory_space<hbm>> -> memref<42x128xi32, #tpu.memory_space<hbm>>
      tpu.wait_dma2 semaphore(%run_scoped3A : memref<!tpu.dma_semaphore, #tpu.memory_space<semaphore_mem>>) src(%dma_wait3A_44 : memref<42x128xi32, #tpu.memory_space<hbm>>) dst(%arg8 : memref<42x128xi32, #tpu.memory_space<vmem>>)
      tpu.yield
    }) : () -> ()
    %mul3A_5 = arith.constant 640 : i32
    %mul3A_6 = arith.muli %arg1, %mul3A_5 : i32
    "tpu.region"() ({
      %run_scoped3A = tpu.sem_alloc : memref<!tpu.dma_semaphore, #tpu.memory_space<semaphore_mem>>
      %dma_start3A = arith.constant 0 : i32
      %dma_start3A_31 = tpu.memref_slice %arg11[%mul3A_6, %dma_start3A] : memref<10240x128xf32, #tpu.memory_space<vmem_shared>> -> memref<640x128xf32, #tpu.memory_space<vmem_shared>>
      tpu.enqueue_dma source(%arg2 : memref<640x128xf32, #tpu.memory_space<hbm>>) target(%dma_start3A_31 : memref<640x128xf32, #tpu.memory_space<vmem_shared>>) target_semaphore(%run_scoped3A : memref<!tpu.dma_semaphore, #tpu.memory_space<semaphore_mem>>)
      %dma_wait3A = arith.constant 0 : i32
      %dma_wait3A_32 = tpu.memref_slice %arg11[%mul3A_6, %dma_wait3A] : memref<10240x128xf32, #tpu.memory_space<vmem_shared>> -> memref<640x128xf32, #tpu.memory_space<vmem_shared>>
      tpu.wait_dma2 semaphore(%run_scoped3A : memref<!tpu.dma_semaphore, #tpu.memory_space<semaphore_mem>>) src(%arg2 : memref<640x128xf32, #tpu.memory_space<hbm>>) dst(%dma_wait3A_32 : memref<640x128xf32, #tpu.memory_space<vmem_shared>>)
      tpu.yield
    }) : () -> ()
    %barrier3A = arith.constant 0 : index
    tpu.barrier barrier_id(%barrier3A)
    %scan3A = arith.constant 0 : i32
    %scan3A_7 = arith.constant 0 : i32
    %scan3A_8 = arith.constant 21 : i32
    %scan3A_9 = arith.addi %scan3A_7, %scan3A_8 : i32
    %scan3A_10 = arith.constant 1 : i32
    scf.for %scan3A_31 = %scan3A_7 to %scan3A_9 step %scan3A_10  : i32 {
      %mul3A_32 = arith.constant 2 : i32
      %mul3A_33 = arith.muli %mul3A_32, %scan3A_31 : i32
      %add3A_34 = arith.constant 1 : i32
      %add3A_35 = arith.addi %mul3A_33, %add3A_34 : i32
      %dma_start3A = arith.constant 0 : i32
      %dma_start3A_36 = tpu.memref_slice %arg7[%mul3A_33, %dma_start3A] : memref<42x128xi32, #tpu.memory_space<vmem>> -> memref<1x128xi32, #tpu.memory_space<vmem>>
      %dma_start3A_37 = tpu.memref_squeeze %dma_start3A_36 : memref<1x128xi32, #tpu.memory_space<vmem>> -> memref<128xi32, #tpu.memory_space<vmem>>
      %dma_start3A_38 = arith.constant 0 : i32
      %dma_start3A_39 = arith.constant 0 : i32
      %dma_start3A_40 = tpu.memref_slice %arg3[%dma_start3A_38, %dma_start3A_39] : memref<10240x128xf32, #tpu.memory_space<hbm>> -> memref<10240x128xf32, #tpu.memory_space<hbm>>
      tpu.enqueue_indirect_dma source(%dma_start3A_40 : memref<10240x128xf32, #tpu.memory_space<hbm>>) target(%arg9 : memref<128x128xf32, #tpu.memory_space<vmem>>) offsets(%dma_start3A_37 : memref<128xi32, #tpu.memory_space<vmem>>) semaphore(%arg12 : memref<!tpu.dma_semaphore, #tpu.memory_space<semaphore_mem>>)
      %dma_start3A_41 = arith.constant 0 : i32
      %dma_start3A_42 = tpu.memref_slice %arg7[%add3A_35, %dma_start3A_41] : memref<42x128xi32, #tpu.memory_space<vmem>> -> memref<1x128xi32, #tpu.memory_space<vmem>>
      %dma_start3A_43 = tpu.memref_squeeze %dma_start3A_42 : memref<1x128xi32, #tpu.memory_space<vmem>> -> memref<128xi32, #tpu.memory_space<vmem>>
      %dma_start3A_44 = arith.constant 0 : i32
      %dma_start3A_45 = arith.constant 0 : i32
      %dma_start3A_46 = tpu.memref_slice %arg3[%dma_start3A_44, %dma_start3A_45] : memref<10240x128xf32, #tpu.memory_space<hbm>> -> memref<10240x128xf32, #tpu.memory_space<hbm>>
      tpu.enqueue_indirect_dma source(%dma_start3A_46 : memref<10240x128xf32, #tpu.memory_space<hbm>>) target(%arg10 : memref<128x128xf32, #tpu.memory_space<vmem>>) offsets(%dma_start3A_43 : memref<128xi32, #tpu.memory_space<vmem>>) semaphore(%arg13 : memref<!tpu.dma_semaphore, #tpu.memory_space<semaphore_mem>>)
      %dma_wait3A = arith.constant 0 : i32
      %dma_wait3A_47 = tpu.memref_slice %arg7[%mul3A_33, %dma_wait3A] : memref<42x128xi32, #tpu.memory_space<vmem>> -> memref<1x128xi32, #tpu.memory_space<vmem>>
      %dma_wait3A_48 = tpu.memref_squeeze %dma_wait3A_47 : memref<1x128xi32, #tpu.memory_space<vmem>> -> memref<128xi32, #tpu.memory_space<vmem>>
      %dma_wait3A_49 = arith.constant 0 : i32
      %dma_wait3A_50 = arith.constant 0 : i32
      %dma_wait3A_51 = tpu.memref_slice %arg3[%dma_wait3A_49, %dma_wait3A_50] : memref<10240x128xf32, #tpu.memory_space<hbm>> -> memref<10240x128xf32, #tpu.memory_space<hbm>>
      tpu.wait_indirect_dma semaphore(%arg12 : memref<!tpu.dma_semaphore, #tpu.memory_space<semaphore_mem>>) src(%dma_wait3A_51 : memref<10240x128xf32, #tpu.memory_space<hbm>>) dst(%arg9 : memref<128x128xf32, #tpu.memory_space<vmem>>)
      %dma_start3A_52 = arith.constant 0 : i32
      %dma_start3A_53 = tpu.memref_slice %arg8[%mul3A_33, %dma_start3A_52] : memref<42x128xi32, #tpu.memory_space<vmem>> -> memref<1x128xi32, #tpu.memory_space<vmem>>
      %dma_start3A_54 = tpu.memref_squeeze %dma_start3A_53 : memref<1x128xi32, #tpu.memory_space<vmem>> -> memref<128xi32, #tpu.memory_space<vmem>>
      %dma_start3A_55 = arith.constant 0 : i32
      %dma_start3A_56 = arith.constant 0 : i32
      %dma_start3A_57 = tpu.memref_slice %arg11[%dma_start3A_55, %dma_start3A_56] : memref<10240x128xf32, #tpu.memory_space<vmem_shared>> -> memref<10240x128xf32, #tpu.memory_space<vmem_shared>>
      tpu.enqueue_indirect_dma source(%arg9 : memref<128x128xf32, #tpu.memory_space<vmem>>) target(%dma_start3A_57 : memref<10240x128xf32, #tpu.memory_space<vmem_shared>>) offsets(%dma_start3A_54 : memref<128xi32, #tpu.memory_space<vmem>>) semaphore(%arg14 : memref<!tpu.dma_semaphore, #tpu.memory_space<semaphore_mem>>) {add = true}
      %dma_wait3A_58 = arith.constant 0 : i32
      %dma_wait3A_59 = tpu.memref_slice %arg7[%add3A_35, %dma_wait3A_58] : memref<42x128xi32, #tpu.memory_space<vmem>> -> memref<1x128xi32, #tpu.memory_space<vmem>>
      %dma_wait3A_60 = tpu.memref_squeeze %dma_wait3A_59 : memref<1x128xi32, #tpu.memory_space<vmem>> -> memref<128xi32, #tpu.memory_space<vmem>>
      %dma_wait3A_61 = arith.constant 0 : i32
      %dma_wait3A_62 = arith.constant 0 : i32
      %dma_wait3A_63 = tpu.memref_slice %arg3[%dma_wait3A_61, %dma_wait3A_62] : memref<10240x128xf32, #tpu.memory_space<hbm>> -> memref<10240x128xf32, #tpu.memory_space<hbm>>
      tpu.wait_indirect_dma semaphore(%arg13 : memref<!tpu.dma_semaphore, #tpu.memory_space<semaphore_mem>>) src(%dma_wait3A_63 : memref<10240x128xf32, #tpu.memory_space<hbm>>) dst(%arg10 : memref<128x128xf32, #tpu.memory_space<vmem>>)
      %dma_start3A_64 = arith.constant 0 : i32
      %dma_start3A_65 = tpu.memref_slice %arg8[%add3A_35, %dma_start3A_64] : memref<42x128xi32, #tpu.memory_space<vmem>> -> memref<1x128xi32, #tpu.memory_space<vmem>>
      %dma_start3A_66 = tpu.memref_squeeze %dma_start3A_65 : memref<1x128xi32, #tpu.memory_space<vmem>> -> memref<128xi32, #tpu.memory_space<vmem>>
      %dma_start3A_67 = arith.constant 0 : i32
      %dma_start3A_68 = arith.constant 0 : i32
      %dma_start3A_69 = tpu.memref_slice %arg11[%dma_start3A_67, %dma_start3A_68] : memref<10240x128xf32, #tpu.memory_space<vmem_shared>> -> memref<10240x128xf32, #tpu.memory_space<vmem_shared>>
      tpu.enqueue_indirect_dma source(%arg10 : memref<128x128xf32, #tpu.memory_space<vmem>>) target(%dma_start3A_69 : memref<10240x128xf32, #tpu.memory_space<vmem_shared>>) offsets(%dma_start3A_66 : memref<128xi32, #tpu.memory_space<vmem>>) semaphore(%arg15 : memref<!tpu.dma_semaphore, #tpu.memory_space<semaphore_mem>>) {add = true}
      %dma_wait3A_70 = arith.constant 0 : i32
      %dma_wait3A_71 = tpu.memref_slice %arg8[%mul3A_33, %dma_wait3A_70] : memref<42x128xi32, #tpu.memory_space<vmem>> -> memref<1x128xi32, #tpu.memory_space<vmem>>
      %dma_wait3A_72 = tpu.memref_squeeze %dma_wait3A_71 : memref<1x128xi32, #tpu.memory_space<vmem>> -> memref<128xi32, #tpu.memory_space<vmem>>
      %dma_wait3A_73 = arith.constant 0 : i32
      %dma_wait3A_74 = arith.constant 0 : i32
      %dma_wait3A_75 = tpu.memref_slice %arg11[%dma_wait3A_73, %dma_wait3A_74] : memref<10240x128xf32, #tpu.memory_space<vmem_shared>> -> memref<10240x128xf32, #tpu.memory_space<vmem_shared>>
      tpu.wait_indirect_dma semaphore(%arg14 : memref<!tpu.dma_semaphore, #tpu.memory_space<semaphore_mem>>) src(%arg9 : memref<128x128xf32, #tpu.memory_space<vmem>>) dst(%dma_wait3A_75 : memref<10240x128xf32, #tpu.memory_space<vmem_shared>>)
      %dma_wait3A_76 = arith.constant 0 : i32
      %dma_wait3A_77 = tpu.memref_slice %arg8[%add3A_35, %dma_wait3A_76] : memref<42x128xi32, #tpu.memory_space<vmem>> -> memref<1x128xi32, #tpu.memory_space<vmem>>
      %dma_wait3A_78 = tpu.memref_squeeze %dma_wait3A_77 : memref<1x128xi32, #tpu.memory_space<vmem>> -> memref<128xi32, #tpu.memory_space<vmem>>
      %dma_wait3A_79 = arith.constant 0 : i32
      %dma_wait3A_80 = arith.constant 0 : i32
      %dma_wait3A_81 = tpu.memref_slice %arg11[%dma_wait3A_79, %dma_wait3A_80] : memref<10240x128xf32, #tpu.memory_space<vmem_shared>> -> memref<10240x128xf32, #tpu.memory_space<vmem_shared>>
      tpu.wait_indirect_dma semaphore(%arg15 : memref<!tpu.dma_semaphore, #tpu.memory_space<semaphore_mem>>) src(%arg10 : memref<128x128xf32, #tpu.memory_space<vmem>>) dst(%dma_wait3A_81 : memref<10240x128xf32, #tpu.memory_space<vmem_shared>>)
    }
    %scan3A_11 = arith.constant 21 : i32
    %mul3A_12 = arith.constant 2 : i32
    %mul3A_13 = arith.muli %add3A, %mul3A_12 : i32
    %add3A_14 = arith.constant 1 : i32
    %add3A_15 = arith.addi %mul3A_13, %add3A_14 : i32
    "tpu.region"() ({
      %run_scoped3A = tpu.sem_alloc : memref<!tpu.dma_semaphore, #tpu.memory_space<semaphore_mem>>
      %dma_start3A = arith.constant 0 : i32
      %dma_start3A_31 = arith.constant 0 : i32
      %dma_start3A_32 = tpu.memref_slice %arg4[%add3A_15, %dma_start3A, %dma_start3A_31] : memref<64x42x128xi32, #tpu.memory_space<hbm>> -> memref<1x42x128xi32, #tpu.memory_space<hbm>>
      %dma_start3A_33 = tpu.memref_squeeze %dma_start3A_32 : memref<1x42x128xi32, #tpu.memory_space<hbm>> -> memref<42x128xi32, #tpu.memory_space<hbm>>
      %dma_start3A_34 = arith.constant 0 : i32
      %dma_start3A_35 = arith.constant 0 : i32
      %dma_start3A_36 = tpu.memref_slice %arg4[%add3A_15, %dma_start3A_34, %dma_start3A_35] : memref<64x42x128xi32, #tpu.memory_space<hbm>> -> memref<1x42x128xi32, #tpu.memory_space<hbm>>
      %dma_start3A_37 = tpu.memref_squeeze %dma_start3A_36 : memref<1x42x128xi32, #tpu.memory_space<hbm>> -> memref<42x128xi32, #tpu.memory_space<hbm>>
      tpu.enqueue_dma source(%dma_start3A_37 : memref<42x128xi32, #tpu.memory_space<hbm>>) target(%arg7 : memref<42x128xi32, #tpu.memory_space<vmem>>) target_semaphore(%run_scoped3A : memref<!tpu.dma_semaphore, #tpu.memory_space<semaphore_mem>>)
      %dma_wait3A = arith.constant 0 : i32
      %dma_wait3A_38 = arith.constant 0 : i32
      %dma_wait3A_39 = tpu.memref_slice %arg4[%add3A_15, %dma_wait3A, %dma_wait3A_38] : memref<64x42x128xi32, #tpu.memory_space<hbm>> -> memref<1x42x128xi32, #tpu.memory_space<hbm>>
      %dma_wait3A_40 = tpu.memref_squeeze %dma_wait3A_39 : memref<1x42x128xi32, #tpu.memory_space<hbm>> -> memref<42x128xi32, #tpu.memory_space<hbm>>
      %dma_wait3A_41 = arith.constant 0 : i32
      %dma_wait3A_42 = arith.constant 0 : i32
      %dma_wait3A_43 = tpu.memref_slice %arg4[%add3A_15, %dma_wait3A_41, %dma_wait3A_42] : memref<64x42x128xi32, #tpu.memory_space<hbm>> -> memref<1x42x128xi32, #tpu.memory_space<hbm>>
      %dma_wait3A_44 = tpu.memref_squeeze %dma_wait3A_43 : memref<1x42x128xi32, #tpu.memory_space<hbm>> -> memref<42x128xi32, #tpu.memory_space<hbm>>
      tpu.wait_dma2 semaphore(%run_scoped3A : memref<!tpu.dma_semaphore, #tpu.memory_space<semaphore_mem>>) src(%dma_wait3A_44 : memref<42x128xi32, #tpu.memory_space<hbm>>) dst(%arg7 : memref<42x128xi32, #tpu.memory_space<vmem>>)
      tpu.yield
    }) : () -> ()
    %mul3A_16 = arith.constant 2 : i32
    %mul3A_17 = arith.muli %add3A, %mul3A_16 : i32
    %add3A_18 = arith.constant 1 : i32
    %add3A_19 = arith.addi %mul3A_17, %add3A_18 : i32
    "tpu.region"() ({
      %run_scoped3A = tpu.sem_alloc : memref<!tpu.dma_semaphore, #tpu.memory_space<semaphore_mem>>
      %dma_start3A = arith.constant 0 : i32
      %dma_start3A_31 = arith.constant 0 : i32
      %dma_start3A_32 = tpu.memref_slice %arg5[%add3A_19, %dma_start3A, %dma_start3A_31] : memref<64x42x128xi32, #tpu.memory_space<hbm>> -> memref<1x42x128xi32, #tpu.memory_space<hbm>>
      %dma_start3A_33 = tpu.memref_squeeze %dma_start3A_32 : memref<1x42x128xi32, #tpu.memory_space<hbm>> -> memref<42x128xi32, #tpu.memory_space<hbm>>
      %dma_start3A_34 = arith.constant 0 : i32
      %dma_start3A_35 = arith.constant 0 : i32
      %dma_start3A_36 = tpu.memref_slice %arg5[%add3A_19, %dma_start3A_34, %dma_start3A_35] : memref<64x42x128xi32, #tpu.memory_space<hbm>> -> memref<1x42x128xi32, #tpu.memory_space<hbm>>
      %dma_start3A_37 = tpu.memref_squeeze %dma_start3A_36 : memref<1x42x128xi32, #tpu.memory_space<hbm>> -> memref<42x128xi32, #tpu.memory_space<hbm>>
      tpu.enqueue_dma source(%dma_start3A_37 : memref<42x128xi32, #tpu.memory_space<hbm>>) target(%arg8 : memref<42x128xi32, #tpu.memory_space<vmem>>) target_semaphore(%run_scoped3A : memref<!tpu.dma_semaphore, #tpu.memory_space<semaphore_mem>>)
      %dma_wait3A = arith.constant 0 : i32
      %dma_wait3A_38 = arith.constant 0 : i32
      %dma_wait3A_39 = tpu.memref_slice %arg5[%add3A_19, %dma_wait3A, %dma_wait3A_38] : memref<64x42x128xi32, #tpu.memory_space<hbm>> -> memref<1x42x128xi32, #tpu.memory_space<hbm>>
      %dma_wait3A_40 = tpu.memref_squeeze %dma_wait3A_39 : memref<1x42x128xi32, #tpu.memory_space<hbm>> -> memref<42x128xi32, #tpu.memory_space<hbm>>
      %dma_wait3A_41 = arith.constant 0 : i32
      %dma_wait3A_42 = arith.constant 0 : i32
      %dma_wait3A_43 = tpu.memref_slice %arg5[%add3A_19, %dma_wait3A_41, %dma_wait3A_42] : memref<64x42x128xi32, #tpu.memory_space<hbm>> -> memref<1x42x128xi32, #tpu.memory_space<hbm>>
      %dma_wait3A_44 = tpu.memref_squeeze %dma_wait3A_43 : memref<1x42x128xi32, #tpu.memory_space<hbm>> -> memref<42x128xi32, #tpu.memory_space<hbm>>
      tpu.wait_dma2 semaphore(%run_scoped3A : memref<!tpu.dma_semaphore, #tpu.memory_space<semaphore_mem>>) src(%dma_wait3A_44 : memref<42x128xi32, #tpu.memory_space<hbm>>) dst(%arg8 : memref<42x128xi32, #tpu.memory_space<vmem>>)
      tpu.yield
    }) : () -> ()
    %scan3A_20 = arith.constant 0 : i32
    %scan3A_21 = arith.constant 0 : i32
    %scan3A_22 = arith.constant 21 : i32
    %scan3A_23 = arith.addi %scan3A_21, %scan3A_22 : i32
    %scan3A_24 = arith.constant 1 : i32
    scf.for %scan3A_31 = %scan3A_21 to %scan3A_23 step %scan3A_24  : i32 {
      %mul3A_32 = arith.constant 2 : i32
      %mul3A_33 = arith.muli %mul3A_32, %scan3A_31 : i32
      %add3A_34 = arith.constant 1 : i32
      %add3A_35 = arith.addi %mul3A_33, %add3A_34 : i32
      %dma_start3A = arith.constant 0 : i32
      %dma_start3A_36 = tpu.memref_slice %arg7[%mul3A_33, %dma_start3A] : memref<42x128xi32, #tpu.memory_space<vmem>> -> memref<1x128xi32, #tpu.memory_space<vmem>>
      %dma_start3A_37 = tpu.memref_squeeze %dma_start3A_36 : memref<1x128xi32, #tpu.memory_space<vmem>> -> memref<128xi32, #tpu.memory_space<vmem>>
      %dma_start3A_38 = arith.constant 0 : i32
      %dma_start3A_39 = arith.constant 0 : i32
      %dma_start3A_40 = tpu.memref_slice %arg3[%dma_start3A_38, %dma_start3A_39] : memref<10240x128xf32, #tpu.memory_space<hbm>> -> memref<10240x128xf32, #tpu.memory_space<hbm>>
      tpu.enqueue_indirect_dma source(%dma_start3A_40 : memref<10240x128xf32, #tpu.memory_space<hbm>>) target(%arg9 : memref<128x128xf32, #tpu.memory_space<vmem>>) offsets(%dma_start3A_37 : memref<128xi32, #tpu.memory_space<vmem>>) semaphore(%arg12 : memref<!tpu.dma_semaphore, #tpu.memory_space<semaphore_mem>>)
      %dma_start3A_41 = arith.constant 0 : i32
      %dma_start3A_42 = tpu.memref_slice %arg7[%add3A_35, %dma_start3A_41] : memref<42x128xi32, #tpu.memory_space<vmem>> -> memref<1x128xi32, #tpu.memory_space<vmem>>
      %dma_start3A_43 = tpu.memref_squeeze %dma_start3A_42 : memref<1x128xi32, #tpu.memory_space<vmem>> -> memref<128xi32, #tpu.memory_space<vmem>>
      %dma_start3A_44 = arith.constant 0 : i32
      %dma_start3A_45 = arith.constant 0 : i32
      %dma_start3A_46 = tpu.memref_slice %arg3[%dma_start3A_44, %dma_start3A_45] : memref<10240x128xf32, #tpu.memory_space<hbm>> -> memref<10240x128xf32, #tpu.memory_space<hbm>>
      tpu.enqueue_indirect_dma source(%dma_start3A_46 : memref<10240x128xf32, #tpu.memory_space<hbm>>) target(%arg10 : memref<128x128xf32, #tpu.memory_space<vmem>>) offsets(%dma_start3A_43 : memref<128xi32, #tpu.memory_space<vmem>>) semaphore(%arg13 : memref<!tpu.dma_semaphore, #tpu.memory_space<semaphore_mem>>)
      %dma_wait3A = arith.constant 0 : i32
      %dma_wait3A_47 = tpu.memref_slice %arg7[%mul3A_33, %dma_wait3A] : memref<42x128xi32, #tpu.memory_space<vmem>> -> memref<1x128xi32, #tpu.memory_space<vmem>>
      %dma_wait3A_48 = tpu.memref_squeeze %dma_wait3A_47 : memref<1x128xi32, #tpu.memory_space<vmem>> -> memref<128xi32, #tpu.memory_space<vmem>>
      %dma_wait3A_49 = arith.constant 0 : i32
      %dma_wait3A_50 = arith.constant 0 : i32
      %dma_wait3A_51 = tpu.memref_slice %arg3[%dma_wait3A_49, %dma_wait3A_50] : memref<10240x128xf32, #tpu.memory_space<hbm>> -> memref<10240x128xf32, #tpu.memory_space<hbm>>
      tpu.wait_indirect_dma semaphore(%arg12 : memref<!tpu.dma_semaphore, #tpu.memory_space<semaphore_mem>>) src(%dma_wait3A_51 : memref<10240x128xf32, #tpu.memory_space<hbm>>) dst(%arg9 : memref<128x128xf32, #tpu.memory_space<vmem>>)
      %dma_start3A_52 = arith.constant 0 : i32
      %dma_start3A_53 = tpu.memref_slice %arg8[%mul3A_33, %dma_start3A_52] : memref<42x128xi32, #tpu.memory_space<vmem>> -> memref<1x128xi32, #tpu.memory_space<vmem>>
      %dma_start3A_54 = tpu.memref_squeeze %dma_start3A_53 : memref<1x128xi32, #tpu.memory_space<vmem>> -> memref<128xi32, #tpu.memory_space<vmem>>
      %dma_start3A_55 = arith.constant 0 : i32
      %dma_start3A_56 = arith.constant 0 : i32
      %dma_start3A_57 = tpu.memref_slice %arg11[%dma_start3A_55, %dma_start3A_56] : memref<10240x128xf32, #tpu.memory_space<vmem_shared>> -> memref<10240x128xf32, #tpu.memory_space<vmem_shared>>
      tpu.enqueue_indirect_dma source(%arg9 : memref<128x128xf32, #tpu.memory_space<vmem>>) target(%dma_start3A_57 : memref<10240x128xf32, #tpu.memory_space<vmem_shared>>) offsets(%dma_start3A_54 : memref<128xi32, #tpu.memory_space<vmem>>) semaphore(%arg14 : memref<!tpu.dma_semaphore, #tpu.memory_space<semaphore_mem>>) {add = true}
      %dma_wait3A_58 = arith.constant 0 : i32
      %dma_wait3A_59 = tpu.memref_slice %arg7[%add3A_35, %dma_wait3A_58] : memref<42x128xi32, #tpu.memory_space<vmem>> -> memref<1x128xi32, #tpu.memory_space<vmem>>
      %dma_wait3A_60 = tpu.memref_squeeze %dma_wait3A_59 : memref<1x128xi32, #tpu.memory_space<vmem>> -> memref<128xi32, #tpu.memory_space<vmem>>
      %dma_wait3A_61 = arith.constant 0 : i32
      %dma_wait3A_62 = arith.constant 0 : i32
      %dma_wait3A_63 = tpu.memref_slice %arg3[%dma_wait3A_61, %dma_wait3A_62] : memref<10240x128xf32, #tpu.memory_space<hbm>> -> memref<10240x128xf32, #tpu.memory_space<hbm>>
      tpu.wait_indirect_dma semaphore(%arg13 : memref<!tpu.dma_semaphore, #tpu.memory_space<semaphore_mem>>) src(%dma_wait3A_63 : memref<10240x128xf32, #tpu.memory_space<hbm>>) dst(%arg10 : memref<128x128xf32, #tpu.memory_space<vmem>>)
      %dma_start3A_64 = arith.constant 0 : i32
      %dma_start3A_65 = tpu.memref_slice %arg8[%add3A_35, %dma_start3A_64] : memref<42x128xi32, #tpu.memory_space<vmem>> -> memref<1x128xi32, #tpu.memory_space<vmem>>
      %dma_start3A_66 = tpu.memref_squeeze %dma_start3A_65 : memref<1x128xi32, #tpu.memory_space<vmem>> -> memref<128xi32, #tpu.memory_space<vmem>>
      %dma_start3A_67 = arith.constant 0 : i32
      %dma_start3A_68 = arith.constant 0 : i32
      %dma_start3A_69 = tpu.memref_slice %arg11[%dma_start3A_67, %dma_start3A_68] : memref<10240x128xf32, #tpu.memory_space<vmem_shared>> -> memref<10240x128xf32, #tpu.memory_space<vmem_shared>>
      tpu.enqueue_indirect_dma source(%arg10 : memref<128x128xf32, #tpu.memory_space<vmem>>) target(%dma_start3A_69 : memref<10240x128xf32, #tpu.memory_space<vmem_shared>>) offsets(%dma_start3A_66 : memref<128xi32, #tpu.memory_space<vmem>>) semaphore(%arg15 : memref<!tpu.dma_semaphore, #tpu.memory_space<semaphore_mem>>) {add = true}
      %dma_wait3A_70 = arith.constant 0 : i32
      %dma_wait3A_71 = tpu.memref_slice %arg8[%mul3A_33, %dma_wait3A_70] : memref<42x128xi32, #tpu.memory_space<vmem>> -> memref<1x128xi32, #tpu.memory_space<vmem>>
      %dma_wait3A_72 = tpu.memref_squeeze %dma_wait3A_71 : memref<1x128xi32, #tpu.memory_space<vmem>> -> memref<128xi32, #tpu.memory_space<vmem>>
      %dma_wait3A_73 = arith.constant 0 : i32
      %dma_wait3A_74 = arith.constant 0 : i32
      %dma_wait3A_75 = tpu.memref_slice %arg11[%dma_wait3A_73, %dma_wait3A_74] : memref<10240x128xf32, #tpu.memory_space<vmem_shared>> -> memref<10240x128xf32, #tpu.memory_space<vmem_shared>>
      tpu.wait_indirect_dma semaphore(%arg14 : memref<!tpu.dma_semaphore, #tpu.memory_space<semaphore_mem>>) src(%arg9 : memref<128x128xf32, #tpu.memory_space<vmem>>) dst(%dma_wait3A_75 : memref<10240x128xf32, #tpu.memory_space<vmem_shared>>)
      %dma_wait3A_76 = arith.constant 0 : i32
      %dma_wait3A_77 = tpu.memref_slice %arg8[%add3A_35, %dma_wait3A_76] : memref<42x128xi32, #tpu.memory_space<vmem>> -> memref<1x128xi32, #tpu.memory_space<vmem>>
      %dma_wait3A_78 = tpu.memref_squeeze %dma_wait3A_77 : memref<1x128xi32, #tpu.memory_space<vmem>> -> memref<128xi32, #tpu.memory_space<vmem>>
      %dma_wait3A_79 = arith.constant 0 : i32
      %dma_wait3A_80 = arith.constant 0 : i32
      %dma_wait3A_81 = tpu.memref_slice %arg11[%dma_wait3A_79, %dma_wait3A_80] : memref<10240x128xf32, #tpu.memory_space<vmem_shared>> -> memref<10240x128xf32, #tpu.memory_space<vmem_shared>>
      tpu.wait_indirect_dma semaphore(%arg15 : memref<!tpu.dma_semaphore, #tpu.memory_space<semaphore_mem>>) src(%arg10 : memref<128x128xf32, #tpu.memory_space<vmem>>) dst(%dma_wait3A_81 : memref<10240x128xf32, #tpu.memory_space<vmem_shared>>)
    }
    %scan3A_25 = arith.constant 21 : i32
    %barrier3A_26 = arith.constant 0 : index
    tpu.barrier barrier_id(%barrier3A_26)
    %mul3A_27 = arith.constant 640 : i32
    %mul3A_28 = arith.muli %arg1, %mul3A_27 : i32
    %mul3A_29 = arith.constant 640 : i32
    %mul3A_30 = arith.muli %arg1, %mul3A_29 : i32
    "tpu.region"() ({
      %run_scoped3A = tpu.sem_alloc : memref<!tpu.dma_semaphore, #tpu.memory_space<semaphore_mem>>
      %dma_start3A = arith.constant 0 : i32
      %dma_start3A_31 = tpu.memref_slice %arg6[%arg0, %mul3A_30, %dma_start3A] : memref<2x10240x128xf32, #tpu.memory_space<hbm>> -> memref<1x640x128xf32, #tpu.memory_space<hbm>>
      %dma_start3A_32 = tpu.memref_squeeze %dma_start3A_31 : memref<1x640x128xf32, #tpu.memory_space<hbm>> -> memref<640x128xf32, #tpu.memory_space<hbm>>
      %dma_start3A_33 = arith.constant 0 : i32
      %dma_start3A_34 = tpu.memref_slice %arg11[%mul3A_28, %dma_start3A_33] : memref<10240x128xf32, #tpu.memory_space<vmem_shared>> -> memref<640x128xf32, #tpu.memory_space<vmem_shared>>
      tpu.enqueue_dma source(%dma_start3A_34 : memref<640x128xf32, #tpu.memory_space<vmem_shared>>) target(%dma_start3A_32 : memref<640x128xf32, #tpu.memory_space<hbm>>) target_semaphore(%run_scoped3A : memref<!tpu.dma_semaphore, #tpu.memory_space<semaphore_mem>>)
      %dma_wait3A = arith.constant 0 : i32
      %dma_wait3A_35 = tpu.memref_slice %arg6[%arg0, %mul3A_30, %dma_wait3A] : memref<2x10240x128xf32, #tpu.memory_space<hbm>> -> memref<1x640x128xf32, #tpu.memory_space<hbm>>
      %dma_wait3A_36 = tpu.memref_squeeze %dma_wait3A_35 : memref<1x640x128xf32, #tpu.memory_space<hbm>> -> memref<640x128xf32, #tpu.memory_space<hbm>>
      %dma_wait3A_37 = arith.constant 0 : i32
      %dma_wait3A_38 = tpu.memref_slice %arg11[%mul3A_28, %dma_wait3A_37] : memref<10240x128xf32, #tpu.memory_space<vmem_shared>> -> memref<640x128xf32, #tpu.memory_space<vmem_shared>>
      tpu.wait_dma2 semaphore(%run_scoped3A : memref<!tpu.dma_semaphore, #tpu.memory_space<semaphore_mem>>) src(%dma_wait3A_38 : memref<640x128xf32, #tpu.memory_space<vmem_shared>>) dst(%dma_wait3A_36 : memref<640x128xf32, #tpu.memory_space<hbm>>)
      tpu.yield
    }) : () -> ()
    return
  }
}

#map = affine_map<(d0, d1) -> (0, 0)>
#map1 = affine_map<(d0, d1) -> (0, 0, 0)>
module attributes {stable_mosaic.version = 14 : i64} {
  func.func @_sc_edge_body(%arg0: i32, %arg1: i32, %arg2: memref<640x128xf32, #tpu.memory_space<hbm>>, %arg3: memref<10240x128xf32, #tpu.memory_space<hbm>>, %arg4: memref<64x42x128xi32, #tpu.memory_space<hbm>>, %arg5: memref<64x42x128xi32, #tpu.memory_space<hbm>>, %arg6: memref<2x10240x128xf32, #tpu.memory_space<hbm>>, %arg7: memref<42x128xi32, #tpu.memory_space<vmem>>, %arg8: memref<42x128xi32, #tpu.memory_space<vmem>>, %arg9: memref<128x128xf32, #tpu.memory_space<vmem>>, %arg10: memref<128x128xf32, #tpu.memory_space<vmem>>, %arg11: memref<10240x128xf32, #tpu.memory_space<vmem_shared>>, %arg12: memref<!tpu.dma_semaphore, #tpu.memory_space<semaphore_mem>>, %arg13: memref<!tpu.dma_semaphore, #tpu.memory_space<semaphore_mem>>, %arg14: memref<!tpu.dma_semaphore, #tpu.memory_space<semaphore_mem>>, %arg15: memref<!tpu.dma_semaphore, #tpu.memory_space<semaphore_mem>>) attributes {dimension_semantics = [#tpu.dimension_semantics<core_parallel>, #tpu.dimension_semantics<subcore_parallel>], iteration_bounds = array<i64: 2, 16>, scalar_prefetch = 0 : i64, scratch_operands = 9 : i64, tpu.core_type = #tpu.core_type<sc_vector_subcore>, window_params = [{transform_indices = #map}, {transform_indices = #map}, {transform_indices = #map1}, {transform_indices = #map1}, {transform_indices = #map1}]} {
    %mul3A = arith.constant 16 : i32
    %mul3A_0 = arith.muli %arg0, %mul3A : i32
    %add3A = arith.addi %mul3A_0, %arg1 : i32
    %mul3A_1 = arith.constant 2 : i32
    %mul3A_2 = arith.muli %add3A, %mul3A_1 : i32
    "tpu.region"() ({
      %run_scoped3A = tpu.sem_alloc : memref<!tpu.dma_semaphore, #tpu.memory_space<semaphore_mem>>
      %dma_start3A = arith.constant 0 : i32
      %dma_start3A_31 = arith.constant 0 : i32
      %dma_start3A_32 = tpu.memref_slice %arg4[%mul3A_2, %dma_start3A, %dma_start3A_31] : memref<64x42x128xi32, #tpu.memory_space<hbm>> -> memref<1x42x128xi32, #tpu.memory_space<hbm>>
      %dma_start3A_33 = tpu.memref_squeeze %dma_start3A_32 : memref<1x42x128xi32, #tpu.memory_space<hbm>> -> memref<42x128xi32, #tpu.memory_space<hbm>>
      %dma_start3A_34 = arith.constant 0 : i32
      %dma_start3A_35 = arith.constant 0 : i32
      %dma_start3A_36 = tpu.memref_slice %arg4[%mul3A_2, %dma_start3A_34, %dma_start3A_35] : memref<64x42x128xi32, #tpu.memory_space<hbm>> -> memref<1x42x128xi32, #tpu.memory_space<hbm>>
      %dma_start3A_37 = tpu.memref_squeeze %dma_start3A_36 : memref<1x42x128xi32, #tpu.memory_space<hbm>> -> memref<42x128xi32, #tpu.memory_space<hbm>>
      tpu.enqueue_dma source(%dma_start3A_37 : memref<42x128xi32, #tpu.memory_space<hbm>>) target(%arg7 : memref<42x128xi32, #tpu.memory_space<vmem>>) target_semaphore(%run_scoped3A : memref<!tpu.dma_semaphore, #tpu.memory_space<semaphore_mem>>)
      %dma_wait3A = arith.constant 0 : i32
      %dma_wait3A_38 = arith.constant 0 : i32
      %dma_wait3A_39 = tpu.memref_slice %arg4[%mul3A_2, %dma_wait3A, %dma_wait3A_38] : memref<64x42x128xi32, #tpu.memory_space<hbm>> -> memref<1x42x128xi32, #tpu.memory_space<hbm>>
      %dma_wait3A_40 = tpu.memref_squeeze %dma_wait3A_39 : memref<1x42x128xi32, #tpu.memory_space<hbm>> -> memref<42x128xi32, #tpu.memory_space<hbm>>
      %dma_wait3A_41 = arith.constant 0 : i32
      %dma_wait3A_42 = arith.constant 0 : i32
      %dma_wait3A_43 = tpu.memref_slice %arg4[%mul3A_2, %dma_wait3A_41, %dma_wait3A_42] : memref<64x42x128xi32, #tpu.memory_space<hbm>> -> memref<1x42x128xi32, #tpu.memory_space<hbm>>
      %dma_wait3A_44 = tpu.memref_squeeze %dma_wait3A_43 : memref<1x42x128xi32, #tpu.memory_space<hbm>> -> memref<42x128xi32, #tpu.memory_space<hbm>>
      tpu.wait_dma2 semaphore(%run_scoped3A : memref<!tpu.dma_semaphore, #tpu.memory_space<semaphore_mem>>) src(%dma_wait3A_44 : memref<42x128xi32, #tpu.memory_space<hbm>>) dst(%arg7 : memref<42x128xi32, #tpu.memory_space<vmem>>)
      tpu.yield
    }) : () -> ()
    %mul3A_3 = arith.constant 2 : i32
    %mul3A_4 = arith.muli %add3A, %mul3A_3 : i32
    "tpu.region"() ({
      %run_scoped3A = tpu.sem_alloc : memref<!tpu.dma_semaphore, #tpu.memory_space<semaphore_mem>>
      %dma_start3A = arith.constant 0 : i32
      %dma_start3A_31 = arith.constant 0 : i32
      %dma_start3A_32 = tpu.memref_slice %arg5[%mul3A_4, %dma_start3A, %dma_start3A_31] : memref<64x42x128xi32, #tpu.memory_space<hbm>> -> memref<1x42x128xi32, #tpu.memory_space<hbm>>
      %dma_start3A_33 = tpu.memref_squeeze %dma_start3A_32 : memref<1x42x128xi32, #tpu.memory_space<hbm>> -> memref<42x128xi32, #tpu.memory_space<hbm>>
      %dma_start3A_34 = arith.constant 0 : i32
      %dma_start3A_35 = arith.constant 0 : i32
      %dma_start3A_36 = tpu.memref_slice %arg5[%mul3A_4, %dma_start3A_34, %dma_start3A_35] : memref<64x42x128xi32, #tpu.memory_space<hbm>> -> memref<1x42x128xi32, #tpu.memory_space<hbm>>
      %dma_start3A_37 = tpu.memref_squeeze %dma_start3A_36 : memref<1x42x128xi32, #tpu.memory_space<hbm>> -> memref<42x128xi32, #tpu.memory_space<hbm>>
      tpu.enqueue_dma source(%dma_start3A_37 : memref<42x128xi32, #tpu.memory_space<hbm>>) target(%arg8 : memref<42x128xi32, #tpu.memory_space<vmem>>) target_semaphore(%run_scoped3A : memref<!tpu.dma_semaphore, #tpu.memory_space<semaphore_mem>>)
      %dma_wait3A = arith.constant 0 : i32
      %dma_wait3A_38 = arith.constant 0 : i32
      %dma_wait3A_39 = tpu.memref_slice %arg5[%mul3A_4, %dma_wait3A, %dma_wait3A_38] : memref<64x42x128xi32, #tpu.memory_space<hbm>> -> memref<1x42x128xi32, #tpu.memory_space<hbm>>
      %dma_wait3A_40 = tpu.memref_squeeze %dma_wait3A_39 : memref<1x42x128xi32, #tpu.memory_space<hbm>> -> memref<42x128xi32, #tpu.memory_space<hbm>>
      %dma_wait3A_41 = arith.constant 0 : i32
      %dma_wait3A_42 = arith.constant 0 : i32
      %dma_wait3A_43 = tpu.memref_slice %arg5[%mul3A_4, %dma_wait3A_41, %dma_wait3A_42] : memref<64x42x128xi32, #tpu.memory_space<hbm>> -> memref<1x42x128xi32, #tpu.memory_space<hbm>>
      %dma_wait3A_44 = tpu.memref_squeeze %dma_wait3A_43 : memref<1x42x128xi32, #tpu.memory_space<hbm>> -> memref<42x128xi32, #tpu.memory_space<hbm>>
      tpu.wait_dma2 semaphore(%run_scoped3A : memref<!tpu.dma_semaphore, #tpu.memory_space<semaphore_mem>>) src(%dma_wait3A_44 : memref<42x128xi32, #tpu.memory_space<hbm>>) dst(%arg8 : memref<42x128xi32, #tpu.memory_space<vmem>>)
      tpu.yield
    }) : () -> ()
    %mul3A_5 = arith.constant 640 : i32
    %mul3A_6 = arith.muli %arg1, %mul3A_5 : i32
    "tpu.region"() ({
      %run_scoped3A = tpu.sem_alloc : memref<!tpu.dma_semaphore, #tpu.memory_space<semaphore_mem>>
      %dma_start3A = arith.constant 0 : i32
      %dma_start3A_31 = tpu.memref_slice %arg11[%mul3A_6, %dma_start3A] : memref<10240x128xf32, #tpu.memory_space<vmem_shared>> -> memref<640x128xf32, #tpu.memory_space<vmem_shared>>
      tpu.enqueue_dma source(%arg2 : memref<640x128xf32, #tpu.memory_space<hbm>>) target(%dma_start3A_31 : memref<640x128xf32, #tpu.memory_space<vmem_shared>>) target_semaphore(%run_scoped3A : memref<!tpu.dma_semaphore, #tpu.memory_space<semaphore_mem>>)
      %dma_wait3A = arith.constant 0 : i32
      %dma_wait3A_32 = tpu.memref_slice %arg11[%mul3A_6, %dma_wait3A] : memref<10240x128xf32, #tpu.memory_space<vmem_shared>> -> memref<640x128xf32, #tpu.memory_space<vmem_shared>>
      tpu.wait_dma2 semaphore(%run_scoped3A : memref<!tpu.dma_semaphore, #tpu.memory_space<semaphore_mem>>) src(%arg2 : memref<640x128xf32, #tpu.memory_space<hbm>>) dst(%dma_wait3A_32 : memref<640x128xf32, #tpu.memory_space<vmem_shared>>)
      tpu.yield
    }) : () -> ()
    %barrier3A = arith.constant 0 : index
    tpu.barrier barrier_id(%barrier3A)
    %scan3A = arith.constant 0 : i32
    %scan3A_7 = arith.constant 0 : i32
    %scan3A_8 = arith.constant 21 : i32
    %scan3A_9 = arith.addi %scan3A_7, %scan3A_8 : i32
    %scan3A_10 = arith.constant 1 : i32
    scf.for %scan3A_31 = %scan3A_7 to %scan3A_9 step %scan3A_10  : i32 {
      %mul3A_32 = arith.constant 2 : i32
      %mul3A_33 = arith.muli %mul3A_32, %scan3A_31 : i32
      %add3A_34 = arith.constant 1 : i32
      %add3A_35 = arith.addi %mul3A_33, %add3A_34 : i32
      %dma_start3A = arith.constant 0 : i32
      %dma_start3A_36 = tpu.memref_slice %arg7[%mul3A_33, %dma_start3A] : memref<42x128xi32, #tpu.memory_space<vmem>> -> memref<1x128xi32, #tpu.memory_space<vmem>>
      %dma_start3A_37 = tpu.memref_squeeze %dma_start3A_36 : memref<1x128xi32, #tpu.memory_space<vmem>> -> memref<128xi32, #tpu.memory_space<vmem>>
      %dma_start3A_38 = arith.constant 0 : i32
      %dma_start3A_39 = arith.constant 0 : i32
      %dma_start3A_40 = tpu.memref_slice %arg3[%dma_start3A_38, %dma_start3A_39] : memref<10240x128xf32, #tpu.memory_space<hbm>> -> memref<10240x128xf32, #tpu.memory_space<hbm>>
      tpu.enqueue_indirect_dma source(%dma_start3A_40 : memref<10240x128xf32, #tpu.memory_space<hbm>>) target(%arg9 : memref<128x128xf32, #tpu.memory_space<vmem>>) offsets(%dma_start3A_37 : memref<128xi32, #tpu.memory_space<vmem>>) semaphore(%arg12 : memref<!tpu.dma_semaphore, #tpu.memory_space<semaphore_mem>>)
      %dma_start3A_41 = arith.constant 0 : i32
      %dma_start3A_42 = tpu.memref_slice %arg7[%add3A_35, %dma_start3A_41] : memref<42x128xi32, #tpu.memory_space<vmem>> -> memref<1x128xi32, #tpu.memory_space<vmem>>
      %dma_start3A_43 = tpu.memref_squeeze %dma_start3A_42 : memref<1x128xi32, #tpu.memory_space<vmem>> -> memref<128xi32, #tpu.memory_space<vmem>>
      %dma_start3A_44 = arith.constant 0 : i32
      %dma_start3A_45 = arith.constant 0 : i32
      %dma_start3A_46 = tpu.memref_slice %arg3[%dma_start3A_44, %dma_start3A_45] : memref<10240x128xf32, #tpu.memory_space<hbm>> -> memref<10240x128xf32, #tpu.memory_space<hbm>>
      tpu.enqueue_indirect_dma source(%dma_start3A_46 : memref<10240x128xf32, #tpu.memory_space<hbm>>) target(%arg10 : memref<128x128xf32, #tpu.memory_space<vmem>>) offsets(%dma_start3A_43 : memref<128xi32, #tpu.memory_space<vmem>>) semaphore(%arg13 : memref<!tpu.dma_semaphore, #tpu.memory_space<semaphore_mem>>)
      %dma_wait3A = arith.constant 0 : i32
      %dma_wait3A_47 = tpu.memref_slice %arg7[%mul3A_33, %dma_wait3A] : memref<42x128xi32, #tpu.memory_space<vmem>> -> memref<1x128xi32, #tpu.memory_space<vmem>>
      %dma_wait3A_48 = tpu.memref_squeeze %dma_wait3A_47 : memref<1x128xi32, #tpu.memory_space<vmem>> -> memref<128xi32, #tpu.memory_space<vmem>>
      %dma_wait3A_49 = arith.constant 0 : i32
      %dma_wait3A_50 = arith.constant 0 : i32
      %dma_wait3A_51 = tpu.memref_slice %arg3[%dma_wait3A_49, %dma_wait3A_50] : memref<10240x128xf32, #tpu.memory_space<hbm>> -> memref<10240x128xf32, #tpu.memory_space<hbm>>
      tpu.wait_indirect_dma semaphore(%arg12 : memref<!tpu.dma_semaphore, #tpu.memory_space<semaphore_mem>>) src(%dma_wait3A_51 : memref<10240x128xf32, #tpu.memory_space<hbm>>) dst(%arg9 : memref<128x128xf32, #tpu.memory_space<vmem>>)
      %dma_start3A_52 = arith.constant 0 : i32
      %dma_start3A_53 = tpu.memref_slice %arg8[%mul3A_33, %dma_start3A_52] : memref<42x128xi32, #tpu.memory_space<vmem>> -> memref<1x128xi32, #tpu.memory_space<vmem>>
      %dma_start3A_54 = tpu.memref_squeeze %dma_start3A_53 : memref<1x128xi32, #tpu.memory_space<vmem>> -> memref<128xi32, #tpu.memory_space<vmem>>
      %dma_start3A_55 = arith.constant 0 : i32
      %dma_start3A_56 = arith.constant 0 : i32
      %dma_start3A_57 = tpu.memref_slice %arg11[%dma_start3A_55, %dma_start3A_56] : memref<10240x128xf32, #tpu.memory_space<vmem_shared>> -> memref<10240x128xf32, #tpu.memory_space<vmem_shared>>
      tpu.enqueue_indirect_dma source(%arg9 : memref<128x128xf32, #tpu.memory_space<vmem>>) target(%dma_start3A_57 : memref<10240x128xf32, #tpu.memory_space<vmem_shared>>) offsets(%dma_start3A_54 : memref<128xi32, #tpu.memory_space<vmem>>) semaphore(%arg14 : memref<!tpu.dma_semaphore, #tpu.memory_space<semaphore_mem>>) {add = true}
      %dma_wait3A_58 = arith.constant 0 : i32
      %dma_wait3A_59 = tpu.memref_slice %arg7[%add3A_35, %dma_wait3A_58] : memref<42x128xi32, #tpu.memory_space<vmem>> -> memref<1x128xi32, #tpu.memory_space<vmem>>
      %dma_wait3A_60 = tpu.memref_squeeze %dma_wait3A_59 : memref<1x128xi32, #tpu.memory_space<vmem>> -> memref<128xi32, #tpu.memory_space<vmem>>
      %dma_wait3A_61 = arith.constant 0 : i32
      %dma_wait3A_62 = arith.constant 0 : i32
      %dma_wait3A_63 = tpu.memref_slice %arg3[%dma_wait3A_61, %dma_wait3A_62] : memref<10240x128xf32, #tpu.memory_space<hbm>> -> memref<10240x128xf32, #tpu.memory_space<hbm>>
      tpu.wait_indirect_dma semaphore(%arg13 : memref<!tpu.dma_semaphore, #tpu.memory_space<semaphore_mem>>) src(%dma_wait3A_63 : memref<10240x128xf32, #tpu.memory_space<hbm>>) dst(%arg10 : memref<128x128xf32, #tpu.memory_space<vmem>>)
      %dma_start3A_64 = arith.constant 0 : i32
      %dma_start3A_65 = tpu.memref_slice %arg8[%add3A_35, %dma_start3A_64] : memref<42x128xi32, #tpu.memory_space<vmem>> -> memref<1x128xi32, #tpu.memory_space<vmem>>
      %dma_start3A_66 = tpu.memref_squeeze %dma_start3A_65 : memref<1x128xi32, #tpu.memory_space<vmem>> -> memref<128xi32, #tpu.memory_space<vmem>>
      %dma_start3A_67 = arith.constant 0 : i32
      %dma_start3A_68 = arith.constant 0 : i32
      %dma_start3A_69 = tpu.memref_slice %arg11[%dma_start3A_67, %dma_start3A_68] : memref<10240x128xf32, #tpu.memory_space<vmem_shared>> -> memref<10240x128xf32, #tpu.memory_space<vmem_shared>>
      tpu.enqueue_indirect_dma source(%arg10 : memref<128x128xf32, #tpu.memory_space<vmem>>) target(%dma_start3A_69 : memref<10240x128xf32, #tpu.memory_space<vmem_shared>>) offsets(%dma_start3A_66 : memref<128xi32, #tpu.memory_space<vmem>>) semaphore(%arg15 : memref<!tpu.dma_semaphore, #tpu.memory_space<semaphore_mem>>) {add = true}
      %dma_wait3A_70 = arith.constant 0 : i32
      %dma_wait3A_71 = tpu.memref_slice %arg8[%mul3A_33, %dma_wait3A_70] : memref<42x128xi32, #tpu.memory_space<vmem>> -> memref<1x128xi32, #tpu.memory_space<vmem>>
      %dma_wait3A_72 = tpu.memref_squeeze %dma_wait3A_71 : memref<1x128xi32, #tpu.memory_space<vmem>> -> memref<128xi32, #tpu.memory_space<vmem>>
      %dma_wait3A_73 = arith.constant 0 : i32
      %dma_wait3A_74 = arith.constant 0 : i32
      %dma_wait3A_75 = tpu.memref_slice %arg11[%dma_wait3A_73, %dma_wait3A_74] : memref<10240x128xf32, #tpu.memory_space<vmem_shared>> -> memref<10240x128xf32, #tpu.memory_space<vmem_shared>>
      tpu.wait_indirect_dma semaphore(%arg14 : memref<!tpu.dma_semaphore, #tpu.memory_space<semaphore_mem>>) src(%arg9 : memref<128x128xf32, #tpu.memory_space<vmem>>) dst(%dma_wait3A_75 : memref<10240x128xf32, #tpu.memory_space<vmem_shared>>)
      %dma_wait3A_76 = arith.constant 0 : i32
      %dma_wait3A_77 = tpu.memref_slice %arg8[%add3A_35, %dma_wait3A_76] : memref<42x128xi32, #tpu.memory_space<vmem>> -> memref<1x128xi32, #tpu.memory_space<vmem>>
      %dma_wait3A_78 = tpu.memref_squeeze %dma_wait3A_77 : memref<1x128xi32, #tpu.memory_space<vmem>> -> memref<128xi32, #tpu.memory_space<vmem>>
      %dma_wait3A_79 = arith.constant 0 : i32
      %dma_wait3A_80 = arith.constant 0 : i32
      %dma_wait3A_81 = tpu.memref_slice %arg11[%dma_wait3A_79, %dma_wait3A_80] : memref<10240x128xf32, #tpu.memory_space<vmem_shared>> -> memref<10240x128xf32, #tpu.memory_space<vmem_shared>>
      tpu.wait_indirect_dma semaphore(%arg15 : memref<!tpu.dma_semaphore, #tpu.memory_space<semaphore_mem>>) src(%arg10 : memref<128x128xf32, #tpu.memory_space<vmem>>) dst(%dma_wait3A_81 : memref<10240x128xf32, #tpu.memory_space<vmem_shared>>)
    }
    %scan3A_11 = arith.constant 21 : i32
    %mul3A_12 = arith.constant 2 : i32
    %mul3A_13 = arith.muli %add3A, %mul3A_12 : i32
    %add3A_14 = arith.constant 1 : i32
    %add3A_15 = arith.addi %mul3A_13, %add3A_14 : i32
    "tpu.region"() ({
      %run_scoped3A = tpu.sem_alloc : memref<!tpu.dma_semaphore, #tpu.memory_space<semaphore_mem>>
      %dma_start3A = arith.constant 0 : i32
      %dma_start3A_31 = arith.constant 0 : i32
      %dma_start3A_32 = tpu.memref_slice %arg4[%add3A_15, %dma_start3A, %dma_start3A_31] : memref<64x42x128xi32, #tpu.memory_space<hbm>> -> memref<1x42x128xi32, #tpu.memory_space<hbm>>
      %dma_start3A_33 = tpu.memref_squeeze %dma_start3A_32 : memref<1x42x128xi32, #tpu.memory_space<hbm>> -> memref<42x128xi32, #tpu.memory_space<hbm>>
      %dma_start3A_34 = arith.constant 0 : i32
      %dma_start3A_35 = arith.constant 0 : i32
      %dma_start3A_36 = tpu.memref_slice %arg4[%add3A_15, %dma_start3A_34, %dma_start3A_35] : memref<64x42x128xi32, #tpu.memory_space<hbm>> -> memref<1x42x128xi32, #tpu.memory_space<hbm>>
      %dma_start3A_37 = tpu.memref_squeeze %dma_start3A_36 : memref<1x42x128xi32, #tpu.memory_space<hbm>> -> memref<42x128xi32, #tpu.memory_space<hbm>>
      tpu.enqueue_dma source(%dma_start3A_37 : memref<42x128xi32, #tpu.memory_space<hbm>>) target(%arg7 : memref<42x128xi32, #tpu.memory_space<vmem>>) target_semaphore(%run_scoped3A : memref<!tpu.dma_semaphore, #tpu.memory_space<semaphore_mem>>)
      %dma_wait3A = arith.constant 0 : i32
      %dma_wait3A_38 = arith.constant 0 : i32
      %dma_wait3A_39 = tpu.memref_slice %arg4[%add3A_15, %dma_wait3A, %dma_wait3A_38] : memref<64x42x128xi32, #tpu.memory_space<hbm>> -> memref<1x42x128xi32, #tpu.memory_space<hbm>>
      %dma_wait3A_40 = tpu.memref_squeeze %dma_wait3A_39 : memref<1x42x128xi32, #tpu.memory_space<hbm>> -> memref<42x128xi32, #tpu.memory_space<hbm>>
      %dma_wait3A_41 = arith.constant 0 : i32
      %dma_wait3A_42 = arith.constant 0 : i32
      %dma_wait3A_43 = tpu.memref_slice %arg4[%add3A_15, %dma_wait3A_41, %dma_wait3A_42] : memref<64x42x128xi32, #tpu.memory_space<hbm>> -> memref<1x42x128xi32, #tpu.memory_space<hbm>>
      %dma_wait3A_44 = tpu.memref_squeeze %dma_wait3A_43 : memref<1x42x128xi32, #tpu.memory_space<hbm>> -> memref<42x128xi32, #tpu.memory_space<hbm>>
      tpu.wait_dma2 semaphore(%run_scoped3A : memref<!tpu.dma_semaphore, #tpu.memory_space<semaphore_mem>>) src(%dma_wait3A_44 : memref<42x128xi32, #tpu.memory_space<hbm>>) dst(%arg7 : memref<42x128xi32, #tpu.memory_space<vmem>>)
      tpu.yield
    }) : () -> ()
    %mul3A_16 = arith.constant 2 : i32
    %mul3A_17 = arith.muli %add3A, %mul3A_16 : i32
    %add3A_18 = arith.constant 1 : i32
    %add3A_19 = arith.addi %mul3A_17, %add3A_18 : i32
    "tpu.region"() ({
      %run_scoped3A = tpu.sem_alloc : memref<!tpu.dma_semaphore, #tpu.memory_space<semaphore_mem>>
      %dma_start3A = arith.constant 0 : i32
      %dma_start3A_31 = arith.constant 0 : i32
      %dma_start3A_32 = tpu.memref_slice %arg5[%add3A_19, %dma_start3A, %dma_start3A_31] : memref<64x42x128xi32, #tpu.memory_space<hbm>> -> memref<1x42x128xi32, #tpu.memory_space<hbm>>
      %dma_start3A_33 = tpu.memref_squeeze %dma_start3A_32 : memref<1x42x128xi32, #tpu.memory_space<hbm>> -> memref<42x128xi32, #tpu.memory_space<hbm>>
      %dma_start3A_34 = arith.constant 0 : i32
      %dma_start3A_35 = arith.constant 0 : i32
      %dma_start3A_36 = tpu.memref_slice %arg5[%add3A_19, %dma_start3A_34, %dma_start3A_35] : memref<64x42x128xi32, #tpu.memory_space<hbm>> -> memref<1x42x128xi32, #tpu.memory_space<hbm>>
      %dma_start3A_37 = tpu.memref_squeeze %dma_start3A_36 : memref<1x42x128xi32, #tpu.memory_space<hbm>> -> memref<42x128xi32, #tpu.memory_space<hbm>>
      tpu.enqueue_dma source(%dma_start3A_37 : memref<42x128xi32, #tpu.memory_space<hbm>>) target(%arg8 : memref<42x128xi32, #tpu.memory_space<vmem>>) target_semaphore(%run_scoped3A : memref<!tpu.dma_semaphore, #tpu.memory_space<semaphore_mem>>)
      %dma_wait3A = arith.constant 0 : i32
      %dma_wait3A_38 = arith.constant 0 : i32
      %dma_wait3A_39 = tpu.memref_slice %arg5[%add3A_19, %dma_wait3A, %dma_wait3A_38] : memref<64x42x128xi32, #tpu.memory_space<hbm>> -> memref<1x42x128xi32, #tpu.memory_space<hbm>>
      %dma_wait3A_40 = tpu.memref_squeeze %dma_wait3A_39 : memref<1x42x128xi32, #tpu.memory_space<hbm>> -> memref<42x128xi32, #tpu.memory_space<hbm>>
      %dma_wait3A_41 = arith.constant 0 : i32
      %dma_wait3A_42 = arith.constant 0 : i32
      %dma_wait3A_43 = tpu.memref_slice %arg5[%add3A_19, %dma_wait3A_41, %dma_wait3A_42] : memref<64x42x128xi32, #tpu.memory_space<hbm>> -> memref<1x42x128xi32, #tpu.memory_space<hbm>>
      %dma_wait3A_44 = tpu.memref_squeeze %dma_wait3A_43 : memref<1x42x128xi32, #tpu.memory_space<hbm>> -> memref<42x128xi32, #tpu.memory_space<hbm>>
      tpu.wait_dma2 semaphore(%run_scoped3A : memref<!tpu.dma_semaphore, #tpu.memory_space<semaphore_mem>>) src(%dma_wait3A_44 : memref<42x128xi32, #tpu.memory_space<hbm>>) dst(%arg8 : memref<42x128xi32, #tpu.memory_space<vmem>>)
      tpu.yield
    }) : () -> ()
    %scan3A_20 = arith.constant 0 : i32
    %scan3A_21 = arith.constant 0 : i32
    %scan3A_22 = arith.constant 21 : i32
    %scan3A_23 = arith.addi %scan3A_21, %scan3A_22 : i32
    %scan3A_24 = arith.constant 1 : i32
    scf.for %scan3A_31 = %scan3A_21 to %scan3A_23 step %scan3A_24  : i32 {
      %mul3A_32 = arith.constant 2 : i32
      %mul3A_33 = arith.muli %mul3A_32, %scan3A_31 : i32
      %add3A_34 = arith.constant 1 : i32
      %add3A_35 = arith.addi %mul3A_33, %add3A_34 : i32
      %dma_start3A = arith.constant 0 : i32
      %dma_start3A_36 = tpu.memref_slice %arg7[%mul3A_33, %dma_start3A] : memref<42x128xi32, #tpu.memory_space<vmem>> -> memref<1x128xi32, #tpu.memory_space<vmem>>
      %dma_start3A_37 = tpu.memref_squeeze %dma_start3A_36 : memref<1x128xi32, #tpu.memory_space<vmem>> -> memref<128xi32, #tpu.memory_space<vmem>>
      %dma_start3A_38 = arith.constant 0 : i32
      %dma_start3A_39 = arith.constant 0 : i32
      %dma_start3A_40 = tpu.memref_slice %arg3[%dma_start3A_38, %dma_start3A_39] : memref<10240x128xf32, #tpu.memory_space<hbm>> -> memref<10240x128xf32, #tpu.memory_space<hbm>>
      tpu.enqueue_indirect_dma source(%dma_start3A_40 : memref<10240x128xf32, #tpu.memory_space<hbm>>) target(%arg9 : memref<128x128xf32, #tpu.memory_space<vmem>>) offsets(%dma_start3A_37 : memref<128xi32, #tpu.memory_space<vmem>>) semaphore(%arg12 : memref<!tpu.dma_semaphore, #tpu.memory_space<semaphore_mem>>)
      %dma_start3A_41 = arith.constant 0 : i32
      %dma_start3A_42 = tpu.memref_slice %arg7[%add3A_35, %dma_start3A_41] : memref<42x128xi32, #tpu.memory_space<vmem>> -> memref<1x128xi32, #tpu.memory_space<vmem>>
      %dma_start3A_43 = tpu.memref_squeeze %dma_start3A_42 : memref<1x128xi32, #tpu.memory_space<vmem>> -> memref<128xi32, #tpu.memory_space<vmem>>
      %dma_start3A_44 = arith.constant 0 : i32
      %dma_start3A_45 = arith.constant 0 : i32
      %dma_start3A_46 = tpu.memref_slice %arg3[%dma_start3A_44, %dma_start3A_45] : memref<10240x128xf32, #tpu.memory_space<hbm>> -> memref<10240x128xf32, #tpu.memory_space<hbm>>
      tpu.enqueue_indirect_dma source(%dma_start3A_46 : memref<10240x128xf32, #tpu.memory_space<hbm>>) target(%arg10 : memref<128x128xf32, #tpu.memory_space<vmem>>) offsets(%dma_start3A_43 : memref<128xi32, #tpu.memory_space<vmem>>) semaphore(%arg13 : memref<!tpu.dma_semaphore, #tpu.memory_space<semaphore_mem>>)
      %dma_wait3A = arith.constant 0 : i32
      %dma_wait3A_47 = tpu.memref_slice %arg7[%mul3A_33, %dma_wait3A] : memref<42x128xi32, #tpu.memory_space<vmem>> -> memref<1x128xi32, #tpu.memory_space<vmem>>
      %dma_wait3A_48 = tpu.memref_squeeze %dma_wait3A_47 : memref<1x128xi32, #tpu.memory_space<vmem>> -> memref<128xi32, #tpu.memory_space<vmem>>
      %dma_wait3A_49 = arith.constant 0 : i32
      %dma_wait3A_50 = arith.constant 0 : i32
      %dma_wait3A_51 = tpu.memref_slice %arg3[%dma_wait3A_49, %dma_wait3A_50] : memref<10240x128xf32, #tpu.memory_space<hbm>> -> memref<10240x128xf32, #tpu.memory_space<hbm>>
      tpu.wait_indirect_dma semaphore(%arg12 : memref<!tpu.dma_semaphore, #tpu.memory_space<semaphore_mem>>) src(%dma_wait3A_51 : memref<10240x128xf32, #tpu.memory_space<hbm>>) dst(%arg9 : memref<128x128xf32, #tpu.memory_space<vmem>>)
      %dma_start3A_52 = arith.constant 0 : i32
      %dma_start3A_53 = tpu.memref_slice %arg8[%mul3A_33, %dma_start3A_52] : memref<42x128xi32, #tpu.memory_space<vmem>> -> memref<1x128xi32, #tpu.memory_space<vmem>>
      %dma_start3A_54 = tpu.memref_squeeze %dma_start3A_53 : memref<1x128xi32, #tpu.memory_space<vmem>> -> memref<128xi32, #tpu.memory_space<vmem>>
      %dma_start3A_55 = arith.constant 0 : i32
      %dma_start3A_56 = arith.constant 0 : i32
      %dma_start3A_57 = tpu.memref_slice %arg11[%dma_start3A_55, %dma_start3A_56] : memref<10240x128xf32, #tpu.memory_space<vmem_shared>> -> memref<10240x128xf32, #tpu.memory_space<vmem_shared>>
      tpu.enqueue_indirect_dma source(%arg9 : memref<128x128xf32, #tpu.memory_space<vmem>>) target(%dma_start3A_57 : memref<10240x128xf32, #tpu.memory_space<vmem_shared>>) offsets(%dma_start3A_54 : memref<128xi32, #tpu.memory_space<vmem>>) semaphore(%arg14 : memref<!tpu.dma_semaphore, #tpu.memory_space<semaphore_mem>>) {add = true}
      %dma_wait3A_58 = arith.constant 0 : i32
      %dma_wait3A_59 = tpu.memref_slice %arg7[%add3A_35, %dma_wait3A_58] : memref<42x128xi32, #tpu.memory_space<vmem>> -> memref<1x128xi32, #tpu.memory_space<vmem>>
      %dma_wait3A_60 = tpu.memref_squeeze %dma_wait3A_59 : memref<1x128xi32, #tpu.memory_space<vmem>> -> memref<128xi32, #tpu.memory_space<vmem>>
      %dma_wait3A_61 = arith.constant 0 : i32
      %dma_wait3A_62 = arith.constant 0 : i32
      %dma_wait3A_63 = tpu.memref_slice %arg3[%dma_wait3A_61, %dma_wait3A_62] : memref<10240x128xf32, #tpu.memory_space<hbm>> -> memref<10240x128xf32, #tpu.memory_space<hbm>>
      tpu.wait_indirect_dma semaphore(%arg13 : memref<!tpu.dma_semaphore, #tpu.memory_space<semaphore_mem>>) src(%dma_wait3A_63 : memref<10240x128xf32, #tpu.memory_space<hbm>>) dst(%arg10 : memref<128x128xf32, #tpu.memory_space<vmem>>)
      %dma_start3A_64 = arith.constant 0 : i32
      %dma_start3A_65 = tpu.memref_slice %arg8[%add3A_35, %dma_start3A_64] : memref<42x128xi32, #tpu.memory_space<vmem>> -> memref<1x128xi32, #tpu.memory_space<vmem>>
      %dma_start3A_66 = tpu.memref_squeeze %dma_start3A_65 : memref<1x128xi32, #tpu.memory_space<vmem>> -> memref<128xi32, #tpu.memory_space<vmem>>
      %dma_start3A_67 = arith.constant 0 : i32
      %dma_start3A_68 = arith.constant 0 : i32
      %dma_start3A_69 = tpu.memref_slice %arg11[%dma_start3A_67, %dma_start3A_68] : memref<10240x128xf32, #tpu.memory_space<vmem_shared>> -> memref<10240x128xf32, #tpu.memory_space<vmem_shared>>
      tpu.enqueue_indirect_dma source(%arg10 : memref<128x128xf32, #tpu.memory_space<vmem>>) target(%dma_start3A_69 : memref<10240x128xf32, #tpu.memory_space<vmem_shared>>) offsets(%dma_start3A_66 : memref<128xi32, #tpu.memory_space<vmem>>) semaphore(%arg15 : memref<!tpu.dma_semaphore, #tpu.memory_space<semaphore_mem>>) {add = true}
      %dma_wait3A_70 = arith.constant 0 : i32
      %dma_wait3A_71 = tpu.memref_slice %arg8[%mul3A_33, %dma_wait3A_70] : memref<42x128xi32, #tpu.memory_space<vmem>> -> memref<1x128xi32, #tpu.memory_space<vmem>>
      %dma_wait3A_72 = tpu.memref_squeeze %dma_wait3A_71 : memref<1x128xi32, #tpu.memory_space<vmem>> -> memref<128xi32, #tpu.memory_space<vmem>>
      %dma_wait3A_73 = arith.constant 0 : i32
      %dma_wait3A_74 = arith.constant 0 : i32
      %dma_wait3A_75 = tpu.memref_slice %arg11[%dma_wait3A_73, %dma_wait3A_74] : memref<10240x128xf32, #tpu.memory_space<vmem_shared>> -> memref<10240x128xf32, #tpu.memory_space<vmem_shared>>
      tpu.wait_indirect_dma semaphore(%arg14 : memref<!tpu.dma_semaphore, #tpu.memory_space<semaphore_mem>>) src(%arg9 : memref<128x128xf32, #tpu.memory_space<vmem>>) dst(%dma_wait3A_75 : memref<10240x128xf32, #tpu.memory_space<vmem_shared>>)
      %dma_wait3A_76 = arith.constant 0 : i32
      %dma_wait3A_77 = tpu.memref_slice %arg8[%add3A_35, %dma_wait3A_76] : memref<42x128xi32, #tpu.memory_space<vmem>> -> memref<1x128xi32, #tpu.memory_space<vmem>>
      %dma_wait3A_78 = tpu.memref_squeeze %dma_wait3A_77 : memref<1x128xi32, #tpu.memory_space<vmem>> -> memref<128xi32, #tpu.memory_space<vmem>>
      %dma_wait3A_79 = arith.constant 0 : i32
      %dma_wait3A_80 = arith.constant 0 : i32
      %dma_wait3A_81 = tpu.memref_slice %arg11[%dma_wait3A_79, %dma_wait3A_80] : memref<10240x128xf32, #tpu.memory_space<vmem_shared>> -> memref<10240x128xf32, #tpu.memory_space<vmem_shared>>
      tpu.wait_indirect_dma semaphore(%arg15 : memref<!tpu.dma_semaphore, #tpu.memory_space<semaphore_mem>>) src(%arg10 : memref<128x128xf32, #tpu.memory_space<vmem>>) dst(%dma_wait3A_81 : memref<10240x128xf32, #tpu.memory_space<vmem_shared>>)
    }
    %scan3A_25 = arith.constant 21 : i32
    %barrier3A_26 = arith.constant 0 : index
    tpu.barrier barrier_id(%barrier3A_26)
    %mul3A_27 = arith.constant 640 : i32
    %mul3A_28 = arith.muli %arg1, %mul3A_27 : i32
    %mul3A_29 = arith.constant 640 : i32
    %mul3A_30 = arith.muli %arg1, %mul3A_29 : i32
    "tpu.region"() ({
      %run_scoped3A = tpu.sem_alloc : memref<!tpu.dma_semaphore, #tpu.memory_space<semaphore_mem>>
      %dma_start3A = arith.constant 0 : i32
      %dma_start3A_31 = tpu.memref_slice %arg6[%arg0, %mul3A_30, %dma_start3A] : memref<2x10240x128xf32, #tpu.memory_space<hbm>> -> memref<1x640x128xf32, #tpu.memory_space<hbm>>
      %dma_start3A_32 = tpu.memref_squeeze %dma_start3A_31 : memref<1x640x128xf32, #tpu.memory_space<hbm>> -> memref<640x128xf32, #tpu.memory_space<hbm>>
      %dma_start3A_33 = arith.constant 0 : i32
      %dma_start3A_34 = tpu.memref_slice %arg11[%mul3A_28, %dma_start3A_33] : memref<10240x128xf32, #tpu.memory_space<vmem_shared>> -> memref<640x128xf32, #tpu.memory_space<vmem_shared>>
      tpu.enqueue_dma source(%dma_start3A_34 : memref<640x128xf32, #tpu.memory_space<vmem_shared>>) target(%dma_start3A_32 : memref<640x128xf32, #tpu.memory_space<hbm>>) target_semaphore(%run_scoped3A : memref<!tpu.dma_semaphore, #tpu.memory_space<semaphore_mem>>)
      %dma_wait3A = arith.constant 0 : i32
      %dma_wait3A_35 = tpu.memref_slice %arg6[%arg0, %mul3A_30, %dma_wait3A] : memref<2x10240x128xf32, #tpu.memory_space<hbm>> -> memref<1x640x128xf32, #tpu.memory_space<hbm>>
      %dma_wait3A_36 = tpu.memref_squeeze %dma_wait3A_35 : memref<1x640x128xf32, #tpu.memory_space<hbm>> -> memref<640x128xf32, #tpu.memory_space<hbm>>
      %dma_wait3A_37 = arith.constant 0 : i32
      %dma_wait3A_38 = tpu.memref_slice %arg11[%mul3A_28, %dma_wait3A_37] : memref<10240x128xf32, #tpu.memory_space<vmem_shared>> -> memref<640x128xf32, #tpu.memory_space<vmem_shared>>
      tpu.wait_dma2 semaphore(%run_scoped3A : memref<!tpu.dma_semaphore, #tpu.memory_space<semaphore_mem>>) src(%dma_wait3A_38 : memref<640x128xf32, #tpu.memory_space<vmem_shared>>) dst(%dma_wait3A_36 : memref<640x128xf32, #tpu.memory_space<hbm>>)
      tpu.yield
    }) : () -> ()
    return
  }
}

#map = affine_map<(d0, d1) -> (0, 0)>
#map1 = affine_map<(d0, d1) -> (0, 0, 0)>
module attributes {stable_mosaic.version = 14 : i64} {
  func.func @_sc_edge_body(%arg0: i32, %arg1: i32, %arg2: memref<640x128xf32, #tpu.memory_space<hbm>>, %arg3: memref<10240x128xf32, #tpu.memory_space<hbm>>, %arg4: memref<64x42x128xi32, #tpu.memory_space<hbm>>, %arg5: memref<64x42x128xi32, #tpu.memory_space<hbm>>, %arg6: memref<2x10240x128xf32, #tpu.memory_space<hbm>>, %arg7: memref<42x128xi32, #tpu.memory_space<vmem>>, %arg8: memref<42x128xi32, #tpu.memory_space<vmem>>, %arg9: memref<128x128xf32, #tpu.memory_space<vmem>>, %arg10: memref<128x128xf32, #tpu.memory_space<vmem>>, %arg11: memref<10240x128xf32, #tpu.memory_space<vmem_shared>>, %arg12: memref<!tpu.dma_semaphore, #tpu.memory_space<semaphore_mem>>, %arg13: memref<!tpu.dma_semaphore, #tpu.memory_space<semaphore_mem>>, %arg14: memref<!tpu.dma_semaphore, #tpu.memory_space<semaphore_mem>>, %arg15: memref<!tpu.dma_semaphore, #tpu.memory_space<semaphore_mem>>) attributes {dimension_semantics = [#tpu.dimension_semantics<core_parallel>, #tpu.dimension_semantics<subcore_parallel>], iteration_bounds = array<i64: 2, 16>, scalar_prefetch = 0 : i64, scratch_operands = 9 : i64, tpu.core_type = #tpu.core_type<sc_vector_subcore>, window_params = [{transform_indices = #map}, {transform_indices = #map}, {transform_indices = #map1}, {transform_indices = #map1}, {transform_indices = #map1}]} {
    %mul3A = arith.constant 16 : i32
    %mul3A_0 = arith.muli %arg0, %mul3A : i32
    %add3A = arith.addi %mul3A_0, %arg1 : i32
    %mul3A_1 = arith.constant 2 : i32
    %mul3A_2 = arith.muli %add3A, %mul3A_1 : i32
    "tpu.region"() ({
      %run_scoped3A = tpu.sem_alloc : memref<!tpu.dma_semaphore, #tpu.memory_space<semaphore_mem>>
      %dma_start3A = arith.constant 0 : i32
      %dma_start3A_31 = arith.constant 0 : i32
      %dma_start3A_32 = tpu.memref_slice %arg4[%mul3A_2, %dma_start3A, %dma_start3A_31] : memref<64x42x128xi32, #tpu.memory_space<hbm>> -> memref<1x42x128xi32, #tpu.memory_space<hbm>>
      %dma_start3A_33 = tpu.memref_squeeze %dma_start3A_32 : memref<1x42x128xi32, #tpu.memory_space<hbm>> -> memref<42x128xi32, #tpu.memory_space<hbm>>
      %dma_start3A_34 = arith.constant 0 : i32
      %dma_start3A_35 = arith.constant 0 : i32
      %dma_start3A_36 = tpu.memref_slice %arg4[%mul3A_2, %dma_start3A_34, %dma_start3A_35] : memref<64x42x128xi32, #tpu.memory_space<hbm>> -> memref<1x42x128xi32, #tpu.memory_space<hbm>>
      %dma_start3A_37 = tpu.memref_squeeze %dma_start3A_36 : memref<1x42x128xi32, #tpu.memory_space<hbm>> -> memref<42x128xi32, #tpu.memory_space<hbm>>
      tpu.enqueue_dma source(%dma_start3A_37 : memref<42x128xi32, #tpu.memory_space<hbm>>) target(%arg7 : memref<42x128xi32, #tpu.memory_space<vmem>>) target_semaphore(%run_scoped3A : memref<!tpu.dma_semaphore, #tpu.memory_space<semaphore_mem>>)
      %dma_wait3A = arith.constant 0 : i32
      %dma_wait3A_38 = arith.constant 0 : i32
      %dma_wait3A_39 = tpu.memref_slice %arg4[%mul3A_2, %dma_wait3A, %dma_wait3A_38] : memref<64x42x128xi32, #tpu.memory_space<hbm>> -> memref<1x42x128xi32, #tpu.memory_space<hbm>>
      %dma_wait3A_40 = tpu.memref_squeeze %dma_wait3A_39 : memref<1x42x128xi32, #tpu.memory_space<hbm>> -> memref<42x128xi32, #tpu.memory_space<hbm>>
      %dma_wait3A_41 = arith.constant 0 : i32
      %dma_wait3A_42 = arith.constant 0 : i32
      %dma_wait3A_43 = tpu.memref_slice %arg4[%mul3A_2, %dma_wait3A_41, %dma_wait3A_42] : memref<64x42x128xi32, #tpu.memory_space<hbm>> -> memref<1x42x128xi32, #tpu.memory_space<hbm>>
      %dma_wait3A_44 = tpu.memref_squeeze %dma_wait3A_43 : memref<1x42x128xi32, #tpu.memory_space<hbm>> -> memref<42x128xi32, #tpu.memory_space<hbm>>
      tpu.wait_dma2 semaphore(%run_scoped3A : memref<!tpu.dma_semaphore, #tpu.memory_space<semaphore_mem>>) src(%dma_wait3A_44 : memref<42x128xi32, #tpu.memory_space<hbm>>) dst(%arg7 : memref<42x128xi32, #tpu.memory_space<vmem>>)
      tpu.yield
    }) : () -> ()
    %mul3A_3 = arith.constant 2 : i32
    %mul3A_4 = arith.muli %add3A, %mul3A_3 : i32
    "tpu.region"() ({
      %run_scoped3A = tpu.sem_alloc : memref<!tpu.dma_semaphore, #tpu.memory_space<semaphore_mem>>
      %dma_start3A = arith.constant 0 : i32
      %dma_start3A_31 = arith.constant 0 : i32
      %dma_start3A_32 = tpu.memref_slice %arg5[%mul3A_4, %dma_start3A, %dma_start3A_31] : memref<64x42x128xi32, #tpu.memory_space<hbm>> -> memref<1x42x128xi32, #tpu.memory_space<hbm>>
      %dma_start3A_33 = tpu.memref_squeeze %dma_start3A_32 : memref<1x42x128xi32, #tpu.memory_space<hbm>> -> memref<42x128xi32, #tpu.memory_space<hbm>>
      %dma_start3A_34 = arith.constant 0 : i32
      %dma_start3A_35 = arith.constant 0 : i32
      %dma_start3A_36 = tpu.memref_slice %arg5[%mul3A_4, %dma_start3A_34, %dma_start3A_35] : memref<64x42x128xi32, #tpu.memory_space<hbm>> -> memref<1x42x128xi32, #tpu.memory_space<hbm>>
      %dma_start3A_37 = tpu.memref_squeeze %dma_start3A_36 : memref<1x42x128xi32, #tpu.memory_space<hbm>> -> memref<42x128xi32, #tpu.memory_space<hbm>>
      tpu.enqueue_dma source(%dma_start3A_37 : memref<42x128xi32, #tpu.memory_space<hbm>>) target(%arg8 : memref<42x128xi32, #tpu.memory_space<vmem>>) target_semaphore(%run_scoped3A : memref<!tpu.dma_semaphore, #tpu.memory_space<semaphore_mem>>)
      %dma_wait3A = arith.constant 0 : i32
      %dma_wait3A_38 = arith.constant 0 : i32
      %dma_wait3A_39 = tpu.memref_slice %arg5[%mul3A_4, %dma_wait3A, %dma_wait3A_38] : memref<64x42x128xi32, #tpu.memory_space<hbm>> -> memref<1x42x128xi32, #tpu.memory_space<hbm>>
      %dma_wait3A_40 = tpu.memref_squeeze %dma_wait3A_39 : memref<1x42x128xi32, #tpu.memory_space<hbm>> -> memref<42x128xi32, #tpu.memory_space<hbm>>
      %dma_wait3A_41 = arith.constant 0 : i32
      %dma_wait3A_42 = arith.constant 0 : i32
      %dma_wait3A_43 = tpu.memref_slice %arg5[%mul3A_4, %dma_wait3A_41, %dma_wait3A_42] : memref<64x42x128xi32, #tpu.memory_space<hbm>> -> memref<1x42x128xi32, #tpu.memory_space<hbm>>
      %dma_wait3A_44 = tpu.memref_squeeze %dma_wait3A_43 : memref<1x42x128xi32, #tpu.memory_space<hbm>> -> memref<42x128xi32, #tpu.memory_space<hbm>>
      tpu.wait_dma2 semaphore(%run_scoped3A : memref<!tpu.dma_semaphore, #tpu.memory_space<semaphore_mem>>) src(%dma_wait3A_44 : memref<42x128xi32, #tpu.memory_space<hbm>>) dst(%arg8 : memref<42x128xi32, #tpu.memory_space<vmem>>)
      tpu.yield
    }) : () -> ()
    %mul3A_5 = arith.constant 640 : i32
    %mul3A_6 = arith.muli %arg1, %mul3A_5 : i32
    "tpu.region"() ({
      %run_scoped3A = tpu.sem_alloc : memref<!tpu.dma_semaphore, #tpu.memory_space<semaphore_mem>>
      %dma_start3A = arith.constant 0 : i32
      %dma_start3A_31 = tpu.memref_slice %arg11[%mul3A_6, %dma_start3A] : memref<10240x128xf32, #tpu.memory_space<vmem_shared>> -> memref<640x128xf32, #tpu.memory_space<vmem_shared>>
      tpu.enqueue_dma source(%arg2 : memref<640x128xf32, #tpu.memory_space<hbm>>) target(%dma_start3A_31 : memref<640x128xf32, #tpu.memory_space<vmem_shared>>) target_semaphore(%run_scoped3A : memref<!tpu.dma_semaphore, #tpu.memory_space<semaphore_mem>>)
      %dma_wait3A = arith.constant 0 : i32
      %dma_wait3A_32 = tpu.memref_slice %arg11[%mul3A_6, %dma_wait3A] : memref<10240x128xf32, #tpu.memory_space<vmem_shared>> -> memref<640x128xf32, #tpu.memory_space<vmem_shared>>
      tpu.wait_dma2 semaphore(%run_scoped3A : memref<!tpu.dma_semaphore, #tpu.memory_space<semaphore_mem>>) src(%arg2 : memref<640x128xf32, #tpu.memory_space<hbm>>) dst(%dma_wait3A_32 : memref<640x128xf32, #tpu.memory_space<vmem_shared>>)
      tpu.yield
    }) : () -> ()
    %barrier3A = arith.constant 0 : index
    tpu.barrier barrier_id(%barrier3A)
    %scan3A = arith.constant 0 : i32
    %scan3A_7 = arith.constant 0 : i32
    %scan3A_8 = arith.constant 21 : i32
    %scan3A_9 = arith.addi %scan3A_7, %scan3A_8 : i32
    %scan3A_10 = arith.constant 1 : i32
    scf.for %scan3A_31 = %scan3A_7 to %scan3A_9 step %scan3A_10  : i32 {
      %mul3A_32 = arith.constant 2 : i32
      %mul3A_33 = arith.muli %mul3A_32, %scan3A_31 : i32
      %add3A_34 = arith.constant 1 : i32
      %add3A_35 = arith.addi %mul3A_33, %add3A_34 : i32
      %dma_start3A = arith.constant 0 : i32
      %dma_start3A_36 = tpu.memref_slice %arg7[%mul3A_33, %dma_start3A] : memref<42x128xi32, #tpu.memory_space<vmem>> -> memref<1x128xi32, #tpu.memory_space<vmem>>
      %dma_start3A_37 = tpu.memref_squeeze %dma_start3A_36 : memref<1x128xi32, #tpu.memory_space<vmem>> -> memref<128xi32, #tpu.memory_space<vmem>>
      %dma_start3A_38 = arith.constant 0 : i32
      %dma_start3A_39 = arith.constant 0 : i32
      %dma_start3A_40 = tpu.memref_slice %arg3[%dma_start3A_38, %dma_start3A_39] : memref<10240x128xf32, #tpu.memory_space<hbm>> -> memref<10240x128xf32, #tpu.memory_space<hbm>>
      tpu.enqueue_indirect_dma source(%dma_start3A_40 : memref<10240x128xf32, #tpu.memory_space<hbm>>) target(%arg9 : memref<128x128xf32, #tpu.memory_space<vmem>>) offsets(%dma_start3A_37 : memref<128xi32, #tpu.memory_space<vmem>>) semaphore(%arg12 : memref<!tpu.dma_semaphore, #tpu.memory_space<semaphore_mem>>)
      %dma_start3A_41 = arith.constant 0 : i32
      %dma_start3A_42 = tpu.memref_slice %arg7[%add3A_35, %dma_start3A_41] : memref<42x128xi32, #tpu.memory_space<vmem>> -> memref<1x128xi32, #tpu.memory_space<vmem>>
      %dma_start3A_43 = tpu.memref_squeeze %dma_start3A_42 : memref<1x128xi32, #tpu.memory_space<vmem>> -> memref<128xi32, #tpu.memory_space<vmem>>
      %dma_start3A_44 = arith.constant 0 : i32
      %dma_start3A_45 = arith.constant 0 : i32
      %dma_start3A_46 = tpu.memref_slice %arg3[%dma_start3A_44, %dma_start3A_45] : memref<10240x128xf32, #tpu.memory_space<hbm>> -> memref<10240x128xf32, #tpu.memory_space<hbm>>
      tpu.enqueue_indirect_dma source(%dma_start3A_46 : memref<10240x128xf32, #tpu.memory_space<hbm>>) target(%arg10 : memref<128x128xf32, #tpu.memory_space<vmem>>) offsets(%dma_start3A_43 : memref<128xi32, #tpu.memory_space<vmem>>) semaphore(%arg13 : memref<!tpu.dma_semaphore, #tpu.memory_space<semaphore_mem>>)
      %dma_wait3A = arith.constant 0 : i32
      %dma_wait3A_47 = tpu.memref_slice %arg7[%mul3A_33, %dma_wait3A] : memref<42x128xi32, #tpu.memory_space<vmem>> -> memref<1x128xi32, #tpu.memory_space<vmem>>
      %dma_wait3A_48 = tpu.memref_squeeze %dma_wait3A_47 : memref<1x128xi32, #tpu.memory_space<vmem>> -> memref<128xi32, #tpu.memory_space<vmem>>
      %dma_wait3A_49 = arith.constant 0 : i32
      %dma_wait3A_50 = arith.constant 0 : i32
      %dma_wait3A_51 = tpu.memref_slice %arg3[%dma_wait3A_49, %dma_wait3A_50] : memref<10240x128xf32, #tpu.memory_space<hbm>> -> memref<10240x128xf32, #tpu.memory_space<hbm>>
      tpu.wait_indirect_dma semaphore(%arg12 : memref<!tpu.dma_semaphore, #tpu.memory_space<semaphore_mem>>) src(%dma_wait3A_51 : memref<10240x128xf32, #tpu.memory_space<hbm>>) dst(%arg9 : memref<128x128xf32, #tpu.memory_space<vmem>>)
      %dma_start3A_52 = arith.constant 0 : i32
      %dma_start3A_53 = tpu.memref_slice %arg8[%mul3A_33, %dma_start3A_52] : memref<42x128xi32, #tpu.memory_space<vmem>> -> memref<1x128xi32, #tpu.memory_space<vmem>>
      %dma_start3A_54 = tpu.memref_squeeze %dma_start3A_53 : memref<1x128xi32, #tpu.memory_space<vmem>> -> memref<128xi32, #tpu.memory_space<vmem>>
      %dma_start3A_55 = arith.constant 0 : i32
      %dma_start3A_56 = arith.constant 0 : i32
      %dma_start3A_57 = tpu.memref_slice %arg11[%dma_start3A_55, %dma_start3A_56] : memref<10240x128xf32, #tpu.memory_space<vmem_shared>> -> memref<10240x128xf32, #tpu.memory_space<vmem_shared>>
      tpu.enqueue_indirect_dma source(%arg9 : memref<128x128xf32, #tpu.memory_space<vmem>>) target(%dma_start3A_57 : memref<10240x128xf32, #tpu.memory_space<vmem_shared>>) offsets(%dma_start3A_54 : memref<128xi32, #tpu.memory_space<vmem>>) semaphore(%arg14 : memref<!tpu.dma_semaphore, #tpu.memory_space<semaphore_mem>>) {add = true}
      %dma_wait3A_58 = arith.constant 0 : i32
      %dma_wait3A_59 = tpu.memref_slice %arg7[%add3A_35, %dma_wait3A_58] : memref<42x128xi32, #tpu.memory_space<vmem>> -> memref<1x128xi32, #tpu.memory_space<vmem>>
      %dma_wait3A_60 = tpu.memref_squeeze %dma_wait3A_59 : memref<1x128xi32, #tpu.memory_space<vmem>> -> memref<128xi32, #tpu.memory_space<vmem>>
      %dma_wait3A_61 = arith.constant 0 : i32
      %dma_wait3A_62 = arith.constant 0 : i32
      %dma_wait3A_63 = tpu.memref_slice %arg3[%dma_wait3A_61, %dma_wait3A_62] : memref<10240x128xf32, #tpu.memory_space<hbm>> -> memref<10240x128xf32, #tpu.memory_space<hbm>>
      tpu.wait_indirect_dma semaphore(%arg13 : memref<!tpu.dma_semaphore, #tpu.memory_space<semaphore_mem>>) src(%dma_wait3A_63 : memref<10240x128xf32, #tpu.memory_space<hbm>>) dst(%arg10 : memref<128x128xf32, #tpu.memory_space<vmem>>)
      %dma_start3A_64 = arith.constant 0 : i32
      %dma_start3A_65 = tpu.memref_slice %arg8[%add3A_35, %dma_start3A_64] : memref<42x128xi32, #tpu.memory_space<vmem>> -> memref<1x128xi32, #tpu.memory_space<vmem>>
      %dma_start3A_66 = tpu.memref_squeeze %dma_start3A_65 : memref<1x128xi32, #tpu.memory_space<vmem>> -> memref<128xi32, #tpu.memory_space<vmem>>
      %dma_start3A_67 = arith.constant 0 : i32
      %dma_start3A_68 = arith.constant 0 : i32
      %dma_start3A_69 = tpu.memref_slice %arg11[%dma_start3A_67, %dma_start3A_68] : memref<10240x128xf32, #tpu.memory_space<vmem_shared>> -> memref<10240x128xf32, #tpu.memory_space<vmem_shared>>
      tpu.enqueue_indirect_dma source(%arg10 : memref<128x128xf32, #tpu.memory_space<vmem>>) target(%dma_start3A_69 : memref<10240x128xf32, #tpu.memory_space<vmem_shared>>) offsets(%dma_start3A_66 : memref<128xi32, #tpu.memory_space<vmem>>) semaphore(%arg15 : memref<!tpu.dma_semaphore, #tpu.memory_space<semaphore_mem>>) {add = true}
      %dma_wait3A_70 = arith.constant 0 : i32
      %dma_wait3A_71 = tpu.memref_slice %arg8[%mul3A_33, %dma_wait3A_70] : memref<42x128xi32, #tpu.memory_space<vmem>> -> memref<1x128xi32, #tpu.memory_space<vmem>>
      %dma_wait3A_72 = tpu.memref_squeeze %dma_wait3A_71 : memref<1x128xi32, #tpu.memory_space<vmem>> -> memref<128xi32, #tpu.memory_space<vmem>>
      %dma_wait3A_73 = arith.constant 0 : i32
      %dma_wait3A_74 = arith.constant 0 : i32
      %dma_wait3A_75 = tpu.memref_slice %arg11[%dma_wait3A_73, %dma_wait3A_74] : memref<10240x128xf32, #tpu.memory_space<vmem_shared>> -> memref<10240x128xf32, #tpu.memory_space<vmem_shared>>
      tpu.wait_indirect_dma semaphore(%arg14 : memref<!tpu.dma_semaphore, #tpu.memory_space<semaphore_mem>>) src(%arg9 : memref<128x128xf32, #tpu.memory_space<vmem>>) dst(%dma_wait3A_75 : memref<10240x128xf32, #tpu.memory_space<vmem_shared>>)
      %dma_wait3A_76 = arith.constant 0 : i32
      %dma_wait3A_77 = tpu.memref_slice %arg8[%add3A_35, %dma_wait3A_76] : memref<42x128xi32, #tpu.memory_space<vmem>> -> memref<1x128xi32, #tpu.memory_space<vmem>>
      %dma_wait3A_78 = tpu.memref_squeeze %dma_wait3A_77 : memref<1x128xi32, #tpu.memory_space<vmem>> -> memref<128xi32, #tpu.memory_space<vmem>>
      %dma_wait3A_79 = arith.constant 0 : i32
      %dma_wait3A_80 = arith.constant 0 : i32
      %dma_wait3A_81 = tpu.memref_slice %arg11[%dma_wait3A_79, %dma_wait3A_80] : memref<10240x128xf32, #tpu.memory_space<vmem_shared>> -> memref<10240x128xf32, #tpu.memory_space<vmem_shared>>
      tpu.wait_indirect_dma semaphore(%arg15 : memref<!tpu.dma_semaphore, #tpu.memory_space<semaphore_mem>>) src(%arg10 : memref<128x128xf32, #tpu.memory_space<vmem>>) dst(%dma_wait3A_81 : memref<10240x128xf32, #tpu.memory_space<vmem_shared>>)
    }
    %scan3A_11 = arith.constant 21 : i32
    %mul3A_12 = arith.constant 2 : i32
    %mul3A_13 = arith.muli %add3A, %mul3A_12 : i32
    %add3A_14 = arith.constant 1 : i32
    %add3A_15 = arith.addi %mul3A_13, %add3A_14 : i32
    "tpu.region"() ({
      %run_scoped3A = tpu.sem_alloc : memref<!tpu.dma_semaphore, #tpu.memory_space<semaphore_mem>>
      %dma_start3A = arith.constant 0 : i32
      %dma_start3A_31 = arith.constant 0 : i32
      %dma_start3A_32 = tpu.memref_slice %arg4[%add3A_15, %dma_start3A, %dma_start3A_31] : memref<64x42x128xi32, #tpu.memory_space<hbm>> -> memref<1x42x128xi32, #tpu.memory_space<hbm>>
      %dma_start3A_33 = tpu.memref_squeeze %dma_start3A_32 : memref<1x42x128xi32, #tpu.memory_space<hbm>> -> memref<42x128xi32, #tpu.memory_space<hbm>>
      %dma_start3A_34 = arith.constant 0 : i32
      %dma_start3A_35 = arith.constant 0 : i32
      %dma_start3A_36 = tpu.memref_slice %arg4[%add3A_15, %dma_start3A_34, %dma_start3A_35] : memref<64x42x128xi32, #tpu.memory_space<hbm>> -> memref<1x42x128xi32, #tpu.memory_space<hbm>>
      %dma_start3A_37 = tpu.memref_squeeze %dma_start3A_36 : memref<1x42x128xi32, #tpu.memory_space<hbm>> -> memref<42x128xi32, #tpu.memory_space<hbm>>
      tpu.enqueue_dma source(%dma_start3A_37 : memref<42x128xi32, #tpu.memory_space<hbm>>) target(%arg7 : memref<42x128xi32, #tpu.memory_space<vmem>>) target_semaphore(%run_scoped3A : memref<!tpu.dma_semaphore, #tpu.memory_space<semaphore_mem>>)
      %dma_wait3A = arith.constant 0 : i32
      %dma_wait3A_38 = arith.constant 0 : i32
      %dma_wait3A_39 = tpu.memref_slice %arg4[%add3A_15, %dma_wait3A, %dma_wait3A_38] : memref<64x42x128xi32, #tpu.memory_space<hbm>> -> memref<1x42x128xi32, #tpu.memory_space<hbm>>
      %dma_wait3A_40 = tpu.memref_squeeze %dma_wait3A_39 : memref<1x42x128xi32, #tpu.memory_space<hbm>> -> memref<42x128xi32, #tpu.memory_space<hbm>>
      %dma_wait3A_41 = arith.constant 0 : i32
      %dma_wait3A_42 = arith.constant 0 : i32
      %dma_wait3A_43 = tpu.memref_slice %arg4[%add3A_15, %dma_wait3A_41, %dma_wait3A_42] : memref<64x42x128xi32, #tpu.memory_space<hbm>> -> memref<1x42x128xi32, #tpu.memory_space<hbm>>
      %dma_wait3A_44 = tpu.memref_squeeze %dma_wait3A_43 : memref<1x42x128xi32, #tpu.memory_space<hbm>> -> memref<42x128xi32, #tpu.memory_space<hbm>>
      tpu.wait_dma2 semaphore(%run_scoped3A : memref<!tpu.dma_semaphore, #tpu.memory_space<semaphore_mem>>) src(%dma_wait3A_44 : memref<42x128xi32, #tpu.memory_space<hbm>>) dst(%arg7 : memref<42x128xi32, #tpu.memory_space<vmem>>)
      tpu.yield
    }) : () -> ()
    %mul3A_16 = arith.constant 2 : i32
    %mul3A_17 = arith.muli %add3A, %mul3A_16 : i32
    %add3A_18 = arith.constant 1 : i32
    %add3A_19 = arith.addi %mul3A_17, %add3A_18 : i32
    "tpu.region"() ({
      %run_scoped3A = tpu.sem_alloc : memref<!tpu.dma_semaphore, #tpu.memory_space<semaphore_mem>>
      %dma_start3A = arith.constant 0 : i32
      %dma_start3A_31 = arith.constant 0 : i32
      %dma_start3A_32 = tpu.memref_slice %arg5[%add3A_19, %dma_start3A, %dma_start3A_31] : memref<64x42x128xi32, #tpu.memory_space<hbm>> -> memref<1x42x128xi32, #tpu.memory_space<hbm>>
      %dma_start3A_33 = tpu.memref_squeeze %dma_start3A_32 : memref<1x42x128xi32, #tpu.memory_space<hbm>> -> memref<42x128xi32, #tpu.memory_space<hbm>>
      %dma_start3A_34 = arith.constant 0 : i32
      %dma_start3A_35 = arith.constant 0 : i32
      %dma_start3A_36 = tpu.memref_slice %arg5[%add3A_19, %dma_start3A_34, %dma_start3A_35] : memref<64x42x128xi32, #tpu.memory_space<hbm>> -> memref<1x42x128xi32, #tpu.memory_space<hbm>>
      %dma_start3A_37 = tpu.memref_squeeze %dma_start3A_36 : memref<1x42x128xi32, #tpu.memory_space<hbm>> -> memref<42x128xi32, #tpu.memory_space<hbm>>
      tpu.enqueue_dma source(%dma_start3A_37 : memref<42x128xi32, #tpu.memory_space<hbm>>) target(%arg8 : memref<42x128xi32, #tpu.memory_space<vmem>>) target_semaphore(%run_scoped3A : memref<!tpu.dma_semaphore, #tpu.memory_space<semaphore_mem>>)
      %dma_wait3A = arith.constant 0 : i32
      %dma_wait3A_38 = arith.constant 0 : i32
      %dma_wait3A_39 = tpu.memref_slice %arg5[%add3A_19, %dma_wait3A, %dma_wait3A_38] : memref<64x42x128xi32, #tpu.memory_space<hbm>> -> memref<1x42x128xi32, #tpu.memory_space<hbm>>
      %dma_wait3A_40 = tpu.memref_squeeze %dma_wait3A_39 : memref<1x42x128xi32, #tpu.memory_space<hbm>> -> memref<42x128xi32, #tpu.memory_space<hbm>>
      %dma_wait3A_41 = arith.constant 0 : i32
      %dma_wait3A_42 = arith.constant 0 : i32
      %dma_wait3A_43 = tpu.memref_slice %arg5[%add3A_19, %dma_wait3A_41, %dma_wait3A_42] : memref<64x42x128xi32, #tpu.memory_space<hbm>> -> memref<1x42x128xi32, #tpu.memory_space<hbm>>
      %dma_wait3A_44 = tpu.memref_squeeze %dma_wait3A_43 : memref<1x42x128xi32, #tpu.memory_space<hbm>> -> memref<42x128xi32, #tpu.memory_space<hbm>>
      tpu.wait_dma2 semaphore(%run_scoped3A : memref<!tpu.dma_semaphore, #tpu.memory_space<semaphore_mem>>) src(%dma_wait3A_44 : memref<42x128xi32, #tpu.memory_space<hbm>>) dst(%arg8 : memref<42x128xi32, #tpu.memory_space<vmem>>)
      tpu.yield
    }) : () -> ()
    %scan3A_20 = arith.constant 0 : i32
    %scan3A_21 = arith.constant 0 : i32
    %scan3A_22 = arith.constant 21 : i32
    %scan3A_23 = arith.addi %scan3A_21, %scan3A_22 : i32
    %scan3A_24 = arith.constant 1 : i32
    scf.for %scan3A_31 = %scan3A_21 to %scan3A_23 step %scan3A_24  : i32 {
      %mul3A_32 = arith.constant 2 : i32
      %mul3A_33 = arith.muli %mul3A_32, %scan3A_31 : i32
      %add3A_34 = arith.constant 1 : i32
      %add3A_35 = arith.addi %mul3A_33, %add3A_34 : i32
      %dma_start3A = arith.constant 0 : i32
      %dma_start3A_36 = tpu.memref_slice %arg7[%mul3A_33, %dma_start3A] : memref<42x128xi32, #tpu.memory_space<vmem>> -> memref<1x128xi32, #tpu.memory_space<vmem>>
      %dma_start3A_37 = tpu.memref_squeeze %dma_start3A_36 : memref<1x128xi32, #tpu.memory_space<vmem>> -> memref<128xi32, #tpu.memory_space<vmem>>
      %dma_start3A_38 = arith.constant 0 : i32
      %dma_start3A_39 = arith.constant 0 : i32
      %dma_start3A_40 = tpu.memref_slice %arg3[%dma_start3A_38, %dma_start3A_39] : memref<10240x128xf32, #tpu.memory_space<hbm>> -> memref<10240x128xf32, #tpu.memory_space<hbm>>
      tpu.enqueue_indirect_dma source(%dma_start3A_40 : memref<10240x128xf32, #tpu.memory_space<hbm>>) target(%arg9 : memref<128x128xf32, #tpu.memory_space<vmem>>) offsets(%dma_start3A_37 : memref<128xi32, #tpu.memory_space<vmem>>) semaphore(%arg12 : memref<!tpu.dma_semaphore, #tpu.memory_space<semaphore_mem>>)
      %dma_start3A_41 = arith.constant 0 : i32
      %dma_start3A_42 = tpu.memref_slice %arg7[%add3A_35, %dma_start3A_41] : memref<42x128xi32, #tpu.memory_space<vmem>> -> memref<1x128xi32, #tpu.memory_space<vmem>>
      %dma_start3A_43 = tpu.memref_squeeze %dma_start3A_42 : memref<1x128xi32, #tpu.memory_space<vmem>> -> memref<128xi32, #tpu.memory_space<vmem>>
      %dma_start3A_44 = arith.constant 0 : i32
      %dma_start3A_45 = arith.constant 0 : i32
      %dma_start3A_46 = tpu.memref_slice %arg3[%dma_start3A_44, %dma_start3A_45] : memref<10240x128xf32, #tpu.memory_space<hbm>> -> memref<10240x128xf32, #tpu.memory_space<hbm>>
      tpu.enqueue_indirect_dma source(%dma_start3A_46 : memref<10240x128xf32, #tpu.memory_space<hbm>>) target(%arg10 : memref<128x128xf32, #tpu.memory_space<vmem>>) offsets(%dma_start3A_43 : memref<128xi32, #tpu.memory_space<vmem>>) semaphore(%arg13 : memref<!tpu.dma_semaphore, #tpu.memory_space<semaphore_mem>>)
      %dma_wait3A = arith.constant 0 : i32
      %dma_wait3A_47 = tpu.memref_slice %arg7[%mul3A_33, %dma_wait3A] : memref<42x128xi32, #tpu.memory_space<vmem>> -> memref<1x128xi32, #tpu.memory_space<vmem>>
      %dma_wait3A_48 = tpu.memref_squeeze %dma_wait3A_47 : memref<1x128xi32, #tpu.memory_space<vmem>> -> memref<128xi32, #tpu.memory_space<vmem>>
      %dma_wait3A_49 = arith.constant 0 : i32
      %dma_wait3A_50 = arith.constant 0 : i32
      %dma_wait3A_51 = tpu.memref_slice %arg3[%dma_wait3A_49, %dma_wait3A_50] : memref<10240x128xf32, #tpu.memory_space<hbm>> -> memref<10240x128xf32, #tpu.memory_space<hbm>>
      tpu.wait_indirect_dma semaphore(%arg12 : memref<!tpu.dma_semaphore, #tpu.memory_space<semaphore_mem>>) src(%dma_wait3A_51 : memref<10240x128xf32, #tpu.memory_space<hbm>>) dst(%arg9 : memref<128x128xf32, #tpu.memory_space<vmem>>)
      %dma_start3A_52 = arith.constant 0 : i32
      %dma_start3A_53 = tpu.memref_slice %arg8[%mul3A_33, %dma_start3A_52] : memref<42x128xi32, #tpu.memory_space<vmem>> -> memref<1x128xi32, #tpu.memory_space<vmem>>
      %dma_start3A_54 = tpu.memref_squeeze %dma_start3A_53 : memref<1x128xi32, #tpu.memory_space<vmem>> -> memref<128xi32, #tpu.memory_space<vmem>>
      %dma_start3A_55 = arith.constant 0 : i32
      %dma_start3A_56 = arith.constant 0 : i32
      %dma_start3A_57 = tpu.memref_slice %arg11[%dma_start3A_55, %dma_start3A_56] : memref<10240x128xf32, #tpu.memory_space<vmem_shared>> -> memref<10240x128xf32, #tpu.memory_space<vmem_shared>>
      tpu.enqueue_indirect_dma source(%arg9 : memref<128x128xf32, #tpu.memory_space<vmem>>) target(%dma_start3A_57 : memref<10240x128xf32, #tpu.memory_space<vmem_shared>>) offsets(%dma_start3A_54 : memref<128xi32, #tpu.memory_space<vmem>>) semaphore(%arg14 : memref<!tpu.dma_semaphore, #tpu.memory_space<semaphore_mem>>) {add = true}
      %dma_wait3A_58 = arith.constant 0 : i32
      %dma_wait3A_59 = tpu.memref_slice %arg7[%add3A_35, %dma_wait3A_58] : memref<42x128xi32, #tpu.memory_space<vmem>> -> memref<1x128xi32, #tpu.memory_space<vmem>>
      %dma_wait3A_60 = tpu.memref_squeeze %dma_wait3A_59 : memref<1x128xi32, #tpu.memory_space<vmem>> -> memref<128xi32, #tpu.memory_space<vmem>>
      %dma_wait3A_61 = arith.constant 0 : i32
      %dma_wait3A_62 = arith.constant 0 : i32
      %dma_wait3A_63 = tpu.memref_slice %arg3[%dma_wait3A_61, %dma_wait3A_62] : memref<10240x128xf32, #tpu.memory_space<hbm>> -> memref<10240x128xf32, #tpu.memory_space<hbm>>
      tpu.wait_indirect_dma semaphore(%arg13 : memref<!tpu.dma_semaphore, #tpu.memory_space<semaphore_mem>>) src(%dma_wait3A_63 : memref<10240x128xf32, #tpu.memory_space<hbm>>) dst(%arg10 : memref<128x128xf32, #tpu.memory_space<vmem>>)
      %dma_start3A_64 = arith.constant 0 : i32
      %dma_start3A_65 = tpu.memref_slice %arg8[%add3A_35, %dma_start3A_64] : memref<42x128xi32, #tpu.memory_space<vmem>> -> memref<1x128xi32, #tpu.memory_space<vmem>>
      %dma_start3A_66 = tpu.memref_squeeze %dma_start3A_65 : memref<1x128xi32, #tpu.memory_space<vmem>> -> memref<128xi32, #tpu.memory_space<vmem>>
      %dma_start3A_67 = arith.constant 0 : i32
      %dma_start3A_68 = arith.constant 0 : i32
      %dma_start3A_69 = tpu.memref_slice %arg11[%dma_start3A_67, %dma_start3A_68] : memref<10240x128xf32, #tpu.memory_space<vmem_shared>> -> memref<10240x128xf32, #tpu.memory_space<vmem_shared>>
      tpu.enqueue_indirect_dma source(%arg10 : memref<128x128xf32, #tpu.memory_space<vmem>>) target(%dma_start3A_69 : memref<10240x128xf32, #tpu.memory_space<vmem_shared>>) offsets(%dma_start3A_66 : memref<128xi32, #tpu.memory_space<vmem>>) semaphore(%arg15 : memref<!tpu.dma_semaphore, #tpu.memory_space<semaphore_mem>>) {add = true}
      %dma_wait3A_70 = arith.constant 0 : i32
      %dma_wait3A_71 = tpu.memref_slice %arg8[%mul3A_33, %dma_wait3A_70] : memref<42x128xi32, #tpu.memory_space<vmem>> -> memref<1x128xi32, #tpu.memory_space<vmem>>
      %dma_wait3A_72 = tpu.memref_squeeze %dma_wait3A_71 : memref<1x128xi32, #tpu.memory_space<vmem>> -> memref<128xi32, #tpu.memory_space<vmem>>
      %dma_wait3A_73 = arith.constant 0 : i32
      %dma_wait3A_74 = arith.constant 0 : i32
      %dma_wait3A_75 = tpu.memref_slice %arg11[%dma_wait3A_73, %dma_wait3A_74] : memref<10240x128xf32, #tpu.memory_space<vmem_shared>> -> memref<10240x128xf32, #tpu.memory_space<vmem_shared>>
      tpu.wait_indirect_dma semaphore(%arg14 : memref<!tpu.dma_semaphore, #tpu.memory_space<semaphore_mem>>) src(%arg9 : memref<128x128xf32, #tpu.memory_space<vmem>>) dst(%dma_wait3A_75 : memref<10240x128xf32, #tpu.memory_space<vmem_shared>>)
      %dma_wait3A_76 = arith.constant 0 : i32
      %dma_wait3A_77 = tpu.memref_slice %arg8[%add3A_35, %dma_wait3A_76] : memref<42x128xi32, #tpu.memory_space<vmem>> -> memref<1x128xi32, #tpu.memory_space<vmem>>
      %dma_wait3A_78 = tpu.memref_squeeze %dma_wait3A_77 : memref<1x128xi32, #tpu.memory_space<vmem>> -> memref<128xi32, #tpu.memory_space<vmem>>
      %dma_wait3A_79 = arith.constant 0 : i32
      %dma_wait3A_80 = arith.constant 0 : i32
      %dma_wait3A_81 = tpu.memref_slice %arg11[%dma_wait3A_79, %dma_wait3A_80] : memref<10240x128xf32, #tpu.memory_space<vmem_shared>> -> memref<10240x128xf32, #tpu.memory_space<vmem_shared>>
      tpu.wait_indirect_dma semaphore(%arg15 : memref<!tpu.dma_semaphore, #tpu.memory_space<semaphore_mem>>) src(%arg10 : memref<128x128xf32, #tpu.memory_space<vmem>>) dst(%dma_wait3A_81 : memref<10240x128xf32, #tpu.memory_space<vmem_shared>>)
    }
    %scan3A_25 = arith.constant 21 : i32
    %barrier3A_26 = arith.constant 0 : index
    tpu.barrier barrier_id(%barrier3A_26)
    %mul3A_27 = arith.constant 640 : i32
    %mul3A_28 = arith.muli %arg1, %mul3A_27 : i32
    %mul3A_29 = arith.constant 640 : i32
    %mul3A_30 = arith.muli %arg1, %mul3A_29 : i32
    "tpu.region"() ({
      %run_scoped3A = tpu.sem_alloc : memref<!tpu.dma_semaphore, #tpu.memory_space<semaphore_mem>>
      %dma_start3A = arith.constant 0 : i32
      %dma_start3A_31 = tpu.memref_slice %arg6[%arg0, %mul3A_30, %dma_start3A] : memref<2x10240x128xf32, #tpu.memory_space<hbm>> -> memref<1x640x128xf32, #tpu.memory_space<hbm>>
      %dma_start3A_32 = tpu.memref_squeeze %dma_start3A_31 : memref<1x640x128xf32, #tpu.memory_space<hbm>> -> memref<640x128xf32, #tpu.memory_space<hbm>>
      %dma_start3A_33 = arith.constant 0 : i32
      %dma_start3A_34 = tpu.memref_slice %arg11[%mul3A_28, %dma_start3A_33] : memref<10240x128xf32, #tpu.memory_space<vmem_shared>> -> memref<640x128xf32, #tpu.memory_space<vmem_shared>>
      tpu.enqueue_dma source(%dma_start3A_34 : memref<640x128xf32, #tpu.memory_space<vmem_shared>>) target(%dma_start3A_32 : memref<640x128xf32, #tpu.memory_space<hbm>>) target_semaphore(%run_scoped3A : memref<!tpu.dma_semaphore, #tpu.memory_space<semaphore_mem>>)
      %dma_wait3A = arith.constant 0 : i32
      %dma_wait3A_35 = tpu.memref_slice %arg6[%arg0, %mul3A_30, %dma_wait3A] : memref<2x10240x128xf32, #tpu.memory_space<hbm>> -> memref<1x640x128xf32, #tpu.memory_space<hbm>>
      %dma_wait3A_36 = tpu.memref_squeeze %dma_wait3A_35 : memref<1x640x128xf32, #tpu.memory_space<hbm>> -> memref<640x128xf32, #tpu.memory_space<hbm>>
      %dma_wait3A_37 = arith.constant 0 : i32
      %dma_wait3A_38 = tpu.memref_slice %arg11[%mul3A_28, %dma_wait3A_37] : memref<10240x128xf32, #tpu.memory_space<vmem_shared>> -> memref<640x128xf32, #tpu.memory_space<vmem_shared>>
      tpu.wait_dma2 semaphore(%run_scoped3A : memref<!tpu.dma_semaphore, #tpu.memory_space<semaphore_mem>>) src(%dma_wait3A_38 : memref<640x128xf32, #tpu.memory_space<vmem_shared>>) dst(%dma_wait3A_36 : memref<640x128xf32, #tpu.memory_space<hbm>>)
      tpu.yield
    }) : () -> ()
    return
  }
}

#map = affine_map<(d0, d1) -> (0, 0)>
#map1 = affine_map<(d0, d1) -> (0, 0, 0)>
module attributes {stable_mosaic.version = 14 : i64} {
  func.func @_sc_edge_body(%arg0: i32, %arg1: i32, %arg2: memref<640x128xf32, #tpu.memory_space<hbm>>, %arg3: memref<10240x128xf32, #tpu.memory_space<hbm>>, %arg4: memref<64x42x128xi32, #tpu.memory_space<hbm>>, %arg5: memref<64x42x128xi32, #tpu.memory_space<hbm>>, %arg6: memref<2x10240x128xf32, #tpu.memory_space<hbm>>, %arg7: memref<42x128xi32, #tpu.memory_space<vmem>>, %arg8: memref<42x128xi32, #tpu.memory_space<vmem>>, %arg9: memref<128x128xf32, #tpu.memory_space<vmem>>, %arg10: memref<128x128xf32, #tpu.memory_space<vmem>>, %arg11: memref<10240x128xf32, #tpu.memory_space<vmem_shared>>, %arg12: memref<!tpu.dma_semaphore, #tpu.memory_space<semaphore_mem>>, %arg13: memref<!tpu.dma_semaphore, #tpu.memory_space<semaphore_mem>>, %arg14: memref<!tpu.dma_semaphore, #tpu.memory_space<semaphore_mem>>, %arg15: memref<!tpu.dma_semaphore, #tpu.memory_space<semaphore_mem>>) attributes {dimension_semantics = [#tpu.dimension_semantics<core_parallel>, #tpu.dimension_semantics<subcore_parallel>], iteration_bounds = array<i64: 2, 16>, scalar_prefetch = 0 : i64, scratch_operands = 9 : i64, tpu.core_type = #tpu.core_type<sc_vector_subcore>, window_params = [{transform_indices = #map}, {transform_indices = #map}, {transform_indices = #map1}, {transform_indices = #map1}, {transform_indices = #map1}]} {
    %mul3A = arith.constant 16 : i32
    %mul3A_0 = arith.muli %arg0, %mul3A : i32
    %add3A = arith.addi %mul3A_0, %arg1 : i32
    %mul3A_1 = arith.constant 2 : i32
    %mul3A_2 = arith.muli %add3A, %mul3A_1 : i32
    "tpu.region"() ({
      %run_scoped3A = tpu.sem_alloc : memref<!tpu.dma_semaphore, #tpu.memory_space<semaphore_mem>>
      %dma_start3A = arith.constant 0 : i32
      %dma_start3A_31 = arith.constant 0 : i32
      %dma_start3A_32 = tpu.memref_slice %arg4[%mul3A_2, %dma_start3A, %dma_start3A_31] : memref<64x42x128xi32, #tpu.memory_space<hbm>> -> memref<1x42x128xi32, #tpu.memory_space<hbm>>
      %dma_start3A_33 = tpu.memref_squeeze %dma_start3A_32 : memref<1x42x128xi32, #tpu.memory_space<hbm>> -> memref<42x128xi32, #tpu.memory_space<hbm>>
      %dma_start3A_34 = arith.constant 0 : i32
      %dma_start3A_35 = arith.constant 0 : i32
      %dma_start3A_36 = tpu.memref_slice %arg4[%mul3A_2, %dma_start3A_34, %dma_start3A_35] : memref<64x42x128xi32, #tpu.memory_space<hbm>> -> memref<1x42x128xi32, #tpu.memory_space<hbm>>
      %dma_start3A_37 = tpu.memref_squeeze %dma_start3A_36 : memref<1x42x128xi32, #tpu.memory_space<hbm>> -> memref<42x128xi32, #tpu.memory_space<hbm>>
      tpu.enqueue_dma source(%dma_start3A_37 : memref<42x128xi32, #tpu.memory_space<hbm>>) target(%arg7 : memref<42x128xi32, #tpu.memory_space<vmem>>) target_semaphore(%run_scoped3A : memref<!tpu.dma_semaphore, #tpu.memory_space<semaphore_mem>>)
      %dma_wait3A = arith.constant 0 : i32
      %dma_wait3A_38 = arith.constant 0 : i32
      %dma_wait3A_39 = tpu.memref_slice %arg4[%mul3A_2, %dma_wait3A, %dma_wait3A_38] : memref<64x42x128xi32, #tpu.memory_space<hbm>> -> memref<1x42x128xi32, #tpu.memory_space<hbm>>
      %dma_wait3A_40 = tpu.memref_squeeze %dma_wait3A_39 : memref<1x42x128xi32, #tpu.memory_space<hbm>> -> memref<42x128xi32, #tpu.memory_space<hbm>>
      %dma_wait3A_41 = arith.constant 0 : i32
      %dma_wait3A_42 = arith.constant 0 : i32
      %dma_wait3A_43 = tpu.memref_slice %arg4[%mul3A_2, %dma_wait3A_41, %dma_wait3A_42] : memref<64x42x128xi32, #tpu.memory_space<hbm>> -> memref<1x42x128xi32, #tpu.memory_space<hbm>>
      %dma_wait3A_44 = tpu.memref_squeeze %dma_wait3A_43 : memref<1x42x128xi32, #tpu.memory_space<hbm>> -> memref<42x128xi32, #tpu.memory_space<hbm>>
      tpu.wait_dma2 semaphore(%run_scoped3A : memref<!tpu.dma_semaphore, #tpu.memory_space<semaphore_mem>>) src(%dma_wait3A_44 : memref<42x128xi32, #tpu.memory_space<hbm>>) dst(%arg7 : memref<42x128xi32, #tpu.memory_space<vmem>>)
      tpu.yield
    }) : () -> ()
    %mul3A_3 = arith.constant 2 : i32
    %mul3A_4 = arith.muli %add3A, %mul3A_3 : i32
    "tpu.region"() ({
      %run_scoped3A = tpu.sem_alloc : memref<!tpu.dma_semaphore, #tpu.memory_space<semaphore_mem>>
      %dma_start3A = arith.constant 0 : i32
      %dma_start3A_31 = arith.constant 0 : i32
      %dma_start3A_32 = tpu.memref_slice %arg5[%mul3A_4, %dma_start3A, %dma_start3A_31] : memref<64x42x128xi32, #tpu.memory_space<hbm>> -> memref<1x42x128xi32, #tpu.memory_space<hbm>>
      %dma_start3A_33 = tpu.memref_squeeze %dma_start3A_32 : memref<1x42x128xi32, #tpu.memory_space<hbm>> -> memref<42x128xi32, #tpu.memory_space<hbm>>
      %dma_start3A_34 = arith.constant 0 : i32
      %dma_start3A_35 = arith.constant 0 : i32
      %dma_start3A_36 = tpu.memref_slice %arg5[%mul3A_4, %dma_start3A_34, %dma_start3A_35] : memref<64x42x128xi32, #tpu.memory_space<hbm>> -> memref<1x42x128xi32, #tpu.memory_space<hbm>>
      %dma_start3A_37 = tpu.memref_squeeze %dma_start3A_36 : memref<1x42x128xi32, #tpu.memory_space<hbm>> -> memref<42x128xi32, #tpu.memory_space<hbm>>
      tpu.enqueue_dma source(%dma_start3A_37 : memref<42x128xi32, #tpu.memory_space<hbm>>) target(%arg8 : memref<42x128xi32, #tpu.memory_space<vmem>>) target_semaphore(%run_scoped3A : memref<!tpu.dma_semaphore, #tpu.memory_space<semaphore_mem>>)
      %dma_wait3A = arith.constant 0 : i32
      %dma_wait3A_38 = arith.constant 0 : i32
      %dma_wait3A_39 = tpu.memref_slice %arg5[%mul3A_4, %dma_wait3A, %dma_wait3A_38] : memref<64x42x128xi32, #tpu.memory_space<hbm>> -> memref<1x42x128xi32, #tpu.memory_space<hbm>>
      %dma_wait3A_40 = tpu.memref_squeeze %dma_wait3A_39 : memref<1x42x128xi32, #tpu.memory_space<hbm>> -> memref<42x128xi32, #tpu.memory_space<hbm>>
      %dma_wait3A_41 = arith.constant 0 : i32
      %dma_wait3A_42 = arith.constant 0 : i32
      %dma_wait3A_43 = tpu.memref_slice %arg5[%mul3A_4, %dma_wait3A_41, %dma_wait3A_42] : memref<64x42x128xi32, #tpu.memory_space<hbm>> -> memref<1x42x128xi32, #tpu.memory_space<hbm>>
      %dma_wait3A_44 = tpu.memref_squeeze %dma_wait3A_43 : memref<1x42x128xi32, #tpu.memory_space<hbm>> -> memref<42x128xi32, #tpu.memory_space<hbm>>
      tpu.wait_dma2 semaphore(%run_scoped3A : memref<!tpu.dma_semaphore, #tpu.memory_space<semaphore_mem>>) src(%dma_wait3A_44 : memref<42x128xi32, #tpu.memory_space<hbm>>) dst(%arg8 : memref<42x128xi32, #tpu.memory_space<vmem>>)
      tpu.yield
    }) : () -> ()
    %mul3A_5 = arith.constant 640 : i32
    %mul3A_6 = arith.muli %arg1, %mul3A_5 : i32
    "tpu.region"() ({
      %run_scoped3A = tpu.sem_alloc : memref<!tpu.dma_semaphore, #tpu.memory_space<semaphore_mem>>
      %dma_start3A = arith.constant 0 : i32
      %dma_start3A_31 = tpu.memref_slice %arg11[%mul3A_6, %dma_start3A] : memref<10240x128xf32, #tpu.memory_space<vmem_shared>> -> memref<640x128xf32, #tpu.memory_space<vmem_shared>>
      tpu.enqueue_dma source(%arg2 : memref<640x128xf32, #tpu.memory_space<hbm>>) target(%dma_start3A_31 : memref<640x128xf32, #tpu.memory_space<vmem_shared>>) target_semaphore(%run_scoped3A : memref<!tpu.dma_semaphore, #tpu.memory_space<semaphore_mem>>)
      %dma_wait3A = arith.constant 0 : i32
      %dma_wait3A_32 = tpu.memref_slice %arg11[%mul3A_6, %dma_wait3A] : memref<10240x128xf32, #tpu.memory_space<vmem_shared>> -> memref<640x128xf32, #tpu.memory_space<vmem_shared>>
      tpu.wait_dma2 semaphore(%run_scoped3A : memref<!tpu.dma_semaphore, #tpu.memory_space<semaphore_mem>>) src(%arg2 : memref<640x128xf32, #tpu.memory_space<hbm>>) dst(%dma_wait3A_32 : memref<640x128xf32, #tpu.memory_space<vmem_shared>>)
      tpu.yield
    }) : () -> ()
    %barrier3A = arith.constant 0 : index
    tpu.barrier barrier_id(%barrier3A)
    %scan3A = arith.constant 0 : i32
    %scan3A_7 = arith.constant 0 : i32
    %scan3A_8 = arith.constant 21 : i32
    %scan3A_9 = arith.addi %scan3A_7, %scan3A_8 : i32
    %scan3A_10 = arith.constant 1 : i32
    scf.for %scan3A_31 = %scan3A_7 to %scan3A_9 step %scan3A_10  : i32 {
      %mul3A_32 = arith.constant 2 : i32
      %mul3A_33 = arith.muli %mul3A_32, %scan3A_31 : i32
      %add3A_34 = arith.constant 1 : i32
      %add3A_35 = arith.addi %mul3A_33, %add3A_34 : i32
      %dma_start3A = arith.constant 0 : i32
      %dma_start3A_36 = tpu.memref_slice %arg7[%mul3A_33, %dma_start3A] : memref<42x128xi32, #tpu.memory_space<vmem>> -> memref<1x128xi32, #tpu.memory_space<vmem>>
      %dma_start3A_37 = tpu.memref_squeeze %dma_start3A_36 : memref<1x128xi32, #tpu.memory_space<vmem>> -> memref<128xi32, #tpu.memory_space<vmem>>
      %dma_start3A_38 = arith.constant 0 : i32
      %dma_start3A_39 = arith.constant 0 : i32
      %dma_start3A_40 = tpu.memref_slice %arg3[%dma_start3A_38, %dma_start3A_39] : memref<10240x128xf32, #tpu.memory_space<hbm>> -> memref<10240x128xf32, #tpu.memory_space<hbm>>
      tpu.enqueue_indirect_dma source(%dma_start3A_40 : memref<10240x128xf32, #tpu.memory_space<hbm>>) target(%arg9 : memref<128x128xf32, #tpu.memory_space<vmem>>) offsets(%dma_start3A_37 : memref<128xi32, #tpu.memory_space<vmem>>) semaphore(%arg12 : memref<!tpu.dma_semaphore, #tpu.memory_space<semaphore_mem>>)
      %dma_start3A_41 = arith.constant 0 : i32
      %dma_start3A_42 = tpu.memref_slice %arg7[%add3A_35, %dma_start3A_41] : memref<42x128xi32, #tpu.memory_space<vmem>> -> memref<1x128xi32, #tpu.memory_space<vmem>>
      %dma_start3A_43 = tpu.memref_squeeze %dma_start3A_42 : memref<1x128xi32, #tpu.memory_space<vmem>> -> memref<128xi32, #tpu.memory_space<vmem>>
      %dma_start3A_44 = arith.constant 0 : i32
      %dma_start3A_45 = arith.constant 0 : i32
      %dma_start3A_46 = tpu.memref_slice %arg3[%dma_start3A_44, %dma_start3A_45] : memref<10240x128xf32, #tpu.memory_space<hbm>> -> memref<10240x128xf32, #tpu.memory_space<hbm>>
      tpu.enqueue_indirect_dma source(%dma_start3A_46 : memref<10240x128xf32, #tpu.memory_space<hbm>>) target(%arg10 : memref<128x128xf32, #tpu.memory_space<vmem>>) offsets(%dma_start3A_43 : memref<128xi32, #tpu.memory_space<vmem>>) semaphore(%arg13 : memref<!tpu.dma_semaphore, #tpu.memory_space<semaphore_mem>>)
      %dma_wait3A = arith.constant 0 : i32
      %dma_wait3A_47 = tpu.memref_slice %arg7[%mul3A_33, %dma_wait3A] : memref<42x128xi32, #tpu.memory_space<vmem>> -> memref<1x128xi32, #tpu.memory_space<vmem>>
      %dma_wait3A_48 = tpu.memref_squeeze %dma_wait3A_47 : memref<1x128xi32, #tpu.memory_space<vmem>> -> memref<128xi32, #tpu.memory_space<vmem>>
      %dma_wait3A_49 = arith.constant 0 : i32
      %dma_wait3A_50 = arith.constant 0 : i32
      %dma_wait3A_51 = tpu.memref_slice %arg3[%dma_wait3A_49, %dma_wait3A_50] : memref<10240x128xf32, #tpu.memory_space<hbm>> -> memref<10240x128xf32, #tpu.memory_space<hbm>>
      tpu.wait_indirect_dma semaphore(%arg12 : memref<!tpu.dma_semaphore, #tpu.memory_space<semaphore_mem>>) src(%dma_wait3A_51 : memref<10240x128xf32, #tpu.memory_space<hbm>>) dst(%arg9 : memref<128x128xf32, #tpu.memory_space<vmem>>)
      %dma_start3A_52 = arith.constant 0 : i32
      %dma_start3A_53 = tpu.memref_slice %arg8[%mul3A_33, %dma_start3A_52] : memref<42x128xi32, #tpu.memory_space<vmem>> -> memref<1x128xi32, #tpu.memory_space<vmem>>
      %dma_start3A_54 = tpu.memref_squeeze %dma_start3A_53 : memref<1x128xi32, #tpu.memory_space<vmem>> -> memref<128xi32, #tpu.memory_space<vmem>>
      %dma_start3A_55 = arith.constant 0 : i32
      %dma_start3A_56 = arith.constant 0 : i32
      %dma_start3A_57 = tpu.memref_slice %arg11[%dma_start3A_55, %dma_start3A_56] : memref<10240x128xf32, #tpu.memory_space<vmem_shared>> -> memref<10240x128xf32, #tpu.memory_space<vmem_shared>>
      tpu.enqueue_indirect_dma source(%arg9 : memref<128x128xf32, #tpu.memory_space<vmem>>) target(%dma_start3A_57 : memref<10240x128xf32, #tpu.memory_space<vmem_shared>>) offsets(%dma_start3A_54 : memref<128xi32, #tpu.memory_space<vmem>>) semaphore(%arg14 : memref<!tpu.dma_semaphore, #tpu.memory_space<semaphore_mem>>) {add = true}
      %dma_wait3A_58 = arith.constant 0 : i32
      %dma_wait3A_59 = tpu.memref_slice %arg7[%add3A_35, %dma_wait3A_58] : memref<42x128xi32, #tpu.memory_space<vmem>> -> memref<1x128xi32, #tpu.memory_space<vmem>>
      %dma_wait3A_60 = tpu.memref_squeeze %dma_wait3A_59 : memref<1x128xi32, #tpu.memory_space<vmem>> -> memref<128xi32, #tpu.memory_space<vmem>>
      %dma_wait3A_61 = arith.constant 0 : i32
      %dma_wait3A_62 = arith.constant 0 : i32
      %dma_wait3A_63 = tpu.memref_slice %arg3[%dma_wait3A_61, %dma_wait3A_62] : memref<10240x128xf32, #tpu.memory_space<hbm>> -> memref<10240x128xf32, #tpu.memory_space<hbm>>
      tpu.wait_indirect_dma semaphore(%arg13 : memref<!tpu.dma_semaphore, #tpu.memory_space<semaphore_mem>>) src(%dma_wait3A_63 : memref<10240x128xf32, #tpu.memory_space<hbm>>) dst(%arg10 : memref<128x128xf32, #tpu.memory_space<vmem>>)
      %dma_start3A_64 = arith.constant 0 : i32
      %dma_start3A_65 = tpu.memref_slice %arg8[%add3A_35, %dma_start3A_64] : memref<42x128xi32, #tpu.memory_space<vmem>> -> memref<1x128xi32, #tpu.memory_space<vmem>>
      %dma_start3A_66 = tpu.memref_squeeze %dma_start3A_65 : memref<1x128xi32, #tpu.memory_space<vmem>> -> memref<128xi32, #tpu.memory_space<vmem>>
      %dma_start3A_67 = arith.constant 0 : i32
      %dma_start3A_68 = arith.constant 0 : i32
      %dma_start3A_69 = tpu.memref_slice %arg11[%dma_start3A_67, %dma_start3A_68] : memref<10240x128xf32, #tpu.memory_space<vmem_shared>> -> memref<10240x128xf32, #tpu.memory_space<vmem_shared>>
      tpu.enqueue_indirect_dma source(%arg10 : memref<128x128xf32, #tpu.memory_space<vmem>>) target(%dma_start3A_69 : memref<10240x128xf32, #tpu.memory_space<vmem_shared>>) offsets(%dma_start3A_66 : memref<128xi32, #tpu.memory_space<vmem>>) semaphore(%arg15 : memref<!tpu.dma_semaphore, #tpu.memory_space<semaphore_mem>>) {add = true}
      %dma_wait3A_70 = arith.constant 0 : i32
      %dma_wait3A_71 = tpu.memref_slice %arg8[%mul3A_33, %dma_wait3A_70] : memref<42x128xi32, #tpu.memory_space<vmem>> -> memref<1x128xi32, #tpu.memory_space<vmem>>
      %dma_wait3A_72 = tpu.memref_squeeze %dma_wait3A_71 : memref<1x128xi32, #tpu.memory_space<vmem>> -> memref<128xi32, #tpu.memory_space<vmem>>
      %dma_wait3A_73 = arith.constant 0 : i32
      %dma_wait3A_74 = arith.constant 0 : i32
      %dma_wait3A_75 = tpu.memref_slice %arg11[%dma_wait3A_73, %dma_wait3A_74] : memref<10240x128xf32, #tpu.memory_space<vmem_shared>> -> memref<10240x128xf32, #tpu.memory_space<vmem_shared>>
      tpu.wait_indirect_dma semaphore(%arg14 : memref<!tpu.dma_semaphore, #tpu.memory_space<semaphore_mem>>) src(%arg9 : memref<128x128xf32, #tpu.memory_space<vmem>>) dst(%dma_wait3A_75 : memref<10240x128xf32, #tpu.memory_space<vmem_shared>>)
      %dma_wait3A_76 = arith.constant 0 : i32
      %dma_wait3A_77 = tpu.memref_slice %arg8[%add3A_35, %dma_wait3A_76] : memref<42x128xi32, #tpu.memory_space<vmem>> -> memref<1x128xi32, #tpu.memory_space<vmem>>
      %dma_wait3A_78 = tpu.memref_squeeze %dma_wait3A_77 : memref<1x128xi32, #tpu.memory_space<vmem>> -> memref<128xi32, #tpu.memory_space<vmem>>
      %dma_wait3A_79 = arith.constant 0 : i32
      %dma_wait3A_80 = arith.constant 0 : i32
      %dma_wait3A_81 = tpu.memref_slice %arg11[%dma_wait3A_79, %dma_wait3A_80] : memref<10240x128xf32, #tpu.memory_space<vmem_shared>> -> memref<10240x128xf32, #tpu.memory_space<vmem_shared>>
      tpu.wait_indirect_dma semaphore(%arg15 : memref<!tpu.dma_semaphore, #tpu.memory_space<semaphore_mem>>) src(%arg10 : memref<128x128xf32, #tpu.memory_space<vmem>>) dst(%dma_wait3A_81 : memref<10240x128xf32, #tpu.memory_space<vmem_shared>>)
    }
    %scan3A_11 = arith.constant 21 : i32
    %mul3A_12 = arith.constant 2 : i32
    %mul3A_13 = arith.muli %add3A, %mul3A_12 : i32
    %add3A_14 = arith.constant 1 : i32
    %add3A_15 = arith.addi %mul3A_13, %add3A_14 : i32
    "tpu.region"() ({
      %run_scoped3A = tpu.sem_alloc : memref<!tpu.dma_semaphore, #tpu.memory_space<semaphore_mem>>
      %dma_start3A = arith.constant 0 : i32
      %dma_start3A_31 = arith.constant 0 : i32
      %dma_start3A_32 = tpu.memref_slice %arg4[%add3A_15, %dma_start3A, %dma_start3A_31] : memref<64x42x128xi32, #tpu.memory_space<hbm>> -> memref<1x42x128xi32, #tpu.memory_space<hbm>>
      %dma_start3A_33 = tpu.memref_squeeze %dma_start3A_32 : memref<1x42x128xi32, #tpu.memory_space<hbm>> -> memref<42x128xi32, #tpu.memory_space<hbm>>
      %dma_start3A_34 = arith.constant 0 : i32
      %dma_start3A_35 = arith.constant 0 : i32
      %dma_start3A_36 = tpu.memref_slice %arg4[%add3A_15, %dma_start3A_34, %dma_start3A_35] : memref<64x42x128xi32, #tpu.memory_space<hbm>> -> memref<1x42x128xi32, #tpu.memory_space<hbm>>
      %dma_start3A_37 = tpu.memref_squeeze %dma_start3A_36 : memref<1x42x128xi32, #tpu.memory_space<hbm>> -> memref<42x128xi32, #tpu.memory_space<hbm>>
      tpu.enqueue_dma source(%dma_start3A_37 : memref<42x128xi32, #tpu.memory_space<hbm>>) target(%arg7 : memref<42x128xi32, #tpu.memory_space<vmem>>) target_semaphore(%run_scoped3A : memref<!tpu.dma_semaphore, #tpu.memory_space<semaphore_mem>>)
      %dma_wait3A = arith.constant 0 : i32
      %dma_wait3A_38 = arith.constant 0 : i32
      %dma_wait3A_39 = tpu.memref_slice %arg4[%add3A_15, %dma_wait3A, %dma_wait3A_38] : memref<64x42x128xi32, #tpu.memory_space<hbm>> -> memref<1x42x128xi32, #tpu.memory_space<hbm>>
      %dma_wait3A_40 = tpu.memref_squeeze %dma_wait3A_39 : memref<1x42x128xi32, #tpu.memory_space<hbm>> -> memref<42x128xi32, #tpu.memory_space<hbm>>
      %dma_wait3A_41 = arith.constant 0 : i32
      %dma_wait3A_42 = arith.constant 0 : i32
      %dma_wait3A_43 = tpu.memref_slice %arg4[%add3A_15, %dma_wait3A_41, %dma_wait3A_42] : memref<64x42x128xi32, #tpu.memory_space<hbm>> -> memref<1x42x128xi32, #tpu.memory_space<hbm>>
      %dma_wait3A_44 = tpu.memref_squeeze %dma_wait3A_43 : memref<1x42x128xi32, #tpu.memory_space<hbm>> -> memref<42x128xi32, #tpu.memory_space<hbm>>
      tpu.wait_dma2 semaphore(%run_scoped3A : memref<!tpu.dma_semaphore, #tpu.memory_space<semaphore_mem>>) src(%dma_wait3A_44 : memref<42x128xi32, #tpu.memory_space<hbm>>) dst(%arg7 : memref<42x128xi32, #tpu.memory_space<vmem>>)
      tpu.yield
    }) : () -> ()
    %mul3A_16 = arith.constant 2 : i32
    %mul3A_17 = arith.muli %add3A, %mul3A_16 : i32
    %add3A_18 = arith.constant 1 : i32
    %add3A_19 = arith.addi %mul3A_17, %add3A_18 : i32
    "tpu.region"() ({
      %run_scoped3A = tpu.sem_alloc : memref<!tpu.dma_semaphore, #tpu.memory_space<semaphore_mem>>
      %dma_start3A = arith.constant 0 : i32
      %dma_start3A_31 = arith.constant 0 : i32
      %dma_start3A_32 = tpu.memref_slice %arg5[%add3A_19, %dma_start3A, %dma_start3A_31] : memref<64x42x128xi32, #tpu.memory_space<hbm>> -> memref<1x42x128xi32, #tpu.memory_space<hbm>>
      %dma_start3A_33 = tpu.memref_squeeze %dma_start3A_32 : memref<1x42x128xi32, #tpu.memory_space<hbm>> -> memref<42x128xi32, #tpu.memory_space<hbm>>
      %dma_start3A_34 = arith.constant 0 : i32
      %dma_start3A_35 = arith.constant 0 : i32
      %dma_start3A_36 = tpu.memref_slice %arg5[%add3A_19, %dma_start3A_34, %dma_start3A_35] : memref<64x42x128xi32, #tpu.memory_space<hbm>> -> memref<1x42x128xi32, #tpu.memory_space<hbm>>
      %dma_start3A_37 = tpu.memref_squeeze %dma_start3A_36 : memref<1x42x128xi32, #tpu.memory_space<hbm>> -> memref<42x128xi32, #tpu.memory_space<hbm>>
      tpu.enqueue_dma source(%dma_start3A_37 : memref<42x128xi32, #tpu.memory_space<hbm>>) target(%arg8 : memref<42x128xi32, #tpu.memory_space<vmem>>) target_semaphore(%run_scoped3A : memref<!tpu.dma_semaphore, #tpu.memory_space<semaphore_mem>>)
      %dma_wait3A = arith.constant 0 : i32
      %dma_wait3A_38 = arith.constant 0 : i32
      %dma_wait3A_39 = tpu.memref_slice %arg5[%add3A_19, %dma_wait3A, %dma_wait3A_38] : memref<64x42x128xi32, #tpu.memory_space<hbm>> -> memref<1x42x128xi32, #tpu.memory_space<hbm>>
      %dma_wait3A_40 = tpu.memref_squeeze %dma_wait3A_39 : memref<1x42x128xi32, #tpu.memory_space<hbm>> -> memref<42x128xi32, #tpu.memory_space<hbm>>
      %dma_wait3A_41 = arith.constant 0 : i32
      %dma_wait3A_42 = arith.constant 0 : i32
      %dma_wait3A_43 = tpu.memref_slice %arg5[%add3A_19, %dma_wait3A_41, %dma_wait3A_42] : memref<64x42x128xi32, #tpu.memory_space<hbm>> -> memref<1x42x128xi32, #tpu.memory_space<hbm>>
      %dma_wait3A_44 = tpu.memref_squeeze %dma_wait3A_43 : memref<1x42x128xi32, #tpu.memory_space<hbm>> -> memref<42x128xi32, #tpu.memory_space<hbm>>
      tpu.wait_dma2 semaphore(%run_scoped3A : memref<!tpu.dma_semaphore, #tpu.memory_space<semaphore_mem>>) src(%dma_wait3A_44 : memref<42x128xi32, #tpu.memory_space<hbm>>) dst(%arg8 : memref<42x128xi32, #tpu.memory_space<vmem>>)
      tpu.yield
    }) : () -> ()
    %scan3A_20 = arith.constant 0 : i32
    %scan3A_21 = arith.constant 0 : i32
    %scan3A_22 = arith.constant 21 : i32
    %scan3A_23 = arith.addi %scan3A_21, %scan3A_22 : i32
    %scan3A_24 = arith.constant 1 : i32
    scf.for %scan3A_31 = %scan3A_21 to %scan3A_23 step %scan3A_24  : i32 {
      %mul3A_32 = arith.constant 2 : i32
      %mul3A_33 = arith.muli %mul3A_32, %scan3A_31 : i32
      %add3A_34 = arith.constant 1 : i32
      %add3A_35 = arith.addi %mul3A_33, %add3A_34 : i32
      %dma_start3A = arith.constant 0 : i32
      %dma_start3A_36 = tpu.memref_slice %arg7[%mul3A_33, %dma_start3A] : memref<42x128xi32, #tpu.memory_space<vmem>> -> memref<1x128xi32, #tpu.memory_space<vmem>>
      %dma_start3A_37 = tpu.memref_squeeze %dma_start3A_36 : memref<1x128xi32, #tpu.memory_space<vmem>> -> memref<128xi32, #tpu.memory_space<vmem>>
      %dma_start3A_38 = arith.constant 0 : i32
      %dma_start3A_39 = arith.constant 0 : i32
      %dma_start3A_40 = tpu.memref_slice %arg3[%dma_start3A_38, %dma_start3A_39] : memref<10240x128xf32, #tpu.memory_space<hbm>> -> memref<10240x128xf32, #tpu.memory_space<hbm>>
      tpu.enqueue_indirect_dma source(%dma_start3A_40 : memref<10240x128xf32, #tpu.memory_space<hbm>>) target(%arg9 : memref<128x128xf32, #tpu.memory_space<vmem>>) offsets(%dma_start3A_37 : memref<128xi32, #tpu.memory_space<vmem>>) semaphore(%arg12 : memref<!tpu.dma_semaphore, #tpu.memory_space<semaphore_mem>>)
      %dma_start3A_41 = arith.constant 0 : i32
      %dma_start3A_42 = tpu.memref_slice %arg7[%add3A_35, %dma_start3A_41] : memref<42x128xi32, #tpu.memory_space<vmem>> -> memref<1x128xi32, #tpu.memory_space<vmem>>
      %dma_start3A_43 = tpu.memref_squeeze %dma_start3A_42 : memref<1x128xi32, #tpu.memory_space<vmem>> -> memref<128xi32, #tpu.memory_space<vmem>>
      %dma_start3A_44 = arith.constant 0 : i32
      %dma_start3A_45 = arith.constant 0 : i32
      %dma_start3A_46 = tpu.memref_slice %arg3[%dma_start3A_44, %dma_start3A_45] : memref<10240x128xf32, #tpu.memory_space<hbm>> -> memref<10240x128xf32, #tpu.memory_space<hbm>>
      tpu.enqueue_indirect_dma source(%dma_start3A_46 : memref<10240x128xf32, #tpu.memory_space<hbm>>) target(%arg10 : memref<128x128xf32, #tpu.memory_space<vmem>>) offsets(%dma_start3A_43 : memref<128xi32, #tpu.memory_space<vmem>>) semaphore(%arg13 : memref<!tpu.dma_semaphore, #tpu.memory_space<semaphore_mem>>)
      %dma_wait3A = arith.constant 0 : i32
      %dma_wait3A_47 = tpu.memref_slice %arg7[%mul3A_33, %dma_wait3A] : memref<42x128xi32, #tpu.memory_space<vmem>> -> memref<1x128xi32, #tpu.memory_space<vmem>>
      %dma_wait3A_48 = tpu.memref_squeeze %dma_wait3A_47 : memref<1x128xi32, #tpu.memory_space<vmem>> -> memref<128xi32, #tpu.memory_space<vmem>>
      %dma_wait3A_49 = arith.constant 0 : i32
      %dma_wait3A_50 = arith.constant 0 : i32
      %dma_wait3A_51 = tpu.memref_slice %arg3[%dma_wait3A_49, %dma_wait3A_50] : memref<10240x128xf32, #tpu.memory_space<hbm>> -> memref<10240x128xf32, #tpu.memory_space<hbm>>
      tpu.wait_indirect_dma semaphore(%arg12 : memref<!tpu.dma_semaphore, #tpu.memory_space<semaphore_mem>>) src(%dma_wait3A_51 : memref<10240x128xf32, #tpu.memory_space<hbm>>) dst(%arg9 : memref<128x128xf32, #tpu.memory_space<vmem>>)
      %dma_start3A_52 = arith.constant 0 : i32
      %dma_start3A_53 = tpu.memref_slice %arg8[%mul3A_33, %dma_start3A_52] : memref<42x128xi32, #tpu.memory_space<vmem>> -> memref<1x128xi32, #tpu.memory_space<vmem>>
      %dma_start3A_54 = tpu.memref_squeeze %dma_start3A_53 : memref<1x128xi32, #tpu.memory_space<vmem>> -> memref<128xi32, #tpu.memory_space<vmem>>
      %dma_start3A_55 = arith.constant 0 : i32
      %dma_start3A_56 = arith.constant 0 : i32
      %dma_start3A_57 = tpu.memref_slice %arg11[%dma_start3A_55, %dma_start3A_56] : memref<10240x128xf32, #tpu.memory_space<vmem_shared>> -> memref<10240x128xf32, #tpu.memory_space<vmem_shared>>
      tpu.enqueue_indirect_dma source(%arg9 : memref<128x128xf32, #tpu.memory_space<vmem>>) target(%dma_start3A_57 : memref<10240x128xf32, #tpu.memory_space<vmem_shared>>) offsets(%dma_start3A_54 : memref<128xi32, #tpu.memory_space<vmem>>) semaphore(%arg14 : memref<!tpu.dma_semaphore, #tpu.memory_space<semaphore_mem>>) {add = true}
      %dma_wait3A_58 = arith.constant 0 : i32
      %dma_wait3A_59 = tpu.memref_slice %arg7[%add3A_35, %dma_wait3A_58] : memref<42x128xi32, #tpu.memory_space<vmem>> -> memref<1x128xi32, #tpu.memory_space<vmem>>
      %dma_wait3A_60 = tpu.memref_squeeze %dma_wait3A_59 : memref<1x128xi32, #tpu.memory_space<vmem>> -> memref<128xi32, #tpu.memory_space<vmem>>
      %dma_wait3A_61 = arith.constant 0 : i32
      %dma_wait3A_62 = arith.constant 0 : i32
      %dma_wait3A_63 = tpu.memref_slice %arg3[%dma_wait3A_61, %dma_wait3A_62] : memref<10240x128xf32, #tpu.memory_space<hbm>> -> memref<10240x128xf32, #tpu.memory_space<hbm>>
      tpu.wait_indirect_dma semaphore(%arg13 : memref<!tpu.dma_semaphore, #tpu.memory_space<semaphore_mem>>) src(%dma_wait3A_63 : memref<10240x128xf32, #tpu.memory_space<hbm>>) dst(%arg10 : memref<128x128xf32, #tpu.memory_space<vmem>>)
      %dma_start3A_64 = arith.constant 0 : i32
      %dma_start3A_65 = tpu.memref_slice %arg8[%add3A_35, %dma_start3A_64] : memref<42x128xi32, #tpu.memory_space<vmem>> -> memref<1x128xi32, #tpu.memory_space<vmem>>
      %dma_start3A_66 = tpu.memref_squeeze %dma_start3A_65 : memref<1x128xi32, #tpu.memory_space<vmem>> -> memref<128xi32, #tpu.memory_space<vmem>>
      %dma_start3A_67 = arith.constant 0 : i32
      %dma_start3A_68 = arith.constant 0 : i32
      %dma_start3A_69 = tpu.memref_slice %arg11[%dma_start3A_67, %dma_start3A_68] : memref<10240x128xf32, #tpu.memory_space<vmem_shared>> -> memref<10240x128xf32, #tpu.memory_space<vmem_shared>>
      tpu.enqueue_indirect_dma source(%arg10 : memref<128x128xf32, #tpu.memory_space<vmem>>) target(%dma_start3A_69 : memref<10240x128xf32, #tpu.memory_space<vmem_shared>>) offsets(%dma_start3A_66 : memref<128xi32, #tpu.memory_space<vmem>>) semaphore(%arg15 : memref<!tpu.dma_semaphore, #tpu.memory_space<semaphore_mem>>) {add = true}
      %dma_wait3A_70 = arith.constant 0 : i32
      %dma_wait3A_71 = tpu.memref_slice %arg8[%mul3A_33, %dma_wait3A_70] : memref<42x128xi32, #tpu.memory_space<vmem>> -> memref<1x128xi32, #tpu.memory_space<vmem>>
      %dma_wait3A_72 = tpu.memref_squeeze %dma_wait3A_71 : memref<1x128xi32, #tpu.memory_space<vmem>> -> memref<128xi32, #tpu.memory_space<vmem>>
      %dma_wait3A_73 = arith.constant 0 : i32
      %dma_wait3A_74 = arith.constant 0 : i32
      %dma_wait3A_75 = tpu.memref_slice %arg11[%dma_wait3A_73, %dma_wait3A_74] : memref<10240x128xf32, #tpu.memory_space<vmem_shared>> -> memref<10240x128xf32, #tpu.memory_space<vmem_shared>>
      tpu.wait_indirect_dma semaphore(%arg14 : memref<!tpu.dma_semaphore, #tpu.memory_space<semaphore_mem>>) src(%arg9 : memref<128x128xf32, #tpu.memory_space<vmem>>) dst(%dma_wait3A_75 : memref<10240x128xf32, #tpu.memory_space<vmem_shared>>)
      %dma_wait3A_76 = arith.constant 0 : i32
      %dma_wait3A_77 = tpu.memref_slice %arg8[%add3A_35, %dma_wait3A_76] : memref<42x128xi32, #tpu.memory_space<vmem>> -> memref<1x128xi32, #tpu.memory_space<vmem>>
      %dma_wait3A_78 = tpu.memref_squeeze %dma_wait3A_77 : memref<1x128xi32, #tpu.memory_space<vmem>> -> memref<128xi32, #tpu.memory_space<vmem>>
      %dma_wait3A_79 = arith.constant 0 : i32
      %dma_wait3A_80 = arith.constant 0 : i32
      %dma_wait3A_81 = tpu.memref_slice %arg11[%dma_wait3A_79, %dma_wait3A_80] : memref<10240x128xf32, #tpu.memory_space<vmem_shared>> -> memref<10240x128xf32, #tpu.memory_space<vmem_shared>>
      tpu.wait_indirect_dma semaphore(%arg15 : memref<!tpu.dma_semaphore, #tpu.memory_space<semaphore_mem>>) src(%arg10 : memref<128x128xf32, #tpu.memory_space<vmem>>) dst(%dma_wait3A_81 : memref<10240x128xf32, #tpu.memory_space<vmem_shared>>)
    }
    %scan3A_25 = arith.constant 21 : i32
    %barrier3A_26 = arith.constant 0 : index
    tpu.barrier barrier_id(%barrier3A_26)
    %mul3A_27 = arith.constant 640 : i32
    %mul3A_28 = arith.muli %arg1, %mul3A_27 : i32
    %mul3A_29 = arith.constant 640 : i32
    %mul3A_30 = arith.muli %arg1, %mul3A_29 : i32
    "tpu.region"() ({
      %run_scoped3A = tpu.sem_alloc : memref<!tpu.dma_semaphore, #tpu.memory_space<semaphore_mem>>
      %dma_start3A = arith.constant 0 : i32
      %dma_start3A_31 = tpu.memref_slice %arg6[%arg0, %mul3A_30, %dma_start3A] : memref<2x10240x128xf32, #tpu.memory_space<hbm>> -> memref<1x640x128xf32, #tpu.memory_space<hbm>>
      %dma_start3A_32 = tpu.memref_squeeze %dma_start3A_31 : memref<1x640x128xf32, #tpu.memory_space<hbm>> -> memref<640x128xf32, #tpu.memory_space<hbm>>
      %dma_start3A_33 = arith.constant 0 : i32
      %dma_start3A_34 = tpu.memref_slice %arg11[%mul3A_28, %dma_start3A_33] : memref<10240x128xf32, #tpu.memory_space<vmem_shared>> -> memref<640x128xf32, #tpu.memory_space<vmem_shared>>
      tpu.enqueue_dma source(%dma_start3A_34 : memref<640x128xf32, #tpu.memory_space<vmem_shared>>) target(%dma_start3A_32 : memref<640x128xf32, #tpu.memory_space<hbm>>) target_semaphore(%run_scoped3A : memref<!tpu.dma_semaphore, #tpu.memory_space<semaphore_mem>>)
      %dma_wait3A = arith.constant 0 : i32
      %dma_wait3A_35 = tpu.memref_slice %arg6[%arg0, %mul3A_30, %dma_wait3A] : memref<2x10240x128xf32, #tpu.memory_space<hbm>> -> memref<1x640x128xf32, #tpu.memory_space<hbm>>
      %dma_wait3A_36 = tpu.memref_squeeze %dma_wait3A_35 : memref<1x640x128xf32, #tpu.memory_space<hbm>> -> memref<640x128xf32, #tpu.memory_space<hbm>>
      %dma_wait3A_37 = arith.constant 0 : i32
      %dma_wait3A_38 = tpu.memref_slice %arg11[%mul3A_28, %dma_wait3A_37] : memref<10240x128xf32, #tpu.memory_space<vmem_shared>> -> memref<640x128xf32, #tpu.memory_space<vmem_shared>>
      tpu.wait_dma2 semaphore(%run_scoped3A : memref<!tpu.dma_semaphore, #tpu.memory_space<semaphore_mem>>) src(%dma_wait3A_38 : memref<640x128xf32, #tpu.memory_space<vmem_shared>>) dst(%dma_wait3A_36 : memref<640x128xf32, #tpu.memory_space<hbm>>)
      tpu.yield
    }) : () -> ()
    return
  }
}

#map = affine_map<(d0, d1) -> (0, 0)>
#map1 = affine_map<(d0, d1) -> (0, 0, 0)>
module attributes {stable_mosaic.version = 14 : i64} {
  func.func @_sc_edge_body(%arg0: i32, %arg1: i32, %arg2: memref<640x128xf32, #tpu.memory_space<hbm>>, %arg3: memref<10240x128xf32, #tpu.memory_space<hbm>>, %arg4: memref<64x42x128xi32, #tpu.memory_space<hbm>>, %arg5: memref<64x42x128xi32, #tpu.memory_space<hbm>>, %arg6: memref<2x10240x128xf32, #tpu.memory_space<hbm>>, %arg7: memref<42x128xi32, #tpu.memory_space<vmem>>, %arg8: memref<42x128xi32, #tpu.memory_space<vmem>>, %arg9: memref<128x128xf32, #tpu.memory_space<vmem>>, %arg10: memref<128x128xf32, #tpu.memory_space<vmem>>, %arg11: memref<10240x128xf32, #tpu.memory_space<vmem_shared>>, %arg12: memref<!tpu.dma_semaphore, #tpu.memory_space<semaphore_mem>>, %arg13: memref<!tpu.dma_semaphore, #tpu.memory_space<semaphore_mem>>, %arg14: memref<!tpu.dma_semaphore, #tpu.memory_space<semaphore_mem>>, %arg15: memref<!tpu.dma_semaphore, #tpu.memory_space<semaphore_mem>>) attributes {dimension_semantics = [#tpu.dimension_semantics<core_parallel>, #tpu.dimension_semantics<subcore_parallel>], iteration_bounds = array<i64: 2, 16>, scalar_prefetch = 0 : i64, scratch_operands = 9 : i64, tpu.core_type = #tpu.core_type<sc_vector_subcore>, window_params = [{transform_indices = #map}, {transform_indices = #map}, {transform_indices = #map1}, {transform_indices = #map1}, {transform_indices = #map1}]} {
    %mul3A = arith.constant 16 : i32
    %mul3A_0 = arith.muli %arg0, %mul3A : i32
    %add3A = arith.addi %mul3A_0, %arg1 : i32
    %mul3A_1 = arith.constant 2 : i32
    %mul3A_2 = arith.muli %add3A, %mul3A_1 : i32
    "tpu.region"() ({
      %run_scoped3A = tpu.sem_alloc : memref<!tpu.dma_semaphore, #tpu.memory_space<semaphore_mem>>
      %dma_start3A = arith.constant 0 : i32
      %dma_start3A_31 = arith.constant 0 : i32
      %dma_start3A_32 = tpu.memref_slice %arg4[%mul3A_2, %dma_start3A, %dma_start3A_31] : memref<64x42x128xi32, #tpu.memory_space<hbm>> -> memref<1x42x128xi32, #tpu.memory_space<hbm>>
      %dma_start3A_33 = tpu.memref_squeeze %dma_start3A_32 : memref<1x42x128xi32, #tpu.memory_space<hbm>> -> memref<42x128xi32, #tpu.memory_space<hbm>>
      %dma_start3A_34 = arith.constant 0 : i32
      %dma_start3A_35 = arith.constant 0 : i32
      %dma_start3A_36 = tpu.memref_slice %arg4[%mul3A_2, %dma_start3A_34, %dma_start3A_35] : memref<64x42x128xi32, #tpu.memory_space<hbm>> -> memref<1x42x128xi32, #tpu.memory_space<hbm>>
      %dma_start3A_37 = tpu.memref_squeeze %dma_start3A_36 : memref<1x42x128xi32, #tpu.memory_space<hbm>> -> memref<42x128xi32, #tpu.memory_space<hbm>>
      tpu.enqueue_dma source(%dma_start3A_37 : memref<42x128xi32, #tpu.memory_space<hbm>>) target(%arg7 : memref<42x128xi32, #tpu.memory_space<vmem>>) target_semaphore(%run_scoped3A : memref<!tpu.dma_semaphore, #tpu.memory_space<semaphore_mem>>)
      %dma_wait3A = arith.constant 0 : i32
      %dma_wait3A_38 = arith.constant 0 : i32
      %dma_wait3A_39 = tpu.memref_slice %arg4[%mul3A_2, %dma_wait3A, %dma_wait3A_38] : memref<64x42x128xi32, #tpu.memory_space<hbm>> -> memref<1x42x128xi32, #tpu.memory_space<hbm>>
      %dma_wait3A_40 = tpu.memref_squeeze %dma_wait3A_39 : memref<1x42x128xi32, #tpu.memory_space<hbm>> -> memref<42x128xi32, #tpu.memory_space<hbm>>
      %dma_wait3A_41 = arith.constant 0 : i32
      %dma_wait3A_42 = arith.constant 0 : i32
      %dma_wait3A_43 = tpu.memref_slice %arg4[%mul3A_2, %dma_wait3A_41, %dma_wait3A_42] : memref<64x42x128xi32, #tpu.memory_space<hbm>> -> memref<1x42x128xi32, #tpu.memory_space<hbm>>
      %dma_wait3A_44 = tpu.memref_squeeze %dma_wait3A_43 : memref<1x42x128xi32, #tpu.memory_space<hbm>> -> memref<42x128xi32, #tpu.memory_space<hbm>>
      tpu.wait_dma2 semaphore(%run_scoped3A : memref<!tpu.dma_semaphore, #tpu.memory_space<semaphore_mem>>) src(%dma_wait3A_44 : memref<42x128xi32, #tpu.memory_space<hbm>>) dst(%arg7 : memref<42x128xi32, #tpu.memory_space<vmem>>)
      tpu.yield
    }) : () -> ()
    %mul3A_3 = arith.constant 2 : i32
    %mul3A_4 = arith.muli %add3A, %mul3A_3 : i32
    "tpu.region"() ({
      %run_scoped3A = tpu.sem_alloc : memref<!tpu.dma_semaphore, #tpu.memory_space<semaphore_mem>>
      %dma_start3A = arith.constant 0 : i32
      %dma_start3A_31 = arith.constant 0 : i32
      %dma_start3A_32 = tpu.memref_slice %arg5[%mul3A_4, %dma_start3A, %dma_start3A_31] : memref<64x42x128xi32, #tpu.memory_space<hbm>> -> memref<1x42x128xi32, #tpu.memory_space<hbm>>
      %dma_start3A_33 = tpu.memref_squeeze %dma_start3A_32 : memref<1x42x128xi32, #tpu.memory_space<hbm>> -> memref<42x128xi32, #tpu.memory_space<hbm>>
      %dma_start3A_34 = arith.constant 0 : i32
      %dma_start3A_35 = arith.constant 0 : i32
      %dma_start3A_36 = tpu.memref_slice %arg5[%mul3A_4, %dma_start3A_34, %dma_start3A_35] : memref<64x42x128xi32, #tpu.memory_space<hbm>> -> memref<1x42x128xi32, #tpu.memory_space<hbm>>
      %dma_start3A_37 = tpu.memref_squeeze %dma_start3A_36 : memref<1x42x128xi32, #tpu.memory_space<hbm>> -> memref<42x128xi32, #tpu.memory_space<hbm>>
      tpu.enqueue_dma source(%dma_start3A_37 : memref<42x128xi32, #tpu.memory_space<hbm>>) target(%arg8 : memref<42x128xi32, #tpu.memory_space<vmem>>) target_semaphore(%run_scoped3A : memref<!tpu.dma_semaphore, #tpu.memory_space<semaphore_mem>>)
      %dma_wait3A = arith.constant 0 : i32
      %dma_wait3A_38 = arith.constant 0 : i32
      %dma_wait3A_39 = tpu.memref_slice %arg5[%mul3A_4, %dma_wait3A, %dma_wait3A_38] : memref<64x42x128xi32, #tpu.memory_space<hbm>> -> memref<1x42x128xi32, #tpu.memory_space<hbm>>
      %dma_wait3A_40 = tpu.memref_squeeze %dma_wait3A_39 : memref<1x42x128xi32, #tpu.memory_space<hbm>> -> memref<42x128xi32, #tpu.memory_space<hbm>>
      %dma_wait3A_41 = arith.constant 0 : i32
      %dma_wait3A_42 = arith.constant 0 : i32
      %dma_wait3A_43 = tpu.memref_slice %arg5[%mul3A_4, %dma_wait3A_41, %dma_wait3A_42] : memref<64x42x128xi32, #tpu.memory_space<hbm>> -> memref<1x42x128xi32, #tpu.memory_space<hbm>>
      %dma_wait3A_44 = tpu.memref_squeeze %dma_wait3A_43 : memref<1x42x128xi32, #tpu.memory_space<hbm>> -> memref<42x128xi32, #tpu.memory_space<hbm>>
      tpu.wait_dma2 semaphore(%run_scoped3A : memref<!tpu.dma_semaphore, #tpu.memory_space<semaphore_mem>>) src(%dma_wait3A_44 : memref<42x128xi32, #tpu.memory_space<hbm>>) dst(%arg8 : memref<42x128xi32, #tpu.memory_space<vmem>>)
      tpu.yield
    }) : () -> ()
    %mul3A_5 = arith.constant 640 : i32
    %mul3A_6 = arith.muli %arg1, %mul3A_5 : i32
    "tpu.region"() ({
      %run_scoped3A = tpu.sem_alloc : memref<!tpu.dma_semaphore, #tpu.memory_space<semaphore_mem>>
      %dma_start3A = arith.constant 0 : i32
      %dma_start3A_31 = tpu.memref_slice %arg11[%mul3A_6, %dma_start3A] : memref<10240x128xf32, #tpu.memory_space<vmem_shared>> -> memref<640x128xf32, #tpu.memory_space<vmem_shared>>
      tpu.enqueue_dma source(%arg2 : memref<640x128xf32, #tpu.memory_space<hbm>>) target(%dma_start3A_31 : memref<640x128xf32, #tpu.memory_space<vmem_shared>>) target_semaphore(%run_scoped3A : memref<!tpu.dma_semaphore, #tpu.memory_space<semaphore_mem>>)
      %dma_wait3A = arith.constant 0 : i32
      %dma_wait3A_32 = tpu.memref_slice %arg11[%mul3A_6, %dma_wait3A] : memref<10240x128xf32, #tpu.memory_space<vmem_shared>> -> memref<640x128xf32, #tpu.memory_space<vmem_shared>>
      tpu.wait_dma2 semaphore(%run_scoped3A : memref<!tpu.dma_semaphore, #tpu.memory_space<semaphore_mem>>) src(%arg2 : memref<640x128xf32, #tpu.memory_space<hbm>>) dst(%dma_wait3A_32 : memref<640x128xf32, #tpu.memory_space<vmem_shared>>)
      tpu.yield
    }) : () -> ()
    %barrier3A = arith.constant 0 : index
    tpu.barrier barrier_id(%barrier3A)
    %scan3A = arith.constant 0 : i32
    %scan3A_7 = arith.constant 0 : i32
    %scan3A_8 = arith.constant 21 : i32
    %scan3A_9 = arith.addi %scan3A_7, %scan3A_8 : i32
    %scan3A_10 = arith.constant 1 : i32
    scf.for %scan3A_31 = %scan3A_7 to %scan3A_9 step %scan3A_10  : i32 {
      %mul3A_32 = arith.constant 2 : i32
      %mul3A_33 = arith.muli %mul3A_32, %scan3A_31 : i32
      %add3A_34 = arith.constant 1 : i32
      %add3A_35 = arith.addi %mul3A_33, %add3A_34 : i32
      %dma_start3A = arith.constant 0 : i32
      %dma_start3A_36 = tpu.memref_slice %arg7[%mul3A_33, %dma_start3A] : memref<42x128xi32, #tpu.memory_space<vmem>> -> memref<1x128xi32, #tpu.memory_space<vmem>>
      %dma_start3A_37 = tpu.memref_squeeze %dma_start3A_36 : memref<1x128xi32, #tpu.memory_space<vmem>> -> memref<128xi32, #tpu.memory_space<vmem>>
      %dma_start3A_38 = arith.constant 0 : i32
      %dma_start3A_39 = arith.constant 0 : i32
      %dma_start3A_40 = tpu.memref_slice %arg3[%dma_start3A_38, %dma_start3A_39] : memref<10240x128xf32, #tpu.memory_space<hbm>> -> memref<10240x128xf32, #tpu.memory_space<hbm>>
      tpu.enqueue_indirect_dma source(%dma_start3A_40 : memref<10240x128xf32, #tpu.memory_space<hbm>>) target(%arg9 : memref<128x128xf32, #tpu.memory_space<vmem>>) offsets(%dma_start3A_37 : memref<128xi32, #tpu.memory_space<vmem>>) semaphore(%arg12 : memref<!tpu.dma_semaphore, #tpu.memory_space<semaphore_mem>>)
      %dma_start3A_41 = arith.constant 0 : i32
      %dma_start3A_42 = tpu.memref_slice %arg7[%add3A_35, %dma_start3A_41] : memref<42x128xi32, #tpu.memory_space<vmem>> -> memref<1x128xi32, #tpu.memory_space<vmem>>
      %dma_start3A_43 = tpu.memref_squeeze %dma_start3A_42 : memref<1x128xi32, #tpu.memory_space<vmem>> -> memref<128xi32, #tpu.memory_space<vmem>>
      %dma_start3A_44 = arith.constant 0 : i32
      %dma_start3A_45 = arith.constant 0 : i32
      %dma_start3A_46 = tpu.memref_slice %arg3[%dma_start3A_44, %dma_start3A_45] : memref<10240x128xf32, #tpu.memory_space<hbm>> -> memref<10240x128xf32, #tpu.memory_space<hbm>>
      tpu.enqueue_indirect_dma source(%dma_start3A_46 : memref<10240x128xf32, #tpu.memory_space<hbm>>) target(%arg10 : memref<128x128xf32, #tpu.memory_space<vmem>>) offsets(%dma_start3A_43 : memref<128xi32, #tpu.memory_space<vmem>>) semaphore(%arg13 : memref<!tpu.dma_semaphore, #tpu.memory_space<semaphore_mem>>)
      %dma_wait3A = arith.constant 0 : i32
      %dma_wait3A_47 = tpu.memref_slice %arg7[%mul3A_33, %dma_wait3A] : memref<42x128xi32, #tpu.memory_space<vmem>> -> memref<1x128xi32, #tpu.memory_space<vmem>>
      %dma_wait3A_48 = tpu.memref_squeeze %dma_wait3A_47 : memref<1x128xi32, #tpu.memory_space<vmem>> -> memref<128xi32, #tpu.memory_space<vmem>>
      %dma_wait3A_49 = arith.constant 0 : i32
      %dma_wait3A_50 = arith.constant 0 : i32
      %dma_wait3A_51 = tpu.memref_slice %arg3[%dma_wait3A_49, %dma_wait3A_50] : memref<10240x128xf32, #tpu.memory_space<hbm>> -> memref<10240x128xf32, #tpu.memory_space<hbm>>
      tpu.wait_indirect_dma semaphore(%arg12 : memref<!tpu.dma_semaphore, #tpu.memory_space<semaphore_mem>>) src(%dma_wait3A_51 : memref<10240x128xf32, #tpu.memory_space<hbm>>) dst(%arg9 : memref<128x128xf32, #tpu.memory_space<vmem>>)
      %dma_start3A_52 = arith.constant 0 : i32
      %dma_start3A_53 = tpu.memref_slice %arg8[%mul3A_33, %dma_start3A_52] : memref<42x128xi32, #tpu.memory_space<vmem>> -> memref<1x128xi32, #tpu.memory_space<vmem>>
      %dma_start3A_54 = tpu.memref_squeeze %dma_start3A_53 : memref<1x128xi32, #tpu.memory_space<vmem>> -> memref<128xi32, #tpu.memory_space<vmem>>
      %dma_start3A_55 = arith.constant 0 : i32
      %dma_start3A_56 = arith.constant 0 : i32
      %dma_start3A_57 = tpu.memref_slice %arg11[%dma_start3A_55, %dma_start3A_56] : memref<10240x128xf32, #tpu.memory_space<vmem_shared>> -> memref<10240x128xf32, #tpu.memory_space<vmem_shared>>
      tpu.enqueue_indirect_dma source(%arg9 : memref<128x128xf32, #tpu.memory_space<vmem>>) target(%dma_start3A_57 : memref<10240x128xf32, #tpu.memory_space<vmem_shared>>) offsets(%dma_start3A_54 : memref<128xi32, #tpu.memory_space<vmem>>) semaphore(%arg14 : memref<!tpu.dma_semaphore, #tpu.memory_space<semaphore_mem>>) {add = true}
      %dma_wait3A_58 = arith.constant 0 : i32
      %dma_wait3A_59 = tpu.memref_slice %arg7[%add3A_35, %dma_wait3A_58] : memref<42x128xi32, #tpu.memory_space<vmem>> -> memref<1x128xi32, #tpu.memory_space<vmem>>
      %dma_wait3A_60 = tpu.memref_squeeze %dma_wait3A_59 : memref<1x128xi32, #tpu.memory_space<vmem>> -> memref<128xi32, #tpu.memory_space<vmem>>
      %dma_wait3A_61 = arith.constant 0 : i32
      %dma_wait3A_62 = arith.constant 0 : i32
      %dma_wait3A_63 = tpu.memref_slice %arg3[%dma_wait3A_61, %dma_wait3A_62] : memref<10240x128xf32, #tpu.memory_space<hbm>> -> memref<10240x128xf32, #tpu.memory_space<hbm>>
      tpu.wait_indirect_dma semaphore(%arg13 : memref<!tpu.dma_semaphore, #tpu.memory_space<semaphore_mem>>) src(%dma_wait3A_63 : memref<10240x128xf32, #tpu.memory_space<hbm>>) dst(%arg10 : memref<128x128xf32, #tpu.memory_space<vmem>>)
      %dma_start3A_64 = arith.constant 0 : i32
      %dma_start3A_65 = tpu.memref_slice %arg8[%add3A_35, %dma_start3A_64] : memref<42x128xi32, #tpu.memory_space<vmem>> -> memref<1x128xi32, #tpu.memory_space<vmem>>
      %dma_start3A_66 = tpu.memref_squeeze %dma_start3A_65 : memref<1x128xi32, #tpu.memory_space<vmem>> -> memref<128xi32, #tpu.memory_space<vmem>>
      %dma_start3A_67 = arith.constant 0 : i32
      %dma_start3A_68 = arith.constant 0 : i32
      %dma_start3A_69 = tpu.memref_slice %arg11[%dma_start3A_67, %dma_start3A_68] : memref<10240x128xf32, #tpu.memory_space<vmem_shared>> -> memref<10240x128xf32, #tpu.memory_space<vmem_shared>>
      tpu.enqueue_indirect_dma source(%arg10 : memref<128x128xf32, #tpu.memory_space<vmem>>) target(%dma_start3A_69 : memref<10240x128xf32, #tpu.memory_space<vmem_shared>>) offsets(%dma_start3A_66 : memref<128xi32, #tpu.memory_space<vmem>>) semaphore(%arg15 : memref<!tpu.dma_semaphore, #tpu.memory_space<semaphore_mem>>) {add = true}
      %dma_wait3A_70 = arith.constant 0 : i32
      %dma_wait3A_71 = tpu.memref_slice %arg8[%mul3A_33, %dma_wait3A_70] : memref<42x128xi32, #tpu.memory_space<vmem>> -> memref<1x128xi32, #tpu.memory_space<vmem>>
      %dma_wait3A_72 = tpu.memref_squeeze %dma_wait3A_71 : memref<1x128xi32, #tpu.memory_space<vmem>> -> memref<128xi32, #tpu.memory_space<vmem>>
      %dma_wait3A_73 = arith.constant 0 : i32
      %dma_wait3A_74 = arith.constant 0 : i32
      %dma_wait3A_75 = tpu.memref_slice %arg11[%dma_wait3A_73, %dma_wait3A_74] : memref<10240x128xf32, #tpu.memory_space<vmem_shared>> -> memref<10240x128xf32, #tpu.memory_space<vmem_shared>>
      tpu.wait_indirect_dma semaphore(%arg14 : memref<!tpu.dma_semaphore, #tpu.memory_space<semaphore_mem>>) src(%arg9 : memref<128x128xf32, #tpu.memory_space<vmem>>) dst(%dma_wait3A_75 : memref<10240x128xf32, #tpu.memory_space<vmem_shared>>)
      %dma_wait3A_76 = arith.constant 0 : i32
      %dma_wait3A_77 = tpu.memref_slice %arg8[%add3A_35, %dma_wait3A_76] : memref<42x128xi32, #tpu.memory_space<vmem>> -> memref<1x128xi32, #tpu.memory_space<vmem>>
      %dma_wait3A_78 = tpu.memref_squeeze %dma_wait3A_77 : memref<1x128xi32, #tpu.memory_space<vmem>> -> memref<128xi32, #tpu.memory_space<vmem>>
      %dma_wait3A_79 = arith.constant 0 : i32
      %dma_wait3A_80 = arith.constant 0 : i32
      %dma_wait3A_81 = tpu.memref_slice %arg11[%dma_wait3A_79, %dma_wait3A_80] : memref<10240x128xf32, #tpu.memory_space<vmem_shared>> -> memref<10240x128xf32, #tpu.memory_space<vmem_shared>>
      tpu.wait_indirect_dma semaphore(%arg15 : memref<!tpu.dma_semaphore, #tpu.memory_space<semaphore_mem>>) src(%arg10 : memref<128x128xf32, #tpu.memory_space<vmem>>) dst(%dma_wait3A_81 : memref<10240x128xf32, #tpu.memory_space<vmem_shared>>)
    }
    %scan3A_11 = arith.constant 21 : i32
    %mul3A_12 = arith.constant 2 : i32
    %mul3A_13 = arith.muli %add3A, %mul3A_12 : i32
    %add3A_14 = arith.constant 1 : i32
    %add3A_15 = arith.addi %mul3A_13, %add3A_14 : i32
    "tpu.region"() ({
      %run_scoped3A = tpu.sem_alloc : memref<!tpu.dma_semaphore, #tpu.memory_space<semaphore_mem>>
      %dma_start3A = arith.constant 0 : i32
      %dma_start3A_31 = arith.constant 0 : i32
      %dma_start3A_32 = tpu.memref_slice %arg4[%add3A_15, %dma_start3A, %dma_start3A_31] : memref<64x42x128xi32, #tpu.memory_space<hbm>> -> memref<1x42x128xi32, #tpu.memory_space<hbm>>
      %dma_start3A_33 = tpu.memref_squeeze %dma_start3A_32 : memref<1x42x128xi32, #tpu.memory_space<hbm>> -> memref<42x128xi32, #tpu.memory_space<hbm>>
      %dma_start3A_34 = arith.constant 0 : i32
      %dma_start3A_35 = arith.constant 0 : i32
      %dma_start3A_36 = tpu.memref_slice %arg4[%add3A_15, %dma_start3A_34, %dma_start3A_35] : memref<64x42x128xi32, #tpu.memory_space<hbm>> -> memref<1x42x128xi32, #tpu.memory_space<hbm>>
      %dma_start3A_37 = tpu.memref_squeeze %dma_start3A_36 : memref<1x42x128xi32, #tpu.memory_space<hbm>> -> memref<42x128xi32, #tpu.memory_space<hbm>>
      tpu.enqueue_dma source(%dma_start3A_37 : memref<42x128xi32, #tpu.memory_space<hbm>>) target(%arg7 : memref<42x128xi32, #tpu.memory_space<vmem>>) target_semaphore(%run_scoped3A : memref<!tpu.dma_semaphore, #tpu.memory_space<semaphore_mem>>)
      %dma_wait3A = arith.constant 0 : i32
      %dma_wait3A_38 = arith.constant 0 : i32
      %dma_wait3A_39 = tpu.memref_slice %arg4[%add3A_15, %dma_wait3A, %dma_wait3A_38] : memref<64x42x128xi32, #tpu.memory_space<hbm>> -> memref<1x42x128xi32, #tpu.memory_space<hbm>>
      %dma_wait3A_40 = tpu.memref_squeeze %dma_wait3A_39 : memref<1x42x128xi32, #tpu.memory_space<hbm>> -> memref<42x128xi32, #tpu.memory_space<hbm>>
      %dma_wait3A_41 = arith.constant 0 : i32
      %dma_wait3A_42 = arith.constant 0 : i32
      %dma_wait3A_43 = tpu.memref_slice %arg4[%add3A_15, %dma_wait3A_41, %dma_wait3A_42] : memref<64x42x128xi32, #tpu.memory_space<hbm>> -> memref<1x42x128xi32, #tpu.memory_space<hbm>>
      %dma_wait3A_44 = tpu.memref_squeeze %dma_wait3A_43 : memref<1x42x128xi32, #tpu.memory_space<hbm>> -> memref<42x128xi32, #tpu.memory_space<hbm>>
      tpu.wait_dma2 semaphore(%run_scoped3A : memref<!tpu.dma_semaphore, #tpu.memory_space<semaphore_mem>>) src(%dma_wait3A_44 : memref<42x128xi32, #tpu.memory_space<hbm>>) dst(%arg7 : memref<42x128xi32, #tpu.memory_space<vmem>>)
      tpu.yield
    }) : () -> ()
    %mul3A_16 = arith.constant 2 : i32
    %mul3A_17 = arith.muli %add3A, %mul3A_16 : i32
    %add3A_18 = arith.constant 1 : i32
    %add3A_19 = arith.addi %mul3A_17, %add3A_18 : i32
    "tpu.region"() ({
      %run_scoped3A = tpu.sem_alloc : memref<!tpu.dma_semaphore, #tpu.memory_space<semaphore_mem>>
      %dma_start3A = arith.constant 0 : i32
      %dma_start3A_31 = arith.constant 0 : i32
      %dma_start3A_32 = tpu.memref_slice %arg5[%add3A_19, %dma_start3A, %dma_start3A_31] : memref<64x42x128xi32, #tpu.memory_space<hbm>> -> memref<1x42x128xi32, #tpu.memory_space<hbm>>
      %dma_start3A_33 = tpu.memref_squeeze %dma_start3A_32 : memref<1x42x128xi32, #tpu.memory_space<hbm>> -> memref<42x128xi32, #tpu.memory_space<hbm>>
      %dma_start3A_34 = arith.constant 0 : i32
      %dma_start3A_35 = arith.constant 0 : i32
      %dma_start3A_36 = tpu.memref_slice %arg5[%add3A_19, %dma_start3A_34, %dma_start3A_35] : memref<64x42x128xi32, #tpu.memory_space<hbm>> -> memref<1x42x128xi32, #tpu.memory_space<hbm>>
      %dma_start3A_37 = tpu.memref_squeeze %dma_start3A_36 : memref<1x42x128xi32, #tpu.memory_space<hbm>> -> memref<42x128xi32, #tpu.memory_space<hbm>>
      tpu.enqueue_dma source(%dma_start3A_37 : memref<42x128xi32, #tpu.memory_space<hbm>>) target(%arg8 : memref<42x128xi32, #tpu.memory_space<vmem>>) target_semaphore(%run_scoped3A : memref<!tpu.dma_semaphore, #tpu.memory_space<semaphore_mem>>)
      %dma_wait3A = arith.constant 0 : i32
      %dma_wait3A_38 = arith.constant 0 : i32
      %dma_wait3A_39 = tpu.memref_slice %arg5[%add3A_19, %dma_wait3A, %dma_wait3A_38] : memref<64x42x128xi32, #tpu.memory_space<hbm>> -> memref<1x42x128xi32, #tpu.memory_space<hbm>>
      %dma_wait3A_40 = tpu.memref_squeeze %dma_wait3A_39 : memref<1x42x128xi32, #tpu.memory_space<hbm>> -> memref<42x128xi32, #tpu.memory_space<hbm>>
      %dma_wait3A_41 = arith.constant 0 : i32
      %dma_wait3A_42 = arith.constant 0 : i32
      %dma_wait3A_43 = tpu.memref_slice %arg5[%add3A_19, %dma_wait3A_41, %dma_wait3A_42] : memref<64x42x128xi32, #tpu.memory_space<hbm>> -> memref<1x42x128xi32, #tpu.memory_space<hbm>>
      %dma_wait3A_44 = tpu.memref_squeeze %dma_wait3A_43 : memref<1x42x128xi32, #tpu.memory_space<hbm>> -> memref<42x128xi32, #tpu.memory_space<hbm>>
      tpu.wait_dma2 semaphore(%run_scoped3A : memref<!tpu.dma_semaphore, #tpu.memory_space<semaphore_mem>>) src(%dma_wait3A_44 : memref<42x128xi32, #tpu.memory_space<hbm>>) dst(%arg8 : memref<42x128xi32, #tpu.memory_space<vmem>>)
      tpu.yield
    }) : () -> ()
    %scan3A_20 = arith.constant 0 : i32
    %scan3A_21 = arith.constant 0 : i32
    %scan3A_22 = arith.constant 21 : i32
    %scan3A_23 = arith.addi %scan3A_21, %scan3A_22 : i32
    %scan3A_24 = arith.constant 1 : i32
    scf.for %scan3A_31 = %scan3A_21 to %scan3A_23 step %scan3A_24  : i32 {
      %mul3A_32 = arith.constant 2 : i32
      %mul3A_33 = arith.muli %mul3A_32, %scan3A_31 : i32
      %add3A_34 = arith.constant 1 : i32
      %add3A_35 = arith.addi %mul3A_33, %add3A_34 : i32
      %dma_start3A = arith.constant 0 : i32
      %dma_start3A_36 = tpu.memref_slice %arg7[%mul3A_33, %dma_start3A] : memref<42x128xi32, #tpu.memory_space<vmem>> -> memref<1x128xi32, #tpu.memory_space<vmem>>
      %dma_start3A_37 = tpu.memref_squeeze %dma_start3A_36 : memref<1x128xi32, #tpu.memory_space<vmem>> -> memref<128xi32, #tpu.memory_space<vmem>>
      %dma_start3A_38 = arith.constant 0 : i32
      %dma_start3A_39 = arith.constant 0 : i32
      %dma_start3A_40 = tpu.memref_slice %arg3[%dma_start3A_38, %dma_start3A_39] : memref<10240x128xf32, #tpu.memory_space<hbm>> -> memref<10240x128xf32, #tpu.memory_space<hbm>>
      tpu.enqueue_indirect_dma source(%dma_start3A_40 : memref<10240x128xf32, #tpu.memory_space<hbm>>) target(%arg9 : memref<128x128xf32, #tpu.memory_space<vmem>>) offsets(%dma_start3A_37 : memref<128xi32, #tpu.memory_space<vmem>>) semaphore(%arg12 : memref<!tpu.dma_semaphore, #tpu.memory_space<semaphore_mem>>)
      %dma_start3A_41 = arith.constant 0 : i32
      %dma_start3A_42 = tpu.memref_slice %arg7[%add3A_35, %dma_start3A_41] : memref<42x128xi32, #tpu.memory_space<vmem>> -> memref<1x128xi32, #tpu.memory_space<vmem>>
      %dma_start3A_43 = tpu.memref_squeeze %dma_start3A_42 : memref<1x128xi32, #tpu.memory_space<vmem>> -> memref<128xi32, #tpu.memory_space<vmem>>
      %dma_start3A_44 = arith.constant 0 : i32
      %dma_start3A_45 = arith.constant 0 : i32
      %dma_start3A_46 = tpu.memref_slice %arg3[%dma_start3A_44, %dma_start3A_45] : memref<10240x128xf32, #tpu.memory_space<hbm>> -> memref<10240x128xf32, #tpu.memory_space<hbm>>
      tpu.enqueue_indirect_dma source(%dma_start3A_46 : memref<10240x128xf32, #tpu.memory_space<hbm>>) target(%arg10 : memref<128x128xf32, #tpu.memory_space<vmem>>) offsets(%dma_start3A_43 : memref<128xi32, #tpu.memory_space<vmem>>) semaphore(%arg13 : memref<!tpu.dma_semaphore, #tpu.memory_space<semaphore_mem>>)
      %dma_wait3A = arith.constant 0 : i32
      %dma_wait3A_47 = tpu.memref_slice %arg7[%mul3A_33, %dma_wait3A] : memref<42x128xi32, #tpu.memory_space<vmem>> -> memref<1x128xi32, #tpu.memory_space<vmem>>
      %dma_wait3A_48 = tpu.memref_squeeze %dma_wait3A_47 : memref<1x128xi32, #tpu.memory_space<vmem>> -> memref<128xi32, #tpu.memory_space<vmem>>
      %dma_wait3A_49 = arith.constant 0 : i32
      %dma_wait3A_50 = arith.constant 0 : i32
      %dma_wait3A_51 = tpu.memref_slice %arg3[%dma_wait3A_49, %dma_wait3A_50] : memref<10240x128xf32, #tpu.memory_space<hbm>> -> memref<10240x128xf32, #tpu.memory_space<hbm>>
      tpu.wait_indirect_dma semaphore(%arg12 : memref<!tpu.dma_semaphore, #tpu.memory_space<semaphore_mem>>) src(%dma_wait3A_51 : memref<10240x128xf32, #tpu.memory_space<hbm>>) dst(%arg9 : memref<128x128xf32, #tpu.memory_space<vmem>>)
      %dma_start3A_52 = arith.constant 0 : i32
      %dma_start3A_53 = tpu.memref_slice %arg8[%mul3A_33, %dma_start3A_52] : memref<42x128xi32, #tpu.memory_space<vmem>> -> memref<1x128xi32, #tpu.memory_space<vmem>>
      %dma_start3A_54 = tpu.memref_squeeze %dma_start3A_53 : memref<1x128xi32, #tpu.memory_space<vmem>> -> memref<128xi32, #tpu.memory_space<vmem>>
      %dma_start3A_55 = arith.constant 0 : i32
      %dma_start3A_56 = arith.constant 0 : i32
      %dma_start3A_57 = tpu.memref_slice %arg11[%dma_start3A_55, %dma_start3A_56] : memref<10240x128xf32, #tpu.memory_space<vmem_shared>> -> memref<10240x128xf32, #tpu.memory_space<vmem_shared>>
      tpu.enqueue_indirect_dma source(%arg9 : memref<128x128xf32, #tpu.memory_space<vmem>>) target(%dma_start3A_57 : memref<10240x128xf32, #tpu.memory_space<vmem_shared>>) offsets(%dma_start3A_54 : memref<128xi32, #tpu.memory_space<vmem>>) semaphore(%arg14 : memref<!tpu.dma_semaphore, #tpu.memory_space<semaphore_mem>>) {add = true}
      %dma_wait3A_58 = arith.constant 0 : i32
      %dma_wait3A_59 = tpu.memref_slice %arg7[%add3A_35, %dma_wait3A_58] : memref<42x128xi32, #tpu.memory_space<vmem>> -> memref<1x128xi32, #tpu.memory_space<vmem>>
      %dma_wait3A_60 = tpu.memref_squeeze %dma_wait3A_59 : memref<1x128xi32, #tpu.memory_space<vmem>> -> memref<128xi32, #tpu.memory_space<vmem>>
      %dma_wait3A_61 = arith.constant 0 : i32
      %dma_wait3A_62 = arith.constant 0 : i32
      %dma_wait3A_63 = tpu.memref_slice %arg3[%dma_wait3A_61, %dma_wait3A_62] : memref<10240x128xf32, #tpu.memory_space<hbm>> -> memref<10240x128xf32, #tpu.memory_space<hbm>>
      tpu.wait_indirect_dma semaphore(%arg13 : memref<!tpu.dma_semaphore, #tpu.memory_space<semaphore_mem>>) src(%dma_wait3A_63 : memref<10240x128xf32, #tpu.memory_space<hbm>>) dst(%arg10 : memref<128x128xf32, #tpu.memory_space<vmem>>)
      %dma_start3A_64 = arith.constant 0 : i32
      %dma_start3A_65 = tpu.memref_slice %arg8[%add3A_35, %dma_start3A_64] : memref<42x128xi32, #tpu.memory_space<vmem>> -> memref<1x128xi32, #tpu.memory_space<vmem>>
      %dma_start3A_66 = tpu.memref_squeeze %dma_start3A_65 : memref<1x128xi32, #tpu.memory_space<vmem>> -> memref<128xi32, #tpu.memory_space<vmem>>
      %dma_start3A_67 = arith.constant 0 : i32
      %dma_start3A_68 = arith.constant 0 : i32
      %dma_start3A_69 = tpu.memref_slice %arg11[%dma_start3A_67, %dma_start3A_68] : memref<10240x128xf32, #tpu.memory_space<vmem_shared>> -> memref<10240x128xf32, #tpu.memory_space<vmem_shared>>
      tpu.enqueue_indirect_dma source(%arg10 : memref<128x128xf32, #tpu.memory_space<vmem>>) target(%dma_start3A_69 : memref<10240x128xf32, #tpu.memory_space<vmem_shared>>) offsets(%dma_start3A_66 : memref<128xi32, #tpu.memory_space<vmem>>) semaphore(%arg15 : memref<!tpu.dma_semaphore, #tpu.memory_space<semaphore_mem>>) {add = true}
      %dma_wait3A_70 = arith.constant 0 : i32
      %dma_wait3A_71 = tpu.memref_slice %arg8[%mul3A_33, %dma_wait3A_70] : memref<42x128xi32, #tpu.memory_space<vmem>> -> memref<1x128xi32, #tpu.memory_space<vmem>>
      %dma_wait3A_72 = tpu.memref_squeeze %dma_wait3A_71 : memref<1x128xi32, #tpu.memory_space<vmem>> -> memref<128xi32, #tpu.memory_space<vmem>>
      %dma_wait3A_73 = arith.constant 0 : i32
      %dma_wait3A_74 = arith.constant 0 : i32
      %dma_wait3A_75 = tpu.memref_slice %arg11[%dma_wait3A_73, %dma_wait3A_74] : memref<10240x128xf32, #tpu.memory_space<vmem_shared>> -> memref<10240x128xf32, #tpu.memory_space<vmem_shared>>
      tpu.wait_indirect_dma semaphore(%arg14 : memref<!tpu.dma_semaphore, #tpu.memory_space<semaphore_mem>>) src(%arg9 : memref<128x128xf32, #tpu.memory_space<vmem>>) dst(%dma_wait3A_75 : memref<10240x128xf32, #tpu.memory_space<vmem_shared>>)
      %dma_wait3A_76 = arith.constant 0 : i32
      %dma_wait3A_77 = tpu.memref_slice %arg8[%add3A_35, %dma_wait3A_76] : memref<42x128xi32, #tpu.memory_space<vmem>> -> memref<1x128xi32, #tpu.memory_space<vmem>>
      %dma_wait3A_78 = tpu.memref_squeeze %dma_wait3A_77 : memref<1x128xi32, #tpu.memory_space<vmem>> -> memref<128xi32, #tpu.memory_space<vmem>>
      %dma_wait3A_79 = arith.constant 0 : i32
      %dma_wait3A_80 = arith.constant 0 : i32
      %dma_wait3A_81 = tpu.memref_slice %arg11[%dma_wait3A_79, %dma_wait3A_80] : memref<10240x128xf32, #tpu.memory_space<vmem_shared>> -> memref<10240x128xf32, #tpu.memory_space<vmem_shared>>
      tpu.wait_indirect_dma semaphore(%arg15 : memref<!tpu.dma_semaphore, #tpu.memory_space<semaphore_mem>>) src(%arg10 : memref<128x128xf32, #tpu.memory_space<vmem>>) dst(%dma_wait3A_81 : memref<10240x128xf32, #tpu.memory_space<vmem_shared>>)
    }
    %scan3A_25 = arith.constant 21 : i32
    %barrier3A_26 = arith.constant 0 : index
    tpu.barrier barrier_id(%barrier3A_26)
    %mul3A_27 = arith.constant 640 : i32
    %mul3A_28 = arith.muli %arg1, %mul3A_27 : i32
    %mul3A_29 = arith.constant 640 : i32
    %mul3A_30 = arith.muli %arg1, %mul3A_29 : i32
    "tpu.region"() ({
      %run_scoped3A = tpu.sem_alloc : memref<!tpu.dma_semaphore, #tpu.memory_space<semaphore_mem>>
      %dma_start3A = arith.constant 0 : i32
      %dma_start3A_31 = tpu.memref_slice %arg6[%arg0, %mul3A_30, %dma_start3A] : memref<2x10240x128xf32, #tpu.memory_space<hbm>> -> memref<1x640x128xf32, #tpu.memory_space<hbm>>
      %dma_start3A_32 = tpu.memref_squeeze %dma_start3A_31 : memref<1x640x128xf32, #tpu.memory_space<hbm>> -> memref<640x128xf32, #tpu.memory_space<hbm>>
      %dma_start3A_33 = arith.constant 0 : i32
      %dma_start3A_34 = tpu.memref_slice %arg11[%mul3A_28, %dma_start3A_33] : memref<10240x128xf32, #tpu.memory_space<vmem_shared>> -> memref<640x128xf32, #tpu.memory_space<vmem_shared>>
      tpu.enqueue_dma source(%dma_start3A_34 : memref<640x128xf32, #tpu.memory_space<vmem_shared>>) target(%dma_start3A_32 : memref<640x128xf32, #tpu.memory_space<hbm>>) target_semaphore(%run_scoped3A : memref<!tpu.dma_semaphore, #tpu.memory_space<semaphore_mem>>)
      %dma_wait3A = arith.constant 0 : i32
      %dma_wait3A_35 = tpu.memref_slice %arg6[%arg0, %mul3A_30, %dma_wait3A] : memref<2x10240x128xf32, #tpu.memory_space<hbm>> -> memref<1x640x128xf32, #tpu.memory_space<hbm>>
      %dma_wait3A_36 = tpu.memref_squeeze %dma_wait3A_35 : memref<1x640x128xf32, #tpu.memory_space<hbm>> -> memref<640x128xf32, #tpu.memory_space<hbm>>
      %dma_wait3A_37 = arith.constant 0 : i32
      %dma_wait3A_38 = tpu.memref_slice %arg11[%mul3A_28, %dma_wait3A_37] : memref<10240x128xf32, #tpu.memory_space<vmem_shared>> -> memref<640x128xf32, #tpu.memory_space<vmem_shared>>
      tpu.wait_dma2 semaphore(%run_scoped3A : memref<!tpu.dma_semaphore, #tpu.memory_space<semaphore_mem>>) src(%dma_wait3A_38 : memref<640x128xf32, #tpu.memory_space<vmem_shared>>) dst(%dma_wait3A_36 : memref<640x128xf32, #tpu.memory_space<hbm>>)
      tpu.yield
    }) : () -> ()
    return
  }
}

#map = affine_map<(d0, d1) -> (0, 0)>
#map1 = affine_map<(d0, d1) -> (0, 0, 0)>
module attributes {stable_mosaic.version = 14 : i64} {
  func.func @_sc_edge_body(%arg0: i32, %arg1: i32, %arg2: memref<640x128xf32, #tpu.memory_space<hbm>>, %arg3: memref<10240x128xf32, #tpu.memory_space<hbm>>, %arg4: memref<64x42x128xi32, #tpu.memory_space<hbm>>, %arg5: memref<64x42x128xi32, #tpu.memory_space<hbm>>, %arg6: memref<2x10240x128xf32, #tpu.memory_space<hbm>>, %arg7: memref<42x128xi32, #tpu.memory_space<vmem>>, %arg8: memref<42x128xi32, #tpu.memory_space<vmem>>, %arg9: memref<128x128xf32, #tpu.memory_space<vmem>>, %arg10: memref<128x128xf32, #tpu.memory_space<vmem>>, %arg11: memref<10240x128xf32, #tpu.memory_space<vmem_shared>>, %arg12: memref<!tpu.dma_semaphore, #tpu.memory_space<semaphore_mem>>, %arg13: memref<!tpu.dma_semaphore, #tpu.memory_space<semaphore_mem>>, %arg14: memref<!tpu.dma_semaphore, #tpu.memory_space<semaphore_mem>>, %arg15: memref<!tpu.dma_semaphore, #tpu.memory_space<semaphore_mem>>) attributes {dimension_semantics = [#tpu.dimension_semantics<core_parallel>, #tpu.dimension_semantics<subcore_parallel>], iteration_bounds = array<i64: 2, 16>, scalar_prefetch = 0 : i64, scratch_operands = 9 : i64, tpu.core_type = #tpu.core_type<sc_vector_subcore>, window_params = [{transform_indices = #map}, {transform_indices = #map}, {transform_indices = #map1}, {transform_indices = #map1}, {transform_indices = #map1}]} {
    %mul3A = arith.constant 16 : i32
    %mul3A_0 = arith.muli %arg0, %mul3A : i32
    %add3A = arith.addi %mul3A_0, %arg1 : i32
    %mul3A_1 = arith.constant 2 : i32
    %mul3A_2 = arith.muli %add3A, %mul3A_1 : i32
    "tpu.region"() ({
      %run_scoped3A = tpu.sem_alloc : memref<!tpu.dma_semaphore, #tpu.memory_space<semaphore_mem>>
      %dma_start3A = arith.constant 0 : i32
      %dma_start3A_31 = arith.constant 0 : i32
      %dma_start3A_32 = tpu.memref_slice %arg4[%mul3A_2, %dma_start3A, %dma_start3A_31] : memref<64x42x128xi32, #tpu.memory_space<hbm>> -> memref<1x42x128xi32, #tpu.memory_space<hbm>>
      %dma_start3A_33 = tpu.memref_squeeze %dma_start3A_32 : memref<1x42x128xi32, #tpu.memory_space<hbm>> -> memref<42x128xi32, #tpu.memory_space<hbm>>
      %dma_start3A_34 = arith.constant 0 : i32
      %dma_start3A_35 = arith.constant 0 : i32
      %dma_start3A_36 = tpu.memref_slice %arg4[%mul3A_2, %dma_start3A_34, %dma_start3A_35] : memref<64x42x128xi32, #tpu.memory_space<hbm>> -> memref<1x42x128xi32, #tpu.memory_space<hbm>>
      %dma_start3A_37 = tpu.memref_squeeze %dma_start3A_36 : memref<1x42x128xi32, #tpu.memory_space<hbm>> -> memref<42x128xi32, #tpu.memory_space<hbm>>
      tpu.enqueue_dma source(%dma_start3A_37 : memref<42x128xi32, #tpu.memory_space<hbm>>) target(%arg7 : memref<42x128xi32, #tpu.memory_space<vmem>>) target_semaphore(%run_scoped3A : memref<!tpu.dma_semaphore, #tpu.memory_space<semaphore_mem>>)
      %dma_wait3A = arith.constant 0 : i32
      %dma_wait3A_38 = arith.constant 0 : i32
      %dma_wait3A_39 = tpu.memref_slice %arg4[%mul3A_2, %dma_wait3A, %dma_wait3A_38] : memref<64x42x128xi32, #tpu.memory_space<hbm>> -> memref<1x42x128xi32, #tpu.memory_space<hbm>>
      %dma_wait3A_40 = tpu.memref_squeeze %dma_wait3A_39 : memref<1x42x128xi32, #tpu.memory_space<hbm>> -> memref<42x128xi32, #tpu.memory_space<hbm>>
      %dma_wait3A_41 = arith.constant 0 : i32
      %dma_wait3A_42 = arith.constant 0 : i32
      %dma_wait3A_43 = tpu.memref_slice %arg4[%mul3A_2, %dma_wait3A_41, %dma_wait3A_42] : memref<64x42x128xi32, #tpu.memory_space<hbm>> -> memref<1x42x128xi32, #tpu.memory_space<hbm>>
      %dma_wait3A_44 = tpu.memref_squeeze %dma_wait3A_43 : memref<1x42x128xi32, #tpu.memory_space<hbm>> -> memref<42x128xi32, #tpu.memory_space<hbm>>
      tpu.wait_dma2 semaphore(%run_scoped3A : memref<!tpu.dma_semaphore, #tpu.memory_space<semaphore_mem>>) src(%dma_wait3A_44 : memref<42x128xi32, #tpu.memory_space<hbm>>) dst(%arg7 : memref<42x128xi32, #tpu.memory_space<vmem>>)
      tpu.yield
    }) : () -> ()
    %mul3A_3 = arith.constant 2 : i32
    %mul3A_4 = arith.muli %add3A, %mul3A_3 : i32
    "tpu.region"() ({
      %run_scoped3A = tpu.sem_alloc : memref<!tpu.dma_semaphore, #tpu.memory_space<semaphore_mem>>
      %dma_start3A = arith.constant 0 : i32
      %dma_start3A_31 = arith.constant 0 : i32
      %dma_start3A_32 = tpu.memref_slice %arg5[%mul3A_4, %dma_start3A, %dma_start3A_31] : memref<64x42x128xi32, #tpu.memory_space<hbm>> -> memref<1x42x128xi32, #tpu.memory_space<hbm>>
      %dma_start3A_33 = tpu.memref_squeeze %dma_start3A_32 : memref<1x42x128xi32, #tpu.memory_space<hbm>> -> memref<42x128xi32, #tpu.memory_space<hbm>>
      %dma_start3A_34 = arith.constant 0 : i32
      %dma_start3A_35 = arith.constant 0 : i32
      %dma_start3A_36 = tpu.memref_slice %arg5[%mul3A_4, %dma_start3A_34, %dma_start3A_35] : memref<64x42x128xi32, #tpu.memory_space<hbm>> -> memref<1x42x128xi32, #tpu.memory_space<hbm>>
      %dma_start3A_37 = tpu.memref_squeeze %dma_start3A_36 : memref<1x42x128xi32, #tpu.memory_space<hbm>> -> memref<42x128xi32, #tpu.memory_space<hbm>>
      tpu.enqueue_dma source(%dma_start3A_37 : memref<42x128xi32, #tpu.memory_space<hbm>>) target(%arg8 : memref<42x128xi32, #tpu.memory_space<vmem>>) target_semaphore(%run_scoped3A : memref<!tpu.dma_semaphore, #tpu.memory_space<semaphore_mem>>)
      %dma_wait3A = arith.constant 0 : i32
      %dma_wait3A_38 = arith.constant 0 : i32
      %dma_wait3A_39 = tpu.memref_slice %arg5[%mul3A_4, %dma_wait3A, %dma_wait3A_38] : memref<64x42x128xi32, #tpu.memory_space<hbm>> -> memref<1x42x128xi32, #tpu.memory_space<hbm>>
      %dma_wait3A_40 = tpu.memref_squeeze %dma_wait3A_39 : memref<1x42x128xi32, #tpu.memory_space<hbm>> -> memref<42x128xi32, #tpu.memory_space<hbm>>
      %dma_wait3A_41 = arith.constant 0 : i32
      %dma_wait3A_42 = arith.constant 0 : i32
      %dma_wait3A_43 = tpu.memref_slice %arg5[%mul3A_4, %dma_wait3A_41, %dma_wait3A_42] : memref<64x42x128xi32, #tpu.memory_space<hbm>> -> memref<1x42x128xi32, #tpu.memory_space<hbm>>
      %dma_wait3A_44 = tpu.memref_squeeze %dma_wait3A_43 : memref<1x42x128xi32, #tpu.memory_space<hbm>> -> memref<42x128xi32, #tpu.memory_space<hbm>>
      tpu.wait_dma2 semaphore(%run_scoped3A : memref<!tpu.dma_semaphore, #tpu.memory_space<semaphore_mem>>) src(%dma_wait3A_44 : memref<42x128xi32, #tpu.memory_space<hbm>>) dst(%arg8 : memref<42x128xi32, #tpu.memory_space<vmem>>)
      tpu.yield
    }) : () -> ()
    %mul3A_5 = arith.constant 640 : i32
    %mul3A_6 = arith.muli %arg1, %mul3A_5 : i32
    "tpu.region"() ({
      %run_scoped3A = tpu.sem_alloc : memref<!tpu.dma_semaphore, #tpu.memory_space<semaphore_mem>>
      %dma_start3A = arith.constant 0 : i32
      %dma_start3A_31 = tpu.memref_slice %arg11[%mul3A_6, %dma_start3A] : memref<10240x128xf32, #tpu.memory_space<vmem_shared>> -> memref<640x128xf32, #tpu.memory_space<vmem_shared>>
      tpu.enqueue_dma source(%arg2 : memref<640x128xf32, #tpu.memory_space<hbm>>) target(%dma_start3A_31 : memref<640x128xf32, #tpu.memory_space<vmem_shared>>) target_semaphore(%run_scoped3A : memref<!tpu.dma_semaphore, #tpu.memory_space<semaphore_mem>>)
      %dma_wait3A = arith.constant 0 : i32
      %dma_wait3A_32 = tpu.memref_slice %arg11[%mul3A_6, %dma_wait3A] : memref<10240x128xf32, #tpu.memory_space<vmem_shared>> -> memref<640x128xf32, #tpu.memory_space<vmem_shared>>
      tpu.wait_dma2 semaphore(%run_scoped3A : memref<!tpu.dma_semaphore, #tpu.memory_space<semaphore_mem>>) src(%arg2 : memref<640x128xf32, #tpu.memory_space<hbm>>) dst(%dma_wait3A_32 : memref<640x128xf32, #tpu.memory_space<vmem_shared>>)
      tpu.yield
    }) : () -> ()
    %barrier3A = arith.constant 0 : index
    tpu.barrier barrier_id(%barrier3A)
    %scan3A = arith.constant 0 : i32
    %scan3A_7 = arith.constant 0 : i32
    %scan3A_8 = arith.constant 21 : i32
    %scan3A_9 = arith.addi %scan3A_7, %scan3A_8 : i32
    %scan3A_10 = arith.constant 1 : i32
    scf.for %scan3A_31 = %scan3A_7 to %scan3A_9 step %scan3A_10  : i32 {
      %mul3A_32 = arith.constant 2 : i32
      %mul3A_33 = arith.muli %mul3A_32, %scan3A_31 : i32
      %add3A_34 = arith.constant 1 : i32
      %add3A_35 = arith.addi %mul3A_33, %add3A_34 : i32
      %dma_start3A = arith.constant 0 : i32
      %dma_start3A_36 = tpu.memref_slice %arg7[%mul3A_33, %dma_start3A] : memref<42x128xi32, #tpu.memory_space<vmem>> -> memref<1x128xi32, #tpu.memory_space<vmem>>
      %dma_start3A_37 = tpu.memref_squeeze %dma_start3A_36 : memref<1x128xi32, #tpu.memory_space<vmem>> -> memref<128xi32, #tpu.memory_space<vmem>>
      %dma_start3A_38 = arith.constant 0 : i32
      %dma_start3A_39 = arith.constant 0 : i32
      %dma_start3A_40 = tpu.memref_slice %arg3[%dma_start3A_38, %dma_start3A_39] : memref<10240x128xf32, #tpu.memory_space<hbm>> -> memref<10240x128xf32, #tpu.memory_space<hbm>>
      tpu.enqueue_indirect_dma source(%dma_start3A_40 : memref<10240x128xf32, #tpu.memory_space<hbm>>) target(%arg9 : memref<128x128xf32, #tpu.memory_space<vmem>>) offsets(%dma_start3A_37 : memref<128xi32, #tpu.memory_space<vmem>>) semaphore(%arg12 : memref<!tpu.dma_semaphore, #tpu.memory_space<semaphore_mem>>)
      %dma_start3A_41 = arith.constant 0 : i32
      %dma_start3A_42 = tpu.memref_slice %arg7[%add3A_35, %dma_start3A_41] : memref<42x128xi32, #tpu.memory_space<vmem>> -> memref<1x128xi32, #tpu.memory_space<vmem>>
      %dma_start3A_43 = tpu.memref_squeeze %dma_start3A_42 : memref<1x128xi32, #tpu.memory_space<vmem>> -> memref<128xi32, #tpu.memory_space<vmem>>
      %dma_start3A_44 = arith.constant 0 : i32
      %dma_start3A_45 = arith.constant 0 : i32
      %dma_start3A_46 = tpu.memref_slice %arg3[%dma_start3A_44, %dma_start3A_45] : memref<10240x128xf32, #tpu.memory_space<hbm>> -> memref<10240x128xf32, #tpu.memory_space<hbm>>
      tpu.enqueue_indirect_dma source(%dma_start3A_46 : memref<10240x128xf32, #tpu.memory_space<hbm>>) target(%arg10 : memref<128x128xf32, #tpu.memory_space<vmem>>) offsets(%dma_start3A_43 : memref<128xi32, #tpu.memory_space<vmem>>) semaphore(%arg13 : memref<!tpu.dma_semaphore, #tpu.memory_space<semaphore_mem>>)
      %dma_wait3A = arith.constant 0 : i32
      %dma_wait3A_47 = tpu.memref_slice %arg7[%mul3A_33, %dma_wait3A] : memref<42x128xi32, #tpu.memory_space<vmem>> -> memref<1x128xi32, #tpu.memory_space<vmem>>
      %dma_wait3A_48 = tpu.memref_squeeze %dma_wait3A_47 : memref<1x128xi32, #tpu.memory_space<vmem>> -> memref<128xi32, #tpu.memory_space<vmem>>
      %dma_wait3A_49 = arith.constant 0 : i32
      %dma_wait3A_50 = arith.constant 0 : i32
      %dma_wait3A_51 = tpu.memref_slice %arg3[%dma_wait3A_49, %dma_wait3A_50] : memref<10240x128xf32, #tpu.memory_space<hbm>> -> memref<10240x128xf32, #tpu.memory_space<hbm>>
      tpu.wait_indirect_dma semaphore(%arg12 : memref<!tpu.dma_semaphore, #tpu.memory_space<semaphore_mem>>) src(%dma_wait3A_51 : memref<10240x128xf32, #tpu.memory_space<hbm>>) dst(%arg9 : memref<128x128xf32, #tpu.memory_space<vmem>>)
      %dma_start3A_52 = arith.constant 0 : i32
      %dma_start3A_53 = tpu.memref_slice %arg8[%mul3A_33, %dma_start3A_52] : memref<42x128xi32, #tpu.memory_space<vmem>> -> memref<1x128xi32, #tpu.memory_space<vmem>>
      %dma_start3A_54 = tpu.memref_squeeze %dma_start3A_53 : memref<1x128xi32, #tpu.memory_space<vmem>> -> memref<128xi32, #tpu.memory_space<vmem>>
      %dma_start3A_55 = arith.constant 0 : i32
      %dma_start3A_56 = arith.constant 0 : i32
      %dma_start3A_57 = tpu.memref_slice %arg11[%dma_start3A_55, %dma_start3A_56] : memref<10240x128xf32, #tpu.memory_space<vmem_shared>> -> memref<10240x128xf32, #tpu.memory_space<vmem_shared>>
      tpu.enqueue_indirect_dma source(%arg9 : memref<128x128xf32, #tpu.memory_space<vmem>>) target(%dma_start3A_57 : memref<10240x128xf32, #tpu.memory_space<vmem_shared>>) offsets(%dma_start3A_54 : memref<128xi32, #tpu.memory_space<vmem>>) semaphore(%arg14 : memref<!tpu.dma_semaphore, #tpu.memory_space<semaphore_mem>>) {add = true}
      %dma_wait3A_58 = arith.constant 0 : i32
      %dma_wait3A_59 = tpu.memref_slice %arg7[%add3A_35, %dma_wait3A_58] : memref<42x128xi32, #tpu.memory_space<vmem>> -> memref<1x128xi32, #tpu.memory_space<vmem>>
      %dma_wait3A_60 = tpu.memref_squeeze %dma_wait3A_59 : memref<1x128xi32, #tpu.memory_space<vmem>> -> memref<128xi32, #tpu.memory_space<vmem>>
      %dma_wait3A_61 = arith.constant 0 : i32
      %dma_wait3A_62 = arith.constant 0 : i32
      %dma_wait3A_63 = tpu.memref_slice %arg3[%dma_wait3A_61, %dma_wait3A_62] : memref<10240x128xf32, #tpu.memory_space<hbm>> -> memref<10240x128xf32, #tpu.memory_space<hbm>>
      tpu.wait_indirect_dma semaphore(%arg13 : memref<!tpu.dma_semaphore, #tpu.memory_space<semaphore_mem>>) src(%dma_wait3A_63 : memref<10240x128xf32, #tpu.memory_space<hbm>>) dst(%arg10 : memref<128x128xf32, #tpu.memory_space<vmem>>)
      %dma_start3A_64 = arith.constant 0 : i32
      %dma_start3A_65 = tpu.memref_slice %arg8[%add3A_35, %dma_start3A_64] : memref<42x128xi32, #tpu.memory_space<vmem>> -> memref<1x128xi32, #tpu.memory_space<vmem>>
      %dma_start3A_66 = tpu.memref_squeeze %dma_start3A_65 : memref<1x128xi32, #tpu.memory_space<vmem>> -> memref<128xi32, #tpu.memory_space<vmem>>
      %dma_start3A_67 = arith.constant 0 : i32
      %dma_start3A_68 = arith.constant 0 : i32
      %dma_start3A_69 = tpu.memref_slice %arg11[%dma_start3A_67, %dma_start3A_68] : memref<10240x128xf32, #tpu.memory_space<vmem_shared>> -> memref<10240x128xf32, #tpu.memory_space<vmem_shared>>
      tpu.enqueue_indirect_dma source(%arg10 : memref<128x128xf32, #tpu.memory_space<vmem>>) target(%dma_start3A_69 : memref<10240x128xf32, #tpu.memory_space<vmem_shared>>) offsets(%dma_start3A_66 : memref<128xi32, #tpu.memory_space<vmem>>) semaphore(%arg15 : memref<!tpu.dma_semaphore, #tpu.memory_space<semaphore_mem>>) {add = true}
      %dma_wait3A_70 = arith.constant 0 : i32
      %dma_wait3A_71 = tpu.memref_slice %arg8[%mul3A_33, %dma_wait3A_70] : memref<42x128xi32, #tpu.memory_space<vmem>> -> memref<1x128xi32, #tpu.memory_space<vmem>>
      %dma_wait3A_72 = tpu.memref_squeeze %dma_wait3A_71 : memref<1x128xi32, #tpu.memory_space<vmem>> -> memref<128xi32, #tpu.memory_space<vmem>>
      %dma_wait3A_73 = arith.constant 0 : i32
      %dma_wait3A_74 = arith.constant 0 : i32
      %dma_wait3A_75 = tpu.memref_slice %arg11[%dma_wait3A_73, %dma_wait3A_74] : memref<10240x128xf32, #tpu.memory_space<vmem_shared>> -> memref<10240x128xf32, #tpu.memory_space<vmem_shared>>
      tpu.wait_indirect_dma semaphore(%arg14 : memref<!tpu.dma_semaphore, #tpu.memory_space<semaphore_mem>>) src(%arg9 : memref<128x128xf32, #tpu.memory_space<vmem>>) dst(%dma_wait3A_75 : memref<10240x128xf32, #tpu.memory_space<vmem_shared>>)
      %dma_wait3A_76 = arith.constant 0 : i32
      %dma_wait3A_77 = tpu.memref_slice %arg8[%add3A_35, %dma_wait3A_76] : memref<42x128xi32, #tpu.memory_space<vmem>> -> memref<1x128xi32, #tpu.memory_space<vmem>>
      %dma_wait3A_78 = tpu.memref_squeeze %dma_wait3A_77 : memref<1x128xi32, #tpu.memory_space<vmem>> -> memref<128xi32, #tpu.memory_space<vmem>>
      %dma_wait3A_79 = arith.constant 0 : i32
      %dma_wait3A_80 = arith.constant 0 : i32
      %dma_wait3A_81 = tpu.memref_slice %arg11[%dma_wait3A_79, %dma_wait3A_80] : memref<10240x128xf32, #tpu.memory_space<vmem_shared>> -> memref<10240x128xf32, #tpu.memory_space<vmem_shared>>
      tpu.wait_indirect_dma semaphore(%arg15 : memref<!tpu.dma_semaphore, #tpu.memory_space<semaphore_mem>>) src(%arg10 : memref<128x128xf32, #tpu.memory_space<vmem>>) dst(%dma_wait3A_81 : memref<10240x128xf32, #tpu.memory_space<vmem_shared>>)
    }
    %scan3A_11 = arith.constant 21 : i32
    %mul3A_12 = arith.constant 2 : i32
    %mul3A_13 = arith.muli %add3A, %mul3A_12 : i32
    %add3A_14 = arith.constant 1 : i32
    %add3A_15 = arith.addi %mul3A_13, %add3A_14 : i32
    "tpu.region"() ({
      %run_scoped3A = tpu.sem_alloc : memref<!tpu.dma_semaphore, #tpu.memory_space<semaphore_mem>>
      %dma_start3A = arith.constant 0 : i32
      %dma_start3A_31 = arith.constant 0 : i32
      %dma_start3A_32 = tpu.memref_slice %arg4[%add3A_15, %dma_start3A, %dma_start3A_31] : memref<64x42x128xi32, #tpu.memory_space<hbm>> -> memref<1x42x128xi32, #tpu.memory_space<hbm>>
      %dma_start3A_33 = tpu.memref_squeeze %dma_start3A_32 : memref<1x42x128xi32, #tpu.memory_space<hbm>> -> memref<42x128xi32, #tpu.memory_space<hbm>>
      %dma_start3A_34 = arith.constant 0 : i32
      %dma_start3A_35 = arith.constant 0 : i32
      %dma_start3A_36 = tpu.memref_slice %arg4[%add3A_15, %dma_start3A_34, %dma_start3A_35] : memref<64x42x128xi32, #tpu.memory_space<hbm>> -> memref<1x42x128xi32, #tpu.memory_space<hbm>>
      %dma_start3A_37 = tpu.memref_squeeze %dma_start3A_36 : memref<1x42x128xi32, #tpu.memory_space<hbm>> -> memref<42x128xi32, #tpu.memory_space<hbm>>
      tpu.enqueue_dma source(%dma_start3A_37 : memref<42x128xi32, #tpu.memory_space<hbm>>) target(%arg7 : memref<42x128xi32, #tpu.memory_space<vmem>>) target_semaphore(%run_scoped3A : memref<!tpu.dma_semaphore, #tpu.memory_space<semaphore_mem>>)
      %dma_wait3A = arith.constant 0 : i32
      %dma_wait3A_38 = arith.constant 0 : i32
      %dma_wait3A_39 = tpu.memref_slice %arg4[%add3A_15, %dma_wait3A, %dma_wait3A_38] : memref<64x42x128xi32, #tpu.memory_space<hbm>> -> memref<1x42x128xi32, #tpu.memory_space<hbm>>
      %dma_wait3A_40 = tpu.memref_squeeze %dma_wait3A_39 : memref<1x42x128xi32, #tpu.memory_space<hbm>> -> memref<42x128xi32, #tpu.memory_space<hbm>>
      %dma_wait3A_41 = arith.constant 0 : i32
      %dma_wait3A_42 = arith.constant 0 : i32
      %dma_wait3A_43 = tpu.memref_slice %arg4[%add3A_15, %dma_wait3A_41, %dma_wait3A_42] : memref<64x42x128xi32, #tpu.memory_space<hbm>> -> memref<1x42x128xi32, #tpu.memory_space<hbm>>
      %dma_wait3A_44 = tpu.memref_squeeze %dma_wait3A_43 : memref<1x42x128xi32, #tpu.memory_space<hbm>> -> memref<42x128xi32, #tpu.memory_space<hbm>>
      tpu.wait_dma2 semaphore(%run_scoped3A : memref<!tpu.dma_semaphore, #tpu.memory_space<semaphore_mem>>) src(%dma_wait3A_44 : memref<42x128xi32, #tpu.memory_space<hbm>>) dst(%arg7 : memref<42x128xi32, #tpu.memory_space<vmem>>)
      tpu.yield
    }) : () -> ()
    %mul3A_16 = arith.constant 2 : i32
    %mul3A_17 = arith.muli %add3A, %mul3A_16 : i32
    %add3A_18 = arith.constant 1 : i32
    %add3A_19 = arith.addi %mul3A_17, %add3A_18 : i32
    "tpu.region"() ({
      %run_scoped3A = tpu.sem_alloc : memref<!tpu.dma_semaphore, #tpu.memory_space<semaphore_mem>>
      %dma_start3A = arith.constant 0 : i32
      %dma_start3A_31 = arith.constant 0 : i32
      %dma_start3A_32 = tpu.memref_slice %arg5[%add3A_19, %dma_start3A, %dma_start3A_31] : memref<64x42x128xi32, #tpu.memory_space<hbm>> -> memref<1x42x128xi32, #tpu.memory_space<hbm>>
      %dma_start3A_33 = tpu.memref_squeeze %dma_start3A_32 : memref<1x42x128xi32, #tpu.memory_space<hbm>> -> memref<42x128xi32, #tpu.memory_space<hbm>>
      %dma_start3A_34 = arith.constant 0 : i32
      %dma_start3A_35 = arith.constant 0 : i32
      %dma_start3A_36 = tpu.memref_slice %arg5[%add3A_19, %dma_start3A_34, %dma_start3A_35] : memref<64x42x128xi32, #tpu.memory_space<hbm>> -> memref<1x42x128xi32, #tpu.memory_space<hbm>>
      %dma_start3A_37 = tpu.memref_squeeze %dma_start3A_36 : memref<1x42x128xi32, #tpu.memory_space<hbm>> -> memref<42x128xi32, #tpu.memory_space<hbm>>
      tpu.enqueue_dma source(%dma_start3A_37 : memref<42x128xi32, #tpu.memory_space<hbm>>) target(%arg8 : memref<42x128xi32, #tpu.memory_space<vmem>>) target_semaphore(%run_scoped3A : memref<!tpu.dma_semaphore, #tpu.memory_space<semaphore_mem>>)
      %dma_wait3A = arith.constant 0 : i32
      %dma_wait3A_38 = arith.constant 0 : i32
      %dma_wait3A_39 = tpu.memref_slice %arg5[%add3A_19, %dma_wait3A, %dma_wait3A_38] : memref<64x42x128xi32, #tpu.memory_space<hbm>> -> memref<1x42x128xi32, #tpu.memory_space<hbm>>
      %dma_wait3A_40 = tpu.memref_squeeze %dma_wait3A_39 : memref<1x42x128xi32, #tpu.memory_space<hbm>> -> memref<42x128xi32, #tpu.memory_space<hbm>>
      %dma_wait3A_41 = arith.constant 0 : i32
      %dma_wait3A_42 = arith.constant 0 : i32
      %dma_wait3A_43 = tpu.memref_slice %arg5[%add3A_19, %dma_wait3A_41, %dma_wait3A_42] : memref<64x42x128xi32, #tpu.memory_space<hbm>> -> memref<1x42x128xi32, #tpu.memory_space<hbm>>
      %dma_wait3A_44 = tpu.memref_squeeze %dma_wait3A_43 : memref<1x42x128xi32, #tpu.memory_space<hbm>> -> memref<42x128xi32, #tpu.memory_space<hbm>>
      tpu.wait_dma2 semaphore(%run_scoped3A : memref<!tpu.dma_semaphore, #tpu.memory_space<semaphore_mem>>) src(%dma_wait3A_44 : memref<42x128xi32, #tpu.memory_space<hbm>>) dst(%arg8 : memref<42x128xi32, #tpu.memory_space<vmem>>)
      tpu.yield
    }) : () -> ()
    %scan3A_20 = arith.constant 0 : i32
    %scan3A_21 = arith.constant 0 : i32
    %scan3A_22 = arith.constant 21 : i32
    %scan3A_23 = arith.addi %scan3A_21, %scan3A_22 : i32
    %scan3A_24 = arith.constant 1 : i32
    scf.for %scan3A_31 = %scan3A_21 to %scan3A_23 step %scan3A_24  : i32 {
      %mul3A_32 = arith.constant 2 : i32
      %mul3A_33 = arith.muli %mul3A_32, %scan3A_31 : i32
      %add3A_34 = arith.constant 1 : i32
      %add3A_35 = arith.addi %mul3A_33, %add3A_34 : i32
      %dma_start3A = arith.constant 0 : i32
      %dma_start3A_36 = tpu.memref_slice %arg7[%mul3A_33, %dma_start3A] : memref<42x128xi32, #tpu.memory_space<vmem>> -> memref<1x128xi32, #tpu.memory_space<vmem>>
      %dma_start3A_37 = tpu.memref_squeeze %dma_start3A_36 : memref<1x128xi32, #tpu.memory_space<vmem>> -> memref<128xi32, #tpu.memory_space<vmem>>
      %dma_start3A_38 = arith.constant 0 : i32
      %dma_start3A_39 = arith.constant 0 : i32
      %dma_start3A_40 = tpu.memref_slice %arg3[%dma_start3A_38, %dma_start3A_39] : memref<10240x128xf32, #tpu.memory_space<hbm>> -> memref<10240x128xf32, #tpu.memory_space<hbm>>
      tpu.enqueue_indirect_dma source(%dma_start3A_40 : memref<10240x128xf32, #tpu.memory_space<hbm>>) target(%arg9 : memref<128x128xf32, #tpu.memory_space<vmem>>) offsets(%dma_start3A_37 : memref<128xi32, #tpu.memory_space<vmem>>) semaphore(%arg12 : memref<!tpu.dma_semaphore, #tpu.memory_space<semaphore_mem>>)
      %dma_start3A_41 = arith.constant 0 : i32
      %dma_start3A_42 = tpu.memref_slice %arg7[%add3A_35, %dma_start3A_41] : memref<42x128xi32, #tpu.memory_space<vmem>> -> memref<1x128xi32, #tpu.memory_space<vmem>>
      %dma_start3A_43 = tpu.memref_squeeze %dma_start3A_42 : memref<1x128xi32, #tpu.memory_space<vmem>> -> memref<128xi32, #tpu.memory_space<vmem>>
      %dma_start3A_44 = arith.constant 0 : i32
      %dma_start3A_45 = arith.constant 0 : i32
      %dma_start3A_46 = tpu.memref_slice %arg3[%dma_start3A_44, %dma_start3A_45] : memref<10240x128xf32, #tpu.memory_space<hbm>> -> memref<10240x128xf32, #tpu.memory_space<hbm>>
      tpu.enqueue_indirect_dma source(%dma_start3A_46 : memref<10240x128xf32, #tpu.memory_space<hbm>>) target(%arg10 : memref<128x128xf32, #tpu.memory_space<vmem>>) offsets(%dma_start3A_43 : memref<128xi32, #tpu.memory_space<vmem>>) semaphore(%arg13 : memref<!tpu.dma_semaphore, #tpu.memory_space<semaphore_mem>>)
      %dma_wait3A = arith.constant 0 : i32
      %dma_wait3A_47 = tpu.memref_slice %arg7[%mul3A_33, %dma_wait3A] : memref<42x128xi32, #tpu.memory_space<vmem>> -> memref<1x128xi32, #tpu.memory_space<vmem>>
      %dma_wait3A_48 = tpu.memref_squeeze %dma_wait3A_47 : memref<1x128xi32, #tpu.memory_space<vmem>> -> memref<128xi32, #tpu.memory_space<vmem>>
      %dma_wait3A_49 = arith.constant 0 : i32
      %dma_wait3A_50 = arith.constant 0 : i32
      %dma_wait3A_51 = tpu.memref_slice %arg3[%dma_wait3A_49, %dma_wait3A_50] : memref<10240x128xf32, #tpu.memory_space<hbm>> -> memref<10240x128xf32, #tpu.memory_space<hbm>>
      tpu.wait_indirect_dma semaphore(%arg12 : memref<!tpu.dma_semaphore, #tpu.memory_space<semaphore_mem>>) src(%dma_wait3A_51 : memref<10240x128xf32, #tpu.memory_space<hbm>>) dst(%arg9 : memref<128x128xf32, #tpu.memory_space<vmem>>)
      %dma_start3A_52 = arith.constant 0 : i32
      %dma_start3A_53 = tpu.memref_slice %arg8[%mul3A_33, %dma_start3A_52] : memref<42x128xi32, #tpu.memory_space<vmem>> -> memref<1x128xi32, #tpu.memory_space<vmem>>
      %dma_start3A_54 = tpu.memref_squeeze %dma_start3A_53 : memref<1x128xi32, #tpu.memory_space<vmem>> -> memref<128xi32, #tpu.memory_space<vmem>>
      %dma_start3A_55 = arith.constant 0 : i32
      %dma_start3A_56 = arith.constant 0 : i32
      %dma_start3A_57 = tpu.memref_slice %arg11[%dma_start3A_55, %dma_start3A_56] : memref<10240x128xf32, #tpu.memory_space<vmem_shared>> -> memref<10240x128xf32, #tpu.memory_space<vmem_shared>>
      tpu.enqueue_indirect_dma source(%arg9 : memref<128x128xf32, #tpu.memory_space<vmem>>) target(%dma_start3A_57 : memref<10240x128xf32, #tpu.memory_space<vmem_shared>>) offsets(%dma_start3A_54 : memref<128xi32, #tpu.memory_space<vmem>>) semaphore(%arg14 : memref<!tpu.dma_semaphore, #tpu.memory_space<semaphore_mem>>) {add = true}
      %dma_wait3A_58 = arith.constant 0 : i32
      %dma_wait3A_59 = tpu.memref_slice %arg7[%add3A_35, %dma_wait3A_58] : memref<42x128xi32, #tpu.memory_space<vmem>> -> memref<1x128xi32, #tpu.memory_space<vmem>>
      %dma_wait3A_60 = tpu.memref_squeeze %dma_wait3A_59 : memref<1x128xi32, #tpu.memory_space<vmem>> -> memref<128xi32, #tpu.memory_space<vmem>>
      %dma_wait3A_61 = arith.constant 0 : i32
      %dma_wait3A_62 = arith.constant 0 : i32
      %dma_wait3A_63 = tpu.memref_slice %arg3[%dma_wait3A_61, %dma_wait3A_62] : memref<10240x128xf32, #tpu.memory_space<hbm>> -> memref<10240x128xf32, #tpu.memory_space<hbm>>
      tpu.wait_indirect_dma semaphore(%arg13 : memref<!tpu.dma_semaphore, #tpu.memory_space<semaphore_mem>>) src(%dma_wait3A_63 : memref<10240x128xf32, #tpu.memory_space<hbm>>) dst(%arg10 : memref<128x128xf32, #tpu.memory_space<vmem>>)
      %dma_start3A_64 = arith.constant 0 : i32
      %dma_start3A_65 = tpu.memref_slice %arg8[%add3A_35, %dma_start3A_64] : memref<42x128xi32, #tpu.memory_space<vmem>> -> memref<1x128xi32, #tpu.memory_space<vmem>>
      %dma_start3A_66 = tpu.memref_squeeze %dma_start3A_65 : memref<1x128xi32, #tpu.memory_space<vmem>> -> memref<128xi32, #tpu.memory_space<vmem>>
      %dma_start3A_67 = arith.constant 0 : i32
      %dma_start3A_68 = arith.constant 0 : i32
      %dma_start3A_69 = tpu.memref_slice %arg11[%dma_start3A_67, %dma_start3A_68] : memref<10240x128xf32, #tpu.memory_space<vmem_shared>> -> memref<10240x128xf32, #tpu.memory_space<vmem_shared>>
      tpu.enqueue_indirect_dma source(%arg10 : memref<128x128xf32, #tpu.memory_space<vmem>>) target(%dma_start3A_69 : memref<10240x128xf32, #tpu.memory_space<vmem_shared>>) offsets(%dma_start3A_66 : memref<128xi32, #tpu.memory_space<vmem>>) semaphore(%arg15 : memref<!tpu.dma_semaphore, #tpu.memory_space<semaphore_mem>>) {add = true}
      %dma_wait3A_70 = arith.constant 0 : i32
      %dma_wait3A_71 = tpu.memref_slice %arg8[%mul3A_33, %dma_wait3A_70] : memref<42x128xi32, #tpu.memory_space<vmem>> -> memref<1x128xi32, #tpu.memory_space<vmem>>
      %dma_wait3A_72 = tpu.memref_squeeze %dma_wait3A_71 : memref<1x128xi32, #tpu.memory_space<vmem>> -> memref<128xi32, #tpu.memory_space<vmem>>
      %dma_wait3A_73 = arith.constant 0 : i32
      %dma_wait3A_74 = arith.constant 0 : i32
      %dma_wait3A_75 = tpu.memref_slice %arg11[%dma_wait3A_73, %dma_wait3A_74] : memref<10240x128xf32, #tpu.memory_space<vmem_shared>> -> memref<10240x128xf32, #tpu.memory_space<vmem_shared>>
      tpu.wait_indirect_dma semaphore(%arg14 : memref<!tpu.dma_semaphore, #tpu.memory_space<semaphore_mem>>) src(%arg9 : memref<128x128xf32, #tpu.memory_space<vmem>>) dst(%dma_wait3A_75 : memref<10240x128xf32, #tpu.memory_space<vmem_shared>>)
      %dma_wait3A_76 = arith.constant 0 : i32
      %dma_wait3A_77 = tpu.memref_slice %arg8[%add3A_35, %dma_wait3A_76] : memref<42x128xi32, #tpu.memory_space<vmem>> -> memref<1x128xi32, #tpu.memory_space<vmem>>
      %dma_wait3A_78 = tpu.memref_squeeze %dma_wait3A_77 : memref<1x128xi32, #tpu.memory_space<vmem>> -> memref<128xi32, #tpu.memory_space<vmem>>
      %dma_wait3A_79 = arith.constant 0 : i32
      %dma_wait3A_80 = arith.constant 0 : i32
      %dma_wait3A_81 = tpu.memref_slice %arg11[%dma_wait3A_79, %dma_wait3A_80] : memref<10240x128xf32, #tpu.memory_space<vmem_shared>> -> memref<10240x128xf32, #tpu.memory_space<vmem_shared>>
      tpu.wait_indirect_dma semaphore(%arg15 : memref<!tpu.dma_semaphore, #tpu.memory_space<semaphore_mem>>) src(%arg10 : memref<128x128xf32, #tpu.memory_space<vmem>>) dst(%dma_wait3A_81 : memref<10240x128xf32, #tpu.memory_space<vmem_shared>>)
    }
    %scan3A_25 = arith.constant 21 : i32
    %barrier3A_26 = arith.constant 0 : index
    tpu.barrier barrier_id(%barrier3A_26)
    %mul3A_27 = arith.constant 640 : i32
    %mul3A_28 = arith.muli %arg1, %mul3A_27 : i32
    %mul3A_29 = arith.constant 640 : i32
    %mul3A_30 = arith.muli %arg1, %mul3A_29 : i32
    "tpu.region"() ({
      %run_scoped3A = tpu.sem_alloc : memref<!tpu.dma_semaphore, #tpu.memory_space<semaphore_mem>>
      %dma_start3A = arith.constant 0 : i32
      %dma_start3A_31 = tpu.memref_slice %arg6[%arg0, %mul3A_30, %dma_start3A] : memref<2x10240x128xf32, #tpu.memory_space<hbm>> -> memref<1x640x128xf32, #tpu.memory_space<hbm>>
      %dma_start3A_32 = tpu.memref_squeeze %dma_start3A_31 : memref<1x640x128xf32, #tpu.memory_space<hbm>> -> memref<640x128xf32, #tpu.memory_space<hbm>>
      %dma_start3A_33 = arith.constant 0 : i32
      %dma_start3A_34 = tpu.memref_slice %arg11[%mul3A_28, %dma_start3A_33] : memref<10240x128xf32, #tpu.memory_space<vmem_shared>> -> memref<640x128xf32, #tpu.memory_space<vmem_shared>>
      tpu.enqueue_dma source(%dma_start3A_34 : memref<640x128xf32, #tpu.memory_space<vmem_shared>>) target(%dma_start3A_32 : memref<640x128xf32, #tpu.memory_space<hbm>>) target_semaphore(%run_scoped3A : memref<!tpu.dma_semaphore, #tpu.memory_space<semaphore_mem>>)
      %dma_wait3A = arith.constant 0 : i32
      %dma_wait3A_35 = tpu.memref_slice %arg6[%arg0, %mul3A_30, %dma_wait3A] : memref<2x10240x128xf32, #tpu.memory_space<hbm>> -> memref<1x640x128xf32, #tpu.memory_space<hbm>>
      %dma_wait3A_36 = tpu.memref_squeeze %dma_wait3A_35 : memref<1x640x128xf32, #tpu.memory_space<hbm>> -> memref<640x128xf32, #tpu.memory_space<hbm>>
      %dma_wait3A_37 = arith.constant 0 : i32
      %dma_wait3A_38 = tpu.memref_slice %arg11[%mul3A_28, %dma_wait3A_37] : memref<10240x128xf32, #tpu.memory_space<vmem_shared>> -> memref<640x128xf32, #tpu.memory_space<vmem_shared>>
      tpu.wait_dma2 semaphore(%run_scoped3A : memref<!tpu.dma_semaphore, #tpu.memory_space<semaphore_mem>>) src(%dma_wait3A_38 : memref<640x128xf32, #tpu.memory_space<vmem_shared>>) dst(%dma_wait3A_36 : memref<640x128xf32, #tpu.memory_space<hbm>>)
      tpu.yield
    }) : () -> ()
    return
  }
}

module attributes {stable_mosaic.version = 14 : i64} {
  func.func @_combine_body(%arg0: i32, %arg1: memref<2x512x128xf32, #tpu.memory_space<vmem>>, %arg2: memref<512x128xf32, #tpu.memory_space<vmem>>, %arg3: memref<1x128xf32, #tpu.memory_space<vmem>>, %arg4: memref<1x128xf32, #tpu.memory_space<vmem>>, %arg5: memref<1x128xf32, #tpu.memory_space<vmem>>, %arg6: memref<128x128xf32, #tpu.memory_space<vmem>>, %arg7: memref<512x128xf32, #tpu.memory_space<vmem>>, %arg8: memref<512x128xf32, #tpu.memory_space<vmem>>) attributes {dimension_semantics = [#tpu.dimension_semantics<arbitrary>], iteration_bounds = array<i64: 20>, scalar_prefetch = 0 : i64, scratch_operands = 0 : i64, tpu.core_type = #tpu.core_type<tc>, window_params = [{transform_indices = @transform_0, window_bounds = array<i64: 2, 512, 128>}, {transform_indices = @transform_1, window_bounds = array<i64: 512, 128>}, {pipeline_mode = #tpu.pipeline_mode<synchronous>, transform_indices = @transform_2, window_bounds = array<i64: 1, 128>}, {pipeline_mode = #tpu.pipeline_mode<synchronous>, transform_indices = @transform_3, window_bounds = array<i64: 1, 128>}, {pipeline_mode = #tpu.pipeline_mode<synchronous>, transform_indices = @transform_4, window_bounds = array<i64: 1, 128>}, {pipeline_mode = #tpu.pipeline_mode<synchronous>, transform_indices = @transform_5, window_bounds = array<i64: 128, 128>}, {transform_indices = @transform_6, window_bounds = array<i64: 512, 128>}, {transform_indices = @transform_7, window_bounds = array<i64: 512, 128>}]} {
    %get3A = arith.constant 0 : index
    %get3A_0 = arith.constant 0 : index
    %get3A_1 = vector.load %arg2[%get3A, %get3A_0] : memref<512x128xf32, #tpu.memory_space<vmem>>, vector<512x128xf32>
    %get3A_2 = arith.constant 0 : index
    %get3A_3 = arith.constant 0 : index
    %get3A_4 = arith.constant 0 : index
    %get3A_5 = vector.load %arg1[%get3A_2, %get3A_3, %get3A_4] : memref<2x512x128xf32, #tpu.memory_space<vmem>>, vector<1x512x128xf32>
    %get3A_6 = vector.shape_cast %get3A_5 : vector<1x512x128xf32> to vector<512x128xf32>
    %get3A_7 = arith.constant 1 : index
    %get3A_8 = arith.constant 0 : index
    %get3A_9 = arith.constant 0 : index
    %get3A_10 = vector.load %arg1[%get3A_7, %get3A_8, %get3A_9] : memref<2x512x128xf32, #tpu.memory_space<vmem>>, vector<1x512x128xf32>
    %get3A_11 = vector.shape_cast %get3A_10 : vector<1x512x128xf32> to vector<512x128xf32>
    %add3A = arith.addf %get3A_6, %get3A_11 : vector<512x128xf32>
    %mul3A = arith.mulf %add3A, %get3A_1 : vector<512x128xf32>
    %get3A_12 = arith.constant 0 : index
    %get3A_13 = arith.constant 0 : index
    %get3A_14 = vector.load %arg3[%get3A_12, %get3A_13] : memref<1x128xf32, #tpu.memory_space<vmem>>, vector<1x128xf32>
    %add3A_15 = vector.broadcast %get3A_14 : vector<1x128xf32> to vector<512x128xf32>
    %add3A_16 = arith.addf %mul3A, %add3A_15 : vector<512x128xf32>
    %reduce_sum3A = arith.constant dense<0.000000e+00> : vector<512xf32>
    %reduce_sum3A_17 = vector.multi_reduction <add>, %add3A_16, %reduce_sum3A [1] : vector<512x128xf32> to vector<512xf32>
    %broadcast_in_dim3A = vector.shape_cast %reduce_sum3A_17 : vector<512xf32> to vector<512x1xf32>
    %div3A = arith.constant 1.280000e+02 : f32
    %div3A_18 = vector.broadcast %div3A : f32 to vector<512x1xf32>
    %div3A_19 = arith.divf %broadcast_in_dim3A, %div3A_18 : vector<512x1xf32>
    %sub3A = vector.broadcast %div3A_19 : vector<512x1xf32> to vector<512x128xf32>
    %sub3A_20 = arith.subf %add3A_16, %sub3A : vector<512x128xf32>
    %mul3A_21 = arith.mulf %sub3A_20, %sub3A_20 : vector<512x128xf32>
    %reduce_sum3A_22 = arith.constant dense<0.000000e+00> : vector<512xf32>
    %reduce_sum3A_23 = vector.multi_reduction <add>, %mul3A_21, %reduce_sum3A_22 [1] : vector<512x128xf32> to vector<512xf32>
    %broadcast_in_dim3A_24 = vector.shape_cast %reduce_sum3A_23 : vector<512xf32> to vector<512x1xf32>
    %div3A_25 = arith.constant 1.280000e+02 : f32
    %div3A_26 = vector.broadcast %div3A_25 : f32 to vector<512x1xf32>
    %div3A_27 = arith.divf %broadcast_in_dim3A_24, %div3A_26 : vector<512x1xf32>
    %add3A_28 = arith.constant 9.99999974E-6 : f32
    %add3A_29 = vector.broadcast %add3A_28 : f32 to vector<512x1xf32>
    %add3A_30 = arith.addf %div3A_27, %add3A_29 : vector<512x1xf32>
    %rsqrt3A = math.rsqrt %add3A_30 : vector<512x1xf32>
    %mul3A_31 = vector.broadcast %rsqrt3A : vector<512x1xf32> to vector<512x128xf32>
    %mul3A_32 = arith.mulf %sub3A_20, %mul3A_31 : vector<512x128xf32>
    %get3A_33 = arith.constant 0 : index
    %get3A_34 = arith.constant 0 : index
    %get3A_35 = vector.load %arg4[%get3A_33, %get3A_34] : memref<1x128xf32, #tpu.memory_space<vmem>>, vector<1x128xf32>
    %mul3A_36 = vector.broadcast %get3A_35 : vector<1x128xf32> to vector<512x128xf32>
    %mul3A_37 = arith.mulf %mul3A_32, %mul3A_36 : vector<512x128xf32>
    %get3A_38 = arith.constant 0 : index
    %get3A_39 = arith.constant 0 : index
    %get3A_40 = vector.load %arg5[%get3A_38, %get3A_39] : memref<1x128xf32, #tpu.memory_space<vmem>>, vector<1x128xf32>
    %add3A_41 = vector.broadcast %get3A_40 : vector<1x128xf32> to vector<512x128xf32>
    %add3A_42 = arith.addf %mul3A_37, %add3A_41 : vector<512x128xf32>
    %max3A = arith.constant 0.000000e+00 : f32
    %max3A_43 = vector.broadcast %max3A : f32 to vector<512x128xf32>
    %max3A_44 = arith.maximumf %add3A_42, %max3A_43 : vector<512x128xf32>
    %swap3A = arith.constant 0 : index
    %swap3A_45 = arith.constant 0 : index
    %swap3A_46 = vector.load %arg7[%swap3A, %swap3A_45] : memref<512x128xf32, #tpu.memory_space<vmem>>, vector<512x128xf32>
    tpu.vector_store %arg7[%swap3A, %swap3A_45], %max3A_44 {strides = array<i32>} : memref<512x128xf32, #tpu.memory_space<vmem>>, vector<512x128xf32>,
    %get3A_47 = arith.constant 0 : index
    %get3A_48 = arith.constant 0 : index
    %get3A_49 = vector.load %arg6[%get3A_47, %get3A_48] : memref<128x128xf32, #tpu.memory_space<vmem>>, vector<128x128xf32>
    %dot_general3A = arith.constant dense<0.000000e+00> : vector<512x128xf32>
    %dot_general3A_50 = tpu.matmul %max3A_44, %get3A_49, %dot_general3A {dimension_numbers = #tpu.dot_dimension_numbers<[1], [0], [0], [1], [0, 0, 1, 1], [], []>, transpose_lhs_hint = false} : vector<512x128xf32>, vector<128x128xf32>, vector<512x128xf32> -> vector<512x128xf32>
    %mul3A_51 = arith.mulf %dot_general3A_50, %get3A_1 : vector<512x128xf32>
    %swap3A_52 = arith.constant 0 : index
    %swap3A_53 = arith.constant 0 : index
    %swap3A_54 = vector.load %arg8[%swap3A_52, %swap3A_53] : memref<512x128xf32, #tpu.memory_space<vmem>>, vector<512x128xf32>
    tpu.vector_store %arg8[%swap3A_52, %swap3A_53], %mul3A_51 {strides = array<i32>} : memref<512x128xf32, #tpu.memory_space<vmem>>, vector<512x128xf32>,
    return
  }
  func.func @transform_0(%arg0: i32) -> (i32, i32, i32) {
    %c0_i32 = arith.constant 0 : i32
    %c0_i32_0 = arith.constant 0 : i32
    %c0_i32_1 = arith.constant 0 : i32
    return %c0_i32, %arg0, %c0_i32_0 : i32, i32, i32
  }
  func.func @transform_1(%arg0: i32) -> (i32, i32) {
    %c0_i32 = arith.constant 0 : i32
    %c0_i32_0 = arith.constant 0 : i32
    return %arg0, %c0_i32 : i32, i32
  }
  func.func @transform_2(%arg0: i32) -> (i32, i32) {
    %c0_i32 = arith.constant 0 : i32
    %c0_i32_0 = arith.constant 0 : i32
    %c0_i32_1 = arith.constant 0 : i32
    return %c0_i32, %c0_i32_0 : i32, i32
  }
  func.func @transform_3(%arg0: i32) -> (i32, i32) {
    %c0_i32 = arith.constant 0 : i32
    %c0_i32_0 = arith.constant 0 : i32
    %c0_i32_1 = arith.constant 0 : i32
    return %c0_i32, %c0_i32_0 : i32, i32
  }
  func.func @transform_4(%arg0: i32) -> (i32, i32) {
    %c0_i32 = arith.constant 0 : i32
    %c0_i32_0 = arith.constant 0 : i32
    %c0_i32_1 = arith.constant 0 : i32
    return %c0_i32, %c0_i32_0 : i32, i32
  }
  func.func @transform_5(%arg0: i32) -> (i32, i32) {
    %c0_i32 = arith.constant 0 : i32
    %c0_i32_0 = arith.constant 0 : i32
    %c0_i32_1 = arith.constant 0 : i32
    return %c0_i32, %c0_i32_0 : i32, i32
  }
  func.func @transform_6(%arg0: i32) -> (i32, i32) {
    %c0_i32 = arith.constant 0 : i32
    %c0_i32_0 = arith.constant 0 : i32
    return %arg0, %c0_i32 : i32, i32
  }
  func.func @transform_7(%arg0: i32) -> (i32, i32) {
    %c0_i32 = arith.constant 0 : i32
    %c0_i32_0 = arith.constant 0 : i32
    return %arg0, %c0_i32 : i32, i32
  }
}

module attributes {stable_mosaic.version = 14 : i64} {
  func.func @_t0_body(%arg0: i32, %arg1: memref<2x512x128xf32, #tpu.memory_space<vmem>>, %arg2: memref<512x128xf32, #tpu.memory_space<vmem>>, %arg3: memref<128x128xf32, #tpu.memory_space<vmem>>, %arg4: memref<512x128xf32, #tpu.memory_space<vmem>>, %arg5: memref<512x128xf32, #tpu.memory_space<vmem>>) attributes {dimension_semantics = [#tpu.dimension_semantics<arbitrary>], iteration_bounds = array<i64: 20>, scalar_prefetch = 0 : i64, scratch_operands = 0 : i64, tpu.core_type = #tpu.core_type<tc>, window_params = [{transform_indices = @transform_0, window_bounds = array<i64: 2, 512, 128>}, {transform_indices = @transform_1, window_bounds = array<i64: 512, 128>}, {pipeline_mode = #tpu.pipeline_mode<synchronous>, transform_indices = @transform_2, window_bounds = array<i64: 128, 128>}, {transform_indices = @transform_3, window_bounds = array<i64: 512, 128>}, {transform_indices = @transform_4, window_bounds = array<i64: 512, 128>}]} {
    %get3A = arith.constant 0 : index
    %get3A_0 = arith.constant 0 : index
    %get3A_1 = arith.constant 0 : index
    %get3A_2 = vector.load %arg1[%get3A, %get3A_0, %get3A_1] : memref<2x512x128xf32, #tpu.memory_space<vmem>>, vector<1x512x128xf32>
    %get3A_3 = vector.shape_cast %get3A_2 : vector<1x512x128xf32> to vector<512x128xf32>
    %get3A_4 = arith.constant 1 : index
    %get3A_5 = arith.constant 0 : index
    %get3A_6 = arith.constant 0 : index
    %get3A_7 = vector.load %arg1[%get3A_4, %get3A_5, %get3A_6] : memref<2x512x128xf32, #tpu.memory_space<vmem>>, vector<1x512x128xf32>
    %get3A_8 = vector.shape_cast %get3A_7 : vector<1x512x128xf32> to vector<512x128xf32>
    %add3A = arith.addf %get3A_3, %get3A_8 : vector<512x128xf32>
    %max3A = arith.constant 1.000000e+00 : f32
    %max3A_9 = vector.broadcast %max3A : f32 to vector<512x128xf32>
    %max3A_10 = arith.maximumf %add3A, %max3A_9 : vector<512x128xf32>
    %rsqrt3A = math.rsqrt %max3A_10 : vector<512x128xf32>
    %swap3A = arith.constant 0 : index
    %swap3A_11 = arith.constant 0 : index
    %swap3A_12 = vector.load %arg4[%swap3A, %swap3A_11] : memref<512x128xf32, #tpu.memory_space<vmem>>, vector<512x128xf32>
    tpu.vector_store %arg4[%swap3A, %swap3A_11], %rsqrt3A {strides = array<i32>} : memref<512x128xf32, #tpu.memory_space<vmem>>, vector<512x128xf32>,
    %get3A_13 = arith.constant 0 : index
    %get3A_14 = arith.constant 0 : index
    %get3A_15 = vector.load %arg2[%get3A_13, %get3A_14] : memref<512x128xf32, #tpu.memory_space<vmem>>, vector<512x128xf32>
    %get3A_16 = arith.constant 0 : index
    %get3A_17 = arith.constant 0 : index
    %get3A_18 = vector.load %arg3[%get3A_16, %get3A_17] : memref<128x128xf32, #tpu.memory_space<vmem>>, vector<128x128xf32>
    %dot_general3A = arith.constant dense<0.000000e+00> : vector<512x128xf32>
    %dot_general3A_19 = tpu.matmul %get3A_15, %get3A_18, %dot_general3A {dimension_numbers = #tpu.dot_dimension_numbers<[1], [0], [0], [1], [0, 0, 1, 1], [], []>, transpose_lhs_hint = false} : vector<512x128xf32>, vector<128x128xf32>, vector<512x128xf32> -> vector<512x128xf32>
    %mul3A = arith.mulf %dot_general3A_19, %rsqrt3A : vector<512x128xf32>
    %swap3A_20 = arith.constant 0 : index
    %swap3A_21 = arith.constant 0 : index
    %swap3A_22 = vector.load %arg5[%swap3A_20, %swap3A_21] : memref<512x128xf32, #tpu.memory_space<vmem>>, vector<512x128xf32>
    tpu.vector_store %arg5[%swap3A_20, %swap3A_21], %mul3A {strides = array<i32>} : memref<512x128xf32, #tpu.memory_space<vmem>>, vector<512x128xf32>,
    return
  }
  func.func @transform_0(%arg0: i32) -> (i32, i32, i32) {
    %c0_i32 = arith.constant 0 : i32
    %c0_i32_0 = arith.constant 0 : i32
    %c0_i32_1 = arith.constant 0 : i32
    return %c0_i32, %arg0, %c0_i32_0 : i32, i32, i32
  }
  func.func @transform_1(%arg0: i32) -> (i32, i32) {
    %c0_i32 = arith.constant 0 : i32
    %c0_i32_0 = arith.constant 0 : i32
    return %arg0, %c0_i32 : i32, i32
  }
  func.func @transform_2(%arg0: i32) -> (i32, i32) {
    %c0_i32 = arith.constant 0 : i32
    %c0_i32_0 = arith.constant 0 : i32
    %c0_i32_1 = arith.constant 0 : i32
    return %c0_i32, %c0_i32_0 : i32, i32
  }
  func.func @transform_3(%arg0: i32) -> (i32, i32) {
    %c0_i32 = arith.constant 0 : i32
    %c0_i32_0 = arith.constant 0 : i32
    return %arg0, %c0_i32 : i32, i32
  }
  func.func @transform_4(%arg0: i32) -> (i32, i32) {
    %c0_i32 = arith.constant 0 : i32
    %c0_i32_0 = arith.constant 0 : i32
    return %arg0, %c0_i32 : i32, i32
  }
}

module attributes {stable_mosaic.version = 14 : i64} {
  func.func @_combine_body(%arg0: i32, %arg1: memref<2x512x128xf32, #tpu.memory_space<vmem>>, %arg2: memref<512x128xf32, #tpu.memory_space<vmem>>, %arg3: memref<1x128xf32, #tpu.memory_space<vmem>>, %arg4: memref<1x128xf32, #tpu.memory_space<vmem>>, %arg5: memref<1x128xf32, #tpu.memory_space<vmem>>, %arg6: memref<512x128xf32, #tpu.memory_space<vmem>>, %arg7: memref<128x128xf32, #tpu.memory_space<vmem>>, %arg8: memref<512x128xf32, #tpu.memory_space<vmem>>, %arg9: memref<512x128xf32, #tpu.memory_space<vmem>>) attributes {dimension_semantics = [#tpu.dimension_semantics<arbitrary>], iteration_bounds = array<i64: 20>, scalar_prefetch = 0 : i64, scratch_operands = 0 : i64, tpu.core_type = #tpu.core_type<tc>, window_params = [{transform_indices = @transform_0, window_bounds = array<i64: 2, 512, 128>}, {transform_indices = @transform_1, window_bounds = array<i64: 512, 128>}, {pipeline_mode = #tpu.pipeline_mode<synchronous>, transform_indices = @transform_2, window_bounds = array<i64: 1, 128>}, {pipeline_mode = #tpu.pipeline_mode<synchronous>, transform_indices = @transform_3, window_bounds = array<i64: 1, 128>}, {pipeline_mode = #tpu.pipeline_mode<synchronous>, transform_indices = @transform_4, window_bounds = array<i64: 1, 128>}, {transform_indices = @transform_5, window_bounds = array<i64: 512, 128>}, {pipeline_mode = #tpu.pipeline_mode<synchronous>, transform_indices = @transform_6, window_bounds = array<i64: 128, 128>}, {transform_indices = @transform_7, window_bounds = array<i64: 512, 128>}, {transform_indices = @transform_8, window_bounds = array<i64: 512, 128>}]} {
    %get3A = arith.constant 0 : index
    %get3A_0 = arith.constant 0 : index
    %get3A_1 = vector.load %arg2[%get3A, %get3A_0] : memref<512x128xf32, #tpu.memory_space<vmem>>, vector<512x128xf32>
    %get3A_2 = arith.constant 0 : index
    %get3A_3 = arith.constant 0 : index
    %get3A_4 = arith.constant 0 : index
    %get3A_5 = vector.load %arg1[%get3A_2, %get3A_3, %get3A_4] : memref<2x512x128xf32, #tpu.memory_space<vmem>>, vector<1x512x128xf32>
    %get3A_6 = vector.shape_cast %get3A_5 : vector<1x512x128xf32> to vector<512x128xf32>
    %get3A_7 = arith.constant 1 : index
    %get3A_8 = arith.constant 0 : index
    %get3A_9 = arith.constant 0 : index
    %get3A_10 = vector.load %arg1[%get3A_7, %get3A_8, %get3A_9] : memref<2x512x128xf32, #tpu.memory_space<vmem>>, vector<1x512x128xf32>
    %get3A_11 = vector.shape_cast %get3A_10 : vector<1x512x128xf32> to vector<512x128xf32>
    %add3A = arith.addf %get3A_6, %get3A_11 : vector<512x128xf32>
    %mul3A = arith.mulf %add3A, %get3A_1 : vector<512x128xf32>
    %get3A_12 = arith.constant 0 : index
    %get3A_13 = arith.constant 0 : index
    %get3A_14 = vector.load %arg3[%get3A_12, %get3A_13] : memref<1x128xf32, #tpu.memory_space<vmem>>, vector<1x128xf32>
    %add3A_15 = vector.broadcast %get3A_14 : vector<1x128xf32> to vector<512x128xf32>
    %add3A_16 = arith.addf %mul3A, %add3A_15 : vector<512x128xf32>
    %reduce_sum3A = arith.constant dense<0.000000e+00> : vector<512xf32>
    %reduce_sum3A_17 = vector.multi_reduction <add>, %add3A_16, %reduce_sum3A [1] : vector<512x128xf32> to vector<512xf32>
    %broadcast_in_dim3A = vector.shape_cast %reduce_sum3A_17 : vector<512xf32> to vector<512x1xf32>
    %div3A = arith.constant 1.280000e+02 : f32
    %div3A_18 = vector.broadcast %div3A : f32 to vector<512x1xf32>
    %div3A_19 = arith.divf %broadcast_in_dim3A, %div3A_18 : vector<512x1xf32>
    %sub3A = vector.broadcast %div3A_19 : vector<512x1xf32> to vector<512x128xf32>
    %sub3A_20 = arith.subf %add3A_16, %sub3A : vector<512x128xf32>
    %mul3A_21 = arith.mulf %sub3A_20, %sub3A_20 : vector<512x128xf32>
    %reduce_sum3A_22 = arith.constant dense<0.000000e+00> : vector<512xf32>
    %reduce_sum3A_23 = vector.multi_reduction <add>, %mul3A_21, %reduce_sum3A_22 [1] : vector<512x128xf32> to vector<512xf32>
    %broadcast_in_dim3A_24 = vector.shape_cast %reduce_sum3A_23 : vector<512xf32> to vector<512x1xf32>
    %div3A_25 = arith.constant 1.280000e+02 : f32
    %div3A_26 = vector.broadcast %div3A_25 : f32 to vector<512x1xf32>
    %div3A_27 = arith.divf %broadcast_in_dim3A_24, %div3A_26 : vector<512x1xf32>
    %add3A_28 = arith.constant 9.99999974E-6 : f32
    %add3A_29 = vector.broadcast %add3A_28 : f32 to vector<512x1xf32>
    %add3A_30 = arith.addf %div3A_27, %add3A_29 : vector<512x1xf32>
    %rsqrt3A = math.rsqrt %add3A_30 : vector<512x1xf32>
    %mul3A_31 = vector.broadcast %rsqrt3A : vector<512x1xf32> to vector<512x128xf32>
    %mul3A_32 = arith.mulf %sub3A_20, %mul3A_31 : vector<512x128xf32>
    %get3A_33 = arith.constant 0 : index
    %get3A_34 = arith.constant 0 : index
    %get3A_35 = vector.load %arg4[%get3A_33, %get3A_34] : memref<1x128xf32, #tpu.memory_space<vmem>>, vector<1x128xf32>
    %mul3A_36 = vector.broadcast %get3A_35 : vector<1x128xf32> to vector<512x128xf32>
    %mul3A_37 = arith.mulf %mul3A_32, %mul3A_36 : vector<512x128xf32>
    %get3A_38 = arith.constant 0 : index
    %get3A_39 = arith.constant 0 : index
    %get3A_40 = vector.load %arg5[%get3A_38, %get3A_39] : memref<1x128xf32, #tpu.memory_space<vmem>>, vector<1x128xf32>
    %add3A_41 = vector.broadcast %get3A_40 : vector<1x128xf32> to vector<512x128xf32>
    %add3A_42 = arith.addf %mul3A_37, %add3A_41 : vector<512x128xf32>
    %max3A = arith.constant 0.000000e+00 : f32
    %max3A_43 = vector.broadcast %max3A : f32 to vector<512x128xf32>
    %max3A_44 = arith.maximumf %add3A_42, %max3A_43 : vector<512x128xf32>
    %get3A_45 = arith.constant 0 : index
    %get3A_46 = arith.constant 0 : index
    %get3A_47 = vector.load %arg6[%get3A_45, %get3A_46] : memref<512x128xf32, #tpu.memory_space<vmem>>, vector<512x128xf32>
    %add3A_48 = arith.addf %max3A_44, %get3A_47 : vector<512x128xf32>
    %swap3A = arith.constant 0 : index
    %swap3A_49 = arith.constant 0 : index
    %swap3A_50 = vector.load %arg8[%swap3A, %swap3A_49] : memref<512x128xf32, #tpu.memory_space<vmem>>, vector<512x128xf32>
    tpu.vector_store %arg8[%swap3A, %swap3A_49], %add3A_48 {strides = array<i32>} : memref<512x128xf32, #tpu.memory_space<vmem>>, vector<512x128xf32>,
    %get3A_51 = arith.constant 0 : index
    %get3A_52 = arith.constant 0 : index
    %get3A_53 = vector.load %arg7[%get3A_51, %get3A_52] : memref<128x128xf32, #tpu.memory_space<vmem>>, vector<128x128xf32>
    %dot_general3A = arith.constant dense<0.000000e+00> : vector<512x128xf32>
    %dot_general3A_54 = tpu.matmul %add3A_48, %get3A_53, %dot_general3A {dimension_numbers = #tpu.dot_dimension_numbers<[1], [0], [0], [1], [0, 0, 1, 1], [], []>, transpose_lhs_hint = false} : vector<512x128xf32>, vector<128x128xf32>, vector<512x128xf32> -> vector<512x128xf32>
    %mul3A_55 = arith.mulf %dot_general3A_54, %get3A_1 : vector<512x128xf32>
    %swap3A_56 = arith.constant 0 : index
    %swap3A_57 = arith.constant 0 : index
    %swap3A_58 = vector.load %arg9[%swap3A_56, %swap3A_57] : memref<512x128xf32, #tpu.memory_space<vmem>>, vector<512x128xf32>
    tpu.vector_store %arg9[%swap3A_56, %swap3A_57], %mul3A_55 {strides = array<i32>} : memref<512x128xf32, #tpu.memory_space<vmem>>, vector<512x128xf32>,
    return
  }
  func.func @transform_0(%arg0: i32) -> (i32, i32, i32) {
    %c0_i32 = arith.constant 0 : i32
    %c0_i32_0 = arith.constant 0 : i32
    %c0_i32_1 = arith.constant 0 : i32
    return %c0_i32, %arg0, %c0_i32_0 : i32, i32, i32
  }
  func.func @transform_1(%arg0: i32) -> (i32, i32) {
    %c0_i32 = arith.constant 0 : i32
    %c0_i32_0 = arith.constant 0 : i32
    return %arg0, %c0_i32 : i32, i32
  }
  func.func @transform_2(%arg0: i32) -> (i32, i32) {
    %c0_i32 = arith.constant 0 : i32
    %c0_i32_0 = arith.constant 0 : i32
    %c0_i32_1 = arith.constant 0 : i32
    return %c0_i32, %c0_i32_0 : i32, i32
  }
  func.func @transform_3(%arg0: i32) -> (i32, i32) {
    %c0_i32 = arith.constant 0 : i32
    %c0_i32_0 = arith.constant 0 : i32
    %c0_i32_1 = arith.constant 0 : i32
    return %c0_i32, %c0_i32_0 : i32, i32
  }
  func.func @transform_4(%arg0: i32) -> (i32, i32) {
    %c0_i32 = arith.constant 0 : i32
    %c0_i32_0 = arith.constant 0 : i32
    %c0_i32_1 = arith.constant 0 : i32
    return %c0_i32, %c0_i32_0 : i32, i32
  }
  func.func @transform_5(%arg0: i32) -> (i32, i32) {
    %c0_i32 = arith.constant 0 : i32
    %c0_i32_0 = arith.constant 0 : i32
    return %arg0, %c0_i32 : i32, i32
  }
  func.func @transform_6(%arg0: i32) -> (i32, i32) {
    %c0_i32 = arith.constant 0 : i32
    %c0_i32_0 = arith.constant 0 : i32
    %c0_i32_1 = arith.constant 0 : i32
    return %c0_i32, %c0_i32_0 : i32, i32
  }
  func.func @transform_7(%arg0: i32) -> (i32, i32) {
    %c0_i32 = arith.constant 0 : i32
    %c0_i32_0 = arith.constant 0 : i32
    return %arg0, %c0_i32 : i32, i32
  }
  func.func @transform_8(%arg0: i32) -> (i32, i32) {
    %c0_i32 = arith.constant 0 : i32
    %c0_i32_0 = arith.constant 0 : i32
    return %arg0, %c0_i32 : i32, i32
  }
}

module attributes {stable_mosaic.version = 14 : i64} {
  func.func @_combine_body(%arg0: i32, %arg1: memref<2x512x128xf32, #tpu.memory_space<vmem>>, %arg2: memref<512x128xf32, #tpu.memory_space<vmem>>, %arg3: memref<1x128xf32, #tpu.memory_space<vmem>>, %arg4: memref<1x128xf32, #tpu.memory_space<vmem>>, %arg5: memref<1x128xf32, #tpu.memory_space<vmem>>, %arg6: memref<512x128xf32, #tpu.memory_space<vmem>>, %arg7: memref<512x128xf32, #tpu.memory_space<vmem>>) attributes {dimension_semantics = [#tpu.dimension_semantics<arbitrary>], iteration_bounds = array<i64: 20>, scalar_prefetch = 0 : i64, scratch_operands = 0 : i64, tpu.core_type = #tpu.core_type<tc>, window_params = [{transform_indices = @transform_0, window_bounds = array<i64: 2, 512, 128>}, {transform_indices = @transform_1, window_bounds = array<i64: 512, 128>}, {pipeline_mode = #tpu.pipeline_mode<synchronous>, transform_indices = @transform_2, window_bounds = array<i64: 1, 128>}, {pipeline_mode = #tpu.pipeline_mode<synchronous>, transform_indices = @transform_3, window_bounds = array<i64: 1, 128>}, {pipeline_mode = #tpu.pipeline_mode<synchronous>, transform_indices = @transform_4, window_bounds = array<i64: 1, 128>}, {transform_indices = @transform_5, window_bounds = array<i64: 512, 128>}, {transform_indices = @transform_6, window_bounds = array<i64: 512, 128>}]} {
    %get3A = arith.constant 0 : index
    %get3A_0 = arith.constant 0 : index
    %get3A_1 = vector.load %arg2[%get3A, %get3A_0] : memref<512x128xf32, #tpu.memory_space<vmem>>, vector<512x128xf32>
    %get3A_2 = arith.constant 0 : index
    %get3A_3 = arith.constant 0 : index
    %get3A_4 = arith.constant 0 : index
    %get3A_5 = vector.load %arg1[%get3A_2, %get3A_3, %get3A_4] : memref<2x512x128xf32, #tpu.memory_space<vmem>>, vector<1x512x128xf32>
    %get3A_6 = vector.shape_cast %get3A_5 : vector<1x512x128xf32> to vector<512x128xf32>
    %get3A_7 = arith.constant 1 : index
    %get3A_8 = arith.constant 0 : index
    %get3A_9 = arith.constant 0 : index
    %get3A_10 = vector.load %arg1[%get3A_7, %get3A_8, %get3A_9] : memref<2x512x128xf32, #tpu.memory_space<vmem>>, vector<1x512x128xf32>
    %get3A_11 = vector.shape_cast %get3A_10 : vector<1x512x128xf32> to vector<512x128xf32>
    %add3A = arith.addf %get3A_6, %get3A_11 : vector<512x128xf32>
    %mul3A = arith.mulf %add3A, %get3A_1 : vector<512x128xf32>
    %get3A_12 = arith.constant 0 : index
    %get3A_13 = arith.constant 0 : index
    %get3A_14 = vector.load %arg3[%get3A_12, %get3A_13] : memref<1x128xf32, #tpu.memory_space<vmem>>, vector<1x128xf32>
    %add3A_15 = vector.broadcast %get3A_14 : vector<1x128xf32> to vector<512x128xf32>
    %add3A_16 = arith.addf %mul3A, %add3A_15 : vector<512x128xf32>
    %reduce_sum3A = arith.constant dense<0.000000e+00> : vector<512xf32>
    %reduce_sum3A_17 = vector.multi_reduction <add>, %add3A_16, %reduce_sum3A [1] : vector<512x128xf32> to vector<512xf32>
    %broadcast_in_dim3A = vector.shape_cast %reduce_sum3A_17 : vector<512xf32> to vector<512x1xf32>
    %div3A = arith.constant 1.280000e+02 : f32
    %div3A_18 = vector.broadcast %div3A : f32 to vector<512x1xf32>
    %div3A_19 = arith.divf %broadcast_in_dim3A, %div3A_18 : vector<512x1xf32>
    %sub3A = vector.broadcast %div3A_19 : vector<512x1xf32> to vector<512x128xf32>
    %sub3A_20 = arith.subf %add3A_16, %sub3A : vector<512x128xf32>
    %mul3A_21 = arith.mulf %sub3A_20, %sub3A_20 : vector<512x128xf32>
    %reduce_sum3A_22 = arith.constant dense<0.000000e+00> : vector<512xf32>
    %reduce_sum3A_23 = vector.multi_reduction <add>, %mul3A_21, %reduce_sum3A_22 [1] : vector<512x128xf32> to vector<512xf32>
    %broadcast_in_dim3A_24 = vector.shape_cast %reduce_sum3A_23 : vector<512xf32> to vector<512x1xf32>
    %div3A_25 = arith.constant 1.280000e+02 : f32
    %div3A_26 = vector.broadcast %div3A_25 : f32 to vector<512x1xf32>
    %div3A_27 = arith.divf %broadcast_in_dim3A_24, %div3A_26 : vector<512x1xf32>
    %add3A_28 = arith.constant 9.99999974E-6 : f32
    %add3A_29 = vector.broadcast %add3A_28 : f32 to vector<512x1xf32>
    %add3A_30 = arith.addf %div3A_27, %add3A_29 : vector<512x1xf32>
    %rsqrt3A = math.rsqrt %add3A_30 : vector<512x1xf32>
    %mul3A_31 = vector.broadcast %rsqrt3A : vector<512x1xf32> to vector<512x128xf32>
    %mul3A_32 = arith.mulf %sub3A_20, %mul3A_31 : vector<512x128xf32>
    %get3A_33 = arith.constant 0 : index
    %get3A_34 = arith.constant 0 : index
    %get3A_35 = vector.load %arg4[%get3A_33, %get3A_34] : memref<1x128xf32, #tpu.memory_space<vmem>>, vector<1x128xf32>
    %mul3A_36 = vector.broadcast %get3A_35 : vector<1x128xf32> to vector<512x128xf32>
    %mul3A_37 = arith.mulf %mul3A_32, %mul3A_36 : vector<512x128xf32>
    %get3A_38 = arith.constant 0 : index
    %get3A_39 = arith.constant 0 : index
    %get3A_40 = vector.load %arg5[%get3A_38, %get3A_39] : memref<1x128xf32, #tpu.memory_space<vmem>>, vector<1x128xf32>
    %add3A_41 = vector.broadcast %get3A_40 : vector<1x128xf32> to vector<512x128xf32>
    %add3A_42 = arith.addf %mul3A_37, %add3A_41 : vector<512x128xf32>
    %get3A_43 = arith.constant 0 : index
    %get3A_44 = arith.constant 0 : index
    %get3A_45 = vector.load %arg6[%get3A_43, %get3A_44] : memref<512x128xf32, #tpu.memory_space<vmem>>, vector<512x128xf32>
    %add3A_46 = arith.addf %add3A_42, %get3A_45 : vector<512x128xf32>
    %swap3A = arith.constant 0 : index
    %swap3A_47 = arith.constant 0 : index
    %swap3A_48 = vector.load %arg7[%swap3A, %swap3A_47] : memref<512x128xf32, #tpu.memory_space<vmem>>, vector<512x128xf32>
    tpu.vector_store %arg7[%swap3A, %swap3A_47], %add3A_46 {strides = array<i32>} : memref<512x128xf32, #tpu.memory_space<vmem>>, vector<512x128xf32>,
    return
  }
  func.func @transform_0(%arg0: i32) -> (i32, i32, i32) {
    %c0_i32 = arith.constant 0 : i32
    %c0_i32_0 = arith.constant 0 : i32
    %c0_i32_1 = arith.constant 0 : i32
    return %c0_i32, %arg0, %c0_i32_0 : i32, i32, i32
  }
  func.func @transform_1(%arg0: i32) -> (i32, i32) {
    %c0_i32 = arith.constant 0 : i32
    %c0_i32_0 = arith.constant 0 : i32
    return %arg0, %c0_i32 : i32, i32
  }
  func.func @transform_2(%arg0: i32) -> (i32, i32) {
    %c0_i32 = arith.constant 0 : i32
    %c0_i32_0 = arith.constant 0 : i32
    %c0_i32_1 = arith.constant 0 : i32
    return %c0_i32, %c0_i32_0 : i32, i32
  }
  func.func @transform_3(%arg0: i32) -> (i32, i32) {
    %c0_i32 = arith.constant 0 : i32
    %c0_i32_0 = arith.constant 0 : i32
    %c0_i32_1 = arith.constant 0 : i32
    return %c0_i32, %c0_i32_0 : i32, i32
  }
  func.func @transform_4(%arg0: i32) -> (i32, i32) {
    %c0_i32 = arith.constant 0 : i32
    %c0_i32_0 = arith.constant 0 : i32
    %c0_i32_1 = arith.constant 0 : i32
    return %c0_i32, %c0_i32_0 : i32, i32
  }
  func.func @transform_5(%arg0: i32) -> (i32, i32) {
    %c0_i32 = arith.constant 0 : i32
    %c0_i32_0 = arith.constant 0 : i32
    return %arg0, %c0_i32 : i32, i32
  }
  func.func @transform_6(%arg0: i32) -> (i32, i32) {
    %c0_i32 = arith.constant 0 : i32
    %c0_i32_0 = arith.constant 0 : i32
    return %arg0, %c0_i32 : i32, i32
  }
}

module attributes {stable_mosaic.version = 14 : i64} {
  func.func @_pool_body(%arg0: i32, %arg1: memref<512x128xf32, #tpu.memory_space<vmem>>, %arg2: memref<512x128xf32, #tpu.memory_space<vmem>>, %arg3: memref<128x128xf32, #tpu.memory_space<vmem>>, %arg4: memref<1x128xf32, #tpu.memory_space<vmem>>, %arg5: memref<128x128xf32, #tpu.memory_space<vmem>>, %arg6: memref<128x128xf32, #tpu.memory_space<vmem>>, %arg7: memref<128x128xf32, #tpu.memory_space<vmem>>) attributes {dimension_semantics = [#tpu.dimension_semantics<arbitrary>], iteration_bounds = array<i64: 20>, scalar_prefetch = 0 : i64, scratch_operands = 2 : i64, tpu.core_type = #tpu.core_type<tc>, window_params = [{transform_indices = @transform_0, window_bounds = array<i64: 512, 128>}, {transform_indices = @transform_1, window_bounds = array<i64: 512, 128>}, {pipeline_mode = #tpu.pipeline_mode<synchronous>, transform_indices = @transform_2, window_bounds = array<i64: 128, 128>}, {pipeline_mode = #tpu.pipeline_mode<synchronous>, transform_indices = @transform_3, window_bounds = array<i64: 1, 128>}, {pipeline_mode = #tpu.pipeline_mode<synchronous>, transform_indices = @transform_4, window_bounds = array<i64: 128, 128>}]} {
    %eq3A = arith.constant 0 : i32
    %eq3A_0 = arith.cmpi eq, %arg0, %eq3A : i32
    %convert_element_type3A = arith.extui %eq3A_0 : i1 to i32
    %cond3A = arith.constant 0 : i32
    %cond3A_1 = arith.cmpi ne, %convert_element_type3A, %cond3A : i32
    scf.if %cond3A_1 {
      %broadcast_in_dim3A_32 = arith.constant 0.000000e+00 : f32
      %broadcast_in_dim3A_33 = vector.broadcast %broadcast_in_dim3A_32 : f32 to vector<128x128xf32>
      %swap3A_34 = arith.constant 0 : index
      %swap3A_35 = arith.constant 0 : index
      %swap3A_36 = vector.load %arg6[%swap3A_34, %swap3A_35] : memref<128x128xf32, #tpu.memory_space<vmem>>, vector<128x128xf32>
      tpu.vector_store %arg6[%swap3A_34, %swap3A_35], %broadcast_in_dim3A_33 {strides = array<i32>} : memref<128x128xf32, #tpu.memory_space<vmem>>, vector<128x128xf32>,
      %broadcast_in_dim3A_37 = arith.constant 0.000000e+00 : f32
      %broadcast_in_dim3A_38 = vector.broadcast %broadcast_in_dim3A_37 : f32 to vector<128x128xf32>
      %swap3A_39 = arith.constant 0 : index
      %swap3A_40 = arith.constant 0 : index
      %swap3A_41 = vector.load %arg7[%swap3A_39, %swap3A_40] : memref<128x128xf32, #tpu.memory_space<vmem>>, vector<128x128xf32>
      tpu.vector_store %arg7[%swap3A_39, %swap3A_40], %broadcast_in_dim3A_38 {strides = array<i32>} : memref<128x128xf32, #tpu.memory_space<vmem>>, vector<128x128xf32>,
    } else {
    }
    %get3A = arith.constant 0 : index
    %get3A_2 = arith.constant 0 : index
    %get3A_3 = vector.load %arg2[%get3A, %get3A_2] : memref<512x128xf32, #tpu.memory_space<vmem>>, vector<512x128xf32>
    %iota3A = tpu.iota {dimensions = array<i32: 1>} : vector<512x128xi32>
    %convert_element_type3A_4 = arith.sitofp %iota3A : vector<512x128xi32> to vector<512x128xf32>
    %eq3A_5 = arith.cmpf oeq, %get3A_3, %convert_element_type3A_4 : vector<512x128xf32>
    %convert_element_type3A_6 = arith.extui %eq3A_5 : vector<512x128xi1> to vector<512x128xi32>
    %convert_element_type3A_7 = arith.sitofp %convert_element_type3A_6 : vector<512x128xi32> to vector<512x128xf32>
    %get3A_8 = arith.constant 0 : index
    %get3A_9 = arith.constant 0 : index
    %get3A_10 = vector.load %arg6[%get3A_8, %get3A_9] : memref<128x128xf32, #tpu.memory_space<vmem>>, vector<128x128xf32>
    %get3A_11 = arith.constant 0 : index
    %get3A_12 = arith.constant 0 : index
    %get3A_13 = vector.load %arg1[%get3A_11, %get3A_12] : memref<512x128xf32, #tpu.memory_space<vmem>>, vector<512x128xf32>
    %dot_general3A = arith.constant dense<0.000000e+00> : vector<128x128xf32>
    %dot_general3A_14 = tpu.matmul %convert_element_type3A_7, %get3A_13, %dot_general3A {dimension_numbers = #tpu.dot_dimension_numbers<[0], [0], [1], [1], [0, 1, 1, 1], [], []>, transpose_lhs_hint = false} : vector<512x128xf32>, vector<512x128xf32>, vector<128x128xf32> -> vector<128x128xf32>
    %add3A = arith.addf %get3A_10, %dot_general3A_14 : vector<128x128xf32>
    %swap3A = arith.constant 0 : index
    %swap3A_15 = arith.constant 0 : index
    %swap3A_16 = vector.load %arg6[%swap3A, %swap3A_15] : memref<128x128xf32, #tpu.memory_space<vmem>>, vector<128x128xf32>
    tpu.vector_store %arg6[%swap3A, %swap3A_15], %add3A {strides = array<i32>} : memref<128x128xf32, #tpu.memory_space<vmem>>, vector<128x128xf32>,
    %get3A_17 = arith.constant 0 : index
    %get3A_18 = arith.constant 0 : index
    %get3A_19 = vector.load %arg7[%get3A_17, %get3A_18] : memref<128x128xf32, #tpu.memory_space<vmem>>, vector<128x128xf32>
    %broadcast_in_dim3A = arith.constant 1.000000e+00 : f32
    %broadcast_in_dim3A_20 = vector.broadcast %broadcast_in_dim3A : f32 to vector<512x128xf32>
    %dot_general3A_21 = arith.constant dense<0.000000e+00> : vector<128x128xf32>
    %dot_general3A_22 = tpu.matmul %convert_element_type3A_7, %broadcast_in_dim3A_20, %dot_general3A_21 {dimension_numbers = #tpu.dot_dimension_numbers<[0], [0], [1], [1], [0, 1, 1, 1], [], []>, transpose_lhs_hint = false} : vector<512x128xf32>, vector<512x128xf32>, vector<128x128xf32> -> vector<128x128xf32>
    %add3A_23 = arith.addf %get3A_19, %dot_general3A_22 : vector<128x128xf32>
    %swap3A_24 = arith.constant 0 : index
    %swap3A_25 = arith.constant 0 : index
    %swap3A_26 = vector.load %arg7[%swap3A_24, %swap3A_25] : memref<128x128xf32, #tpu.memory_space<vmem>>, vector<128x128xf32>
    tpu.vector_store %arg7[%swap3A_24, %swap3A_25], %add3A_23 {strides = array<i32>} : memref<128x128xf32, #tpu.memory_space<vmem>>, vector<128x128xf32>,
    %eq3A_27 = arith.constant 19 : i32
    %eq3A_28 = arith.cmpi eq, %arg0, %eq3A_27 : i32
    %convert_element_type3A_29 = arith.extui %eq3A_28 : i1 to i32
    %cond3A_30 = arith.constant 0 : i32
    %cond3A_31 = arith.cmpi ne, %convert_element_type3A_29, %cond3A_30 : i32
    scf.if %cond3A_31 {
      %get3A_32 = arith.constant 0 : index
      %get3A_33 = arith.constant 0 : index
      %get3A_34 = vector.load %arg6[%get3A_32, %get3A_33] : memref<128x128xf32, #tpu.memory_space<vmem>>, vector<128x128xf32>
      %get3A_35 = arith.constant 0 : index
      %get3A_36 = arith.constant 0 : index
      %get3A_37 = vector.load %arg7[%get3A_35, %get3A_36] : memref<128x128xf32, #tpu.memory_space<vmem>>, vector<128x128xf32>
      %max3A = arith.constant 1.000000e+00 : f32
      %max3A_38 = vector.broadcast %max3A : f32 to vector<128x128xf32>
      %max3A_39 = arith.maximumf %get3A_37, %max3A_38 : vector<128x128xf32>
      %div3A = arith.divf %get3A_34, %max3A_39 : vector<128x128xf32>
      %get3A_40 = arith.constant 0 : index
      %get3A_41 = arith.constant 0 : index
      %get3A_42 = vector.load %arg3[%get3A_40, %get3A_41] : memref<128x128xf32, #tpu.memory_space<vmem>>, vector<128x128xf32>
      %dot_general3A_43 = arith.constant dense<0.000000e+00> : vector<128x128xf32>
      %dot_general3A_44 = tpu.matmul %div3A, %get3A_42, %dot_general3A_43 {dimension_numbers = #tpu.dot_dimension_numbers<[1], [0], [0], [1], [0, 0, 1, 1], [], []>, transpose_lhs_hint = false} : vector<128x128xf32>, vector<128x128xf32>, vector<128x128xf32> -> vector<128x128xf32>
      %get3A_45 = arith.constant 0 : index
      %get3A_46 = arith.constant 0 : index
      %get3A_47 = vector.load %arg4[%get3A_45, %get3A_46] : memref<1x128xf32, #tpu.memory_space<vmem>>, vector<1x128xf32>
      %add3A_48 = vector.broadcast %get3A_47 : vector<1x128xf32> to vector<128x128xf32>
      %add3A_49 = arith.addf %dot_general3A_44, %add3A_48 : vector<128x128xf32>
      %swap3A_50 = arith.constant 0 : index
      %swap3A_51 = arith.constant 0 : index
      %swap3A_52 = vector.load %arg5[%swap3A_50, %swap3A_51] : memref<128x128xf32, #tpu.memory_space<vmem>>, vector<128x128xf32>
      tpu.vector_store %arg5[%swap3A_50, %swap3A_51], %add3A_49 {strides = array<i32>} : memref<128x128xf32, #tpu.memory_space<vmem>>, vector<128x128xf32>,
    } else {
    }
    return
  }
  func.func @transform_0(%arg0: i32) -> (i32, i32) {
    %c0_i32 = arith.constant 0 : i32
    %c0_i32_0 = arith.constant 0 : i32
    return %arg0, %c0_i32 : i32, i32
  }
  func.func @transform_1(%arg0: i32) -> (i32, i32) {
    %c0_i32 = arith.constant 0 : i32
    %c0_i32_0 = arith.constant 0 : i32
    return %arg0, %c0_i32 : i32, i32
  }
  func.func @transform_2(%arg0: i32) -> (i32, i32) {
    %c0_i32 = arith.constant 0 : i32
    %c0_i32_0 = arith.constant 0 : i32
    %c0_i32_1 = arith.constant 0 : i32
    return %c0_i32, %c0_i32_0 : i32, i32
  }
  func.func @transform_3(%arg0: i32) -> (i32, i32) {
    %c0_i32 = arith.constant 0 : i32
    %c0_i32_0 = arith.constant 0 : i32
    %c0_i32_1 = arith.constant 0 : i32
    return %c0_i32, %c0_i32_0 : i32, i32
  }
  func.func @transform_4(%arg0: i32) -> (i32, i32) {
    %c0_i32 = arith.constant 0 : i32
    %c0_i32_0 = arith.constant 0 : i32
    %c0_i32_1 = arith.constant 0 : i32
    return %c0_i32, %c0_i32_0 : i32, i32
  }
}

</mosaic_0001>

<sc_bundles>
// kernel: kernel.19.cloned.1.call-start
scs
__scs_entry_jumppad:
0x0: {  	(pc) =	sbr.rel $0x88, $3  }
0x1: {  	(tag) =	ssettag $0x0;
	lr =	simm.s32 $0x1  }
0x2: {  	[smem:$0x3F98] =	sst lr;
	_ =	strace $0xD0000000  }
0x3: {  	_ = 	snop  }
0x4: {  	_ = 	snop  }
0x5: {  	_ = 	snop  }
0x6: {  	_ = 	snop  }
0x7: {  	_ = 	snop  }
__scs_overlays_trampoline_lowered:
0x8: {  	[smem:$0x3FA7] =	sst s0  }
0x9: {  	[smem:$0x3FA8] =	sst s1  }
0xa: {  	[smem:$0x3FA9] =	sst s2  }
0xb: {  	[smem:$0x3FAA] =	sst s3  }
0xc: {  	[smem:$0x3FAB] =	sst s4  }
0xd: {  	[smem:$0x3FAC] =	sst s5  }
0xe: {  	[smem:$0x3FAD] =	sst s6  }
0xf: {  	[smem:$0x3FAE] =	sst s7  }
0x10: {  	[smem:$0x3FAF] =	sst s8  }
0x11: {  	[smem:$0x3FB0] =	sst s9;
	s0 =	simm.s32 @!p0 $0x0  }
0x12: {  	s1 =	sld [smem:$0x3F96];
	s0 =	simm.s32 @p0 $0x1  }
0x13: {  	[smem:$0x3FB1] =	sst s0;
	s0 =	simm.s32 @!p1 $0x0  }
0x14: {  	s2 =	sld [smem:$0x3F95];
	s0 =	simm.s32 @p1 $0x1  }
0x15: {  	[smem:$0x3FB2] =	sst s0;
	s0 =	simm.s32 @!p2 $0x0  }
0x16: {  	s3 =	sld [smem:$0x3FDB];
	s0 =	simm.s32 @p2 $0x1  }
0x17: {  	s4 =	simm.s32 $0x1BF5;
	[smem:$0x3FB4] =	sst s0  }
0x18: {  	s0 =	sld [smem:$0x3F97];
	_ =	swait.ge [sflag:s4], $0x0  }
0x19: {  	s7 =	sld [smem:$0x3F98]  }
0x1a: {  	s8 =	sadd.s32 $0xFFFFE003, lr  }
0x1b: {  	s9 =	sadd.s32 $0xFFFFFEF7, lr;
	s5 =	simm.s32 $0xFFFFFFFF;
	p2 =	slt.u32 s8, $0xFFFFF086  }
0x1c: {  	p1 =	slt.u32 s9, $0xF7A;
	s5 =	simm.s32 @!p2 $0x0  }
0x1d: {  	s5 =	simm.s32 @p1 $0x1;
	p0 =	seq.s32 s7, s2  }
0x1e: {  	s7 =	smul.u32 @!p0 $0xF7A, s2;
	p2 =	seq.s32 @!p0 s5, $0x0  }
0x1f: {  	s9 =	smul.u32 $0xF7A, s1;
	s8 =	simm.s32 @!p0 $0x1BF5;
	p2 =	por !p2, p0  }
0x20: {  	[sflag:s8] =	ssyncset.s32 @!p0 $0xFFFFF086;
	s6 =	sadd.s32 @!p0 s3, s7;
	s7 =	simm.s32 @!p0 $0x108  }
0x21: {  	s3 =	sadd.s32 s3, s9;
	s6 =	sadd.s32 @!p0 $0x88, s6;
	s7 =	simm.s32 @p2 $0x1082  }
0x22: {  	[simem:s7], [sflag:s8] =	dma.local @!p0 [hbm:s6], $0xF7A  }
0x23: {  	s9 =	sor.u32 $0xD0000000, s2;
	s6 =	simm.s32 $0x108;
	_ =	swait.ge @!p0 [sflag:s8], $0x0  }
0x24: {  	s3 =	sadd.s32 $0x88, s3;
	s6 =	simm.s32 @!p1 $0x1082;
	[sflag:s4] =	ssyncset.s32 $0xFFFFF086  }
0x25: {  	[simem:s6], [sflag:s4] =	dma.local [hbm:s3], $0xF7A  }
0x26: {  	[smem:$0x3F98] =	sst s1;
	(tag) =	ssettag s2;
	_ =	strace s9  }
0x27: {  	s1 =	sld [smem:$0x3FA8]  }
0x28: {  	s2 =	sld [smem:$0x3FA9]  }
0x29: {  	s4 =	sld [smem:$0x3FAB]  }
0x2a: {  	p0 =	seq.s32 s5, $0x0;
	s5 =	sld [smem:$0x3FAC]  }
0x2b: {  	s6 =	sld [smem:$0x3FAD]  }
0x2c: {  	s7 =	sld [smem:$0x3FAE]  }
0x2d: {  	s3 =	simm.s32 $0x108;
	s8 =	sld [smem:$0x3FAF]  }
0x2e: {  	s3 =	simm.s32 @!p0 $0x1082;
	s9 =	sld [smem:$0x3FB0]  }
0x2f: {  	lr =	sadd.s32 s0, s3;
	s0 =	sld [smem:$0x3FA7]  }
0x30: {  	s3 =	sld [smem:$0x3FAA]  }
0x31: {  	[smem:$0x3FB3] =	sst s10  }
0x32: {  	s10 =	sld [smem:$0x3FB1];
	_ =	sdelay $0x3  }
0x33: {  	p0 =	seq.s32 s10, $0x1;
	s10 =	sld [smem:$0x3FB3];
	_ =	sdelay $0x3  }
0x34: {  	[smem:$0x3FB3] =	sst s10  }
0x35: {  	s10 =	sld [smem:$0x3FB2];
	_ =	sdelay $0x3  }
0x36: {  	p1 =	seq.s32 s10, $0x1;
	s10 =	sld [smem:$0x3FB3];
	_ =	sdelay $0x3  }
0x37: {  	[smem:$0x3FB3] =	sst s10  }
0x38: {  	s10 =	sld [smem:$0x3FB4]  }
0x39: {  	_ = 	snop;
	(pc) =	sbr.ind lr, $3  }
0x3a: {  	_ = 	snop  }
0x3b: {  	_ = 	snop  }
0x3c: {  	p2 =	seq.s32 s10, $0x1;
	s10 =	sld [smem:$0x3FB3]  }
0x3d: {  	_ =	shalt  }
0x3e: {  	_ =	shalt  }
0x3f: {  	_ =	shalt  }
0x40: {  	_ =	shalt  }
0x41: {  	_ =	shalt  }
0x42: {  	_ =	shalt  }
0x43: {  	_ =	shalt  }
0x44: {  	_ =	shalt  }
0x45: {  	_ =	shalt  }
0x46: {  	_ =	shalt  }
0x47: {  	_ =	shalt  }
0x48: {  	_ =	shalt  }
0x49: {  	_ =	shalt  }
0x4a: {  	_ =	shalt  }
0x4b: {  	_ =	shalt  }
0x4c: {  	_ =	shalt  }
0x4d: {  	_ =	shalt  }
0x4e: {  	_ =	shalt  }
0x4f: {  	_ =	shalt  }
0x50: {  	_ =	shalt  }
0x51: {  	_ =	shalt  }
0x52: {  	_ =	shalt  }
0x53: {  	_ =	shalt  }
0x54: {  	_ =	shalt  }
0x55: {  	_ =	shalt  }
0x56: {  	_ =	shalt  }
0x57: {  	_ =	shalt  }
0x58: {  	_ =	shalt  }
0x59: {  	_ =	shalt  }
0x5a: {  	_ =	shalt  }
0x5b: {  	_ =	shalt  }
0x5c: {  	_ =	shalt  }
0x5d: {  	_ =	shalt  }
0x5e: {  	_ =	shalt  }
0x5f: {  	_ =	shalt  }
0x60: {  	_ =	shalt  }
0x61: {  	_ =	shalt  }
0x62: {  	_ =	shalt  }
0x63: {  	_ =	shalt  }
0x64: {  	_ =	shalt  }
0x65: {  	_ =	shalt  }
0x66: {  	_ =	shalt  }
0x67: {  	_ =	shalt  }
0x68: {  	_ =	shalt  }
0x69: {  	_ =	shalt  }
0x6a: {  	_ =	shalt  }
0x6b: {  	_ =	shalt  }
0x6c: {  	_ =	shalt  }
0x6d: {  	_ =	shalt  }
0x6e: {  	_ =	shalt  }
0x6f: {  	_ =	shalt  }
0x70: {  	_ =	shalt  }
0x71: {  	_ =	shalt  }
0x72: {  	_ =	shalt  }
0x73: {  	_ =	shalt  }
0x74: {  	_ =	shalt  }
0x75: {  	_ =	shalt  }
0x76: {  	_ =	shalt  }
0x77: {  	_ =	shalt  }
0x78: {  	_ =	shalt  }
0x79: {  	_ =	shalt  }
0x7a: {  	_ =	shalt  }
0x7b: {  	_ =	shalt  }
0x7c: {  	_ =	shalt  }
0x7d: {  	_ =	shalt  }
0x7e: {  	_ =	shalt  }
0x7f: {  	_ =	shalt  }
0x80: {  	_ =	shalt  }
0x81: {  	_ =	shalt  }
0x82: {  	_ =	shalt  }
0x83: {  	_ =	shalt  }
0x84: {  	_ =	shalt  }
0x85: {  	_ =	shalt  }
0x86: {  	_ =	shalt  }
0x87: {  	_ =	shalt  }
.Lfunc_end0:
.L_simem_size_0:
called_computation_lowered:
.L_overlay_start_0:
0x88: {  	s2 =	sld [smem:$0x3FD9]  }
0x89: {  	s3 =	sld [smem:$0x3FFE];
	_ =	sdelay $0x1  }
0x8a: {  	s1 =	srdreg.scid  }
0x8b: {  	s0 =	sand.u32 $0x1, s1  }
0x8c: {  	s16 =	sshll.u32 s0, $0xA;
	s2 =	sadd.s32 s3, s2  }
0x8d: {  	s2 =	sadd.s32 s2, s16  }
0x8e: {  	[smem:$0x3FBF] =	sst s2  }
0x8f: {  	_ = 	snop  }
0x90: {  	(tm) =	ssettm $0x1  }
0x91: {  	s17 =	sld [smem:$0x3FFB];
	_ =	sdelay $0x3  }
0x92: {  	_ =	strace s17  }
0x93: {  	s2 =	sld [smem:$0x3FFC];
	_ =	sdelay $0x3  }
0x94: {  	_ =	strace s2  }
0x95: {  	s2 =	sld [smem:$0x3FFD];
	_ =	sdelay $0x3  }
0x96: {  	_ =	strace s2  }
0x97: {  	_ =	strace $0x8FFFFFFF  }
0x98: {  	s18 =	sld [smem:$0x3FDB];
	_ =	sdelay $0x1  }
0x99: {  	s19 =	simm.s32 $_scs_section_size  }
0x9a: {  	s4 =	simm.s32 $_size__tile_overlayer_lowered;
	s5 =	simm.s32 $_tile_overlayer_lowered  }
0x9b: {  	s22 =	simm.s32 $0x1BFF;
	s21 =	sshll.u32 s5, $0x1;
	s2 =	sadd.s32 s19, s18  }
0x9c: {  	s6 =	simm.s32 $0x0;
	s20 =	sshll.u32 s4, $0x1;
	s4 =	sadd.s32 s21, s2  }
0x9d: {  	[timem:s6], [sflag:s22] =	dma.local [hbm:s4], s20  }
0x9e: {  	_ =	swait.ge [sflag:s22], s20  }
0x9f: {  	s3 =	ssub.s32 $0x0, s20;
	[sflag:s22] =	ssyncset.done $0x0  }
0xa0: {  	[sflag:s22] =	ssyncadd.s32 s3;
	_ =	sdelay $0x1  }
0xa1: {  	s23 =	simm.s32 $0x1B8B  }
0xa2: {  	_ =	swait.ge [sflag:s23], $0x1  }
0xa3: {  	[sflag:s23] =	ssyncset.done $0x0  }
0xa4: {  	s25 =	simm.s32 $0x1B8E;
	s24 =	sld [smem:$0x3FFE];
	[sflag:s23] =	ssyncadd.s32 $0xFFFFFFFF  }
0xa5: {  	s26 =	simm.s32 $execute0_lowered;
	[smem:$0x3FD2] =	sst s25  }
0xa6: {  	s4 =	sshll.u32 s26, $0x1;
	_ =	strace $0x80000046;
	[dreg:$0x1] =	wrdreg $0xFFFFFFFF  }
0xa7: {  	s28 =	simm.s32 $_size_execute0_lowered;
	s2 =	sadd.s32 s2, s4;
	[dreg:$0x0] =	wrdreg $0x0  }
0xa8: {  	s4 =	sshll.u32 s28, $0x1;
	[dreg:$0x2] =	wrdreg s2  }
0xa9: {  	[dreg:$0x3] =	wrdreg s4  }
0xaa: {  	[dreg:$0x4] =	wrdreg $0xC0  }
0xab: {  	_ =	task [dreg:s6], $0x5FFFF  }
0xac: {  	[dreg:$0x1] =	wrdreg $0xFFFFFFFF  }
0xad: {  	[dreg:$0x0] =	wrdreg $0x60  }
0xae: {  	[dreg:$0x2] =	wrdreg s24  }
0xaf: {  	[dreg:$0x3] =	wrdreg $0x58000  }
0xb0: {  	[dreg:$0x4] =	wrdreg $0x9  }
0xb1: {  	_ =	task.clear_ibuf [dreg:s6], $0x5FFFF;
	_ =	strace $0x90000046  }
0xb2: {  	s29 =	simm.s32 $0x9;
	_ =	strace $0x80000048  }
0xb3: {  	_ =	swait.ge [sflag:s29], $0x1  }
0xb4: {  	[sflag:s29] =	ssyncadd.s32 $0xFFFFFFFF  }
0xb5: {  	_ =	strace $0x90000048  }
0xb6: {  	_ =	sfence  }
0xb7: {  	s30 =	sld [smem:$0x0];
	_ =	sdelay $0x2  }
0xb8: {  	s31 =	sshll.u32 s1, $0xD;
	s1 =	sshrl.u32 s1, $0x2  }
0xb9: {  	s3 =	sand.u32 $0x4000, s31;
	s1 =	sadd.s32 s1, s30  }
0xba: {  	s0 =	sor.u32 s3, s0;
	s1 =	sshll.u32 s1, $0x11  }
0xbb: {  	s0 =	sor.u32 s1, s0  }
0xbc: {  	s0 =	sadd.s32 $0x8F2B, s0  }
0xbd: {  	[sflag:s0] =	ssyncadd.remote.s32 $0x1  }
0xbe: {  	_ =	sfence.sel $0xFFFF  }
0xbf: {  	[dreg:$0x0] =	wrdreg $0xFFFFFFFF;
	(pc) =	sbr.abs _section_cstart, $3  }
0xc0: {  	[dreg:$0x1] =	wrdreg $0xFFFFFFFF  }
0xc1: {  	_ =	task.clear_ibuf [dreg:s6], $0x2FFFF;
	_ =	strace $0x9FFFFFFF  }
0xc2: {  	(tm) =	ssettm $0x7FFFFFFF  }
0xc3: {  	_ =	shalt  }
tec
execute0_lowered:
.L_overlay_start_1:
0x0: {  	(tag) =	ssettag $0x1  }
0x1: {  	s6 =	rddreg [dreg:$0x0]  }
0x2: {  	s1 =	rddreg [dreg:$0x1]  }
0x3: {  	s0 =	rddreg [dreg:$0x2];
	s2 =	simm.s32 $0x0  }
0x4: {  	s3 =	srdreg.scid;
	s15 =	simm.s32 $0x1;
	s16 =	simm.s32 $0x2  }
0x5: {  	s17 =	simm.s32 $0x0;
	[smem:$0x7FF] =	sst s2;
	s7 =	sand.u32 $0x1, s3  }
0x6: {  	s3 =	stileid.u32;
	s4 =	sadd.s32 $0x10800, s6;
	s5 =	sadd.s32 $0x13000, s6  }
0x7: {  	s10 =	sadd.s32 $0x4800, s6;
	_ =	strace $0x80000047;
	s8 =	smul.u32 $0x140000, s7  }
0x8: {  	s9 =	smul.u32 $0x14000, s3;
	s11 =	sshll.u32 s7, $0x5;
	s12 =	sshll.u32 s3, $0x1  }
0x9: {  	s25 =	smul.u32 $0x50000, s3;
	s7 =	ssub.s32 $0x2, s7;
	s24 =	sor.u32 s12, s11  }
0xa: {  	s31 =	sshll.u32 s3, $0x6;
	s26 =	sshrl.u32 s7, $0x1;
	s12 =	smul.u32 $0x1800, s24  }
0xb: {  	s11 =	simm.s32 $0x1800;
	s8 =	sadd.s32 s9, s8;
	s9 =	smul.u32 $0x300, s24  }
0xc: {  	s13 =	ssub.s32 s7, s26;
	s28 =	sshrl.u32 s25, $0x2;
	s8 =	sshrl.u32 s8, $0x3  }
0xd: {  	s14 =	sadd.s32 s28, s1;
	s8 =	sadd.s32 s8, s6;
	s29 =	sshrl.u32 s12, $0x3  }
0xe: {  	s6 =	sadd.s32 s10, s9;
	s9 =	smax.u32 s13, $0x1;
	s12 =	sor.u32 $0x1C03, s31  }
0xf: {  	s13 =	sshrl.u32 s14, $0x3;
	s14 =	simm.s32 $0x80;
	s30 =	sadd.s32 s10, s29  }
0x10: {  	s8 =	sadd.s32 $0x13800, s8;
	s10 =	simm.s32 $0x3;
	s7 =	sadd.s32 $0x300, s30  }
.LBB2_1:
0x11: {  	[tilespmem:s2], [sflag:$0x3] =	stream.linear.gather [hbm4b:s6+s2], $0x1500, $0x38;
	[tilespmem:$0x19800] =	vst v63  }
0x12: {  	_ =	swait.ge [sflag:s10], $0x1500  }
0x13: {  	[sflag:s10] =	ssyncset.done $0x0  }
0x14: {  	[sflag:s10] =	ssyncadd.s32 $0xFFFFEB00  }
0x15: {  	[tilespmem:s11], [sflag:$0x3] =	stream.linear.gather [hbm4b:s5+s2], $0x4000, $0x38;
	[tilespmem:$0x19800] =	vst v63  }
0x16: {  	_ =	swait.ge [sflag:s10], $0x4000  }
0x17: {  	[sflag:s10] =	ssyncset.done $0x0  }
0x18: {  	[sflag:s10] =	ssyncadd.s32 $0xFFFFC000  }
0x19: {  	[spmem:s13], [sflag:s12] =	dma.local [hbm:s4], $0x2800  }
0x1a: {  	_ =	swait.ge [sflag:s10], $0x2800  }
0x1b: {  	[sflag:s10] =	ssyncset.done $0x0  }
0x1c: {  	[sflag:s10] =	ssyncadd.s32 $0xFFFFD800  }
0x1d: {  	s18 =	simm.s32 $0x0;
	[bflag:$0x0] =	sbarrier.arrive $0xFFFF  }
0x1e: {  	[spmem:s1] =	stream.indirect.scatter.add.f32 [tilespmem:s11], [sflag:$0x1], $0x80, s18, s14, $0xb8;
	[tilespmem:$0x19800] =	vst v63  }
0x1f: {  	s31 =	simm.s32 $0x80  }
0x20: {  	[spmem:s1] =	stream.indirect.scatter.add.f32 [tilespmem:s11], [sflag:$0x2], $0x80, s31, s14, $0xb8;
	[tilespmem:$0x19800] =	vst v63  }
0x21: {  	_ =	swait.ge [sflag:s15], $0x4000  }
0x22: {  	[sflag:s15] =	ssyncset.done $0x0  }
0x23: {  	[sflag:s15] =	ssyncadd.s32 $0xFFFFC000  }
0x24: {  	_ =	swait.ge [sflag:s16], $0x4000  }
0x25: {  	s19 =	simm.s32 $0x800;
	s18 =	simm.s32 $0x400;
	[sflag:s16] =	ssyncset.done $0x0  }
.LBB2_2:
0x26: {  	s20 =	sshra.s32 s18, $0x2  }
0x27: {  	[sflag:s16] =	ssyncadd.s32 $0xFFFFC000;
	s18 =	smov.u32 s19;
	s21 =	sadd.s32 $0x400, s19  }
0x28: {  	[spmem:s1] =	stream.indirect.scatter.add.f32 [tilespmem:s11], [sflag:$0x1], $0x80, s20, s14, $0xb8;
	[tilespmem:$0x19800] =	vst v63  }
0x29: {  	p0 =	sne.s32 s19, $0x5000;
	s19 =	sadd.s32 $0x80, s20  }
0x2a: {  	[spmem:s1] =	stream.indirect.scatter.add.f32 [tilespmem:s11], [sflag:$0x2], $0x80, s19, s14, $0xb8;
	[tilespmem:$0x19800] =	vst v63  }
.Ltmp0:
0x2b: {  	_ =	swait.ge [sflag:s15], $0x4000;
	(pc) =	sbr.rel @p0 .LBB2_2-.Ltmp0, $4  }
0x2c: {  	[sflag:s15] =	ssyncset.done $0x0  }
0x2d: {  	[sflag:s15] =	ssyncadd.s32 $0xFFFFC000  }
0x2e: {  	_ =	swait.ge [sflag:s16], $0x4000  }
0x2f: {  	s19 =	smov.u32 s21;
	[sflag:s16] =	ssyncset.done $0x0  }
0x30: {  	s18 =	sshra.s32 s18, $0x2;
	[sflag:s16] =	ssyncadd.s32 $0xFFFFC000  }
0x31: {  	[spmem:s1] =	stream.indirect.scatter.add.f32 [tilespmem:s11], [sflag:$0x1], $0x80, s18, s14, $0xb8;
	[tilespmem:$0x19800] =	vst v63  }
0x32: {  	s18 =	sadd.s32 $0x80, s18  }
0x33: {  	[spmem:s1] =	stream.indirect.scatter.add.f32 [tilespmem:s11], [sflag:$0x2], $0x80, s18, s14, $0xb8;
	[tilespmem:$0x19800] =	vst v63  }
0x34: {  	_ =	swait.ge [sflag:s15], $0x4000  }
0x35: {  	[sflag:s15] =	ssyncset.done $0x0  }
0x36: {  	[sflag:s15] =	ssyncadd.s32 $0xFFFFC000  }
0x37: {  	_ =	swait.ge [sflag:s16], $0x4000  }
0x38: {  	[sflag:s16] =	ssyncset.done $0x0  }
0x39: {  	s29 =	simm.s32 $0x0;
	[sflag:s16] =	ssyncadd.s32 $0xFFFFC000  }
0x3a: {  	[tilespmem:s29], [sflag:$0x3] =	stream.linear.gather [hbm4b:s7+s29], $0x1500, $0x38;
	[tilespmem:$0x19800] =	vst v63  }
0x3b: {  	_ =	swait.ge [sflag:s10], $0x1500  }
0x3c: {  	[sflag:s10] =	ssyncset.done $0x0  }
0x3d: {  	s30 =	simm.s32 $0x0;
	[sflag:s10] =	ssyncadd.s32 $0xFFFFEB00  }
0x3e: {  	[spmem:s1] =	stream.indirect.scatter.add.f32 [tilespmem:s11], [sflag:$0x1], $0x80, s30, s14, $0xb8;
	[tilespmem:$0x19800] =	vst v63  }
0x3f: {  	s31 =	simm.s32 $0x80  }
0x40: {  	[spmem:s1] =	stream.indirect.scatter.add.f32 [tilespmem:s11], [sflag:$0x2], $0x80, s31, s14, $0xb8;
	[tilespmem:$0x19800] =	vst v63  }
0x41: {  	_ =	swait.ge [sflag:s15], $0x4000  }
0x42: {  	[sflag:s15] =	ssyncset.done $0x0  }
0x43: {  	[sflag:s15] =	ssyncadd.s32 $0xFFFFC000  }
0x44: {  	_ =	swait.ge [sflag:s16], $0x4000  }
0x45: {  	s19 =	simm.s32 $0x800;
	s18 =	simm.s32 $0x400;
	[sflag:s16] =	ssyncset.done $0x0  }
.LBB2_4:
0x46: {  	s20 =	sshra.s32 s18, $0x2  }
0x47: {  	[sflag:s16] =	ssyncadd.s32 $0xFFFFC000;
	s18 =	smov.u32 s19;
	s21 =	sadd.s32 $0x400, s19  }
0x48: {  	[spmem:s1] =	stream.indirect.scatter.add.f32 [tilespmem:s11], [sflag:$0x1], $0x80, s20, s14, $0xb8;
	[tilespmem:$0x19800] =	vst v63  }
0x49: {  	p0 =	sne.s32 s19, $0x5000;
	s19 =	sadd.s32 $0x80, s20  }
0x4a: {  	[spmem:s1] =	stream.indirect.scatter.add.f32 [tilespmem:s11], [sflag:$0x2], $0x80, s19, s14, $0xb8;
	[tilespmem:$0x19800] =	vst v63  }
.Ltmp1:
0x4b: {  	_ =	swait.ge [sflag:s15], $0x4000;
	(pc) =	sbr.rel @p0 .LBB2_4-.Ltmp1, $4  }
0x4c: {  	[sflag:s15] =	ssyncset.done $0x0  }
0x4d: {  	[sflag:s15] =	ssyncadd.s32 $0xFFFFC000  }
0x4e: {  	_ =	swait.ge [sflag:s16], $0x4000  }
0x4f: {  	s19 =	smov.u32 s21;
	[sflag:s16] =	ssyncset.done $0x0  }
0x50: {  	s18 =	sshra.s32 s18, $0x2;
	[sflag:s16] =	ssyncadd.s32 $0xFFFFC000  }
0x51: {  	[spmem:s1] =	stream.indirect.scatter.add.f32 [tilespmem:s11], [sflag:$0x1], $0x80, s18, s14, $0xb8;
	[tilespmem:$0x19800] =	vst v63  }
0x52: {  	s18 =	sadd.s32 $0x80, s18  }
0x53: {  	[spmem:s1] =	stream.indirect.scatter.add.f32 [tilespmem:s11], [sflag:$0x2], $0x80, s18, s14, $0xb8;
	[tilespmem:$0x19800] =	vst v63  }
0x54: {  	_ =	swait.ge [sflag:s15], $0x4000  }
0x55: {  	[sflag:s15] =	ssyncset.done $0x0  }
0x56: {  	[sflag:s15] =	ssyncadd.s32 $0xFFFFC000  }
0x57: {  	_ =	swait.ge [sflag:s16], $0x4000  }
0x58: {  	s17 =	sadd.s32 $0x1, s17;
	[sflag:s16] =	ssyncset.done $0x0  }
0x59: {  	p0 =	sne.s32 s17, s9;
	[sflag:s16] =	ssyncadd.s32 $0xFFFFC000  }
.Ltmp2:
0x5a: {  	[bflag:$0x0] =	sbarrier.arrive $0xFFFF;
	(pc) =	sbr.rel @p0 .LBB2_1-.Ltmp2, $4  }
0x5b: {  	[hbm:s8], [sflag:s12] =	dma.local [spmem:s13], $0x2800  }
0x5c: {  	_ =	swait.ge [sflag:s10], $0x2800  }
0x5d: {  	[sflag:s10] =	ssyncset.done $0x0  }
0x5e: {  	[sflag:s10] =	ssyncadd.s32 $0xFFFFD800  }
0x5f: {  	_ =	sfence.sel $0x180000  }
0x60: {  	[bflag:$0x0] =	sbarrier.arrive $0xFFFF  }
0x61: {  	p0 =	sne.s32 s3, $0x0;
	_ =	strace $0x90000047  }
0x62: {  	s0 =	sadd.s32 @!p0 $0x100000, s0;
	[bflag:$0x2] =	sbarrier.arrive $0xFFFF  }
0x63: {  	[sflag:s0] =	ssyncadd.tile.s32 @!p0 $0x1;
	_ =	shalt  }
.Lfunc_end2:
_tile_overlayer_lowered:
.L_overlay_start_2:
0x64: {  	(tag) =	ssettag $0x2  }
0x65: {  	s0 =	rddreg [dreg:$0x0];
	s2 =	stileid.u32  }
0x66: {  	s1 =	rddreg [dreg:$0x1];
	p0 =	sne.s32 s2, $0x0  }
0x67: {  	s3 =	rddreg [dreg:$0x2];
	[bflag:$0x3] =	sbarrier.arrive $0xFFFF;
	s2 =	simm.s32 @!p0 $0x1C03  }
0x68: {  	[timem:s3], [sflag:s2] =	dma.local @!p0 [hbm:s0], s1  }
0x69: {  	s0 =	simm.s32 @!p0 $0x3  }
0x6a: {  	_ =	swait.ge @!p0 [sflag:s0], s1  }
0x6b: {  	s1 =	ssub.s32 @!p0 $0x0, s1;
	[sflag:s0] =	ssyncset.done @!p0 $0x0  }
0x6c: {  	[sflag:s0] =	ssyncadd.s32 @!p0 s1  }
0x6d: {  	[bflag:$0x3] =	sbarrier.arrive $0xFFFF  }
0x6e: {  	_ =	shalt  }

// kernel: kernel.22.cloned.1.call-start
scs
__scs_entry_jumppad:
0x0: {  	(pc) =	sbr.rel $0x88, $3  }
0x1: {  	(tag) =	ssettag $0x0;
	lr =	simm.s32 $0x1  }
0x2: {  	[smem:$0x3F98] =	sst lr;
	_ =	strace $0xD0000000  }
0x3: {  	_ = 	snop  }
0x4: {  	_ = 	snop  }
0x5: {  	_ = 	snop  }
0x6: {  	_ = 	snop  }
0x7: {  	_ = 	snop  }
__scs_overlays_trampoline_lowered:
0x8: {  	[smem:$0x3FA7] =	sst s0  }
0x9: {  	[smem:$0x3FA8] =	sst s1  }
0xa: {  	[smem:$0x3FA9] =	sst s2  }
0xb: {  	[smem:$0x3FAA] =	sst s3  }
0xc: {  	[smem:$0x3FAB] =	sst s4  }
0xd: {  	[smem:$0x3FAC] =	sst s5  }
0xe: {  	[smem:$0x3FAD] =	sst s6  }
0xf: {  	[smem:$0x3FAE] =	sst s7  }
0x10: {  	[smem:$0x3FAF] =	sst s8  }
0x11: {  	[smem:$0x3FB0] =	sst s9;
	s0 =	simm.s32 @!p0 $0x0  }
0x12: {  	s1 =	sld [smem:$0x3F96];
	s0 =	simm.s32 @p0 $0x1  }
0x13: {  	[smem:$0x3FB1] =	sst s0;
	s0 =	simm.s32 @!p1 $0x0  }
0x14: {  	s2 =	sld [smem:$0x3F95];
	s0 =	simm.s32 @p1 $0x1  }
0x15: {  	[smem:$0x3FB2] =	sst s0;
	s0 =	simm.s32 @!p2 $0x0  }
0x16: {  	s3 =	sld [smem:$0x3FDB];
	s0 =	simm.s32 @p2 $0x1  }
0x17: {  	s4 =	simm.s32 $0x1BF5;
	[smem:$0x3FB4] =	sst s0  }
0x18: {  	s0 =	sld [smem:$0x3F97];
	_ =	swait.ge [sflag:s4], $0x0  }
0x19: {  	s7 =	sld [smem:$0x3F98]  }
0x1a: {  	s8 =	sadd.s32 $0xFFFFE003, lr  }
0x1b: {  	s9 =	sadd.s32 $0xFFFFFEF7, lr;
	s5 =	simm.s32 $0xFFFFFFFF;
	p2 =	slt.u32 s8, $0xFFFFF086  }
0x1c: {  	p1 =	slt.u32 s9, $0xF7A;
	s5 =	simm.s32 @!p2 $0x0  }
0x1d: {  	s5 =	simm.s32 @p1 $0x1;
	p0 =	seq.s32 s7, s2  }
0x1e: {  	s7 =	smul.u32 @!p0 $0xF7A, s2;
	p2 =	seq.s32 @!p0 s5, $0x0  }
0x1f: {  	s9 =	smul.u32 $0xF7A, s1;
	s8 =	simm.s32 @!p0 $0x1BF5;
	p2 =	por !p2, p0  }
0x20: {  	[sflag:s8] =	ssyncset.s32 @!p0 $0xFFFFF086;
	s6 =	sadd.s32 @!p0 s3, s7;
	s7 =	simm.s32 @!p0 $0x108  }
0x21: {  	s3 =	sadd.s32 s3, s9;
	s6 =	sadd.s32 @!p0 $0x88, s6;
	s7 =	simm.s32 @p2 $0x1082  }
0x22: {  	[simem:s7], [sflag:s8] =	dma.local @!p0 [hbm:s6], $0xF7A  }
0x23: {  	s9 =	sor.u32 $0xD0000000, s2;
	s6 =	simm.s32 $0x108;
	_ =	swait.ge @!p0 [sflag:s8], $0x0  }
0x24: {  	s3 =	sadd.s32 $0x88, s3;
	s6 =	simm.s32 @!p1 $0x1082;
	[sflag:s4] =	ssyncset.s32 $0xFFFFF086  }
0x25: {  	[simem:s6], [sflag:s4] =	dma.local [hbm:s3], $0xF7A  }
0x26: {  	[smem:$0x3F98] =	sst s1;
	(tag) =	ssettag s2;
	_ =	strace s9  }
0x27: {  	s1 =	sld [smem:$0x3FA8]  }
0x28: {  	s2 =	sld [smem:$0x3FA9]  }
0x29: {  	s4 =	sld [smem:$0x3FAB]  }
0x2a: {  	p0 =	seq.s32 s5, $0x0;
	s5 =	sld [smem:$0x3FAC]  }
0x2b: {  	s6 =	sld [smem:$0x3FAD]  }
0x2c: {  	s7 =	sld [smem:$0x3FAE]  }
0x2d: {  	s3 =	simm.s32 $0x108;
	s8 =	sld [smem:$0x3FAF]  }
0x2e: {  	s3 =	simm.s32 @!p0 $0x1082;
	s9 =	sld [smem:$0x3FB0]  }
0x2f: {  	lr =	sadd.s32 s0, s3;
	s0 =	sld [smem:$0x3FA7]  }
0x30: {  	s3 =	sld [smem:$0x3FAA]  }
0x31: {  	[smem:$0x3FB3] =	sst s10  }
0x32: {  	s10 =	sld [smem:$0x3FB1];
	_ =	sdelay $0x3  }
0x33: {  	p0 =	seq.s32 s10, $0x1;
	s10 =	sld [smem:$0x3FB3];
	_ =	sdelay $0x3  }
0x34: {  	[smem:$0x3FB3] =	sst s10  }
0x35: {  	s10 =	sld [smem:$0x3FB2];
	_ =	sdelay $0x3  }
0x36: {  	p1 =	seq.s32 s10, $0x1;
	s10 =	sld [smem:$0x3FB3];
	_ =	sdelay $0x3  }
0x37: {  	[smem:$0x3FB3] =	sst s10  }
0x38: {  	s10 =	sld [smem:$0x3FB4]  }
0x39: {  	_ = 	snop;
	(pc) =	sbr.ind lr, $3  }
0x3a: {  	_ = 	snop  }
0x3b: {  	_ = 	snop  }
0x3c: {  	p2 =	seq.s32 s10, $0x1;
	s10 =	sld [smem:$0x3FB3]  }
0x3d: {  	_ =	shalt  }
0x3e: {  	_ =	shalt  }
0x3f: {  	_ =	shalt  }
0x40: {  	_ =	shalt  }
0x41: {  	_ =	shalt  }
0x42: {  	_ =	shalt  }
0x43: {  	_ =	shalt  }
0x44: {  	_ =	shalt  }
0x45: {  	_ =	shalt  }
0x46: {  	_ =	shalt  }
0x47: {  	_ =	shalt  }
0x48: {  	_ =	shalt  }
0x49: {  	_ =	shalt  }
0x4a: {  	_ =	shalt  }
0x4b: {  	_ =	shalt  }
0x4c: {  	_ =	shalt  }
0x4d: {  	_ =	shalt  }
0x4e: {  	_ =	shalt  }
0x4f: {  	_ =	shalt  }
0x50: {  	_ =	shalt  }
0x51: {  	_ =	shalt  }
0x52: {  	_ =	shalt  }
0x53: {  	_ =	shalt  }
0x54: {  	_ =	shalt  }
0x55: {  	_ =	shalt  }
0x56: {  	_ =	shalt  }
0x57: {  	_ =	shalt  }
0x58: {  	_ =	shalt  }
0x59: {  	_ =	shalt  }
0x5a: {  	_ =	shalt  }
0x5b: {  	_ =	shalt  }
0x5c: {  	_ =	shalt  }
0x5d: {  	_ =	shalt  }
0x5e: {  	_ =	shalt  }
0x5f: {  	_ =	shalt  }
0x60: {  	_ =	shalt  }
0x61: {  	_ =	shalt  }
0x62: {  	_ =	shalt  }
0x63: {  	_ =	shalt  }
0x64: {  	_ =	shalt  }
0x65: {  	_ =	shalt  }
0x66: {  	_ =	shalt  }
0x67: {  	_ =	shalt  }
0x68: {  	_ =	shalt  }
0x69: {  	_ =	shalt  }
0x6a: {  	_ =	shalt  }
0x6b: {  	_ =	shalt  }
0x6c: {  	_ =	shalt  }
0x6d: {  	_ =	shalt  }
0x6e: {  	_ =	shalt  }
0x6f: {  	_ =	shalt  }
0x70: {  	_ =	shalt  }
0x71: {  	_ =	shalt  }
0x72: {  	_ =	shalt  }
0x73: {  	_ =	shalt  }
0x74: {  	_ =	shalt  }
0x75: {  	_ =	shalt  }
0x76: {  	_ =	shalt  }
0x77: {  	_ =	shalt  }
0x78: {  	_ =	shalt  }
0x79: {  	_ =	shalt  }
0x7a: {  	_ =	shalt  }
0x7b: {  	_ =	shalt  }
0x7c: {  	_ =	shalt  }
0x7d: {  	_ =	shalt  }
0x7e: {  	_ =	shalt  }
0x7f: {  	_ =	shalt  }
0x80: {  	_ =	shalt  }
0x81: {  	_ =	shalt  }
0x82: {  	_ =	shalt  }
0x83: {  	_ =	shalt  }
0x84: {  	_ =	shalt  }
0x85: {  	_ =	shalt  }
0x86: {  	_ =	shalt  }
0x87: {  	_ =	shalt  }
.Lfunc_end0:
.L_simem_size_0:
called_computation.1_lowered:
.L_overlay_start_0:
0x88: {  	s2 =	sld [smem:$0x3FD9]  }
0x89: {  	s3 =	sld [smem:$0x3FFE];
	_ =	sdelay $0x1  }
0x8a: {  	s1 =	srdreg.scid  }
0x8b: {  	s0 =	sand.u32 $0x1, s1  }
0x8c: {  	s16 =	sshll.u32 s0, $0xA;
	s2 =	sadd.s32 s3, s2  }
0x8d: {  	s2 =	sadd.s32 s2, s16  }
0x8e: {  	[smem:$0x3FBF] =	sst s2  }
0x8f: {  	_ = 	snop  }
0x90: {  	(tm) =	ssettm $0x1  }
0x91: {  	s17 =	sld [smem:$0x3FFB];
	_ =	sdelay $0x3  }
0x92: {  	_ =	strace s17  }
0x93: {  	s2 =	sld [smem:$0x3FFC];
	_ =	sdelay $0x3  }
0x94: {  	_ =	strace s2  }
0x95: {  	s2 =	sld [smem:$0x3FFD];
	_ =	sdelay $0x3  }
0x96: {  	_ =	strace s2  }
0x97: {  	_ =	strace $0x8FFFFFFF  }
0x98: {  	s18 =	sld [smem:$0x3FDB];
	_ =	sdelay $0x1  }
0x99: {  	s19 =	simm.s32 $_scs_section_size  }
0x9a: {  	s4 =	simm.s32 $_size__tile_overlayer_lowered;
	s5 =	simm.s32 $_tile_overlayer_lowered  }
0x9b: {  	s22 =	simm.s32 $0x1BFF;
	s21 =	sshll.u32 s5, $0x1;
	s2 =	sadd.s32 s19, s18  }
0x9c: {  	s6 =	simm.s32 $0x0;
	s20 =	sshll.u32 s4, $0x1;
	s4 =	sadd.s32 s21, s2  }
0x9d: {  	[timem:s6], [sflag:s22] =	dma.local [hbm:s4], s20  }
0x9e: {  	_ =	swait.ge [sflag:s22], s20  }
0x9f: {  	s3 =	ssub.s32 $0x0, s20;
	[sflag:s22] =	ssyncset.done $0x0  }
0xa0: {  	[sflag:s22] =	ssyncadd.s32 s3;
	_ =	sdelay $0x1  }
0xa1: {  	s23 =	simm.s32 $0x1B8B  }
0xa2: {  	_ =	swait.ge [sflag:s23], $0x1  }
0xa3: {  	[sflag:s23] =	ssyncset.done $0x0  }
0xa4: {  	s25 =	simm.s32 $0x1B8E;
	s24 =	sld [smem:$0x3FFE];
	[sflag:s23] =	ssyncadd.s32 $0xFFFFFFFF  }
0xa5: {  	s26 =	simm.s32 $execute0_lowered;
	[smem:$0x3FD2] =	sst s25  }
0xa6: {  	s4 =	sshll.u32 s26, $0x1;
	_ =	strace $0x80000049;
	[dreg:$0x1] =	wrdreg $0xFFFFFFFF  }
0xa7: {  	s28 =	simm.s32 $_size_execute0_lowered;
	s2 =	sadd.s32 s2, s4;
	[dreg:$0x0] =	wrdreg $0x0  }
0xa8: {  	s4 =	sshll.u32 s28, $0x1;
	[dreg:$0x2] =	wrdreg s2  }
0xa9: {  	[dreg:$0x3] =	wrdreg s4  }
0xaa: {  	[dreg:$0x4] =	wrdreg $0xC0  }
0xab: {  	_ =	task [dreg:s6], $0x5FFFF  }
0xac: {  	[dreg:$0x1] =	wrdreg $0xFFFFFFFF  }
0xad: {  	[dreg:$0x0] =	wrdreg $0x60  }
0xae: {  	[dreg:$0x2] =	wrdreg s24  }
0xaf: {  	[dreg:$0x3] =	wrdreg $0xB0000  }
0xb0: {  	[dreg:$0x4] =	wrdreg $0x9  }
0xb1: {  	_ =	task.clear_ibuf [dreg:s6], $0x5FFFF;
	_ =	strace $0x90000049  }
0xb2: {  	s29 =	simm.s32 $0x9;
	_ =	strace $0x8000004B  }
0xb3: {  	_ =	swait.ge [sflag:s29], $0x1  }
0xb4: {  	[sflag:s29] =	ssyncadd.s32 $0xFFFFFFFF  }
0xb5: {  	_ =	strace $0x9000004B  }
0xb6: {  	_ =	sfence  }
0xb7: {  	s30 =	sld [smem:$0x0];
	_ =	sdelay $0x2  }
0xb8: {  	s31 =	sshll.u32 s1, $0xD;
	s1 =	sshrl.u32 s1, $0x2  }
0xb9: {  	s3 =	sand.u32 $0x4000, s31;
	s1 =	sadd.s32 s1, s30  }
0xba: {  	s0 =	sor.u32 s3, s0;
	s1 =	sshll.u32 s1, $0x11  }
0xbb: {  	s0 =	sor.u32 s1, s0  }
0xbc: {  	s0 =	sadd.s32 $0x8F2B, s0  }
0xbd: {  	[sflag:s0] =	ssyncadd.remote.s32 $0x1  }
0xbe: {  	_ =	sfence.sel $0xFFFF  }
0xbf: {  	[dreg:$0x0] =	wrdreg $0xFFFFFFFF;
	(pc) =	sbr.abs _section_cstart, $3  }
0xc0: {  	[dreg:$0x1] =	wrdreg $0xFFFFFFFF  }
0xc1: {  	_ =	task.clear_ibuf [dreg:s6], $0x2FFFF;
	_ =	strace $0x9FFFFFFF  }
0xc2: {  	(tm) =	ssettm $0x7FFFFFFF  }
0xc3: {  	_ =	shalt  }
tec
execute0_lowered:
.L_overlay_start_1:
0x0: {  	(tag) =	ssettag $0x1  }
0x1: {  	s6 =	rddreg [dreg:$0x0]  }
0x2: {  	s1 =	rddreg [dreg:$0x1]  }
0x3: {  	s0 =	rddreg [dreg:$0x2];
	s2 =	simm.s32 $0x0;
	s3 =	srdreg.scid  }
0x4: {  	s16 =	simm.s32 $0x80;
	s17 =	simm.s32 $0x3000;
	s18 =	simm.s32 $0x7000  }
0x5: {  	s19 =	simm.s32 $0x1;
	s20 =	simm.s32 $0x2;
	s21 =	simm.s32 $0x3  }
0x6: {  	s22 =	simm.s32 $0x4;
	s23 =	simm.s32 $0x0;
	[smem:$0x7FF] =	sst s2  }
0x7: {  	s7 =	sand.u32 $0x1, s3;
	s4 =	sadd.s32 $0x10800, s6;
	s3 =	stileid.u32  }
0x8: {  	s5 =	sadd.s32 $0x13000, s6;
	s12 =	sadd.s32 $0x63800, s6;
	s8 =	smul.u32 $0x140000, s7  }
0x9: {  	s25 =	sadd.s32 $0x4800, s6;
	_ =	strace $0x8000004A;
	s9 =	smul.u32 $0x14000, s3  }
0xa: {  	s10 =	sshll.u32 s7, $0x5;
	s11 =	sshll.u32 s3, $0x1;
	s7 =	ssub.s32 $0x2, s7  }
0xb: {  	s29 =	smul.u32 $0x50000, s3;
	s31 =	sshll.u32 s3, $0x6;
	s10 =	sor.u32 s11, s10  }
0xc: {  	s28 =	sshrl.u32 s7, $0x1;
	s8 =	sadd.s32 s9, s8;
	s26 =	smul.u32 $0x300, s10  }
0xd: {  	s10 =	smul.u32 $0x1800, s10;
	s14 =	ssub.s32 s7, s28;
	s8 =	sshrl.u32 s8, $0x3  }
0xe: {  	s11 =	smax.u32 s14, $0x1;
	s14 =	sor.u32 $0x1C05, s31;
	s13 =	sadd.s32 s8, s6  }
0xf: {  	s6 =	sadd.s32 s12, s26;
	s10 =	sshrl.u32 s10, $0x3;
	s8 =	sshrl.u32 s29, $0x2  }
0x10: {  	s7 =	sadd.s32 s25, s26;
	s30 =	sadd.s32 $0x300, s10;
	s15 =	sadd.s32 s8, s1  }
0x11: {  	s10 =	sadd.s32 $0x6F800, s13;
	s13 =	simm.s32 $0x1800;
	s8 =	sadd.s32 s12, s30  }
0x12: {  	s9 =	sadd.s32 s25, s30;
	s12 =	simm.s32 $0x5;
	s15 =	sshrl.u32 s15, $0x3  }
.LBB2_1:
0x13: {  	[tilespmem:s2], [sflag:$0x5] =	stream.linear.gather [hbm4b:s6+s2], $0x1500, $0x38;
	[tilespmem:$0x1F000] =	vst v63  }
0x14: {  	_ =	swait.ge [sflag:s12], $0x1500  }
0x15: {  	[sflag:s12] =	ssyncset.done $0x0  }
0x16: {  	[sflag:s12] =	ssyncadd.s32 $0xFFFFEB00  }
0x17: {  	[tilespmem:s13], [sflag:$0x5] =	stream.linear.gather [hbm4b:s7+s2], $0x1500, $0x38;
	[tilespmem:$0x1F000] =	vst v63  }
0x18: {  	_ =	swait.ge [sflag:s12], $0x1500  }
0x19: {  	[sflag:s12] =	ssyncset.done $0x0  }
0x1a: {  	[sflag:s12] =	ssyncadd.s32 $0xFFFFEB00  }
0x1b: {  	[spmem:s15], [sflag:s14] =	dma.local [hbm:s4], $0x2800  }
0x1c: {  	_ =	swait.ge [sflag:s12], $0x2800  }
0x1d: {  	[sflag:s12] =	ssyncset.done $0x0  }
0x1e: {  	[sflag:s12] =	ssyncadd.s32 $0xFFFFD800  }
0x1f: {  	s24 =	simm.s32 $0x0;
	[bflag:$0x0] =	sbarrier.arrive $0xFFFF  }
0x20: {  	[tilespmem:s17], [sflag:$0x1] =	stream.indirect.gather [hbm4b:s5+s16], $0x80, s24, s16, $0xb8;
	[tilespmem:$0x1F000] =	vst v63  }
0x21: {  	s29 =	simm.s32 $0x80  }
0x22: {  	[tilespmem:s18], [sflag:$0x2] =	stream.indirect.gather [hbm4b:s5+s16], $0x80, s29, s16, $0xb8;
	[tilespmem:$0x1F000] =	vst v63  }
0x23: {  	_ =	swait.ge [sflag:s19], $0x4000  }
0x24: {  	[sflag:s19] =	ssyncset.done $0x0  }
0x25: {  	s30 =	simm.s32 $0x1800;
	[sflag:s19] =	ssyncadd.s32 $0xFFFFC000  }
0x26: {  	[spmem:s1] =	stream.indirect.scatter.add.f32 [tilespmem:s17], [sflag:$0x3], $0x80, s30, s16, $0xb8;
	[tilespmem:$0x1F000] =	vst v63  }
0x27: {  	_ =	swait.ge [sflag:s20], $0x4000  }
0x28: {  	[sflag:s20] =	ssyncset.done $0x0  }
0x29: {  	s31 =	simm.s32 $0x1880;
	[sflag:s20] =	ssyncadd.s32 $0xFFFFC000  }
0x2a: {  	[spmem:s1] =	stream.indirect.scatter.add.f32 [tilespmem:s18], [sflag:$0x4], $0x80, s31, s16, $0xb8;
	[tilespmem:$0x1F000] =	vst v63  }
0x2b: {  	_ =	swait.ge [sflag:s21], $0x4000  }
0x2c: {  	[sflag:s21] =	ssyncset.done $0x0  }
0x2d: {  	[sflag:s21] =	ssyncadd.s32 $0xFFFFC000  }
0x2e: {  	_ =	swait.ge [sflag:s22], $0x4000  }
0x2f: {  	s25 =	simm.s32 $0x800;
	s24 =	simm.s32 $0x400;
	[sflag:s22] =	ssyncset.done $0x0  }
.LBB2_2:
0x30: {  	s26 =	sshra.s32 s24, $0x2  }
0x31: {  	[sflag:s22] =	ssyncadd.s32 $0xFFFFC000;
	s24 =	smov.u32 s25;
	s28 =	sadd.s32 $0x400, s25  }
0x32: {  	[tilespmem:s17], [sflag:$0x1] =	stream.indirect.gather [hbm4b:s5+s16], $0x80, s26, s16, $0xb8;
	[tilespmem:$0x1F000] =	vst v63  }
0x33: {  	p0 =	sne.s32 s25, $0x5000;
	s25 =	sadd.s32 $0x80, s26  }
0x34: {  	[tilespmem:s18], [sflag:$0x2] =	stream.indirect.gather [hbm4b:s5+s16], $0x80, s25, s16, $0xb8;
	[tilespmem:$0x1F000] =	vst v63  }
0x35: {  	_ =	swait.ge [sflag:s19], $0x4000  }
0x36: {  	[sflag:s19] =	ssyncset.done $0x0  }
0x37: {  	s25 =	sadd.s32 $0x1800, s26;
	[sflag:s19] =	ssyncadd.s32 $0xFFFFC000  }
0x38: {  	[spmem:s1] =	stream.indirect.scatter.add.f32 [tilespmem:s17], [sflag:$0x3], $0x80, s25, s16, $0xb8;
	[tilespmem:$0x1F000] =	vst v63  }
0x39: {  	_ =	swait.ge [sflag:s20], $0x4000  }
0x3a: {  	[sflag:s20] =	ssyncset.done $0x0  }
0x3b: {  	s25 =	sadd.s32 $0x1880, s26;
	[sflag:s20] =	ssyncadd.s32 $0xFFFFC000  }
0x3c: {  	[spmem:s1] =	stream.indirect.scatter.add.f32 [tilespmem:s18], [sflag:$0x4], $0x80, s25, s16, $0xb8;
	[tilespmem:$0x1F000] =	vst v63  }
.Ltmp0:
0x3d: {  	_ =	swait.ge [sflag:s21], $0x4000;
	(pc) =	sbr.rel @p0 .LBB2_2-.Ltmp0, $4  }
0x3e: {  	[sflag:s21] =	ssyncset.done $0x0  }
0x3f: {  	[sflag:s21] =	ssyncadd.s32 $0xFFFFC000  }
0x40: {  	_ =	swait.ge [sflag:s22], $0x4000  }
0x41: {  	s25 =	smov.u32 s28;
	[sflag:s22] =	ssyncset.done $0x0  }
0x42: {  	s24 =	sshra.s32 s24, $0x2;
	[sflag:s22] =	ssyncadd.s32 $0xFFFFC000  }
0x43: {  	[tilespmem:s17], [sflag:$0x1] =	stream.indirect.gather [hbm4b:s5+s16], $0x80, s24, s16, $0xb8;
	[tilespmem:$0x1F000] =	vst v63  }
0x44: {  	s25 =	sadd.s32 $0x80, s24  }
0x45: {  	[tilespmem:s18], [sflag:$0x2] =	stream.indirect.gather [hbm4b:s5+s16], $0x80, s25, s16, $0xb8;
	[tilespmem:$0x1F000] =	vst v63  }
0x46: {  	_ =	swait.ge [sflag:s19], $0x4000  }
0x47: {  	[sflag:s19] =	ssyncset.done $0x0  }
0x48: {  	s31 =	sadd.s32 $0x1800, s24;
	[sflag:s19] =	ssyncadd.s32 $0xFFFFC000  }
0x49: {  	[spmem:s1] =	stream.indirect.scatter.add.f32 [tilespmem:s17], [sflag:$0x3], $0x80, s31, s16, $0xb8;
	[tilespmem:$0x1F000] =	vst v63  }
0x4a: {  	_ =	swait.ge [sflag:s20], $0x4000  }
0x4b: {  	[sflag:s20] =	ssyncset.done $0x0  }
0x4c: {  	s24 =	sadd.s32 $0x1880, s24;
	[sflag:s20] =	ssyncadd.s32 $0xFFFFC000  }
0x4d: {  	[spmem:s1] =	stream.indirect.scatter.add.f32 [tilespmem:s18], [sflag:$0x4], $0x80, s24, s16, $0xb8;
	[tilespmem:$0x1F000] =	vst v63  }
0x4e: {  	_ =	swait.ge [sflag:s21], $0x4000  }
0x4f: {  	[sflag:s21] =	ssyncset.done $0x0  }
0x50: {  	[sflag:s21] =	ssyncadd.s32 $0xFFFFC000  }
0x51: {  	_ =	swait.ge [sflag:s22], $0x4000  }
0x52: {  	[sflag:s22] =	ssyncset.done $0x0  }
0x53: {  	s26 =	simm.s32 $0x0;
	[sflag:s22] =	ssyncadd.s32 $0xFFFFC000  }
0x54: {  	[tilespmem:s26], [sflag:$0x5] =	stream.linear.gather [hbm4b:s8+s26], $0x1500, $0x38;
	[tilespmem:$0x1F000] =	vst v63  }
0x55: {  	_ =	swait.ge [sflag:s12], $0x1500  }
0x56: {  	[sflag:s12] =	ssyncset.done $0x0  }
0x57: {  	[sflag:s12] =	ssyncadd.s32 $0xFFFFEB00  }
0x58: {  	[tilespmem:s13], [sflag:$0x5] =	stream.linear.gather [hbm4b:s9+s26], $0x1500, $0x38;
	[tilespmem:$0x1F000] =	vst v63  }
0x59: {  	_ =	swait.ge [sflag:s12], $0x1500  }
0x5a: {  	[sflag:s12] =	ssyncset.done $0x0  }
0x5b: {  	s28 =	simm.s32 $0x0;
	[sflag:s12] =	ssyncadd.s32 $0xFFFFEB00  }
0x5c: {  	[tilespmem:s17], [sflag:$0x1] =	stream.indirect.gather [hbm4b:s5+s16], $0x80, s28, s16, $0xb8;
	[tilespmem:$0x1F000] =	vst v63  }
0x5d: {  	s29 =	simm.s32 $0x80  }
0x5e: {  	[tilespmem:s18], [sflag:$0x2] =	stream.indirect.gather [hbm4b:s5+s16], $0x80, s29, s16, $0xb8;
	[tilespmem:$0x1F000] =	vst v63  }
0x5f: {  	_ =	swait.ge [sflag:s19], $0x4000  }
0x60: {  	[sflag:s19] =	ssyncset.done $0x0  }
0x61: {  	s30 =	simm.s32 $0x1800;
	[sflag:s19] =	ssyncadd.s32 $0xFFFFC000  }
0x62: {  	[spmem:s1] =	stream.indirect.scatter.add.f32 [tilespmem:s17], [sflag:$0x3], $0x80, s30, s16, $0xb8;
	[tilespmem:$0x1F000] =	vst v63  }
0x63: {  	_ =	swait.ge [sflag:s20], $0x4000  }
0x64: {  	[sflag:s20] =	ssyncset.done $0x0  }
0x65: {  	s31 =	simm.s32 $0x1880;
	[sflag:s20] =	ssyncadd.s32 $0xFFFFC000  }
0x66: {  	[spmem:s1] =	stream.indirect.scatter.add.f32 [tilespmem:s18], [sflag:$0x4], $0x80, s31, s16, $0xb8;
	[tilespmem:$0x1F000] =	vst v63  }
0x67: {  	_ =	swait.ge [sflag:s21], $0x4000  }
0x68: {  	[sflag:s21] =	ssyncset.done $0x0  }
0x69: {  	[sflag:s21] =	ssyncadd.s32 $0xFFFFC000  }
0x6a: {  	_ =	swait.ge [sflag:s22], $0x4000  }
0x6b: {  	s25 =	simm.s32 $0x800;
	s24 =	simm.s32 $0x400;
	[sflag:s22] =	ssyncset.done $0x0  }
.LBB2_4:
0x6c: {  	s26 =	sshra.s32 s24, $0x2  }
0x6d: {  	[sflag:s22] =	ssyncadd.s32 $0xFFFFC000;
	s24 =	smov.u32 s25;
	s28 =	sadd.s32 $0x400, s25  }
0x6e: {  	[tilespmem:s17], [sflag:$0x1] =	stream.indirect.gather [hbm4b:s5+s16], $0x80, s26, s16, $0xb8;
	[tilespmem:$0x1F000] =	vst v63  }
0x6f: {  	p0 =	sne.s32 s25, $0x5000;
	s25 =	sadd.s32 $0x80, s26  }
0x70: {  	[tilespmem:s18], [sflag:$0x2] =	stream.indirect.gather [hbm4b:s5+s16], $0x80, s25, s16, $0xb8;
	[tilespmem:$0x1F000] =	vst v63  }
0x71: {  	_ =	swait.ge [sflag:s19], $0x4000  }
0x72: {  	[sflag:s19] =	ssyncset.done $0x0  }
0x73: {  	s25 =	sadd.s32 $0x1800, s26;
	[sflag:s19] =	ssyncadd.s32 $0xFFFFC000  }
0x74: {  	[spmem:s1] =	stream.indirect.scatter.add.f32 [tilespmem:s17], [sflag:$0x3], $0x80, s25, s16, $0xb8;
	[tilespmem:$0x1F000] =	vst v63  }
0x75: {  	_ =	swait.ge [sflag:s20], $0x4000  }
0x76: {  	[sflag:s20] =	ssyncset.done $0x0  }
0x77: {  	s25 =	sadd.s32 $0x1880, s26;
	[sflag:s20] =	ssyncadd.s32 $0xFFFFC000  }
0x78: {  	[spmem:s1] =	stream.indirect.scatter.add.f32 [tilespmem:s18], [sflag:$0x4], $0x80, s25, s16, $0xb8;
	[tilespmem:$0x1F000] =	vst v63  }
.Ltmp1:
0x79: {  	_ =	swait.ge [sflag:s21], $0x4000;
	(pc) =	sbr.rel @p0 .LBB2_4-.Ltmp1, $4  }
0x7a: {  	[sflag:s21] =	ssyncset.done $0x0  }
0x7b: {  	[sflag:s21] =	ssyncadd.s32 $0xFFFFC000  }
0x7c: {  	_ =	swait.ge [sflag:s22], $0x4000  }
0x7d: {  	s25 =	smov.u32 s28;
	[sflag:s22] =	ssyncset.done $0x0  }
0x7e: {  	s24 =	sshra.s32 s24, $0x2;
	[sflag:s22] =	ssyncadd.s32 $0xFFFFC000  }
0x7f: {  	[tilespmem:s17], [sflag:$0x1] =	stream.indirect.gather [hbm4b:s5+s16], $0x80, s24, s16, $0xb8;
	[tilespmem:$0x1F000] =	vst v63  }
0x80: {  	s25 =	sadd.s32 $0x80, s24  }
0x81: {  	[tilespmem:s18], [sflag:$0x2] =	stream.indirect.gather [hbm4b:s5+s16], $0x80, s25, s16, $0xb8;
	[tilespmem:$0x1F000] =	vst v63  }
0x82: {  	_ =	swait.ge [sflag:s19], $0x4000  }
0x83: {  	[sflag:s19] =	ssyncset.done $0x0  }
0x84: {  	s31 =	sadd.s32 $0x1800, s24;
	[sflag:s19] =	ssyncadd.s32 $0xFFFFC000  }
0x85: {  	[spmem:s1] =	stream.indirect.scatter.add.f32 [tilespmem:s17], [sflag:$0x3], $0x80, s31, s16, $0xb8;
	[tilespmem:$0x1F000] =	vst v63  }
0x86: {  	_ =	swait.ge [sflag:s20], $0x4000  }
0x87: {  	[sflag:s20] =	ssyncset.done $0x0  }
0x88: {  	s24 =	sadd.s32 $0x1880, s24;
	[sflag:s20] =	ssyncadd.s32 $0xFFFFC000  }
0x89: {  	[spmem:s1] =	stream.indirect.scatter.add.f32 [tilespmem:s18], [sflag:$0x4], $0x80, s24, s16, $0xb8;
	[tilespmem:$0x1F000] =	vst v63  }
0x8a: {  	_ =	swait.ge [sflag:s21], $0x4000  }
0x8b: {  	[sflag:s21] =	ssyncset.done $0x0  }
0x8c: {  	[sflag:s21] =	ssyncadd.s32 $0xFFFFC000  }
0x8d: {  	_ =	swait.ge [sflag:s22], $0x4000  }
0x8e: {  	s23 =	sadd.s32 $0x1, s23;
	[sflag:s22] =	ssyncset.done $0x0  }
0x8f: {  	p0 =	sne.s32 s23, s11;
	[sflag:s22] =	ssyncadd.s32 $0xFFFFC000  }
.Ltmp2:
0x90: {  	[bflag:$0x0] =	sbarrier.arrive $0xFFFF;
	(pc) =	sbr.rel @p0 .LBB2_1-.Ltmp2, $4  }
0x91: {  	[hbm:s10], [sflag:s14] =	dma.local [spmem:s15], $0x2800  }
0x92: {  	_ =	swait.ge [sflag:s12], $0x2800  }
0x93: {  	[sflag:s12] =	ssyncset.done $0x0  }
0x94: {  	[sflag:s12] =	ssyncadd.s32 $0xFFFFD800  }
0x95: {  	_ =	sfence.sel $0x180000  }
0x96: {  	[bflag:$0x0] =	sbarrier.arrive $0xFFFF  }
0x97: {  	p0 =	sne.s32 s3, $0x0;
	_ =	strace $0x9000004A  }
0x98: {  	s0 =	sadd.s32 @!p0 $0x100000, s0;
	[bflag:$0x2] =	sbarrier.arrive $0xFFFF  }
0x99: {  	[sflag:s0] =	ssyncadd.tile.s32 @!p0 $0x1;
	_ =	shalt  }
.Lfunc_end2:
_tile_overlayer_lowered:
.L_overlay_start_2:
0x9a: {  	(tag) =	ssettag $0x2  }
0x9b: {  	s0 =	rddreg [dreg:$0x0];
	s2 =	stileid.u32  }
0x9c: {  	s1 =	rddreg [dreg:$0x1];
	p0 =	sne.s32 s2, $0x0  }
0x9d: {  	s3 =	rddreg [dreg:$0x2];
	[bflag:$0x3] =	sbarrier.arrive $0xFFFF;
	s2 =	simm.s32 @!p0 $0x1C05  }
0x9e: {  	[timem:s3], [sflag:s2] =	dma.local @!p0 [hbm:s0], s1  }
0x9f: {  	s0 =	simm.s32 @!p0 $0x5  }
0xa0: {  	_ =	swait.ge @!p0 [sflag:s0], s1  }
0xa1: {  	s1 =	ssub.s32 @!p0 $0x0, s1;
	[sflag:s0] =	ssyncset.done @!p0 $0x0  }
0xa2: {  	[sflag:s0] =	ssyncadd.s32 @!p0 s1  }
0xa3: {  	[bflag:$0x3] =	sbarrier.arrive $0xFFFF  }
0xa4: {  	_ =	shalt  }

// kernel: kernel.25.cloned.1.call-start
scs
__scs_entry_jumppad:
0x0: {  	(pc) =	sbr.rel $0x88, $3  }
0x1: {  	(tag) =	ssettag $0x0;
	lr =	simm.s32 $0x1  }
0x2: {  	[smem:$0x3F98] =	sst lr;
	_ =	strace $0xD0000000  }
0x3: {  	_ = 	snop  }
0x4: {  	_ = 	snop  }
0x5: {  	_ = 	snop  }
0x6: {  	_ = 	snop  }
0x7: {  	_ = 	snop  }
__scs_overlays_trampoline_lowered:
0x8: {  	[smem:$0x3FA7] =	sst s0  }
0x9: {  	[smem:$0x3FA8] =	sst s1  }
0xa: {  	[smem:$0x3FA9] =	sst s2  }
0xb: {  	[smem:$0x3FAA] =	sst s3  }
0xc: {  	[smem:$0x3FAB] =	sst s4  }
0xd: {  	[smem:$0x3FAC] =	sst s5  }
0xe: {  	[smem:$0x3FAD] =	sst s6  }
0xf: {  	[smem:$0x3FAE] =	sst s7  }
0x10: {  	[smem:$0x3FAF] =	sst s8  }
0x11: {  	[smem:$0x3FB0] =	sst s9;
	s0 =	simm.s32 @!p0 $0x0  }
0x12: {  	s1 =	sld [smem:$0x3F96];
	s0 =	simm.s32 @p0 $0x1  }
0x13: {  	[smem:$0x3FB1] =	sst s0;
	s0 =	simm.s32 @!p1 $0x0  }
0x14: {  	s2 =	sld [smem:$0x3F95];
	s0 =	simm.s32 @p1 $0x1  }
0x15: {  	[smem:$0x3FB2] =	sst s0;
	s0 =	simm.s32 @!p2 $0x0  }
0x16: {  	s3 =	sld [smem:$0x3FDB];
	s0 =	simm.s32 @p2 $0x1  }
0x17: {  	s4 =	simm.s32 $0x1BF5;
	[smem:$0x3FB4] =	sst s0  }
0x18: {  	s0 =	sld [smem:$0x3F97];
	_ =	swait.ge [sflag:s4], $0x0  }
0x19: {  	s7 =	sld [smem:$0x3F98]  }
0x1a: {  	s8 =	sadd.s32 $0xFFFFE003, lr  }
0x1b: {  	s9 =	sadd.s32 $0xFFFFFEF7, lr;
	s5 =	simm.s32 $0xFFFFFFFF;
	p2 =	slt.u32 s8, $0xFFFFF086  }
0x1c: {  	p1 =	slt.u32 s9, $0xF7A;
	s5 =	simm.s32 @!p2 $0x0  }
0x1d: {  	s5 =	simm.s32 @p1 $0x1;
	p0 =	seq.s32 s7, s2  }
0x1e: {  	s7 =	smul.u32 @!p0 $0xF7A, s2;
	p2 =	seq.s32 @!p0 s5, $0x0  }
0x1f: {  	s9 =	smul.u32 $0xF7A, s1;
	s8 =	simm.s32 @!p0 $0x1BF5;
	p2 =	por !p2, p0  }
0x20: {  	[sflag:s8] =	ssyncset.s32 @!p0 $0xFFFFF086;
	s6 =	sadd.s32 @!p0 s3, s7;
	s7 =	simm.s32 @!p0 $0x108  }
0x21: {  	s3 =	sadd.s32 s3, s9;
	s6 =	sadd.s32 @!p0 $0x88, s6;
	s7 =	simm.s32 @p2 $0x1082  }
0x22: {  	[simem:s7], [sflag:s8] =	dma.local @!p0 [hbm:s6], $0xF7A  }
0x23: {  	s9 =	sor.u32 $0xD0000000, s2;
	s6 =	simm.s32 $0x108;
	_ =	swait.ge @!p0 [sflag:s8], $0x0  }
0x24: {  	s3 =	sadd.s32 $0x88, s3;
	s6 =	simm.s32 @!p1 $0x1082;
	[sflag:s4] =	ssyncset.s32 $0xFFFFF086  }
0x25: {  	[simem:s6], [sflag:s4] =	dma.local [hbm:s3], $0xF7A  }
0x26: {  	[smem:$0x3F98] =	sst s1;
	(tag) =	ssettag s2;
	_ =	strace s9  }
0x27: {  	s1 =	sld [smem:$0x3FA8]  }
0x28: {  	s2 =	sld [smem:$0x3FA9]  }
0x29: {  	s4 =	sld [smem:$0x3FAB]  }
0x2a: {  	p0 =	seq.s32 s5, $0x0;
	s5 =	sld [smem:$0x3FAC]  }
0x2b: {  	s6 =	sld [smem:$0x3FAD]  }
0x2c: {  	s7 =	sld [smem:$0x3FAE]  }
0x2d: {  	s3 =	simm.s32 $0x108;
	s8 =	sld [smem:$0x3FAF]  }
0x2e: {  	s3 =	simm.s32 @!p0 $0x1082;
	s9 =	sld [smem:$0x3FB0]  }
0x2f: {  	lr =	sadd.s32 s0, s3;
	s0 =	sld [smem:$0x3FA7]  }
0x30: {  	s3 =	sld [smem:$0x3FAA]  }
0x31: {  	[smem:$0x3FB3] =	sst s10  }
0x32: {  	s10 =	sld [smem:$0x3FB1];
	_ =	sdelay $0x3  }
0x33: {  	p0 =	seq.s32 s10, $0x1;
	s10 =	sld [smem:$0x3FB3];
	_ =	sdelay $0x3  }
0x34: {  	[smem:$0x3FB3] =	sst s10  }
0x35: {  	s10 =	sld [smem:$0x3FB2];
	_ =	sdelay $0x3  }
0x36: {  	p1 =	seq.s32 s10, $0x1;
	s10 =	sld [smem:$0x3FB3];
	_ =	sdelay $0x3  }
0x37: {  	[smem:$0x3FB3] =	sst s10  }
0x38: {  	s10 =	sld [smem:$0x3FB4]  }
0x39: {  	_ = 	snop;
	(pc) =	sbr.ind lr, $3  }
0x3a: {  	_ = 	snop  }
0x3b: {  	_ = 	snop  }
0x3c: {  	p2 =	seq.s32 s10, $0x1;
	s10 =	sld [smem:$0x3FB3]  }
0x3d: {  	_ =	shalt  }
0x3e: {  	_ =	shalt  }
0x3f: {  	_ =	shalt  }
0x40: {  	_ =	shalt  }
0x41: {  	_ =	shalt  }
0x42: {  	_ =	shalt  }
0x43: {  	_ =	shalt  }
0x44: {  	_ =	shalt  }
0x45: {  	_ =	shalt  }
0x46: {  	_ =	shalt  }
0x47: {  	_ =	shalt  }
0x48: {  	_ =	shalt  }
0x49: {  	_ =	shalt  }
0x4a: {  	_ =	shalt  }
0x4b: {  	_ =	shalt  }
0x4c: {  	_ =	shalt  }
0x4d: {  	_ =	shalt  }
0x4e: {  	_ =	shalt  }
0x4f: {  	_ =	shalt  }
0x50: {  	_ =	shalt  }
0x51: {  	_ =	shalt  }
0x52: {  	_ =	shalt  }
0x53: {  	_ =	shalt  }
0x54: {  	_ =	shalt  }
0x55: {  	_ =	shalt  }
0x56: {  	_ =	shalt  }
0x57: {  	_ =	shalt  }
0x58: {  	_ =	shalt  }
0x59: {  	_ =	shalt  }
0x5a: {  	_ =	shalt  }
0x5b: {  	_ =	shalt  }
0x5c: {  	_ =	shalt  }
0x5d: {  	_ =	shalt  }
0x5e: {  	_ =	shalt  }
0x5f: {  	_ =	shalt  }
0x60: {  	_ =	shalt  }
0x61: {  	_ =	shalt  }
0x62: {  	_ =	shalt  }
0x63: {  	_ =	shalt  }
0x64: {  	_ =	shalt  }
0x65: {  	_ =	shalt  }
0x66: {  	_ =	shalt  }
0x67: {  	_ =	shalt  }
0x68: {  	_ =	shalt  }
0x69: {  	_ =	shalt  }
0x6a: {  	_ =	shalt  }
0x6b: {  	_ =	shalt  }
0x6c: {  	_ =	shalt  }
0x6d: {  	_ =	shalt  }
0x6e: {  	_ =	shalt  }
0x6f: {  	_ =	shalt  }
0x70: {  	_ =	shalt  }
0x71: {  	_ =	shalt  }
0x72: {  	_ =	shalt  }
0x73: {  	_ =	shalt  }
0x74: {  	_ =	shalt  }
0x75: {  	_ =	shalt  }
0x76: {  	_ =	shalt  }
0x77: {  	_ =	shalt  }
0x78: {  	_ =	shalt  }
0x79: {  	_ =	shalt  }
0x7a: {  	_ =	shalt  }
0x7b: {  	_ =	shalt  }
0x7c: {  	_ =	shalt  }
0x7d: {  	_ =	shalt  }
0x7e: {  	_ =	shalt  }
0x7f: {  	_ =	shalt  }
0x80: {  	_ =	shalt  }
0x81: {  	_ =	shalt  }
0x82: {  	_ =	shalt  }
0x83: {  	_ =	shalt  }
0x84: {  	_ =	shalt  }
0x85: {  	_ =	shalt  }
0x86: {  	_ =	shalt  }
0x87: {  	_ =	shalt  }
.Lfunc_end0:
.L_simem_size_0:
called_computation.2_lowered:
.L_overlay_start_0:
0x88: {  	s2 =	sld [smem:$0x3FD9]  }
0x89: {  	s3 =	sld [smem:$0x3FFE];
	_ =	sdelay $0x1  }
0x8a: {  	s1 =	srdreg.scid  }
0x8b: {  	s0 =	sand.u32 $0x1, s1  }
0x8c: {  	s16 =	sshll.u32 s0, $0xA;
	s2 =	sadd.s32 s3, s2  }
0x8d: {  	s2 =	sadd.s32 s2, s16  }
0x8e: {  	[smem:$0x3FBF] =	sst s2  }
0x8f: {  	_ = 	snop  }
0x90: {  	(tm) =	ssettm $0x1  }
0x91: {  	s17 =	sld [smem:$0x3FFB];
	_ =	sdelay $0x3  }
0x92: {  	_ =	strace s17  }
0x93: {  	s2 =	sld [smem:$0x3FFC];
	_ =	sdelay $0x3  }
0x94: {  	_ =	strace s2  }
0x95: {  	s2 =	sld [smem:$0x3FFD];
	_ =	sdelay $0x3  }
0x96: {  	_ =	strace s2  }
0x97: {  	_ =	strace $0x8FFFFFFF  }
0x98: {  	s18 =	sld [smem:$0x3FDB];
	_ =	sdelay $0x1  }
0x99: {  	s19 =	simm.s32 $_scs_section_size  }
0x9a: {  	s4 =	simm.s32 $_size__tile_overlayer_lowered;
	s5 =	simm.s32 $_tile_overlayer_lowered  }
0x9b: {  	s22 =	simm.s32 $0x1BFF;
	s21 =	sshll.u32 s5, $0x1;
	s2 =	sadd.s32 s19, s18  }
0x9c: {  	s6 =	simm.s32 $0x0;
	s20 =	sshll.u32 s4, $0x1;
	s4 =	sadd.s32 s21, s2  }
0x9d: {  	[timem:s6], [sflag:s22] =	dma.local [hbm:s4], s20  }
0x9e: {  	_ =	swait.ge [sflag:s22], s20  }
0x9f: {  	s3 =	ssub.s32 $0x0, s20;
	[sflag:s22] =	ssyncset.done $0x0  }
0xa0: {  	[sflag:s22] =	ssyncadd.s32 s3;
	_ =	sdelay $0x1  }
0xa1: {  	s23 =	simm.s32 $0x1B8B  }
0xa2: {  	_ =	swait.ge [sflag:s23], $0x1  }
0xa3: {  	[sflag:s23] =	ssyncset.done $0x0  }
0xa4: {  	s25 =	simm.s32 $0x1B8E;
	s24 =	sld [smem:$0x3FFE];
	[sflag:s23] =	ssyncadd.s32 $0xFFFFFFFF  }
0xa5: {  	s26 =	simm.s32 $execute0_lowered;
	[smem:$0x3FD2] =	sst s25  }
0xa6: {  	s4 =	sshll.u32 s26, $0x1;
	_ =	strace $0x8000004C;
	[dreg:$0x1] =	wrdreg $0xFFFFFFFF  }
0xa7: {  	s28 =	simm.s32 $_size_execute0_lowered;
	s2 =	sadd.s32 s2, s4;
	[dreg:$0x0] =	wrdreg $0x0  }
0xa8: {  	s4 =	sshll.u32 s28, $0x1;
	[dreg:$0x2] =	wrdreg s2  }
0xa9: {  	[dreg:$0x3] =	wrdreg s4  }
0xaa: {  	[dreg:$0x4] =	wrdreg $0xC0  }
0xab: {  	_ =	task [dreg:s6], $0x5FFFF  }
0xac: {  	[dreg:$0x1] =	wrdreg $0xFFFFFFFF  }
0xad: {  	[dreg:$0x0] =	wrdreg $0x60  }
0xae: {  	[dreg:$0x2] =	wrdreg s24  }
0xaf: {  	[dreg:$0x3] =	wrdreg $0xB0000  }
0xb0: {  	[dreg:$0x4] =	wrdreg $0x9  }
0xb1: {  	_ =	task.clear_ibuf [dreg:s6], $0x5FFFF;
	_ =	strace $0x9000004C  }
0xb2: {  	s29 =	simm.s32 $0x9;
	_ =	strace $0x8000004E  }
0xb3: {  	_ =	swait.ge [sflag:s29], $0x1  }
0xb4: {  	[sflag:s29] =	ssyncadd.s32 $0xFFFFFFFF  }
0xb5: {  	_ =	strace $0x9000004E  }
0xb6: {  	_ =	sfence  }
0xb7: {  	s30 =	sld [smem:$0x0];
	_ =	sdelay $0x2  }
0xb8: {  	s31 =	sshll.u32 s1, $0xD;
	s1 =	sshrl.u32 s1, $0x2  }
0xb9: {  	s3 =	sand.u32 $0x4000, s31;
	s1 =	sadd.s32 s1, s30  }
0xba: {  	s0 =	sor.u32 s3, s0;
	s1 =	sshll.u32 s1, $0x11  }
0xbb: {  	s0 =	sor.u32 s1, s0  }
0xbc: {  	s0 =	sadd.s32 $0x8F2B, s0  }
0xbd: {  	[sflag:s0] =	ssyncadd.remote.s32 $0x1  }
0xbe: {  	_ =	sfence.sel $0xFFFF  }
0xbf: {  	[dreg:$0x0] =	wrdreg $0xFFFFFFFF;
	(pc) =	sbr.abs _section_cstart, $3  }
0xc0: {  	[dreg:$0x1] =	wrdreg $0xFFFFFFFF  }
0xc1: {  	_ =	task.clear_ibuf [dreg:s6], $0x2FFFF;
	_ =	strace $0x9FFFFFFF  }
0xc2: {  	(tm) =	ssettm $0x7FFFFFFF  }
0xc3: {  	_ =	shalt  }
tec
execute0_lowered:
.L_overlay_start_1:
0x0: {  	(tag) =	ssettag $0x1  }
0x1: {  	s6 =	rddreg [dreg:$0x0]  }
0x2: {  	s1 =	rddreg [dreg:$0x1]  }
0x3: {  	s0 =	rddreg [dreg:$0x2];
	s2 =	simm.s32 $0x0;
	s3 =	srdreg.scid  }
0x4: {  	s16 =	simm.s32 $0x80;
	s17 =	simm.s32 $0x3000;
	s18 =	simm.s32 $0x7000  }
0x5: {  	s19 =	simm.s32 $0x1;
	s20 =	simm.s32 $0x2;
	s21 =	simm.s32 $0x3  }
0x6: {  	s22 =	simm.s32 $0x4;
	s23 =	simm.s32 $0x0;
	[smem:$0x7FF] =	sst s2  }
0x7: {  	s7 =	sand.u32 $0x1, s3;
	s4 =	sadd.s32 $0x10800, s6;
	s3 =	stileid.u32  }
0x8: {  	s5 =	sadd.s32 $0x13000, s6;
	s12 =	sadd.s32 $0x63800, s6;
	s8 =	smul.u32 $0x140000, s7  }
0x9: {  	s25 =	sadd.s32 $0x4800, s6;
	_ =	strace $0x8000004D;
	s9 =	smul.u32 $0x14000, s3  }
0xa: {  	s10 =	sshll.u32 s7, $0x5;
	s11 =	sshll.u32 s3, $0x1;
	s7 =	ssub.s32 $0x2, s7  }
0xb: {  	s29 =	smul.u32 $0x50000, s3;
	s31 =	sshll.u32 s3, $0x6;
	s10 =	sor.u32 s11, s10  }
0xc: {  	s28 =	sshrl.u32 s7, $0x1;
	s8 =	sadd.s32 s9, s8;
	s26 =	smul.u32 $0x300, s10  }
0xd: {  	s10 =	smul.u32 $0x1800, s10;
	s14 =	ssub.s32 s7, s28;
	s8 =	sshrl.u32 s8, $0x3  }
0xe: {  	s11 =	smax.u32 s14, $0x1;
	s14 =	sor.u32 $0x1C05, s31;
	s13 =	sadd.s32 s8, s6  }
0xf: {  	s6 =	sadd.s32 s12, s26;
	s10 =	sshrl.u32 s10, $0x3;
	s8 =	sshrl.u32 s29, $0x2  }
0x10: {  	s7 =	sadd.s32 s25, s26;
	s30 =	sadd.s32 $0x300, s10;
	s15 =	sadd.s32 s8, s1  }
0x11: {  	s10 =	sadd.s32 $0x6F800, s13;
	s13 =	simm.s32 $0x1800;
	s8 =	sadd.s32 s12, s30  }
0x12: {  	s9 =	sadd.s32 s25, s30;
	s12 =	simm.s32 $0x5;
	s15 =	sshrl.u32 s15, $0x3  }
.LBB2_1:
0x13: {  	[tilespmem:s2], [sflag:$0x5] =	stream.linear.gather [hbm4b:s6+s2], $0x1500, $0x38;
	[tilespmem:$0x1F000] =	vst v63  }
0x14: {  	_ =	swait.ge [sflag:s12], $0x1500  }
0x15: {  	[sflag:s12] =	ssyncset.done $0x0  }
0x16: {  	[sflag:s12] =	ssyncadd.s32 $0xFFFFEB00  }
0x17: {  	[tilespmem:s13], [sflag:$0x5] =	stream.linear.gather [hbm4b:s7+s2], $0x1500, $0x38;
	[tilespmem:$0x1F000] =	vst v63  }
0x18: {  	_ =	swait.ge [sflag:s12], $0x1500  }
0x19: {  	[sflag:s12] =	ssyncset.done $0x0  }
0x1a: {  	[sflag:s12] =	ssyncadd.s32 $0xFFFFEB00  }
0x1b: {  	[spmem:s15], [sflag:s14] =	dma.local [hbm:s4], $0x2800  }
0x1c: {  	_ =	swait.ge [sflag:s12], $0x2800  }
0x1d: {  	[sflag:s12] =	ssyncset.done $0x0  }
0x1e: {  	[sflag:s12] =	ssyncadd.s32 $0xFFFFD800  }
0x1f: {  	s24 =	simm.s32 $0x0;
	[bflag:$0x0] =	sbarrier.arrive $0xFFFF  }
0x20: {  	[tilespmem:s17], [sflag:$0x1] =	stream.indirect.gather [hbm4b:s5+s16], $0x80, s24, s16, $0xb8;
	[tilespmem:$0x1F000] =	vst v63  }
0x21: {  	s29 =	simm.s32 $0x80  }
0x22: {  	[tilespmem:s18], [sflag:$0x2] =	stream.indirect.gather [hbm4b:s5+s16], $0x80, s29, s16, $0xb8;
	[tilespmem:$0x1F000] =	vst v63  }
0x23: {  	_ =	swait.ge [sflag:s19], $0x4000  }
0x24: {  	[sflag:s19] =	ssyncset.done $0x0  }
0x25: {  	s30 =	simm.s32 $0x1800;
	[sflag:s19] =	ssyncadd.s32 $0xFFFFC000  }
0x26: {  	[spmem:s1] =	stream.indirect.scatter.add.f32 [tilespmem:s17], [sflag:$0x3], $0x80, s30, s16, $0xb8;
	[tilespmem:$0x1F000] =	vst v63  }
0x27: {  	_ =	swait.ge [sflag:s20], $0x4000  }
0x28: {  	[sflag:s20] =	ssyncset.done $0x0  }
0x29: {  	s31 =	simm.s32 $0x1880;
	[sflag:s20] =	ssyncadd.s32 $0xFFFFC000  }
0x2a: {  	[spmem:s1] =	stream.indirect.scatter.add.f32 [tilespmem:s18], [sflag:$0x4], $0x80, s31, s16, $0xb8;
	[tilespmem:$0x1F000] =	vst v63  }
0x2b: {  	_ =	swait.ge [sflag:s21], $0x4000  }
0x2c: {  	[sflag:s21] =	ssyncset.done $0x0  }
0x2d: {  	[sflag:s21] =	ssyncadd.s32 $0xFFFFC000  }
0x2e: {  	_ =	swait.ge [sflag:s22], $0x4000  }
0x2f: {  	s25 =	simm.s32 $0x800;
	s24 =	simm.s32 $0x400;
	[sflag:s22] =	ssyncset.done $0x0  }
.LBB2_2:
0x30: {  	s26 =	sshra.s32 s24, $0x2  }
0x31: {  	[sflag:s22] =	ssyncadd.s32 $0xFFFFC000;
	s24 =	smov.u32 s25;
	s28 =	sadd.s32 $0x400, s25  }
0x32: {  	[tilespmem:s17], [sflag:$0x1] =	stream.indirect.gather [hbm4b:s5+s16], $0x80, s26, s16, $0xb8;
	[tilespmem:$0x1F000] =	vst v63  }
0x33: {  	p0 =	sne.s32 s25, $0x5000;
	s25 =	sadd.s32 $0x80, s26  }
0x34: {  	[tilespmem:s18], [sflag:$0x2] =	stream.indirect.gather [hbm4b:s5+s16], $0x80, s25, s16, $0xb8;
	[tilespmem:$0x1F000] =	vst v63  }
0x35: {  	_ =	swait.ge [sflag:s19], $0x4000  }
0x36: {  	[sflag:s19] =	ssyncset.done $0x0  }
0x37: {  	s25 =	sadd.s32 $0x1800, s26;
	[sflag:s19] =	ssyncadd.s32 $0xFFFFC000  }
0x38: {  	[spmem:s1] =	stream.indirect.scatter.add.f32 [tilespmem:s17], [sflag:$0x3], $0x80, s25, s16, $0xb8;
	[tilespmem:$0x1F000] =	vst v63  }
0x39: {  	_ =	swait.ge [sflag:s20], $0x4000  }
0x3a: {  	[sflag:s20] =	ssyncset.done $0x0  }
0x3b: {  	s25 =	sadd.s32 $0x1880, s26;
	[sflag:s20] =	ssyncadd.s32 $0xFFFFC000  }
0x3c: {  	[spmem:s1] =	stream.indirect.scatter.add.f32 [tilespmem:s18], [sflag:$0x4], $0x80, s25, s16, $0xb8;
	[tilespmem:$0x1F000] =	vst v63  }
.Ltmp0:
0x3d: {  	_ =	swait.ge [sflag:s21], $0x4000;
	(pc) =	sbr.rel @p0 .LBB2_2-.Ltmp0, $4  }
0x3e: {  	[sflag:s21] =	ssyncset.done $0x0  }
0x3f: {  	[sflag:s21] =	ssyncadd.s32 $0xFFFFC000  }
0x40: {  	_ =	swait.ge [sflag:s22], $0x4000  }
0x41: {  	s25 =	smov.u32 s28;
	[sflag:s22] =	ssyncset.done $0x0  }
0x42: {  	s24 =	sshra.s32 s24, $0x2;
	[sflag:s22] =	ssyncadd.s32 $0xFFFFC000  }
0x43: {  	[tilespmem:s17], [sflag:$0x1] =	stream.indirect.gather [hbm4b:s5+s16], $0x80, s24, s16, $0xb8;
	[tilespmem:$0x1F000] =	vst v63  }
0x44: {  	s25 =	sadd.s32 $0x80, s24  }
0x45: {  	[tilespmem:s18], [sflag:$0x2] =	stream.indirect.gather [hbm4b:s5+s16], $0x80, s25, s16, $0xb8;
	[tilespmem:$0x1F000] =	vst v63  }
0x46: {  	_ =	swait.ge [sflag:s19], $0x4000  }
0x47: {  	[sflag:s19] =	ssyncset.done $0x0  }
0x48: {  	s31 =	sadd.s32 $0x1800, s24;
	[sflag:s19] =	ssyncadd.s32 $0xFFFFC000  }
0x49: {  	[spmem:s1] =	stream.indirect.scatter.add.f32 [tilespmem:s17], [sflag:$0x3], $0x80, s31, s16, $0xb8;
	[tilespmem:$0x1F000] =	vst v63  }
0x4a: {  	_ =	swait.ge [sflag:s20], $0x4000  }
0x4b: {  	[sflag:s20] =	ssyncset.done $0x0  }
0x4c: {  	s24 =	sadd.s32 $0x1880, s24;
	[sflag:s20] =	ssyncadd.s32 $0xFFFFC000  }
0x4d: {  	[spmem:s1] =	stream.indirect.scatter.add.f32 [tilespmem:s18], [sflag:$0x4], $0x80, s24, s16, $0xb8;
	[tilespmem:$0x1F000] =	vst v63  }
0x4e: {  	_ =	swait.ge [sflag:s21], $0x4000  }
0x4f: {  	[sflag:s21] =	ssyncset.done $0x0  }
0x50: {  	[sflag:s21] =	ssyncadd.s32 $0xFFFFC000  }
0x51: {  	_ =	swait.ge [sflag:s22], $0x4000  }
0x52: {  	[sflag:s22] =	ssyncset.done $0x0  }
0x53: {  	s26 =	simm.s32 $0x0;
	[sflag:s22] =	ssyncadd.s32 $0xFFFFC000  }
0x54: {  	[tilespmem:s26], [sflag:$0x5] =	stream.linear.gather [hbm4b:s8+s26], $0x1500, $0x38;
	[tilespmem:$0x1F000] =	vst v63  }
0x55: {  	_ =	swait.ge [sflag:s12], $0x1500  }
0x56: {  	[sflag:s12] =	ssyncset.done $0x0  }
0x57: {  	[sflag:s12] =	ssyncadd.s32 $0xFFFFEB00  }
0x58: {  	[tilespmem:s13], [sflag:$0x5] =	stream.linear.gather [hbm4b:s9+s26], $0x1500, $0x38;
	[tilespmem:$0x1F000] =	vst v63  }
0x59: {  	_ =	swait.ge [sflag:s12], $0x1500  }
0x5a: {  	[sflag:s12] =	ssyncset.done $0x0  }
0x5b: {  	s28 =	simm.s32 $0x0;
	[sflag:s12] =	ssyncadd.s32 $0xFFFFEB00  }
0x5c: {  	[tilespmem:s17], [sflag:$0x1] =	stream.indirect.gather [hbm4b:s5+s16], $0x80, s28, s16, $0xb8;
	[tilespmem:$0x1F000] =	vst v63  }
0x5d: {  	s29 =	simm.s32 $0x80  }
0x5e: {  	[tilespmem:s18], [sflag:$0x2] =	stream.indirect.gather [hbm4b:s5+s16], $0x80, s29, s16, $0xb8;
	[tilespmem:$0x1F000] =	vst v63  }
0x5f: {  	_ =	swait.ge [sflag:s19], $0x4000  }
0x60: {  	[sflag:s19] =	ssyncset.done $0x0  }
0x61: {  	s30 =	simm.s32 $0x1800;
	[sflag:s19] =	ssyncadd.s32 $0xFFFFC000  }
0x62: {  	[spmem:s1] =	stream.indirect.scatter.add.f32 [tilespmem:s17], [sflag:$0x3], $0x80, s30, s16, $0xb8;
	[tilespmem:$0x1F000] =	vst v63  }
0x63: {  	_ =	swait.ge [sflag:s20], $0x4000  }
0x64: {  	[sflag:s20] =	ssyncset.done $0x0  }
0x65: {  	s31 =	simm.s32 $0x1880;
	[sflag:s20] =	ssyncadd.s32 $0xFFFFC000  }
0x66: {  	[spmem:s1] =	stream.indirect.scatter.add.f32 [tilespmem:s18], [sflag:$0x4], $0x80, s31, s16, $0xb8;
	[tilespmem:$0x1F000] =	vst v63  }
0x67: {  	_ =	swait.ge [sflag:s21], $0x4000  }
0x68: {  	[sflag:s21] =	ssyncset.done $0x0  }
0x69: {  	[sflag:s21] =	ssyncadd.s32 $0xFFFFC000  }
0x6a: {  	_ =	swait.ge [sflag:s22], $0x4000  }
0x6b: {  	s25 =	simm.s32 $0x800;
	s24 =	simm.s32 $0x400;
	[sflag:s22] =	ssyncset.done $0x0  }
.LBB2_4:
0x6c: {  	s26 =	sshra.s32 s24, $0x2  }
0x6d: {  	[sflag:s22] =	ssyncadd.s32 $0xFFFFC000;
	s24 =	smov.u32 s25;
	s28 =	sadd.s32 $0x400, s25  }
0x6e: {  	[tilespmem:s17], [sflag:$0x1] =	stream.indirect.gather [hbm4b:s5+s16], $0x80, s26, s16, $0xb8;
	[tilespmem:$0x1F000] =	vst v63  }
0x6f: {  	p0 =	sne.s32 s25, $0x5000;
	s25 =	sadd.s32 $0x80, s26  }
0x70: {  	[tilespmem:s18], [sflag:$0x2] =	stream.indirect.gather [hbm4b:s5+s16], $0x80, s25, s16, $0xb8;
	[tilespmem:$0x1F000] =	vst v63  }
0x71: {  	_ =	swait.ge [sflag:s19], $0x4000  }
0x72: {  	[sflag:s19] =	ssyncset.done $0x0  }
0x73: {  	s25 =	sadd.s32 $0x1800, s26;
	[sflag:s19] =	ssyncadd.s32 $0xFFFFC000  }
0x74: {  	[spmem:s1] =	stream.indirect.scatter.add.f32 [tilespmem:s17], [sflag:$0x3], $0x80, s25, s16, $0xb8;
	[tilespmem:$0x1F000] =	vst v63  }
0x75: {  	_ =	swait.ge [sflag:s20], $0x4000  }
0x76: {  	[sflag:s20] =	ssyncset.done $0x0  }
0x77: {  	s25 =	sadd.s32 $0x1880, s26;
	[sflag:s20] =	ssyncadd.s32 $0xFFFFC000  }
0x78: {  	[spmem:s1] =	stream.indirect.scatter.add.f32 [tilespmem:s18], [sflag:$0x4], $0x80, s25, s16, $0xb8;
	[tilespmem:$0x1F000] =	vst v63  }
.Ltmp1:
0x79: {  	_ =	swait.ge [sflag:s21], $0x4000;
	(pc) =	sbr.rel @p0 .LBB2_4-.Ltmp1, $4  }
0x7a: {  	[sflag:s21] =	ssyncset.done $0x0  }
0x7b: {  	[sflag:s21] =	ssyncadd.s32 $0xFFFFC000  }
0x7c: {  	_ =	swait.ge [sflag:s22], $0x4000  }
0x7d: {  	s25 =	smov.u32 s28;
	[sflag:s22] =	ssyncset.done $0x0  }
0x7e: {  	s24 =	sshra.s32 s24, $0x2;
	[sflag:s22] =	ssyncadd.s32 $0xFFFFC000  }
0x7f: {  	[tilespmem:s17], [sflag:$0x1] =	stream.indirect.gather [hbm4b:s5+s16], $0x80, s24, s16, $0xb8;
	[tilespmem:$0x1F000] =	vst v63  }
0x80: {  	s25 =	sadd.s32 $0x80, s24  }
0x81: {  	[tilespmem:s18], [sflag:$0x2] =	stream.indirect.gather [hbm4b:s5+s16], $0x80, s25, s16, $0xb8;
	[tilespmem:$0x1F000] =	vst v63  }
0x82: {  	_ =	swait.ge [sflag:s19], $0x4000  }
0x83: {  	[sflag:s19] =	ssyncset.done $0x0  }
0x84: {  	s31 =	sadd.s32 $0x1800, s24;
	[sflag:s19] =	ssyncadd.s32 $0xFFFFC000  }
0x85: {  	[spmem:s1] =	stream.indirect.scatter.add.f32 [tilespmem:s17], [sflag:$0x3], $0x80, s31, s16, $0xb8;
	[tilespmem:$0x1F000] =	vst v63  }
0x86: {  	_ =	swait.ge [sflag:s20], $0x4000  }
0x87: {  	[sflag:s20] =	ssyncset.done $0x0  }
0x88: {  	s24 =	sadd.s32 $0x1880, s24;
	[sflag:s20] =	ssyncadd.s32 $0xFFFFC000  }
0x89: {  	[spmem:s1] =	stream.indirect.scatter.add.f32 [tilespmem:s18], [sflag:$0x4], $0x80, s24, s16, $0xb8;
	[tilespmem:$0x1F000] =	vst v63  }
0x8a: {  	_ =	swait.ge [sflag:s21], $0x4000  }
0x8b: {  	[sflag:s21] =	ssyncset.done $0x0  }
0x8c: {  	[sflag:s21] =	ssyncadd.s32 $0xFFFFC000  }
0x8d: {  	_ =	swait.ge [sflag:s22], $0x4000  }
0x8e: {  	s23 =	sadd.s32 $0x1, s23;
	[sflag:s22] =	ssyncset.done $0x0  }
0x8f: {  	p0 =	sne.s32 s23, s11;
	[sflag:s22] =	ssyncadd.s32 $0xFFFFC000  }
.Ltmp2:
0x90: {  	[bflag:$0x0] =	sbarrier.arrive $0xFFFF;
	(pc) =	sbr.rel @p0 .LBB2_1-.Ltmp2, $4  }
0x91: {  	[hbm:s10], [sflag:s14] =	dma.local [spmem:s15], $0x2800  }
0x92: {  	_ =	swait.ge [sflag:s12], $0x2800  }
0x93: {  	[sflag:s12] =	ssyncset.done $0x0  }
0x94: {  	[sflag:s12] =	ssyncadd.s32 $0xFFFFD800  }
0x95: {  	_ =	sfence.sel $0x180000  }
0x96: {  	[bflag:$0x0] =	sbarrier.arrive $0xFFFF  }
0x97: {  	p0 =	sne.s32 s3, $0x0;
	_ =	strace $0x9000004D  }
0x98: {  	s0 =	sadd.s32 @!p0 $0x100000, s0;
	[bflag:$0x2] =	sbarrier.arrive $0xFFFF  }
0x99: {  	[sflag:s0] =	ssyncadd.tile.s32 @!p0 $0x1;
	_ =	shalt  }
.Lfunc_end2:
_tile_overlayer_lowered:
.L_overlay_start_2:
0x9a: {  	(tag) =	ssettag $0x2  }
0x9b: {  	s0 =	rddreg [dreg:$0x0];
	s2 =	stileid.u32  }
0x9c: {  	s1 =	rddreg [dreg:$0x1];
	p0 =	sne.s32 s2, $0x0  }
0x9d: {  	s3 =	rddreg [dreg:$0x2];
	[bflag:$0x3] =	sbarrier.arrive $0xFFFF;
	s2 =	simm.s32 @!p0 $0x1C05  }
0x9e: {  	[timem:s3], [sflag:s2] =	dma.local @!p0 [hbm:s0], s1  }
0x9f: {  	s0 =	simm.s32 @!p0 $0x5  }
0xa0: {  	_ =	swait.ge @!p0 [sflag:s0], s1  }
0xa1: {  	s1 =	ssub.s32 @!p0 $0x0, s1;
	[sflag:s0] =	ssyncset.done @!p0 $0x0  }
0xa2: {  	[sflag:s0] =	ssyncadd.s32 @!p0 s1  }
0xa3: {  	[bflag:$0x3] =	sbarrier.arrive $0xFFFF  }
0xa4: {  	_ =	shalt  }

// kernel: kernel.28.cloned.1.call-start
scs
__scs_entry_jumppad:
0x0: {  	(pc) =	sbr.rel $0x88, $3  }
0x1: {  	(tag) =	ssettag $0x0;
	lr =	simm.s32 $0x1  }
0x2: {  	[smem:$0x3F98] =	sst lr;
	_ =	strace $0xD0000000  }
0x3: {  	_ = 	snop  }
0x4: {  	_ = 	snop  }
0x5: {  	_ = 	snop  }
0x6: {  	_ = 	snop  }
0x7: {  	_ = 	snop  }
__scs_overlays_trampoline_lowered:
0x8: {  	[smem:$0x3FA7] =	sst s0  }
0x9: {  	[smem:$0x3FA8] =	sst s1  }
0xa: {  	[smem:$0x3FA9] =	sst s2  }
0xb: {  	[smem:$0x3FAA] =	sst s3  }
0xc: {  	[smem:$0x3FAB] =	sst s4  }
0xd: {  	[smem:$0x3FAC] =	sst s5  }
0xe: {  	[smem:$0x3FAD] =	sst s6  }
0xf: {  	[smem:$0x3FAE] =	sst s7  }
0x10: {  	[smem:$0x3FAF] =	sst s8  }
0x11: {  	[smem:$0x3FB0] =	sst s9;
	s0 =	simm.s32 @!p0 $0x0  }
0x12: {  	s1 =	sld [smem:$0x3F96];
	s0 =	simm.s32 @p0 $0x1  }
0x13: {  	[smem:$0x3FB1] =	sst s0;
	s0 =	simm.s32 @!p1 $0x0  }
0x14: {  	s2 =	sld [smem:$0x3F95];
	s0 =	simm.s32 @p1 $0x1  }
0x15: {  	[smem:$0x3FB2] =	sst s0;
	s0 =	simm.s32 @!p2 $0x0  }
0x16: {  	s3 =	sld [smem:$0x3FDB];
	s0 =	simm.s32 @p2 $0x1  }
0x17: {  	s4 =	simm.s32 $0x1BF5;
	[smem:$0x3FB4] =	sst s0  }
0x18: {  	s0 =	sld [smem:$0x3F97];
	_ =	swait.ge [sflag:s4], $0x0  }
0x19: {  	s7 =	sld [smem:$0x3F98]  }
0x1a: {  	s8 =	sadd.s32 $0xFFFFE003, lr  }
0x1b: {  	s9 =	sadd.s32 $0xFFFFFEF7, lr;
	s5 =	simm.s32 $0xFFFFFFFF;
	p2 =	slt.u32 s8, $0xFFFFF086  }
0x1c: {  	p1 =	slt.u32 s9, $0xF7A;
	s5 =	simm.s32 @!p2 $0x0  }
0x1d: {  	s5 =	simm.s32 @p1 $0x1;
	p0 =	seq.s32 s7, s2  }
0x1e: {  	s7 =	smul.u32 @!p0 $0xF7A, s2;
	p2 =	seq.s32 @!p0 s5, $0x0  }
0x1f: {  	s9 =	smul.u32 $0xF7A, s1;
	s8 =	simm.s32 @!p0 $0x1BF5;
	p2 =	por !p2, p0  }
0x20: {  	[sflag:s8] =	ssyncset.s32 @!p0 $0xFFFFF086;
	s6 =	sadd.s32 @!p0 s3, s7;
	s7 =	simm.s32 @!p0 $0x108  }
0x21: {  	s3 =	sadd.s32 s3, s9;
	s6 =	sadd.s32 @!p0 $0x88, s6;
	s7 =	simm.s32 @p2 $0x1082  }
0x22: {  	[simem:s7], [sflag:s8] =	dma.local @!p0 [hbm:s6], $0xF7A  }
0x23: {  	s9 =	sor.u32 $0xD0000000, s2;
	s6 =	simm.s32 $0x108;
	_ =	swait.ge @!p0 [sflag:s8], $0x0  }
0x24: {  	s3 =	sadd.s32 $0x88, s3;
	s6 =	simm.s32 @!p1 $0x1082;
	[sflag:s4] =	ssyncset.s32 $0xFFFFF086  }
0x25: {  	[simem:s6], [sflag:s4] =	dma.local [hbm:s3], $0xF7A  }
0x26: {  	[smem:$0x3F98] =	sst s1;
	(tag) =	ssettag s2;
	_ =	strace s9  }
0x27: {  	s1 =	sld [smem:$0x3FA8]  }
0x28: {  	s2 =	sld [smem:$0x3FA9]  }
0x29: {  	s4 =	sld [smem:$0x3FAB]  }
0x2a: {  	p0 =	seq.s32 s5, $0x0;
	s5 =	sld [smem:$0x3FAC]  }
0x2b: {  	s6 =	sld [smem:$0x3FAD]  }
0x2c: {  	s7 =	sld [smem:$0x3FAE]  }
0x2d: {  	s3 =	simm.s32 $0x108;
	s8 =	sld [smem:$0x3FAF]  }
0x2e: {  	s3 =	simm.s32 @!p0 $0x1082;
	s9 =	sld [smem:$0x3FB0]  }
0x2f: {  	lr =	sadd.s32 s0, s3;
	s0 =	sld [smem:$0x3FA7]  }
0x30: {  	s3 =	sld [smem:$0x3FAA]  }
0x31: {  	[smem:$0x3FB3] =	sst s10  }
0x32: {  	s10 =	sld [smem:$0x3FB1];
	_ =	sdelay $0x3  }
0x33: {  	p0 =	seq.s32 s10, $0x1;
	s10 =	sld [smem:$0x3FB3];
	_ =	sdelay $0x3  }
0x34: {  	[smem:$0x3FB3] =	sst s10  }
0x35: {  	s10 =	sld [smem:$0x3FB2];
	_ =	sdelay $0x3  }
0x36: {  	p1 =	seq.s32 s10, $0x1;
	s10 =	sld [smem:$0x3FB3];
	_ =	sdelay $0x3  }
0x37: {  	[smem:$0x3FB3] =	sst s10  }
0x38: {  	s10 =	sld [smem:$0x3FB4]  }
0x39: {  	_ = 	snop;
	(pc) =	sbr.ind lr, $3  }
0x3a: {  	_ = 	snop  }
0x3b: {  	_ = 	snop  }
0x3c: {  	p2 =	seq.s32 s10, $0x1;
	s10 =	sld [smem:$0x3FB3]  }
0x3d: {  	_ =	shalt  }
0x3e: {  	_ =	shalt  }
0x3f: {  	_ =	shalt  }
0x40: {  	_ =	shalt  }
0x41: {  	_ =	shalt  }
0x42: {  	_ =	shalt  }
0x43: {  	_ =	shalt  }
0x44: {  	_ =	shalt  }
0x45: {  	_ =	shalt  }
0x46: {  	_ =	shalt  }
0x47: {  	_ =	shalt  }
0x48: {  	_ =	shalt  }
0x49: {  	_ =	shalt  }
0x4a: {  	_ =	shalt  }
0x4b: {  	_ =	shalt  }
0x4c: {  	_ =	shalt  }
0x4d: {  	_ =	shalt  }
0x4e: {  	_ =	shalt  }
0x4f: {  	_ =	shalt  }
0x50: {  	_ =	shalt  }
0x51: {  	_ =	shalt  }
0x52: {  	_ =	shalt  }
0x53: {  	_ =	shalt  }
0x54: {  	_ =	shalt  }
0x55: {  	_ =	shalt  }
0x56: {  	_ =	shalt  }
0x57: {  	_ =	shalt  }
0x58: {  	_ =	shalt  }
0x59: {  	_ =	shalt  }
0x5a: {  	_ =	shalt  }
0x5b: {  	_ =	shalt  }
0x5c: {  	_ =	shalt  }
0x5d: {  	_ =	shalt  }
0x5e: {  	_ =	shalt  }
0x5f: {  	_ =	shalt  }
0x60: {  	_ =	shalt  }
0x61: {  	_ =	shalt  }
0x62: {  	_ =	shalt  }
0x63: {  	_ =	shalt  }
0x64: {  	_ =	shalt  }
0x65: {  	_ =	shalt  }
0x66: {  	_ =	shalt  }
0x67: {  	_ =	shalt  }
0x68: {  	_ =	shalt  }
0x69: {  	_ =	shalt  }
0x6a: {  	_ =	shalt  }
0x6b: {  	_ =	shalt  }
0x6c: {  	_ =	shalt  }
0x6d: {  	_ =	shalt  }
0x6e: {  	_ =	shalt  }
0x6f: {  	_ =	shalt  }
0x70: {  	_ =	shalt  }
0x71: {  	_ =	shalt  }
0x72: {  	_ =	shalt  }
0x73: {  	_ =	shalt  }
0x74: {  	_ =	shalt  }
0x75: {  	_ =	shalt  }
0x76: {  	_ =	shalt  }
0x77: {  	_ =	shalt  }
0x78: {  	_ =	shalt  }
0x79: {  	_ =	shalt  }
0x7a: {  	_ =	shalt  }
0x7b: {  	_ =	shalt  }
0x7c: {  	_ =	shalt  }
0x7d: {  	_ =	shalt  }
0x7e: {  	_ =	shalt  }
0x7f: {  	_ =	shalt  }
0x80: {  	_ =	shalt  }
0x81: {  	_ =	shalt  }
0x82: {  	_ =	shalt  }
0x83: {  	_ =	shalt  }
0x84: {  	_ =	shalt  }
0x85: {  	_ =	shalt  }
0x86: {  	_ =	shalt  }
0x87: {  	_ =	shalt  }
.Lfunc_end0:
.L_simem_size_0:
called_computation.3_lowered:
.L_overlay_start_0:
0x88: {  	s2 =	sld [smem:$0x3FD9]  }
0x89: {  	s3 =	sld [smem:$0x3FFE];
	_ =	sdelay $0x1  }
0x8a: {  	s1 =	srdreg.scid  }
0x8b: {  	s0 =	sand.u32 $0x1, s1  }
0x8c: {  	s16 =	sshll.u32 s0, $0xA;
	s2 =	sadd.s32 s3, s2  }
0x8d: {  	s2 =	sadd.s32 s2, s16  }
0x8e: {  	[smem:$0x3FBF] =	sst s2  }
0x8f: {  	_ = 	snop  }
0x90: {  	(tm) =	ssettm $0x1  }
0x91: {  	s17 =	sld [smem:$0x3FFB];
	_ =	sdelay $0x3  }
0x92: {  	_ =	strace s17  }
0x93: {  	s2 =	sld [smem:$0x3FFC];
	_ =	sdelay $0x3  }
0x94: {  	_ =	strace s2  }
0x95: {  	s2 =	sld [smem:$0x3FFD];
	_ =	sdelay $0x3  }
0x96: {  	_ =	strace s2  }
0x97: {  	_ =	strace $0x8FFFFFFF  }
0x98: {  	s18 =	sld [smem:$0x3FDB];
	_ =	sdelay $0x1  }
0x99: {  	s19 =	simm.s32 $_scs_section_size  }
0x9a: {  	s4 =	simm.s32 $_size__tile_overlayer_lowered;
	s5 =	simm.s32 $_tile_overlayer_lowered  }
0x9b: {  	s22 =	simm.s32 $0x1BFF;
	s21 =	sshll.u32 s5, $0x1;
	s2 =	sadd.s32 s19, s18  }
0x9c: {  	s6 =	simm.s32 $0x0;
	s20 =	sshll.u32 s4, $0x1;
	s4 =	sadd.s32 s21, s2  }
0x9d: {  	[timem:s6], [sflag:s22] =	dma.local [hbm:s4], s20  }
0x9e: {  	_ =	swait.ge [sflag:s22], s20  }
0x9f: {  	s3 =	ssub.s32 $0x0, s20;
	[sflag:s22] =	ssyncset.done $0x0  }
0xa0: {  	[sflag:s22] =	ssyncadd.s32 s3;
	_ =	sdelay $0x1  }
0xa1: {  	s23 =	simm.s32 $0x1B8B  }
0xa2: {  	_ =	swait.ge [sflag:s23], $0x1  }
0xa3: {  	[sflag:s23] =	ssyncset.done $0x0  }
0xa4: {  	s25 =	simm.s32 $0x1B8E;
	s24 =	sld [smem:$0x3FFE];
	[sflag:s23] =	ssyncadd.s32 $0xFFFFFFFF  }
0xa5: {  	s26 =	simm.s32 $execute0_lowered;
	[smem:$0x3FD2] =	sst s25  }
0xa6: {  	s4 =	sshll.u32 s26, $0x1;
	_ =	strace $0x8000004F;
	[dreg:$0x1] =	wrdreg $0xFFFFFFFF  }
0xa7: {  	s28 =	simm.s32 $_size_execute0_lowered;
	s2 =	sadd.s32 s2, s4;
	[dreg:$0x0] =	wrdreg $0x0  }
0xa8: {  	s4 =	sshll.u32 s28, $0x1;
	[dreg:$0x2] =	wrdreg s2  }
0xa9: {  	[dreg:$0x3] =	wrdreg s4  }
0xaa: {  	[dreg:$0x4] =	wrdreg $0xC0  }
0xab: {  	_ =	task [dreg:s6], $0x5FFFF  }
0xac: {  	[dreg:$0x1] =	wrdreg $0xFFFFFFFF  }
0xad: {  	[dreg:$0x0] =	wrdreg $0x60  }
0xae: {  	[dreg:$0x2] =	wrdreg s24  }
0xaf: {  	[dreg:$0x3] =	wrdreg $0xB0000  }
0xb0: {  	[dreg:$0x4] =	wrdreg $0x9  }
0xb1: {  	_ =	task.clear_ibuf [dreg:s6], $0x5FFFF;
	_ =	strace $0x9000004F  }
0xb2: {  	s29 =	simm.s32 $0x9;
	_ =	strace $0x80000051  }
0xb3: {  	_ =	swait.ge [sflag:s29], $0x1  }
0xb4: {  	[sflag:s29] =	ssyncadd.s32 $0xFFFFFFFF  }
0xb5: {  	_ =	strace $0x90000051  }
0xb6: {  	_ =	sfence  }
0xb7: {  	s30 =	sld [smem:$0x0];
	_ =	sdelay $0x2  }
0xb8: {  	s31 =	sshll.u32 s1, $0xD;
	s1 =	sshrl.u32 s1, $0x2  }
0xb9: {  	s3 =	sand.u32 $0x4000, s31;
	s1 =	sadd.s32 s1, s30  }
0xba: {  	s0 =	sor.u32 s3, s0;
	s1 =	sshll.u32 s1, $0x11  }
0xbb: {  	s0 =	sor.u32 s1, s0  }
0xbc: {  	s0 =	sadd.s32 $0x8F2B, s0  }
0xbd: {  	[sflag:s0] =	ssyncadd.remote.s32 $0x1  }
0xbe: {  	_ =	sfence.sel $0xFFFF  }
0xbf: {  	[dreg:$0x0] =	wrdreg $0xFFFFFFFF;
	(pc) =	sbr.abs _section_cstart, $3  }
0xc0: {  	[dreg:$0x1] =	wrdreg $0xFFFFFFFF  }
0xc1: {  	_ =	task.clear_ibuf [dreg:s6], $0x2FFFF;
	_ =	strace $0x9FFFFFFF  }
0xc2: {  	(tm) =	ssettm $0x7FFFFFFF  }
0xc3: {  	_ =	shalt  }
tec
execute0_lowered:
.L_overlay_start_1:
0x0: {  	(tag) =	ssettag $0x1  }
0x1: {  	s6 =	rddreg [dreg:$0x0]  }
0x2: {  	s1 =	rddreg [dreg:$0x1]  }
0x3: {  	s0 =	rddreg [dreg:$0x2];
	s2 =	simm.s32 $0x0;
	s3 =	srdreg.scid  }
0x4: {  	s16 =	simm.s32 $0x80;
	s17 =	simm.s32 $0x3000;
	s18 =	simm.s32 $0x7000  }
0x5: {  	s19 =	simm.s32 $0x1;
	s20 =	simm.s32 $0x2;
	s21 =	simm.s32 $0x3  }
0x6: {  	s22 =	simm.s32 $0x4;
	s23 =	simm.s32 $0x0;
	[smem:$0x7FF] =	sst s2  }
0x7: {  	s7 =	sand.u32 $0x1, s3;
	s4 =	sadd.s32 $0x10800, s6;
	s3 =	stileid.u32  }
0x8: {  	s5 =	sadd.s32 $0x13000, s6;
	s12 =	sadd.s32 $0x63800, s6;
	s8 =	smul.u32 $0x140000, s7  }
0x9: {  	s25 =	sadd.s32 $0x4800, s6;
	_ =	strace $0x80000050;
	s9 =	smul.u32 $0x14000, s3  }
0xa: {  	s10 =	sshll.u32 s7, $0x5;
	s11 =	sshll.u32 s3, $0x1;
	s7 =	ssub.s32 $0x2, s7  }
0xb: {  	s29 =	smul.u32 $0x50000, s3;
	s31 =	sshll.u32 s3, $0x6;
	s10 =	sor.u32 s11, s10  }
0xc: {  	s28 =	sshrl.u32 s7, $0x1;
	s8 =	sadd.s32 s9, s8;
	s26 =	smul.u32 $0x300, s10  }
0xd: {  	s10 =	smul.u32 $0x1800, s10;
	s14 =	ssub.s32 s7, s28;
	s8 =	sshrl.u32 s8, $0x3  }
0xe: {  	s11 =	smax.u32 s14, $0x1;
	s14 =	sor.u32 $0x1C05, s31;
	s13 =	sadd.s32 s8, s6  }
0xf: {  	s6 =	sadd.s32 s12, s26;
	s10 =	sshrl.u32 s10, $0x3;
	s8 =	sshrl.u32 s29, $0x2  }
0x10: {  	s7 =	sadd.s32 s25, s26;
	s30 =	sadd.s32 $0x300, s10;
	s15 =	sadd.s32 s8, s1  }
0x11: {  	s10 =	sadd.s32 $0x6F800, s13;
	s13 =	simm.s32 $0x1800;
	s8 =	sadd.s32 s12, s30  }
0x12: {  	s9 =	sadd.s32 s25, s30;
	s12 =	simm.s32 $0x5;
	s15 =	sshrl.u32 s15, $0x3  }
.LBB2_1:
0x13: {  	[tilespmem:s2], [sflag:$0x5] =	stream.linear.gather [hbm4b:s6+s2], $0x1500, $0x38;
	[tilespmem:$0x1F000] =	vst v63  }
0x14: {  	_ =	swait.ge [sflag:s12], $0x1500  }
0x15: {  	[sflag:s12] =	ssyncset.done $0x0  }
0x16: {  	[sflag:s12] =	ssyncadd.s32 $0xFFFFEB00  }
0x17: {  	[tilespmem:s13], [sflag:$0x5] =	stream.linear.gather [hbm4b:s7+s2], $0x1500, $0x38;
	[tilespmem:$0x1F000] =	vst v63  }
0x18: {  	_ =	swait.ge [sflag:s12], $0x1500  }
0x19: {  	[sflag:s12] =	ssyncset.done $0x0  }
0x1a: {  	[sflag:s12] =	ssyncadd.s32 $0xFFFFEB00  }
0x1b: {  	[spmem:s15], [sflag:s14] =	dma.local [hbm:s4], $0x2800  }
0x1c: {  	_ =	swait.ge [sflag:s12], $0x2800  }
0x1d: {  	[sflag:s12] =	ssyncset.done $0x0  }
0x1e: {  	[sflag:s12] =	ssyncadd.s32 $0xFFFFD800  }
0x1f: {  	s24 =	simm.s32 $0x0;
	[bflag:$0x0] =	sbarrier.arrive $0xFFFF  }
0x20: {  	[tilespmem:s17], [sflag:$0x1] =	stream.indirect.gather [hbm4b:s5+s16], $0x80, s24, s16, $0xb8;
	[tilespmem:$0x1F000] =	vst v63  }
0x21: {  	s29 =	simm.s32 $0x80  }
0x22: {  	[tilespmem:s18], [sflag:$0x2] =	stream.indirect.gather [hbm4b:s5+s16], $0x80, s29, s16, $0xb8;
	[tilespmem:$0x1F000] =	vst v63  }
0x23: {  	_ =	swait.ge [sflag:s19], $0x4000  }
0x24: {  	[sflag:s19] =	ssyncset.done $0x0  }
0x25: {  	s30 =	simm.s32 $0x1800;
	[sflag:s19] =	ssyncadd.s32 $0xFFFFC000  }
0x26: {  	[spmem:s1] =	stream.indirect.scatter.add.f32 [tilespmem:s17], [sflag:$0x3], $0x80, s30, s16, $0xb8;
	[tilespmem:$0x1F000] =	vst v63  }
0x27: {  	_ =	swait.ge [sflag:s20], $0x4000  }
0x28: {  	[sflag:s20] =	ssyncset.done $0x0  }
0x29: {  	s31 =	simm.s32 $0x1880;
	[sflag:s20] =	ssyncadd.s32 $0xFFFFC000  }
0x2a: {  	[spmem:s1] =	stream.indirect.scatter.add.f32 [tilespmem:s18], [sflag:$0x4], $0x80, s31, s16, $0xb8;
	[tilespmem:$0x1F000] =	vst v63  }
0x2b: {  	_ =	swait.ge [sflag:s21], $0x4000  }
0x2c: {  	[sflag:s21] =	ssyncset.done $0x0  }
0x2d: {  	[sflag:s21] =	ssyncadd.s32 $0xFFFFC000  }
0x2e: {  	_ =	swait.ge [sflag:s22], $0x4000  }
0x2f: {  	s25 =	simm.s32 $0x800;
	s24 =	simm.s32 $0x400;
	[sflag:s22] =	ssyncset.done $0x0  }
.LBB2_2:
0x30: {  	s26 =	sshra.s32 s24, $0x2  }
0x31: {  	[sflag:s22] =	ssyncadd.s32 $0xFFFFC000;
	s24 =	smov.u32 s25;
	s28 =	sadd.s32 $0x400, s25  }
0x32: {  	[tilespmem:s17], [sflag:$0x1] =	stream.indirect.gather [hbm4b:s5+s16], $0x80, s26, s16, $0xb8;
	[tilespmem:$0x1F000] =	vst v63  }
0x33: {  	p0 =	sne.s32 s25, $0x5000;
	s25 =	sadd.s32 $0x80, s26  }
0x34: {  	[tilespmem:s18], [sflag:$0x2] =	stream.indirect.gather [hbm4b:s5+s16], $0x80, s25, s16, $0xb8;
	[tilespmem:$0x1F000] =	vst v63  }
0x35: {  	_ =	swait.ge [sflag:s19], $0x4000  }
0x36: {  	[sflag:s19] =	ssyncset.done $0x0  }
0x37: {  	s25 =	sadd.s32 $0x1800, s26;
	[sflag:s19] =	ssyncadd.s32 $0xFFFFC000  }
0x38: {  	[spmem:s1] =	stream.indirect.scatter.add.f32 [tilespmem:s17], [sflag:$0x3], $0x80, s25, s16, $0xb8;
	[tilespmem:$0x1F000] =	vst v63  }
0x39: {  	_ =	swait.ge [sflag:s20], $0x4000  }
0x3a: {  	[sflag:s20] =	ssyncset.done $0x0  }
0x3b: {  	s25 =	sadd.s32 $0x1880, s26;
	[sflag:s20] =	ssyncadd.s32 $0xFFFFC000  }
0x3c: {  	[spmem:s1] =	stream.indirect.scatter.add.f32 [tilespmem:s18], [sflag:$0x4], $0x80, s25, s16, $0xb8;
	[tilespmem:$0x1F000] =	vst v63  }
.Ltmp0:
0x3d: {  	_ =	swait.ge [sflag:s21], $0x4000;
	(pc) =	sbr.rel @p0 .LBB2_2-.Ltmp0, $4  }
0x3e: {  	[sflag:s21] =	ssyncset.done $0x0  }
0x3f: {  	[sflag:s21] =	ssyncadd.s32 $0xFFFFC000  }
0x40: {  	_ =	swait.ge [sflag:s22], $0x4000  }
0x41: {  	s25 =	smov.u32 s28;
	[sflag:s22] =	ssyncset.done $0x0  }
0x42: {  	s24 =	sshra.s32 s24, $0x2;
	[sflag:s22] =	ssyncadd.s32 $0xFFFFC000  }
0x43: {  	[tilespmem:s17], [sflag:$0x1] =	stream.indirect.gather [hbm4b:s5+s16], $0x80, s24, s16, $0xb8;
	[tilespmem:$0x1F000] =	vst v63  }
0x44: {  	s25 =	sadd.s32 $0x80, s24  }
0x45: {  	[tilespmem:s18], [sflag:$0x2] =	stream.indirect.gather [hbm4b:s5+s16], $0x80, s25, s16, $0xb8;
	[tilespmem:$0x1F000] =	vst v63  }
0x46: {  	_ =	swait.ge [sflag:s19], $0x4000  }
0x47: {  	[sflag:s19] =	ssyncset.done $0x0  }
0x48: {  	s31 =	sadd.s32 $0x1800, s24;
	[sflag:s19] =	ssyncadd.s32 $0xFFFFC000  }
0x49: {  	[spmem:s1] =	stream.indirect.scatter.add.f32 [tilespmem:s17], [sflag:$0x3], $0x80, s31, s16, $0xb8;
	[tilespmem:$0x1F000] =	vst v63  }
0x4a: {  	_ =	swait.ge [sflag:s20], $0x4000  }
0x4b: {  	[sflag:s20] =	ssyncset.done $0x0  }
0x4c: {  	s24 =	sadd.s32 $0x1880, s24;
	[sflag:s20] =	ssyncadd.s32 $0xFFFFC000  }
0x4d: {  	[spmem:s1] =	stream.indirect.scatter.add.f32 [tilespmem:s18], [sflag:$0x4], $0x80, s24, s16, $0xb8;
	[tilespmem:$0x1F000] =	vst v63  }
0x4e: {  	_ =	swait.ge [sflag:s21], $0x4000  }
0x4f: {  	[sflag:s21] =	ssyncset.done $0x0  }
0x50: {  	[sflag:s21] =	ssyncadd.s32 $0xFFFFC000  }
0x51: {  	_ =	swait.ge [sflag:s22], $0x4000  }
0x52: {  	[sflag:s22] =	ssyncset.done $0x0  }
0x53: {  	s26 =	simm.s32 $0x0;
	[sflag:s22] =	ssyncadd.s32 $0xFFFFC000  }
0x54: {  	[tilespmem:s26], [sflag:$0x5] =	stream.linear.gather [hbm4b:s8+s26], $0x1500, $0x38;
	[tilespmem:$0x1F000] =	vst v63  }
0x55: {  	_ =	swait.ge [sflag:s12], $0x1500  }
0x56: {  	[sflag:s12] =	ssyncset.done $0x0  }
0x57: {  	[sflag:s12] =	ssyncadd.s32 $0xFFFFEB00  }
0x58: {  	[tilespmem:s13], [sflag:$0x5] =	stream.linear.gather [hbm4b:s9+s26], $0x1500, $0x38;
	[tilespmem:$0x1F000] =	vst v63  }
0x59: {  	_ =	swait.ge [sflag:s12], $0x1500  }
0x5a: {  	[sflag:s12] =	ssyncset.done $0x0  }
0x5b: {  	s28 =	simm.s32 $0x0;
	[sflag:s12] =	ssyncadd.s32 $0xFFFFEB00  }
0x5c: {  	[tilespmem:s17], [sflag:$0x1] =	stream.indirect.gather [hbm4b:s5+s16], $0x80, s28, s16, $0xb8;
	[tilespmem:$0x1F000] =	vst v63  }
0x5d: {  	s29 =	simm.s32 $0x80  }
0x5e: {  	[tilespmem:s18], [sflag:$0x2] =	stream.indirect.gather [hbm4b:s5+s16], $0x80, s29, s16, $0xb8;
	[tilespmem:$0x1F000] =	vst v63  }
0x5f: {  	_ =	swait.ge [sflag:s19], $0x4000  }
0x60: {  	[sflag:s19] =	ssyncset.done $0x0  }
0x61: {  	s30 =	simm.s32 $0x1800;
	[sflag:s19] =	ssyncadd.s32 $0xFFFFC000  }
0x62: {  	[spmem:s1] =	stream.indirect.scatter.add.f32 [tilespmem:s17], [sflag:$0x3], $0x80, s30, s16, $0xb8;
	[tilespmem:$0x1F000] =	vst v63  }
0x63: {  	_ =	swait.ge [sflag:s20], $0x4000  }
0x64: {  	[sflag:s20] =	ssyncset.done $0x0  }
0x65: {  	s31 =	simm.s32 $0x1880;
	[sflag:s20] =	ssyncadd.s32 $0xFFFFC000  }
0x66: {  	[spmem:s1] =	stream.indirect.scatter.add.f32 [tilespmem:s18], [sflag:$0x4], $0x80, s31, s16, $0xb8;
	[tilespmem:$0x1F000] =	vst v63  }
0x67: {  	_ =	swait.ge [sflag:s21], $0x4000  }
0x68: {  	[sflag:s21] =	ssyncset.done $0x0  }
0x69: {  	[sflag:s21] =	ssyncadd.s32 $0xFFFFC000  }
0x6a: {  	_ =	swait.ge [sflag:s22], $0x4000  }
0x6b: {  	s25 =	simm.s32 $0x800;
	s24 =	simm.s32 $0x400;
	[sflag:s22] =	ssyncset.done $0x0  }
.LBB2_4:
0x6c: {  	s26 =	sshra.s32 s24, $0x2  }
0x6d: {  	[sflag:s22] =	ssyncadd.s32 $0xFFFFC000;
	s24 =	smov.u32 s25;
	s28 =	sadd.s32 $0x400, s25  }
0x6e: {  	[tilespmem:s17], [sflag:$0x1] =	stream.indirect.gather [hbm4b:s5+s16], $0x80, s26, s16, $0xb8;
	[tilespmem:$0x1F000] =	vst v63  }
0x6f: {  	p0 =	sne.s32 s25, $0x5000;
	s25 =	sadd.s32 $0x80, s26  }
0x70: {  	[tilespmem:s18], [sflag:$0x2] =	stream.indirect.gather [hbm4b:s5+s16], $0x80, s25, s16, $0xb8;
	[tilespmem:$0x1F000] =	vst v63  }
0x71: {  	_ =	swait.ge [sflag:s19], $0x4000  }
0x72: {  	[sflag:s19] =	ssyncset.done $0x0  }
0x73: {  	s25 =	sadd.s32 $0x1800, s26;
	[sflag:s19] =	ssyncadd.s32 $0xFFFFC000  }
0x74: {  	[spmem:s1] =	stream.indirect.scatter.add.f32 [tilespmem:s17], [sflag:$0x3], $0x80, s25, s16, $0xb8;
	[tilespmem:$0x1F000] =	vst v63  }
0x75: {  	_ =	swait.ge [sflag:s20], $0x4000  }
0x76: {  	[sflag:s20] =	ssyncset.done $0x0  }
0x77: {  	s25 =	sadd.s32 $0x1880, s26;
	[sflag:s20] =	ssyncadd.s32 $0xFFFFC000  }
0x78: {  	[spmem:s1] =	stream.indirect.scatter.add.f32 [tilespmem:s18], [sflag:$0x4], $0x80, s25, s16, $0xb8;
	[tilespmem:$0x1F000] =	vst v63  }
.Ltmp1:
0x79: {  	_ =	swait.ge [sflag:s21], $0x4000;
	(pc) =	sbr.rel @p0 .LBB2_4-.Ltmp1, $4  }
0x7a: {  	[sflag:s21] =	ssyncset.done $0x0  }
0x7b: {  	[sflag:s21] =	ssyncadd.s32 $0xFFFFC000  }
0x7c: {  	_ =	swait.ge [sflag:s22], $0x4000  }
0x7d: {  	s25 =	smov.u32 s28;
	[sflag:s22] =	ssyncset.done $0x0  }
0x7e: {  	s24 =	sshra.s32 s24, $0x2;
	[sflag:s22] =	ssyncadd.s32 $0xFFFFC000  }
0x7f: {  	[tilespmem:s17], [sflag:$0x1] =	stream.indirect.gather [hbm4b:s5+s16], $0x80, s24, s16, $0xb8;
	[tilespmem:$0x1F000] =	vst v63  }
0x80: {  	s25 =	sadd.s32 $0x80, s24  }
0x81: {  	[tilespmem:s18], [sflag:$0x2] =	stream.indirect.gather [hbm4b:s5+s16], $0x80, s25, s16, $0xb8;
	[tilespmem:$0x1F000] =	vst v63  }
0x82: {  	_ =	swait.ge [sflag:s19], $0x4000  }
0x83: {  	[sflag:s19] =	ssyncset.done $0x0  }
0x84: {  	s31 =	sadd.s32 $0x1800, s24;
	[sflag:s19] =	ssyncadd.s32 $0xFFFFC000  }
0x85: {  	[spmem:s1] =	stream.indirect.scatter.add.f32 [tilespmem:s17], [sflag:$0x3], $0x80, s31, s16, $0xb8;
	[tilespmem:$0x1F000] =	vst v63  }
0x86: {  	_ =	swait.ge [sflag:s20], $0x4000  }
0x87: {  	[sflag:s20] =	ssyncset.done $0x0  }
0x88: {  	s24 =	sadd.s32 $0x1880, s24;
	[sflag:s20] =	ssyncadd.s32 $0xFFFFC000  }
0x89: {  	[spmem:s1] =	stream.indirect.scatter.add.f32 [tilespmem:s18], [sflag:$0x4], $0x80, s24, s16, $0xb8;
	[tilespmem:$0x1F000] =	vst v63  }
0x8a: {  	_ =	swait.ge [sflag:s21], $0x4000  }
0x8b: {  	[sflag:s21] =	ssyncset.done $0x0  }
0x8c: {  	[sflag:s21] =	ssyncadd.s32 $0xFFFFC000  }
0x8d: {  	_ =	swait.ge [sflag:s22], $0x4000  }
0x8e: {  	s23 =	sadd.s32 $0x1, s23;
	[sflag:s22] =	ssyncset.done $0x0  }
0x8f: {  	p0 =	sne.s32 s23, s11;
	[sflag:s22] =	ssyncadd.s32 $0xFFFFC000  }
.Ltmp2:
0x90: {  	[bflag:$0x0] =	sbarrier.arrive $0xFFFF;
	(pc) =	sbr.rel @p0 .LBB2_1-.Ltmp2, $4  }
0x91: {  	[hbm:s10], [sflag:s14] =	dma.local [spmem:s15], $0x2800  }
0x92: {  	_ =	swait.ge [sflag:s12], $0x2800  }
0x93: {  	[sflag:s12] =	ssyncset.done $0x0  }
0x94: {  	[sflag:s12] =	ssyncadd.s32 $0xFFFFD800  }
0x95: {  	_ =	sfence.sel $0x180000  }
0x96: {  	[bflag:$0x0] =	sbarrier.arrive $0xFFFF  }
0x97: {  	p0 =	sne.s32 s3, $0x0;
	_ =	strace $0x90000050  }
0x98: {  	s0 =	sadd.s32 @!p0 $0x100000, s0;
	[bflag:$0x2] =	sbarrier.arrive $0xFFFF  }
0x99: {  	[sflag:s0] =	ssyncadd.tile.s32 @!p0 $0x1;
	_ =	shalt  }
.Lfunc_end2:
_tile_overlayer_lowered:
.L_overlay_start_2:
0x9a: {  	(tag) =	ssettag $0x2  }
0x9b: {  	s0 =	rddreg [dreg:$0x0];
	s2 =	stileid.u32  }
0x9c: {  	s1 =	rddreg [dreg:$0x1];
	p0 =	sne.s32 s2, $0x0  }
0x9d: {  	s3 =	rddreg [dreg:$0x2];
	[bflag:$0x3] =	sbarrier.arrive $0xFFFF;
	s2 =	simm.s32 @!p0 $0x1C05  }
0x9e: {  	[timem:s3], [sflag:s2] =	dma.local @!p0 [hbm:s0], s1  }
0x9f: {  	s0 =	simm.s32 @!p0 $0x5  }
0xa0: {  	_ =	swait.ge @!p0 [sflag:s0], s1  }
0xa1: {  	s1 =	ssub.s32 @!p0 $0x0, s1;
	[sflag:s0] =	ssyncset.done @!p0 $0x0  }
0xa2: {  	[sflag:s0] =	ssyncadd.s32 @!p0 s1  }
0xa3: {  	[bflag:$0x3] =	sbarrier.arrive $0xFFFF  }
0xa4: {  	_ =	shalt  }

// kernel: kernel.31.cloned.1.call-start
scs
__scs_entry_jumppad:
0x0: {  	(pc) =	sbr.rel $0x88, $3  }
0x1: {  	(tag) =	ssettag $0x0;
	lr =	simm.s32 $0x1  }
0x2: {  	[smem:$0x3F98] =	sst lr;
	_ =	strace $0xD0000000  }
0x3: {  	_ = 	snop  }
0x4: {  	_ = 	snop  }
0x5: {  	_ = 	snop  }
0x6: {  	_ = 	snop  }
0x7: {  	_ = 	snop  }
__scs_overlays_trampoline_lowered:
0x8: {  	[smem:$0x3FA7] =	sst s0  }
0x9: {  	[smem:$0x3FA8] =	sst s1  }
0xa: {  	[smem:$0x3FA9] =	sst s2  }
0xb: {  	[smem:$0x3FAA] =	sst s3  }
0xc: {  	[smem:$0x3FAB] =	sst s4  }
0xd: {  	[smem:$0x3FAC] =	sst s5  }
0xe: {  	[smem:$0x3FAD] =	sst s6  }
0xf: {  	[smem:$0x3FAE] =	sst s7  }
0x10: {  	[smem:$0x3FAF] =	sst s8  }
0x11: {  	[smem:$0x3FB0] =	sst s9;
	s0 =	simm.s32 @!p0 $0x0  }
0x12: {  	s1 =	sld [smem:$0x3F96];
	s0 =	simm.s32 @p0 $0x1  }
0x13: {  	[smem:$0x3FB1] =	sst s0;
	s0 =	simm.s32 @!p1 $0x0  }
0x14: {  	s2 =	sld [smem:$0x3F95];
	s0 =	simm.s32 @p1 $0x1  }
0x15: {  	[smem:$0x3FB2] =	sst s0;
	s0 =	simm.s32 @!p2 $0x0  }
0x16: {  	s3 =	sld [smem:$0x3FDB];
	s0 =	simm.s32 @p2 $0x1  }
0x17: {  	s4 =	simm.s32 $0x1BF5;
	[smem:$0x3FB4] =	sst s0  }
0x18: {  	s0 =	sld [smem:$0x3F97];
	_ =	swait.ge [sflag:s4], $0x0  }
0x19: {  	s7 =	sld [smem:$0x3F98]  }
0x1a: {  	s8 =	sadd.s32 $0xFFFFE003, lr  }
0x1b: {  	s9 =	sadd.s32 $0xFFFFFEF7, lr;
	s5 =	simm.s32 $0xFFFFFFFF;
	p2 =	slt.u32 s8, $0xFFFFF086  }
0x1c: {  	p1 =	slt.u32 s9, $0xF7A;
	s5 =	simm.s32 @!p2 $0x0  }
0x1d: {  	s5 =	simm.s32 @p1 $0x1;
	p0 =	seq.s32 s7, s2  }
0x1e: {  	s7 =	smul.u32 @!p0 $0xF7A, s2;
	p2 =	seq.s32 @!p0 s5, $0x0  }
0x1f: {  	s9 =	smul.u32 $0xF7A, s1;
	s8 =	simm.s32 @!p0 $0x1BF5;
	p2 =	por !p2, p0  }
0x20: {  	[sflag:s8] =	ssyncset.s32 @!p0 $0xFFFFF086;
	s6 =	sadd.s32 @!p0 s3, s7;
	s7 =	simm.s32 @!p0 $0x108  }
0x21: {  	s3 =	sadd.s32 s3, s9;
	s6 =	sadd.s32 @!p0 $0x88, s6;
	s7 =	simm.s32 @p2 $0x1082  }
0x22: {  	[simem:s7], [sflag:s8] =	dma.local @!p0 [hbm:s6], $0xF7A  }
0x23: {  	s9 =	sor.u32 $0xD0000000, s2;
	s6 =	simm.s32 $0x108;
	_ =	swait.ge @!p0 [sflag:s8], $0x0  }
0x24: {  	s3 =	sadd.s32 $0x88, s3;
	s6 =	simm.s32 @!p1 $0x1082;
	[sflag:s4] =	ssyncset.s32 $0xFFFFF086  }
0x25: {  	[simem:s6], [sflag:s4] =	dma.local [hbm:s3], $0xF7A  }
0x26: {  	[smem:$0x3F98] =	sst s1;
	(tag) =	ssettag s2;
	_ =	strace s9  }
0x27: {  	s1 =	sld [smem:$0x3FA8]  }
0x28: {  	s2 =	sld [smem:$0x3FA9]  }
0x29: {  	s4 =	sld [smem:$0x3FAB]  }
0x2a: {  	p0 =	seq.s32 s5, $0x0;
	s5 =	sld [smem:$0x3FAC]  }
0x2b: {  	s6 =	sld [smem:$0x3FAD]  }
0x2c: {  	s7 =	sld [smem:$0x3FAE]  }
0x2d: {  	s3 =	simm.s32 $0x108;
	s8 =	sld [smem:$0x3FAF]  }
0x2e: {  	s3 =	simm.s32 @!p0 $0x1082;
	s9 =	sld [smem:$0x3FB0]  }
0x2f: {  	lr =	sadd.s32 s0, s3;
	s0 =	sld [smem:$0x3FA7]  }
0x30: {  	s3 =	sld [smem:$0x3FAA]  }
0x31: {  	[smem:$0x3FB3] =	sst s10  }
0x32: {  	s10 =	sld [smem:$0x3FB1];
	_ =	sdelay $0x3  }
0x33: {  	p0 =	seq.s32 s10, $0x1;
	s10 =	sld [smem:$0x3FB3];
	_ =	sdelay $0x3  }
0x34: {  	[smem:$0x3FB3] =	sst s10  }
0x35: {  	s10 =	sld [smem:$0x3FB2];
	_ =	sdelay $0x3  }
0x36: {  	p1 =	seq.s32 s10, $0x1;
	s10 =	sld [smem:$0x3FB3];
	_ =	sdelay $0x3  }
0x37: {  	[smem:$0x3FB3] =	sst s10  }
0x38: {  	s10 =	sld [smem:$0x3FB4]  }
0x39: {  	_ = 	snop;
	(pc) =	sbr.ind lr, $3  }
0x3a: {  	_ = 	snop  }
0x3b: {  	_ = 	snop  }
0x3c: {  	p2 =	seq.s32 s10, $0x1;
	s10 =	sld [smem:$0x3FB3]  }
0x3d: {  	_ =	shalt  }
0x3e: {  	_ =	shalt  }
0x3f: {  	_ =	shalt  }
0x40: {  	_ =	shalt  }
0x41: {  	_ =	shalt  }
0x42: {  	_ =	shalt  }
0x43: {  	_ =	shalt  }
0x44: {  	_ =	shalt  }
0x45: {  	_ =	shalt  }
0x46: {  	_ =	shalt  }
0x47: {  	_ =	shalt  }
0x48: {  	_ =	shalt  }
0x49: {  	_ =	shalt  }
0x4a: {  	_ =	shalt  }
0x4b: {  	_ =	shalt  }
0x4c: {  	_ =	shalt  }
0x4d: {  	_ =	shalt  }
0x4e: {  	_ =	shalt  }
0x4f: {  	_ =	shalt  }
0x50: {  	_ =	shalt  }
0x51: {  	_ =	shalt  }
0x52: {  	_ =	shalt  }
0x53: {  	_ =	shalt  }
0x54: {  	_ =	shalt  }
0x55: {  	_ =	shalt  }
0x56: {  	_ =	shalt  }
0x57: {  	_ =	shalt  }
0x58: {  	_ =	shalt  }
0x59: {  	_ =	shalt  }
0x5a: {  	_ =	shalt  }
0x5b: {  	_ =	shalt  }
0x5c: {  	_ =	shalt  }
0x5d: {  	_ =	shalt  }
0x5e: {  	_ =	shalt  }
0x5f: {  	_ =	shalt  }
0x60: {  	_ =	shalt  }
0x61: {  	_ =	shalt  }
0x62: {  	_ =	shalt  }
0x63: {  	_ =	shalt  }
0x64: {  	_ =	shalt  }
0x65: {  	_ =	shalt  }
0x66: {  	_ =	shalt  }
0x67: {  	_ =	shalt  }
0x68: {  	_ =	shalt  }
0x69: {  	_ =	shalt  }
0x6a: {  	_ =	shalt  }
0x6b: {  	_ =	shalt  }
0x6c: {  	_ =	shalt  }
0x6d: {  	_ =	shalt  }
0x6e: {  	_ =	shalt  }
0x6f: {  	_ =	shalt  }
0x70: {  	_ =	shalt  }
0x71: {  	_ =	shalt  }
0x72: {  	_ =	shalt  }
0x73: {  	_ =	shalt  }
0x74: {  	_ =	shalt  }
0x75: {  	_ =	shalt  }
0x76: {  	_ =	shalt  }
0x77: {  	_ =	shalt  }
0x78: {  	_ =	shalt  }
0x79: {  	_ =	shalt  }
0x7a: {  	_ =	shalt  }
0x7b: {  	_ =	shalt  }
0x7c: {  	_ =	shalt  }
0x7d: {  	_ =	shalt  }
0x7e: {  	_ =	shalt  }
0x7f: {  	_ =	shalt  }
0x80: {  	_ =	shalt  }
0x81: {  	_ =	shalt  }
0x82: {  	_ =	shalt  }
0x83: {  	_ =	shalt  }
0x84: {  	_ =	shalt  }
0x85: {  	_ =	shalt  }
0x86: {  	_ =	shalt  }
0x87: {  	_ =	shalt  }
.Lfunc_end0:
.L_simem_size_0:
called_computation.4_lowered:
.L_overlay_start_0:
0x88: {  	s2 =	sld [smem:$0x3FD9]  }
0x89: {  	s3 =	sld [smem:$0x3FFE];
	_ =	sdelay $0x1  }
0x8a: {  	s1 =	srdreg.scid  }
0x8b: {  	s0 =	sand.u32 $0x1, s1  }
0x8c: {  	s16 =	sshll.u32 s0, $0xA;
	s2 =	sadd.s32 s3, s2  }
0x8d: {  	s2 =	sadd.s32 s2, s16  }
0x8e: {  	[smem:$0x3FBF] =	sst s2  }
0x8f: {  	_ = 	snop  }
0x90: {  	(tm) =	ssettm $0x1  }
0x91: {  	s17 =	sld [smem:$0x3FFB];
	_ =	sdelay $0x3  }
0x92: {  	_ =	strace s17  }
0x93: {  	s2 =	sld [smem:$0x3FFC];
	_ =	sdelay $0x3  }
0x94: {  	_ =	strace s2  }
0x95: {  	s2 =	sld [smem:$0x3FFD];
	_ =	sdelay $0x3  }
0x96: {  	_ =	strace s2  }
0x97: {  	_ =	strace $0x8FFFFFFF  }
0x98: {  	s18 =	sld [smem:$0x3FDB];
	_ =	sdelay $0x1  }
0x99: {  	s19 =	simm.s32 $_scs_section_size  }
0x9a: {  	s4 =	simm.s32 $_size__tile_overlayer_lowered;
	s5 =	simm.s32 $_tile_overlayer_lowered  }
0x9b: {  	s22 =	simm.s32 $0x1BFF;
	s21 =	sshll.u32 s5, $0x1;
	s2 =	sadd.s32 s19, s18  }
0x9c: {  	s6 =	simm.s32 $0x0;
	s20 =	sshll.u32 s4, $0x1;
	s4 =	sadd.s32 s21, s2  }
0x9d: {  	[timem:s6], [sflag:s22] =	dma.local [hbm:s4], s20  }
0x9e: {  	_ =	swait.ge [sflag:s22], s20  }
0x9f: {  	s3 =	ssub.s32 $0x0, s20;
	[sflag:s22] =	ssyncset.done $0x0  }
0xa0: {  	[sflag:s22] =	ssyncadd.s32 s3;
	_ =	sdelay $0x1  }
0xa1: {  	s23 =	simm.s32 $0x1B8B  }
0xa2: {  	_ =	swait.ge [sflag:s23], $0x1  }
0xa3: {  	[sflag:s23] =	ssyncset.done $0x0  }
0xa4: {  	s25 =	simm.s32 $0x1B8E;
	s24 =	sld [smem:$0x3FFE];
	[sflag:s23] =	ssyncadd.s32 $0xFFFFFFFF  }
0xa5: {  	s26 =	simm.s32 $execute0_lowered;
	[smem:$0x3FD2] =	sst s25  }
0xa6: {  	s4 =	sshll.u32 s26, $0x1;
	_ =	strace $0x80000052;
	[dreg:$0x1] =	wrdreg $0xFFFFFFFF  }
0xa7: {  	s28 =	simm.s32 $_size_execute0_lowered;
	s2 =	sadd.s32 s2, s4;
	[dreg:$0x0] =	wrdreg $0x0  }
0xa8: {  	s4 =	sshll.u32 s28, $0x1;
	[dreg:$0x2] =	wrdreg s2  }
0xa9: {  	[dreg:$0x3] =	wrdreg s4  }
0xaa: {  	[dreg:$0x4] =	wrdreg $0xC0  }
0xab: {  	_ =	task [dreg:s6], $0x5FFFF  }
0xac: {  	[dreg:$0x1] =	wrdreg $0xFFFFFFFF  }
0xad: {  	[dreg:$0x0] =	wrdreg $0x60  }
0xae: {  	[dreg:$0x2] =	wrdreg s24  }
0xaf: {  	[dreg:$0x3] =	wrdreg $0xB0000  }
0xb0: {  	[dreg:$0x4] =	wrdreg $0x9  }
0xb1: {  	_ =	task.clear_ibuf [dreg:s6], $0x5FFFF;
	_ =	strace $0x90000052  }
0xb2: {  	s29 =	simm.s32 $0x9;
	_ =	strace $0x80000054  }
0xb3: {  	_ =	swait.ge [sflag:s29], $0x1  }
0xb4: {  	[sflag:s29] =	ssyncadd.s32 $0xFFFFFFFF  }
0xb5: {  	_ =	strace $0x90000054  }
0xb6: {  	_ =	sfence  }
0xb7: {  	s30 =	sld [smem:$0x0];
	_ =	sdelay $0x2  }
0xb8: {  	s31 =	sshll.u32 s1, $0xD;
	s1 =	sshrl.u32 s1, $0x2  }
0xb9: {  	s3 =	sand.u32 $0x4000, s31;
	s1 =	sadd.s32 s1, s30  }
0xba: {  	s0 =	sor.u32 s3, s0;
	s1 =	sshll.u32 s1, $0x11  }
0xbb: {  	s0 =	sor.u32 s1, s0  }
0xbc: {  	s0 =	sadd.s32 $0x8F2B, s0  }
0xbd: {  	[sflag:s0] =	ssyncadd.remote.s32 $0x1  }
0xbe: {  	_ =	sfence.sel $0xFFFF  }
0xbf: {  	[dreg:$0x0] =	wrdreg $0xFFFFFFFF;
	(pc) =	sbr.abs _section_cstart, $3  }
0xc0: {  	[dreg:$0x1] =	wrdreg $0xFFFFFFFF  }
0xc1: {  	_ =	task.clear_ibuf [dreg:s6], $0x2FFFF;
	_ =	strace $0x9FFFFFFF  }
0xc2: {  	(tm) =	ssettm $0x7FFFFFFF  }
0xc3: {  	_ =	shalt  }
tec
execute0_lowered:
.L_overlay_start_1:
0x0: {  	(tag) =	ssettag $0x1  }
0x1: {  	s6 =	rddreg [dreg:$0x0]  }
0x2: {  	s1 =	rddreg [dreg:$0x1]  }
0x3: {  	s0 =	rddreg [dreg:$0x2];
	s2 =	simm.s32 $0x0;
	s3 =	srdreg.scid  }
0x4: {  	s16 =	simm.s32 $0x80;
	s17 =	simm.s32 $0x3000;
	s18 =	simm.s32 $0x7000  }
0x5: {  	s19 =	simm.s32 $0x1;
	s20 =	simm.s32 $0x2;
	s21 =	simm.s32 $0x3  }
0x6: {  	s22 =	simm.s32 $0x4;
	s23 =	simm.s32 $0x0;
	[smem:$0x7FF] =	sst s2  }
0x7: {  	s7 =	sand.u32 $0x1, s3;
	s4 =	sadd.s32 $0x10800, s6;
	s3 =	stileid.u32  }
0x8: {  	s5 =	sadd.s32 $0x13000, s6;
	s12 =	sadd.s32 $0x63800, s6;
	s8 =	smul.u32 $0x140000, s7  }
0x9: {  	s25 =	sadd.s32 $0x4800, s6;
	_ =	strace $0x80000053;
	s9 =	smul.u32 $0x14000, s3  }
0xa: {  	s10 =	sshll.u32 s7, $0x5;
	s11 =	sshll.u32 s3, $0x1;
	s7 =	ssub.s32 $0x2, s7  }
0xb: {  	s29 =	smul.u32 $0x50000, s3;
	s31 =	sshll.u32 s3, $0x6;
	s10 =	sor.u32 s11, s10  }
0xc: {  	s28 =	sshrl.u32 s7, $0x1;
	s8 =	sadd.s32 s9, s8;
	s26 =	smul.u32 $0x300, s10  }
0xd: {  	s10 =	smul.u32 $0x1800, s10;
	s14 =	ssub.s32 s7, s28;
	s8 =	sshrl.u32 s8, $0x3  }
0xe: {  	s11 =	smax.u32 s14, $0x1;
	s14 =	sor.u32 $0x1C05, s31;
	s13 =	sadd.s32 s8, s6  }
0xf: {  	s6 =	sadd.s32 s12, s26;
	s10 =	sshrl.u32 s10, $0x3;
	s8 =	sshrl.u32 s29, $0x2  }
0x10: {  	s7 =	sadd.s32 s25, s26;
	s30 =	sadd.s32 $0x300, s10;
	s15 =	sadd.s32 s8, s1  }
0x11: {  	s10 =	sadd.s32 $0x6F800, s13;
	s13 =	simm.s32 $0x1800;
	s8 =	sadd.s32 s12, s30  }
0x12: {  	s9 =	sadd.s32 s25, s30;
	s12 =	simm.s32 $0x5;
	s15 =	sshrl.u32 s15, $0x3  }
.LBB2_1:
0x13: {  	[tilespmem:s2], [sflag:$0x5] =	stream.linear.gather [hbm4b:s6+s2], $0x1500, $0x38;
	[tilespmem:$0x1F000] =	vst v63  }
0x14: {  	_ =	swait.ge [sflag:s12], $0x1500  }
0x15: {  	[sflag:s12] =	ssyncset.done $0x0  }
0x16: {  	[sflag:s12] =	ssyncadd.s32 $0xFFFFEB00  }
0x17: {  	[tilespmem:s13], [sflag:$0x5] =	stream.linear.gather [hbm4b:s7+s2], $0x1500, $0x38;
	[tilespmem:$0x1F000] =	vst v63  }
0x18: {  	_ =	swait.ge [sflag:s12], $0x1500  }
0x19: {  	[sflag:s12] =	ssyncset.done $0x0  }
0x1a: {  	[sflag:s12] =	ssyncadd.s32 $0xFFFFEB00  }
0x1b: {  	[spmem:s15], [sflag:s14] =	dma.local [hbm:s4], $0x2800  }
0x1c: {  	_ =	swait.ge [sflag:s12], $0x2800  }
0x1d: {  	[sflag:s12] =	ssyncset.done $0x0  }
0x1e: {  	[sflag:s12] =	ssyncadd.s32 $0xFFFFD800  }
0x1f: {  	s24 =	simm.s32 $0x0;
	[bflag:$0x0] =	sbarrier.arrive $0xFFFF  }
0x20: {  	[tilespmem:s17], [sflag:$0x1] =	stream.indirect.gather [hbm4b:s5+s16], $0x80, s24, s16, $0xb8;
	[tilespmem:$0x1F000] =	vst v63  }
0x21: {  	s29 =	simm.s32 $0x80  }
0x22: {  	[tilespmem:s18], [sflag:$0x2] =	stream.indirect.gather [hbm4b:s5+s16], $0x80, s29, s16, $0xb8;
	[tilespmem:$0x1F000] =	vst v63  }
0x23: {  	_ =	swait.ge [sflag:s19], $0x4000  }
0x24: {  	[sflag:s19] =	ssyncset.done $0x0  }
0x25: {  	s30 =	simm.s32 $0x1800;
	[sflag:s19] =	ssyncadd.s32 $0xFFFFC000  }
0x26: {  	[spmem:s1] =	stream.indirect.scatter.add.f32 [tilespmem:s17], [sflag:$0x3], $0x80, s30, s16, $0xb8;
	[tilespmem:$0x1F000] =	vst v63  }
0x27: {  	_ =	swait.ge [sflag:s20], $0x4000  }
0x28: {  	[sflag:s20] =	ssyncset.done $0x0  }
0x29: {  	s31 =	simm.s32 $0x1880;
	[sflag:s20] =	ssyncadd.s32 $0xFFFFC000  }
0x2a: {  	[spmem:s1] =	stream.indirect.scatter.add.f32 [tilespmem:s18], [sflag:$0x4], $0x80, s31, s16, $0xb8;
	[tilespmem:$0x1F000] =	vst v63  }
0x2b: {  	_ =	swait.ge [sflag:s21], $0x4000  }
0x2c: {  	[sflag:s21] =	ssyncset.done $0x0  }
0x2d: {  	[sflag:s21] =	ssyncadd.s32 $0xFFFFC000  }
0x2e: {  	_ =	swait.ge [sflag:s22], $0x4000  }
0x2f: {  	s25 =	simm.s32 $0x800;
	s24 =	simm.s32 $0x400;
	[sflag:s22] =	ssyncset.done $0x0  }
.LBB2_2:
0x30: {  	s26 =	sshra.s32 s24, $0x2  }
0x31: {  	[sflag:s22] =	ssyncadd.s32 $0xFFFFC000;
	s24 =	smov.u32 s25;
	s28 =	sadd.s32 $0x400, s25  }
0x32: {  	[tilespmem:s17], [sflag:$0x1] =	stream.indirect.gather [hbm4b:s5+s16], $0x80, s26, s16, $0xb8;
	[tilespmem:$0x1F000] =	vst v63  }
0x33: {  	p0 =	sne.s32 s25, $0x5000;
	s25 =	sadd.s32 $0x80, s26  }
0x34: {  	[tilespmem:s18], [sflag:$0x2] =	stream.indirect.gather [hbm4b:s5+s16], $0x80, s25, s16, $0xb8;
	[tilespmem:$0x1F000] =	vst v63  }
0x35: {  	_ =	swait.ge [sflag:s19], $0x4000  }
0x36: {  	[sflag:s19] =	ssyncset.done $0x0  }
0x37: {  	s25 =	sadd.s32 $0x1800, s26;
	[sflag:s19] =	ssyncadd.s32 $0xFFFFC000  }
0x38: {  	[spmem:s1] =	stream.indirect.scatter.add.f32 [tilespmem:s17], [sflag:$0x3], $0x80, s25, s16, $0xb8;
	[tilespmem:$0x1F000] =	vst v63  }
0x39: {  	_ =	swait.ge [sflag:s20], $0x4000  }
0x3a: {  	[sflag:s20] =	ssyncset.done $0x0  }
0x3b: {  	s25 =	sadd.s32 $0x1880, s26;
	[sflag:s20] =	ssyncadd.s32 $0xFFFFC000  }
0x3c: {  	[spmem:s1] =	stream.indirect.scatter.add.f32 [tilespmem:s18], [sflag:$0x4], $0x80, s25, s16, $0xb8;
	[tilespmem:$0x1F000] =	vst v63  }
.Ltmp0:
0x3d: {  	_ =	swait.ge [sflag:s21], $0x4000;
	(pc) =	sbr.rel @p0 .LBB2_2-.Ltmp0, $4  }
0x3e: {  	[sflag:s21] =	ssyncset.done $0x0  }
0x3f: {  	[sflag:s21] =	ssyncadd.s32 $0xFFFFC000  }
0x40: {  	_ =	swait.ge [sflag:s22], $0x4000  }
0x41: {  	s25 =	smov.u32 s28;
	[sflag:s22] =	ssyncset.done $0x0  }
0x42: {  	s24 =	sshra.s32 s24, $0x2;
	[sflag:s22] =	ssyncadd.s32 $0xFFFFC000  }
0x43: {  	[tilespmem:s17], [sflag:$0x1] =	stream.indirect.gather [hbm4b:s5+s16], $0x80, s24, s16, $0xb8;
	[tilespmem:$0x1F000] =	vst v63  }
0x44: {  	s25 =	sadd.s32 $0x80, s24  }
0x45: {  	[tilespmem:s18], [sflag:$0x2] =	stream.indirect.gather [hbm4b:s5+s16], $0x80, s25, s16, $0xb8;
	[tilespmem:$0x1F000] =	vst v63  }
0x46: {  	_ =	swait.ge [sflag:s19], $0x4000  }
0x47: {  	[sflag:s19] =	ssyncset.done $0x0  }
0x48: {  	s31 =	sadd.s32 $0x1800, s24;
	[sflag:s19] =	ssyncadd.s32 $0xFFFFC000  }
0x49: {  	[spmem:s1] =	stream.indirect.scatter.add.f32 [tilespmem:s17], [sflag:$0x3], $0x80, s31, s16, $0xb8;
	[tilespmem:$0x1F000] =	vst v63  }
0x4a: {  	_ =	swait.ge [sflag:s20], $0x4000  }
0x4b: {  	[sflag:s20] =	ssyncset.done $0x0  }
0x4c: {  	s24 =	sadd.s32 $0x1880, s24;
	[sflag:s20] =	ssyncadd.s32 $0xFFFFC000  }
0x4d: {  	[spmem:s1] =	stream.indirect.scatter.add.f32 [tilespmem:s18], [sflag:$0x4], $0x80, s24, s16, $0xb8;
	[tilespmem:$0x1F000] =	vst v63  }
0x4e: {  	_ =	swait.ge [sflag:s21], $0x4000  }
0x4f: {  	[sflag:s21] =	ssyncset.done $0x0  }
0x50: {  	[sflag:s21] =	ssyncadd.s32 $0xFFFFC000  }
0x51: {  	_ =	swait.ge [sflag:s22], $0x4000  }
0x52: {  	[sflag:s22] =	ssyncset.done $0x0  }
0x53: {  	s26 =	simm.s32 $0x0;
	[sflag:s22] =	ssyncadd.s32 $0xFFFFC000  }
0x54: {  	[tilespmem:s26], [sflag:$0x5] =	stream.linear.gather [hbm4b:s8+s26], $0x1500, $0x38;
	[tilespmem:$0x1F000] =	vst v63  }
0x55: {  	_ =	swait.ge [sflag:s12], $0x1500  }
0x56: {  	[sflag:s12] =	ssyncset.done $0x0  }
0x57: {  	[sflag:s12] =	ssyncadd.s32 $0xFFFFEB00  }
0x58: {  	[tilespmem:s13], [sflag:$0x5] =	stream.linear.gather [hbm4b:s9+s26], $0x1500, $0x38;
	[tilespmem:$0x1F000] =	vst v63  }
0x59: {  	_ =	swait.ge [sflag:s12], $0x1500  }
0x5a: {  	[sflag:s12] =	ssyncset.done $0x0  }
0x5b: {  	s28 =	simm.s32 $0x0;
	[sflag:s12] =	ssyncadd.s32 $0xFFFFEB00  }
0x5c: {  	[tilespmem:s17], [sflag:$0x1] =	stream.indirect.gather [hbm4b:s5+s16], $0x80, s28, s16, $0xb8;
	[tilespmem:$0x1F000] =	vst v63  }
0x5d: {  	s29 =	simm.s32 $0x80  }
0x5e: {  	[tilespmem:s18], [sflag:$0x2] =	stream.indirect.gather [hbm4b:s5+s16], $0x80, s29, s16, $0xb8;
	[tilespmem:$0x1F000] =	vst v63  }
0x5f: {  	_ =	swait.ge [sflag:s19], $0x4000  }
0x60: {  	[sflag:s19] =	ssyncset.done $0x0  }
0x61: {  	s30 =	simm.s32 $0x1800;
	[sflag:s19] =	ssyncadd.s32 $0xFFFFC000  }
0x62: {  	[spmem:s1] =	stream.indirect.scatter.add.f32 [tilespmem:s17], [sflag:$0x3], $0x80, s30, s16, $0xb8;
	[tilespmem:$0x1F000] =	vst v63  }
0x63: {  	_ =	swait.ge [sflag:s20], $0x4000  }
0x64: {  	[sflag:s20] =	ssyncset.done $0x0  }
0x65: {  	s31 =	simm.s32 $0x1880;
	[sflag:s20] =	ssyncadd.s32 $0xFFFFC000  }
0x66: {  	[spmem:s1] =	stream.indirect.scatter.add.f32 [tilespmem:s18], [sflag:$0x4], $0x80, s31, s16, $0xb8;
	[tilespmem:$0x1F000] =	vst v63  }
0x67: {  	_ =	swait.ge [sflag:s21], $0x4000  }
0x68: {  	[sflag:s21] =	ssyncset.done $0x0  }
0x69: {  	[sflag:s21] =	ssyncadd.s32 $0xFFFFC000  }
0x6a: {  	_ =	swait.ge [sflag:s22], $0x4000  }
0x6b: {  	s25 =	simm.s32 $0x800;
	s24 =	simm.s32 $0x400;
	[sflag:s22] =	ssyncset.done $0x0  }
.LBB2_4:
0x6c: {  	s26 =	sshra.s32 s24, $0x2  }
0x6d: {  	[sflag:s22] =	ssyncadd.s32 $0xFFFFC000;
	s24 =	smov.u32 s25;
	s28 =	sadd.s32 $0x400, s25  }
0x6e: {  	[tilespmem:s17], [sflag:$0x1] =	stream.indirect.gather [hbm4b:s5+s16], $0x80, s26, s16, $0xb8;
	[tilespmem:$0x1F000] =	vst v63  }
0x6f: {  	p0 =	sne.s32 s25, $0x5000;
	s25 =	sadd.s32 $0x80, s26  }
0x70: {  	[tilespmem:s18], [sflag:$0x2] =	stream.indirect.gather [hbm4b:s5+s16], $0x80, s25, s16, $0xb8;
	[tilespmem:$0x1F000] =	vst v63  }
0x71: {  	_ =	swait.ge [sflag:s19], $0x4000  }
0x72: {  	[sflag:s19] =	ssyncset.done $0x0  }
0x73: {  	s25 =	sadd.s32 $0x1800, s26;
	[sflag:s19] =	ssyncadd.s32 $0xFFFFC000  }
0x74: {  	[spmem:s1] =	stream.indirect.scatter.add.f32 [tilespmem:s17], [sflag:$0x3], $0x80, s25, s16, $0xb8;
	[tilespmem:$0x1F000] =	vst v63  }
0x75: {  	_ =	swait.ge [sflag:s20], $0x4000  }
0x76: {  	[sflag:s20] =	ssyncset.done $0x0  }
0x77: {  	s25 =	sadd.s32 $0x1880, s26;
	[sflag:s20] =	ssyncadd.s32 $0xFFFFC000  }
0x78: {  	[spmem:s1] =	stream.indirect.scatter.add.f32 [tilespmem:s18], [sflag:$0x4], $0x80, s25, s16, $0xb8;
	[tilespmem:$0x1F000] =	vst v63  }
.Ltmp1:
0x79: {  	_ =	swait.ge [sflag:s21], $0x4000;
	(pc) =	sbr.rel @p0 .LBB2_4-.Ltmp1, $4  }
0x7a: {  	[sflag:s21] =	ssyncset.done $0x0  }
0x7b: {  	[sflag:s21] =	ssyncadd.s32 $0xFFFFC000  }
0x7c: {  	_ =	swait.ge [sflag:s22], $0x4000  }
0x7d: {  	s25 =	smov.u32 s28;
	[sflag:s22] =	ssyncset.done $0x0  }
0x7e: {  	s24 =	sshra.s32 s24, $0x2;
	[sflag:s22] =	ssyncadd.s32 $0xFFFFC000  }
0x7f: {  	[tilespmem:s17], [sflag:$0x1] =	stream.indirect.gather [hbm4b:s5+s16], $0x80, s24, s16, $0xb8;
	[tilespmem:$0x1F000] =	vst v63  }
0x80: {  	s25 =	sadd.s32 $0x80, s24  }
0x81: {  	[tilespmem:s18], [sflag:$0x2] =	stream.indirect.gather [hbm4b:s5+s16], $0x80, s25, s16, $0xb8;
	[tilespmem:$0x1F000] =	vst v63  }
0x82: {  	_ =	swait.ge [sflag:s19], $0x4000  }
0x83: {  	[sflag:s19] =	ssyncset.done $0x0  }
0x84: {  	s31 =	sadd.s32 $0x1800, s24;
	[sflag:s19] =	ssyncadd.s32 $0xFFFFC000  }
0x85: {  	[spmem:s1] =	stream.indirect.scatter.add.f32 [tilespmem:s17], [sflag:$0x3], $0x80, s31, s16, $0xb8;
	[tilespmem:$0x1F000] =	vst v63  }
0x86: {  	_ =	swait.ge [sflag:s20], $0x4000  }
0x87: {  	[sflag:s20] =	ssyncset.done $0x0  }
0x88: {  	s24 =	sadd.s32 $0x1880, s24;
	[sflag:s20] =	ssyncadd.s32 $0xFFFFC000  }
0x89: {  	[spmem:s1] =	stream.indirect.scatter.add.f32 [tilespmem:s18], [sflag:$0x4], $0x80, s24, s16, $0xb8;
	[tilespmem:$0x1F000] =	vst v63  }
0x8a: {  	_ =	swait.ge [sflag:s21], $0x4000  }
0x8b: {  	[sflag:s21] =	ssyncset.done $0x0  }
0x8c: {  	[sflag:s21] =	ssyncadd.s32 $0xFFFFC000  }
0x8d: {  	_ =	swait.ge [sflag:s22], $0x4000  }
0x8e: {  	s23 =	sadd.s32 $0x1, s23;
	[sflag:s22] =	ssyncset.done $0x0  }
0x8f: {  	p0 =	sne.s32 s23, s11;
	[sflag:s22] =	ssyncadd.s32 $0xFFFFC000  }
.Ltmp2:
0x90: {  	[bflag:$0x0] =	sbarrier.arrive $0xFFFF;
	(pc) =	sbr.rel @p0 .LBB2_1-.Ltmp2, $4  }
0x91: {  	[hbm:s10], [sflag:s14] =	dma.local [spmem:s15], $0x2800  }
0x92: {  	_ =	swait.ge [sflag:s12], $0x2800  }
0x93: {  	[sflag:s12] =	ssyncset.done $0x0  }
0x94: {  	[sflag:s12] =	ssyncadd.s32 $0xFFFFD800  }
0x95: {  	_ =	sfence.sel $0x180000  }
0x96: {  	[bflag:$0x0] =	sbarrier.arrive $0xFFFF  }
0x97: {  	p0 =	sne.s32 s3, $0x0;
	_ =	strace $0x90000053  }
0x98: {  	s0 =	sadd.s32 @!p0 $0x100000, s0;
	[bflag:$0x2] =	sbarrier.arrive $0xFFFF  }
0x99: {  	[sflag:s0] =	ssyncadd.tile.s32 @!p0 $0x1;
	_ =	shalt  }
.Lfunc_end2:
_tile_overlayer_lowered:
.L_overlay_start_2:
0x9a: {  	(tag) =	ssettag $0x2  }
0x9b: {  	s0 =	rddreg [dreg:$0x0];
	s2 =	stileid.u32  }
0x9c: {  	s1 =	rddreg [dreg:$0x1];
	p0 =	sne.s32 s2, $0x0  }
0x9d: {  	s3 =	rddreg [dreg:$0x2];
	[bflag:$0x3] =	sbarrier.arrive $0xFFFF;
	s2 =	simm.s32 @!p0 $0x1C05  }
0x9e: {  	[timem:s3], [sflag:s2] =	dma.local @!p0 [hbm:s0], s1  }
0x9f: {  	s0 =	simm.s32 @!p0 $0x5  }
0xa0: {  	_ =	swait.ge @!p0 [sflag:s0], s1  }
0xa1: {  	s1 =	ssub.s32 @!p0 $0x0, s1;
	[sflag:s0] =	ssyncset.done @!p0 $0x0  }
0xa2: {  	[sflag:s0] =	ssyncadd.s32 @!p0 s1  }
0xa3: {  	[bflag:$0x3] =	sbarrier.arrive $0xFFFF  }
0xa4: {  	_ =	shalt  }

// kernel: kernel.34.cloned.1.call-start
scs
__scs_entry_jumppad:
0x0: {  	(pc) =	sbr.rel $0x88, $3  }
0x1: {  	(tag) =	ssettag $0x0;
	lr =	simm.s32 $0x1  }
0x2: {  	[smem:$0x3F98] =	sst lr;
	_ =	strace $0xD0000000  }
0x3: {  	_ = 	snop  }
0x4: {  	_ = 	snop  }
0x5: {  	_ = 	snop  }
0x6: {  	_ = 	snop  }
0x7: {  	_ = 	snop  }
__scs_overlays_trampoline_lowered:
0x8: {  	[smem:$0x3FA7] =	sst s0  }
0x9: {  	[smem:$0x3FA8] =	sst s1  }
0xa: {  	[smem:$0x3FA9] =	sst s2  }
0xb: {  	[smem:$0x3FAA] =	sst s3  }
0xc: {  	[smem:$0x3FAB] =	sst s4  }
0xd: {  	[smem:$0x3FAC] =	sst s5  }
0xe: {  	[smem:$0x3FAD] =	sst s6  }
0xf: {  	[smem:$0x3FAE] =	sst s7  }
0x10: {  	[smem:$0x3FAF] =	sst s8  }
0x11: {  	[smem:$0x3FB0] =	sst s9;
	s0 =	simm.s32 @!p0 $0x0  }
0x12: {  	s1 =	sld [smem:$0x3F96];
	s0 =	simm.s32 @p0 $0x1  }
0x13: {  	[smem:$0x3FB1] =	sst s0;
	s0 =	simm.s32 @!p1 $0x0  }
0x14: {  	s2 =	sld [smem:$0x3F95];
	s0 =	simm.s32 @p1 $0x1  }
0x15: {  	[smem:$0x3FB2] =	sst s0;
	s0 =	simm.s32 @!p2 $0x0  }
0x16: {  	s3 =	sld [smem:$0x3FDB];
	s0 =	simm.s32 @p2 $0x1  }
0x17: {  	s4 =	simm.s32 $0x1BF5;
	[smem:$0x3FB4] =	sst s0  }
0x18: {  	s0 =	sld [smem:$0x3F97];
	_ =	swait.ge [sflag:s4], $0x0  }
0x19: {  	s7 =	sld [smem:$0x3F98]  }
0x1a: {  	s8 =	sadd.s32 $0xFFFFE003, lr  }
0x1b: {  	s9 =	sadd.s32 $0xFFFFFEF7, lr;
	s5 =	simm.s32 $0xFFFFFFFF;
	p2 =	slt.u32 s8, $0xFFFFF086  }
0x1c: {  	p1 =	slt.u32 s9, $0xF7A;
	s5 =	simm.s32 @!p2 $0x0  }
0x1d: {  	s5 =	simm.s32 @p1 $0x1;
	p0 =	seq.s32 s7, s2  }
0x1e: {  	s7 =	smul.u32 @!p0 $0xF7A, s2;
	p2 =	seq.s32 @!p0 s5, $0x0  }
0x1f: {  	s9 =	smul.u32 $0xF7A, s1;
	s8 =	simm.s32 @!p0 $0x1BF5;
	p2 =	por !p2, p0  }
0x20: {  	[sflag:s8] =	ssyncset.s32 @!p0 $0xFFFFF086;
	s6 =	sadd.s32 @!p0 s3, s7;
	s7 =	simm.s32 @!p0 $0x108  }
0x21: {  	s3 =	sadd.s32 s3, s9;
	s6 =	sadd.s32 @!p0 $0x88, s6;
	s7 =	simm.s32 @p2 $0x1082  }
0x22: {  	[simem:s7], [sflag:s8] =	dma.local @!p0 [hbm:s6], $0xF7A  }
0x23: {  	s9 =	sor.u32 $0xD0000000, s2;
	s6 =	simm.s32 $0x108;
	_ =	swait.ge @!p0 [sflag:s8], $0x0  }
0x24: {  	s3 =	sadd.s32 $0x88, s3;
	s6 =	simm.s32 @!p1 $0x1082;
	[sflag:s4] =	ssyncset.s32 $0xFFFFF086  }
0x25: {  	[simem:s6], [sflag:s4] =	dma.local [hbm:s3], $0xF7A  }
0x26: {  	[smem:$0x3F98] =	sst s1;
	(tag) =	ssettag s2;
	_ =	strace s9  }
0x27: {  	s1 =	sld [smem:$0x3FA8]  }
0x28: {  	s2 =	sld [smem:$0x3FA9]  }
0x29: {  	s4 =	sld [smem:$0x3FAB]  }
0x2a: {  	p0 =	seq.s32 s5, $0x0;
	s5 =	sld [smem:$0x3FAC]  }
0x2b: {  	s6 =	sld [smem:$0x3FAD]  }
0x2c: {  	s7 =	sld [smem:$0x3FAE]  }
0x2d: {  	s3 =	simm.s32 $0x108;
	s8 =	sld [smem:$0x3FAF]  }
0x2e: {  	s3 =	simm.s32 @!p0 $0x1082;
	s9 =	sld [smem:$0x3FB0]  }
0x2f: {  	lr =	sadd.s32 s0, s3;
	s0 =	sld [smem:$0x3FA7]  }
0x30: {  	s3 =	sld [smem:$0x3FAA]  }
0x31: {  	[smem:$0x3FB3] =	sst s10  }
0x32: {  	s10 =	sld [smem:$0x3FB1];
	_ =	sdelay $0x3  }
0x33: {  	p0 =	seq.s32 s10, $0x1;
	s10 =	sld [smem:$0x3FB3];
	_ =	sdelay $0x3  }
0x34: {  	[smem:$0x3FB3] =	sst s10  }
0x35: {  	s10 =	sld [smem:$0x3FB2];
	_ =	sdelay $0x3  }
0x36: {  	p1 =	seq.s32 s10, $0x1;
	s10 =	sld [smem:$0x3FB3];
	_ =	sdelay $0x3  }
0x37: {  	[smem:$0x3FB3] =	sst s10  }
0x38: {  	s10 =	sld [smem:$0x3FB4]  }
0x39: {  	_ = 	snop;
	(pc) =	sbr.ind lr, $3  }
0x3a: {  	_ = 	snop  }
0x3b: {  	_ = 	snop  }
0x3c: {  	p2 =	seq.s32 s10, $0x1;
	s10 =	sld [smem:$0x3FB3]  }
0x3d: {  	_ =	shalt  }
0x3e: {  	_ =	shalt  }
0x3f: {  	_ =	shalt  }
0x40: {  	_ =	shalt  }
0x41: {  	_ =	shalt  }
0x42: {  	_ =	shalt  }
0x43: {  	_ =	shalt  }
0x44: {  	_ =	shalt  }
0x45: {  	_ =	shalt  }
0x46: {  	_ =	shalt  }
0x47: {  	_ =	shalt  }
0x48: {  	_ =	shalt  }
0x49: {  	_ =	shalt  }
0x4a: {  	_ =	shalt  }
0x4b: {  	_ =	shalt  }
0x4c: {  	_ =	shalt  }
0x4d: {  	_ =	shalt  }
0x4e: {  	_ =	shalt  }
0x4f: {  	_ =	shalt  }
0x50: {  	_ =	shalt  }
0x51: {  	_ =	shalt  }
0x52: {  	_ =	shalt  }
0x53: {  	_ =	shalt  }
0x54: {  	_ =	shalt  }
0x55: {  	_ =	shalt  }
0x56: {  	_ =	shalt  }
0x57: {  	_ =	shalt  }
0x58: {  	_ =	shalt  }
0x59: {  	_ =	shalt  }
0x5a: {  	_ =	shalt  }
0x5b: {  	_ =	shalt  }
0x5c: {  	_ =	shalt  }
0x5d: {  	_ =	shalt  }
0x5e: {  	_ =	shalt  }
0x5f: {  	_ =	shalt  }
0x60: {  	_ =	shalt  }
0x61: {  	_ =	shalt  }
0x62: {  	_ =	shalt  }
0x63: {  	_ =	shalt  }
0x64: {  	_ =	shalt  }
0x65: {  	_ =	shalt  }
0x66: {  	_ =	shalt  }
0x67: {  	_ =	shalt  }
0x68: {  	_ =	shalt  }
0x69: {  	_ =	shalt  }
0x6a: {  	_ =	shalt  }
0x6b: {  	_ =	shalt  }
0x6c: {  	_ =	shalt  }
0x6d: {  	_ =	shalt  }
0x6e: {  	_ =	shalt  }
0x6f: {  	_ =	shalt  }
0x70: {  	_ =	shalt  }
0x71: {  	_ =	shalt  }
0x72: {  	_ =	shalt  }
0x73: {  	_ =	shalt  }
0x74: {  	_ =	shalt  }
0x75: {  	_ =	shalt  }
0x76: {  	_ =	shalt  }
0x77: {  	_ =	shalt  }
0x78: {  	_ =	shalt  }
0x79: {  	_ =	shalt  }
0x7a: {  	_ =	shalt  }
0x7b: {  	_ =	shalt  }
0x7c: {  	_ =	shalt  }
0x7d: {  	_ =	shalt  }
0x7e: {  	_ =	shalt  }
0x7f: {  	_ =	shalt  }
0x80: {  	_ =	shalt  }
0x81: {  	_ =	shalt  }
0x82: {  	_ =	shalt  }
0x83: {  	_ =	shalt  }
0x84: {  	_ =	shalt  }
0x85: {  	_ =	shalt  }
0x86: {  	_ =	shalt  }
0x87: {  	_ =	shalt  }
.Lfunc_end0:
.L_simem_size_0:
called_computation.5_lowered:
.L_overlay_start_0:
0x88: {  	s2 =	sld [smem:$0x3FD9]  }
0x89: {  	s3 =	sld [smem:$0x3FFE];
	_ =	sdelay $0x1  }
0x8a: {  	s1 =	srdreg.scid  }
0x8b: {  	s0 =	sand.u32 $0x1, s1  }
0x8c: {  	s16 =	sshll.u32 s0, $0xA;
	s2 =	sadd.s32 s3, s2  }
0x8d: {  	s2 =	sadd.s32 s2, s16  }
0x8e: {  	[smem:$0x3FBF] =	sst s2  }
0x8f: {  	_ = 	snop  }
0x90: {  	(tm) =	ssettm $0x1  }
0x91: {  	s17 =	sld [smem:$0x3FFB];
	_ =	sdelay $0x3  }
0x92: {  	_ =	strace s17  }
0x93: {  	s2 =	sld [smem:$0x3FFC];
	_ =	sdelay $0x3  }
0x94: {  	_ =	strace s2  }
0x95: {  	s2 =	sld [smem:$0x3FFD];
	_ =	sdelay $0x3  }
0x96: {  	_ =	strace s2  }
0x97: {  	_ =	strace $0x8FFFFFFF  }
0x98: {  	s18 =	sld [smem:$0x3FDB];
	_ =	sdelay $0x1  }
0x99: {  	s19 =	simm.s32 $_scs_section_size  }
0x9a: {  	s4 =	simm.s32 $_size__tile_overlayer_lowered;
	s5 =	simm.s32 $_tile_overlayer_lowered  }
0x9b: {  	s22 =	simm.s32 $0x1BFF;
	s21 =	sshll.u32 s5, $0x1;
	s2 =	sadd.s32 s19, s18  }
0x9c: {  	s6 =	simm.s32 $0x0;
	s20 =	sshll.u32 s4, $0x1;
	s4 =	sadd.s32 s21, s2  }
0x9d: {  	[timem:s6], [sflag:s22] =	dma.local [hbm:s4], s20  }
0x9e: {  	_ =	swait.ge [sflag:s22], s20  }
0x9f: {  	s3 =	ssub.s32 $0x0, s20;
	[sflag:s22] =	ssyncset.done $0x0  }
0xa0: {  	[sflag:s22] =	ssyncadd.s32 s3;
	_ =	sdelay $0x1  }
0xa1: {  	s23 =	simm.s32 $0x1B8B  }
0xa2: {  	_ =	swait.ge [sflag:s23], $0x1  }
0xa3: {  	[sflag:s23] =	ssyncset.done $0x0  }
0xa4: {  	s25 =	simm.s32 $0x1B8E;
	s24 =	sld [smem:$0x3FFE];
	[sflag:s23] =	ssyncadd.s32 $0xFFFFFFFF  }
0xa5: {  	s26 =	simm.s32 $execute0_lowered;
	[smem:$0x3FD2] =	sst s25  }
0xa6: {  	s4 =	sshll.u32 s26, $0x1;
	_ =	strace $0x80000055;
	[dreg:$0x1] =	wrdreg $0xFFFFFFFF  }
0xa7: {  	s28 =	simm.s32 $_size_execute0_lowered;
	s2 =	sadd.s32 s2, s4;
	[dreg:$0x0] =	wrdreg $0x0  }
0xa8: {  	s4 =	sshll.u32 s28, $0x1;
	[dreg:$0x2] =	wrdreg s2  }
0xa9: {  	[dreg:$0x3] =	wrdreg s4  }
0xaa: {  	[dreg:$0x4] =	wrdreg $0xC0  }
0xab: {  	_ =	task [dreg:s6], $0x5FFFF  }
0xac: {  	[dreg:$0x1] =	wrdreg $0xFFFFFFFF  }
0xad: {  	[dreg:$0x0] =	wrdreg $0x60  }
0xae: {  	[dreg:$0x2] =	wrdreg s24  }
0xaf: {  	[dreg:$0x3] =	wrdreg $0xB0000  }
0xb0: {  	[dreg:$0x4] =	wrdreg $0x9  }
0xb1: {  	_ =	task.clear_ibuf [dreg:s6], $0x5FFFF;
	_ =	strace $0x90000055  }
0xb2: {  	s29 =	simm.s32 $0x9;
	_ =	strace $0x80000057  }
0xb3: {  	_ =	swait.ge [sflag:s29], $0x1  }
0xb4: {  	[sflag:s29] =	ssyncadd.s32 $0xFFFFFFFF  }
0xb5: {  	_ =	strace $0x90000057  }
0xb6: {  	_ =	sfence  }
0xb7: {  	s30 =	sld [smem:$0x0];
	_ =	sdelay $0x2  }
0xb8: {  	s31 =	sshll.u32 s1, $0xD;
	s1 =	sshrl.u32 s1, $0x2  }
0xb9: {  	s3 =	sand.u32 $0x4000, s31;
	s1 =	sadd.s32 s1, s30  }
0xba: {  	s0 =	sor.u32 s3, s0;
	s1 =	sshll.u32 s1, $0x11  }
0xbb: {  	s0 =	sor.u32 s1, s0  }
0xbc: {  	s0 =	sadd.s32 $0x8F2B, s0  }
0xbd: {  	[sflag:s0] =	ssyncadd.remote.s32 $0x1  }
0xbe: {  	_ =	sfence.sel $0xFFFF  }
0xbf: {  	[dreg:$0x0] =	wrdreg $0xFFFFFFFF;
	(pc) =	sbr.abs _section_cstart, $3  }
0xc0: {  	[dreg:$0x1] =	wrdreg $0xFFFFFFFF  }
0xc1: {  	_ =	task.clear_ibuf [dreg:s6], $0x2FFFF;
	_ =	strace $0x9FFFFFFF  }
0xc2: {  	(tm) =	ssettm $0x7FFFFFFF  }
0xc3: {  	_ =	shalt  }
tec
execute0_lowered:
.L_overlay_start_1:
0x0: {  	(tag) =	ssettag $0x1  }
0x1: {  	s6 =	rddreg [dreg:$0x0]  }
0x2: {  	s1 =	rddreg [dreg:$0x1]  }
0x3: {  	s0 =	rddreg [dreg:$0x2];
	s2 =	simm.s32 $0x0;
	s3 =	srdreg.scid  }
0x4: {  	s16 =	simm.s32 $0x80;
	s17 =	simm.s32 $0x3000;
	s18 =	simm.s32 $0x7000  }
0x5: {  	s19 =	simm.s32 $0x1;
	s20 =	simm.s32 $0x2;
	s21 =	simm.s32 $0x3  }
0x6: {  	s22 =	simm.s32 $0x4;
	s23 =	simm.s32 $0x0;
	[smem:$0x7FF] =	sst s2  }
0x7: {  	s7 =	sand.u32 $0x1, s3;
	s4 =	sadd.s32 $0x10800, s6;
	s3 =	stileid.u32  }
0x8: {  	s5 =	sadd.s32 $0x13000, s6;
	s12 =	sadd.s32 $0x63800, s6;
	s8 =	smul.u32 $0x140000, s7  }
0x9: {  	s25 =	sadd.s32 $0x4800, s6;
	_ =	strace $0x80000056;
	s9 =	smul.u32 $0x14000, s3  }
0xa: {  	s10 =	sshll.u32 s7, $0x5;
	s11 =	sshll.u32 s3, $0x1;
	s7 =	ssub.s32 $0x2, s7  }
0xb: {  	s29 =	smul.u32 $0x50000, s3;
	s31 =	sshll.u32 s3, $0x6;
	s10 =	sor.u32 s11, s10  }
0xc: {  	s28 =	sshrl.u32 s7, $0x1;
	s8 =	sadd.s32 s9, s8;
	s26 =	smul.u32 $0x300, s10  }
0xd: {  	s10 =	smul.u32 $0x1800, s10;
	s14 =	ssub.s32 s7, s28;
	s8 =	sshrl.u32 s8, $0x3  }
0xe: {  	s11 =	smax.u32 s14, $0x1;
	s14 =	sor.u32 $0x1C05, s31;
	s13 =	sadd.s32 s8, s6  }
0xf: {  	s6 =	sadd.s32 s12, s26;
	s10 =	sshrl.u32 s10, $0x3;
	s8 =	sshrl.u32 s29, $0x2  }
0x10: {  	s7 =	sadd.s32 s25, s26;
	s30 =	sadd.s32 $0x300, s10;
	s15 =	sadd.s32 s8, s1  }
0x11: {  	s10 =	sadd.s32 $0x6F800, s13;
	s13 =	simm.s32 $0x1800;
	s8 =	sadd.s32 s12, s30  }
0x12: {  	s9 =	sadd.s32 s25, s30;
	s12 =	simm.s32 $0x5;
	s15 =	sshrl.u32 s15, $0x3  }
.LBB2_1:
0x13: {  	[tilespmem:s2], [sflag:$0x5] =	stream.linear.gather [hbm4b:s6+s2], $0x1500, $0x38;
	[tilespmem:$0x1F000] =	vst v63  }
0x14: {  	_ =	swait.ge [sflag:s12], $0x1500  }
0x15: {  	[sflag:s12] =	ssyncset.done $0x0  }
0x16: {  	[sflag:s12] =	ssyncadd.s32 $0xFFFFEB00  }
0x17: {  	[tilespmem:s13], [sflag:$0x5] =	stream.linear.gather [hbm4b:s7+s2], $0x1500, $0x38;
	[tilespmem:$0x1F000] =	vst v63  }
0x18: {  	_ =	swait.ge [sflag:s12], $0x1500  }
0x19: {  	[sflag:s12] =	ssyncset.done $0x0  }
0x1a: {  	[sflag:s12] =	ssyncadd.s32 $0xFFFFEB00  }
0x1b: {  	[spmem:s15], [sflag:s14] =	dma.local [hbm:s4], $0x2800  }
0x1c: {  	_ =	swait.ge [sflag:s12], $0x2800  }
0x1d: {  	[sflag:s12] =	ssyncset.done $0x0  }
0x1e: {  	[sflag:s12] =	ssyncadd.s32 $0xFFFFD800  }
0x1f: {  	s24 =	simm.s32 $0x0;
	[bflag:$0x0] =	sbarrier.arrive $0xFFFF  }
0x20: {  	[tilespmem:s17], [sflag:$0x1] =	stream.indirect.gather [hbm4b:s5+s16], $0x80, s24, s16, $0xb8;
	[tilespmem:$0x1F000] =	vst v63  }
0x21: {  	s29 =	simm.s32 $0x80  }
0x22: {  	[tilespmem:s18], [sflag:$0x2] =	stream.indirect.gather [hbm4b:s5+s16], $0x80, s29, s16, $0xb8;
	[tilespmem:$0x1F000] =	vst v63  }
0x23: {  	_ =	swait.ge [sflag:s19], $0x4000  }
0x24: {  	[sflag:s19] =	ssyncset.done $0x0  }
0x25: {  	s30 =	simm.s32 $0x1800;
	[sflag:s19] =	ssyncadd.s32 $0xFFFFC000  }
0x26: {  	[spmem:s1] =	stream.indirect.scatter.add.f32 [tilespmem:s17], [sflag:$0x3], $0x80, s30, s16, $0xb8;
	[tilespmem:$0x1F000] =	vst v63  }
0x27: {  	_ =	swait.ge [sflag:s20], $0x4000  }
0x28: {  	[sflag:s20] =	ssyncset.done $0x0  }
0x29: {  	s31 =	simm.s32 $0x1880;
	[sflag:s20] =	ssyncadd.s32 $0xFFFFC000  }
0x2a: {  	[spmem:s1] =	stream.indirect.scatter.add.f32 [tilespmem:s18], [sflag:$0x4], $0x80, s31, s16, $0xb8;
	[tilespmem:$0x1F000] =	vst v63  }
0x2b: {  	_ =	swait.ge [sflag:s21], $0x4000  }
0x2c: {  	[sflag:s21] =	ssyncset.done $0x0  }
0x2d: {  	[sflag:s21] =	ssyncadd.s32 $0xFFFFC000  }
0x2e: {  	_ =	swait.ge [sflag:s22], $0x4000  }
0x2f: {  	s25 =	simm.s32 $0x800;
	s24 =	simm.s32 $0x400;
	[sflag:s22] =	ssyncset.done $0x0  }
.LBB2_2:
0x30: {  	s26 =	sshra.s32 s24, $0x2  }
0x31: {  	[sflag:s22] =	ssyncadd.s32 $0xFFFFC000;
	s24 =	smov.u32 s25;
	s28 =	sadd.s32 $0x400, s25  }
0x32: {  	[tilespmem:s17], [sflag:$0x1] =	stream.indirect.gather [hbm4b:s5+s16], $0x80, s26, s16, $0xb8;
	[tilespmem:$0x1F000] =	vst v63  }
0x33: {  	p0 =	sne.s32 s25, $0x5000;
	s25 =	sadd.s32 $0x80, s26  }
0x34: {  	[tilespmem:s18], [sflag:$0x2] =	stream.indirect.gather [hbm4b:s5+s16], $0x80, s25, s16, $0xb8;
	[tilespmem:$0x1F000] =	vst v63  }
0x35: {  	_ =	swait.ge [sflag:s19], $0x4000  }
0x36: {  	[sflag:s19] =	ssyncset.done $0x0  }
0x37: {  	s25 =	sadd.s32 $0x1800, s26;
	[sflag:s19] =	ssyncadd.s32 $0xFFFFC000  }
0x38: {  	[spmem:s1] =	stream.indirect.scatter.add.f32 [tilespmem:s17], [sflag:$0x3], $0x80, s25, s16, $0xb8;
	[tilespmem:$0x1F000] =	vst v63  }
0x39: {  	_ =	swait.ge [sflag:s20], $0x4000  }
0x3a: {  	[sflag:s20] =	ssyncset.done $0x0  }
0x3b: {  	s25 =	sadd.s32 $0x1880, s26;
	[sflag:s20] =	ssyncadd.s32 $0xFFFFC000  }
0x3c: {  	[spmem:s1] =	stream.indirect.scatter.add.f32 [tilespmem:s18], [sflag:$0x4], $0x80, s25, s16, $0xb8;
	[tilespmem:$0x1F000] =	vst v63  }
.Ltmp0:
0x3d: {  	_ =	swait.ge [sflag:s21], $0x4000;
	(pc) =	sbr.rel @p0 .LBB2_2-.Ltmp0, $4  }
0x3e: {  	[sflag:s21] =	ssyncset.done $0x0  }
0x3f: {  	[sflag:s21] =	ssyncadd.s32 $0xFFFFC000  }
0x40: {  	_ =	swait.ge [sflag:s22], $0x4000  }
0x41: {  	s25 =	smov.u32 s28;
	[sflag:s22] =	ssyncset.done $0x0  }
0x42: {  	s24 =	sshra.s32 s24, $0x2;
	[sflag:s22] =	ssyncadd.s32 $0xFFFFC000  }
0x43: {  	[tilespmem:s17], [sflag:$0x1] =	stream.indirect.gather [hbm4b:s5+s16], $0x80, s24, s16, $0xb8;
	[tilespmem:$0x1F000] =	vst v63  }
0x44: {  	s25 =	sadd.s32 $0x80, s24  }
0x45: {  	[tilespmem:s18], [sflag:$0x2] =	stream.indirect.gather [hbm4b:s5+s16], $0x80, s25, s16, $0xb8;
	[tilespmem:$0x1F000] =	vst v63  }
0x46: {  	_ =	swait.ge [sflag:s19], $0x4000  }
0x47: {  	[sflag:s19] =	ssyncset.done $0x0  }
0x48: {  	s31 =	sadd.s32 $0x1800, s24;
	[sflag:s19] =	ssyncadd.s32 $0xFFFFC000  }
0x49: {  	[spmem:s1] =	stream.indirect.scatter.add.f32 [tilespmem:s17], [sflag:$0x3], $0x80, s31, s16, $0xb8;
	[tilespmem:$0x1F000] =	vst v63  }
0x4a: {  	_ =	swait.ge [sflag:s20], $0x4000  }
0x4b: {  	[sflag:s20] =	ssyncset.done $0x0  }
0x4c: {  	s24 =	sadd.s32 $0x1880, s24;
	[sflag:s20] =	ssyncadd.s32 $0xFFFFC000  }
0x4d: {  	[spmem:s1] =	stream.indirect.scatter.add.f32 [tilespmem:s18], [sflag:$0x4], $0x80, s24, s16, $0xb8;
	[tilespmem:$0x1F000] =	vst v63  }
0x4e: {  	_ =	swait.ge [sflag:s21], $0x4000  }
0x4f: {  	[sflag:s21] =	ssyncset.done $0x0  }
0x50: {  	[sflag:s21] =	ssyncadd.s32 $0xFFFFC000  }
0x51: {  	_ =	swait.ge [sflag:s22], $0x4000  }
0x52: {  	[sflag:s22] =	ssyncset.done $0x0  }
0x53: {  	s26 =	simm.s32 $0x0;
	[sflag:s22] =	ssyncadd.s32 $0xFFFFC000  }
0x54: {  	[tilespmem:s26], [sflag:$0x5] =	stream.linear.gather [hbm4b:s8+s26], $0x1500, $0x38;
	[tilespmem:$0x1F000] =	vst v63  }
0x55: {  	_ =	swait.ge [sflag:s12], $0x1500  }
0x56: {  	[sflag:s12] =	ssyncset.done $0x0  }
0x57: {  	[sflag:s12] =	ssyncadd.s32 $0xFFFFEB00  }
0x58: {  	[tilespmem:s13], [sflag:$0x5] =	stream.linear.gather [hbm4b:s9+s26], $0x1500, $0x38;
	[tilespmem:$0x1F000] =	vst v63  }
0x59: {  	_ =	swait.ge [sflag:s12], $0x1500  }
0x5a: {  	[sflag:s12] =	ssyncset.done $0x0  }
0x5b: {  	s28 =	simm.s32 $0x0;
	[sflag:s12] =	ssyncadd.s32 $0xFFFFEB00  }
0x5c: {  	[tilespmem:s17], [sflag:$0x1] =	stream.indirect.gather [hbm4b:s5+s16], $0x80, s28, s16, $0xb8;
	[tilespmem:$0x1F000] =	vst v63  }
0x5d: {  	s29 =	simm.s32 $0x80  }
0x5e: {  	[tilespmem:s18], [sflag:$0x2] =	stream.indirect.gather [hbm4b:s5+s16], $0x80, s29, s16, $0xb8;
	[tilespmem:$0x1F000] =	vst v63  }
0x5f: {  	_ =	swait.ge [sflag:s19], $0x4000  }
0x60: {  	[sflag:s19] =	ssyncset.done $0x0  }
0x61: {  	s30 =	simm.s32 $0x1800;
	[sflag:s19] =	ssyncadd.s32 $0xFFFFC000  }
0x62: {  	[spmem:s1] =	stream.indirect.scatter.add.f32 [tilespmem:s17], [sflag:$0x3], $0x80, s30, s16, $0xb8;
	[tilespmem:$0x1F000] =	vst v63  }
0x63: {  	_ =	swait.ge [sflag:s20], $0x4000  }
0x64: {  	[sflag:s20] =	ssyncset.done $0x0  }
0x65: {  	s31 =	simm.s32 $0x1880;
	[sflag:s20] =	ssyncadd.s32 $0xFFFFC000  }
0x66: {  	[spmem:s1] =	stream.indirect.scatter.add.f32 [tilespmem:s18], [sflag:$0x4], $0x80, s31, s16, $0xb8;
	[tilespmem:$0x1F000] =	vst v63  }
0x67: {  	_ =	swait.ge [sflag:s21], $0x4000  }
0x68: {  	[sflag:s21] =	ssyncset.done $0x0  }
0x69: {  	[sflag:s21] =	ssyncadd.s32 $0xFFFFC000  }
0x6a: {  	_ =	swait.ge [sflag:s22], $0x4000  }
0x6b: {  	s25 =	simm.s32 $0x800;
	s24 =	simm.s32 $0x400;
	[sflag:s22] =	ssyncset.done $0x0  }
.LBB2_4:
0x6c: {  	s26 =	sshra.s32 s24, $0x2  }
0x6d: {  	[sflag:s22] =	ssyncadd.s32 $0xFFFFC000;
	s24 =	smov.u32 s25;
	s28 =	sadd.s32 $0x400, s25  }
0x6e: {  	[tilespmem:s17], [sflag:$0x1] =	stream.indirect.gather [hbm4b:s5+s16], $0x80, s26, s16, $0xb8;
	[tilespmem:$0x1F000] =	vst v63  }
0x6f: {  	p0 =	sne.s32 s25, $0x5000;
	s25 =	sadd.s32 $0x80, s26  }
0x70: {  	[tilespmem:s18], [sflag:$0x2] =	stream.indirect.gather [hbm4b:s5+s16], $0x80, s25, s16, $0xb8;
	[tilespmem:$0x1F000] =	vst v63  }
0x71: {  	_ =	swait.ge [sflag:s19], $0x4000  }
0x72: {  	[sflag:s19] =	ssyncset.done $0x0  }
0x73: {  	s25 =	sadd.s32 $0x1800, s26;
	[sflag:s19] =	ssyncadd.s32 $0xFFFFC000  }
0x74: {  	[spmem:s1] =	stream.indirect.scatter.add.f32 [tilespmem:s17], [sflag:$0x3], $0x80, s25, s16, $0xb8;
	[tilespmem:$0x1F000] =	vst v63  }
0x75: {  	_ =	swait.ge [sflag:s20], $0x4000  }
0x76: {  	[sflag:s20] =	ssyncset.done $0x0  }
0x77: {  	s25 =	sadd.s32 $0x1880, s26;
	[sflag:s20] =	ssyncadd.s32 $0xFFFFC000  }
0x78: {  	[spmem:s1] =	stream.indirect.scatter.add.f32 [tilespmem:s18], [sflag:$0x4], $0x80, s25, s16, $0xb8;
	[tilespmem:$0x1F000] =	vst v63  }
.Ltmp1:
0x79: {  	_ =	swait.ge [sflag:s21], $0x4000;
	(pc) =	sbr.rel @p0 .LBB2_4-.Ltmp1, $4  }
0x7a: {  	[sflag:s21] =	ssyncset.done $0x0  }
0x7b: {  	[sflag:s21] =	ssyncadd.s32 $0xFFFFC000  }
0x7c: {  	_ =	swait.ge [sflag:s22], $0x4000  }
0x7d: {  	s25 =	smov.u32 s28;
	[sflag:s22] =	ssyncset.done $0x0  }
0x7e: {  	s24 =	sshra.s32 s24, $0x2;
	[sflag:s22] =	ssyncadd.s32 $0xFFFFC000  }
0x7f: {  	[tilespmem:s17], [sflag:$0x1] =	stream.indirect.gather [hbm4b:s5+s16], $0x80, s24, s16, $0xb8;
	[tilespmem:$0x1F000] =	vst v63  }
0x80: {  	s25 =	sadd.s32 $0x80, s24  }
0x81: {  	[tilespmem:s18], [sflag:$0x2] =	stream.indirect.gather [hbm4b:s5+s16], $0x80, s25, s16, $0xb8;
	[tilespmem:$0x1F000] =	vst v63  }
0x82: {  	_ =	swait.ge [sflag:s19], $0x4000  }
0x83: {  	[sflag:s19] =	ssyncset.done $0x0  }
0x84: {  	s31 =	sadd.s32 $0x1800, s24;
	[sflag:s19] =	ssyncadd.s32 $0xFFFFC000  }
0x85: {  	[spmem:s1] =	stream.indirect.scatter.add.f32 [tilespmem:s17], [sflag:$0x3], $0x80, s31, s16, $0xb8;
	[tilespmem:$0x1F000] =	vst v63  }
0x86: {  	_ =	swait.ge [sflag:s20], $0x4000  }
0x87: {  	[sflag:s20] =	ssyncset.done $0x0  }
0x88: {  	s24 =	sadd.s32 $0x1880, s24;
	[sflag:s20] =	ssyncadd.s32 $0xFFFFC000  }
0x89: {  	[spmem:s1] =	stream.indirect.scatter.add.f32 [tilespmem:s18], [sflag:$0x4], $0x80, s24, s16, $0xb8;
	[tilespmem:$0x1F000] =	vst v63  }
0x8a: {  	_ =	swait.ge [sflag:s21], $0x4000  }
0x8b: {  	[sflag:s21] =	ssyncset.done $0x0  }
0x8c: {  	[sflag:s21] =	ssyncadd.s32 $0xFFFFC000  }
0x8d: {  	_ =	swait.ge [sflag:s22], $0x4000  }
0x8e: {  	s23 =	sadd.s32 $0x1, s23;
	[sflag:s22] =	ssyncset.done $0x0  }
0x8f: {  	p0 =	sne.s32 s23, s11;
	[sflag:s22] =	ssyncadd.s32 $0xFFFFC000  }
.Ltmp2:
0x90: {  	[bflag:$0x0] =	sbarrier.arrive $0xFFFF;
	(pc) =	sbr.rel @p0 .LBB2_1-.Ltmp2, $4  }
0x91: {  	[hbm:s10], [sflag:s14] =	dma.local [spmem:s15], $0x2800  }
0x92: {  	_ =	swait.ge [sflag:s12], $0x2800  }
0x93: {  	[sflag:s12] =	ssyncset.done $0x0  }
0x94: {  	[sflag:s12] =	ssyncadd.s32 $0xFFFFD800  }
0x95: {  	_ =	sfence.sel $0x180000  }
0x96: {  	[bflag:$0x0] =	sbarrier.arrive $0xFFFF  }
0x97: {  	p0 =	sne.s32 s3, $0x0;
	_ =	strace $0x90000056  }
0x98: {  	s0 =	sadd.s32 @!p0 $0x100000, s0;
	[bflag:$0x2] =	sbarrier.arrive $0xFFFF  }
0x99: {  	[sflag:s0] =	ssyncadd.tile.s32 @!p0 $0x1;
	_ =	shalt  }
.Lfunc_end2:
_tile_overlayer_lowered:
.L_overlay_start_2:
0x9a: {  	(tag) =	ssettag $0x2  }
0x9b: {  	s0 =	rddreg [dreg:$0x0];
	s2 =	stileid.u32  }
0x9c: {  	s1 =	rddreg [dreg:$0x1];
	p0 =	sne.s32 s2, $0x0  }
0x9d: {  	s3 =	rddreg [dreg:$0x2];
	[bflag:$0x3] =	sbarrier.arrive $0xFFFF;
	s2 =	simm.s32 @!p0 $0x1C05  }
0x9e: {  	[timem:s3], [sflag:s2] =	dma.local @!p0 [hbm:s0], s1  }
0x9f: {  	s0 =	simm.s32 @!p0 $0x5  }
0xa0: {  	_ =	swait.ge @!p0 [sflag:s0], s1  }
0xa1: {  	s1 =	ssub.s32 @!p0 $0x0, s1;
	[sflag:s0] =	ssyncset.done @!p0 $0x0  }
0xa2: {  	[sflag:s0] =	ssyncadd.s32 @!p0 s1  }
0xa3: {  	[bflag:$0x3] =	sbarrier.arrive $0xFFFF  }
0xa4: {  	_ =	shalt  }

// kernel: kernel.37.cloned.1.call-start
scs
__scs_entry_jumppad:
0x0: {  	(pc) =	sbr.rel $0x88, $3  }
0x1: {  	(tag) =	ssettag $0x0;
	lr =	simm.s32 $0x1  }
0x2: {  	[smem:$0x3F98] =	sst lr;
	_ =	strace $0xD0000000  }
0x3: {  	_ = 	snop  }
0x4: {  	_ = 	snop  }
0x5: {  	_ = 	snop  }
0x6: {  	_ = 	snop  }
0x7: {  	_ = 	snop  }
__scs_overlays_trampoline_lowered:
0x8: {  	[smem:$0x3FA7] =	sst s0  }
0x9: {  	[smem:$0x3FA8] =	sst s1  }
0xa: {  	[smem:$0x3FA9] =	sst s2  }
0xb: {  	[smem:$0x3FAA] =	sst s3  }
0xc: {  	[smem:$0x3FAB] =	sst s4  }
0xd: {  	[smem:$0x3FAC] =	sst s5  }
0xe: {  	[smem:$0x3FAD] =	sst s6  }
0xf: {  	[smem:$0x3FAE] =	sst s7  }
0x10: {  	[smem:$0x3FAF] =	sst s8  }
0x11: {  	[smem:$0x3FB0] =	sst s9;
	s0 =	simm.s32 @!p0 $0x0  }
0x12: {  	s1 =	sld [smem:$0x3F96];
	s0 =	simm.s32 @p0 $0x1  }
0x13: {  	[smem:$0x3FB1] =	sst s0;
	s0 =	simm.s32 @!p1 $0x0  }
0x14: {  	s2 =	sld [smem:$0x3F95];
	s0 =	simm.s32 @p1 $0x1  }
0x15: {  	[smem:$0x3FB2] =	sst s0;
	s0 =	simm.s32 @!p2 $0x0  }
0x16: {  	s3 =	sld [smem:$0x3FDB];
	s0 =	simm.s32 @p2 $0x1  }
0x17: {  	s4 =	simm.s32 $0x1BF5;
	[smem:$0x3FB4] =	sst s0  }
0x18: {  	s0 =	sld [smem:$0x3F97];
	_ =	swait.ge [sflag:s4], $0x0  }
0x19: {  	s7 =	sld [smem:$0x3F98]  }
0x1a: {  	s8 =	sadd.s32 $0xFFFFE003, lr  }
0x1b: {  	s9 =	sadd.s32 $0xFFFFFEF7, lr;
	s5 =	simm.s32 $0xFFFFFFFF;
	p2 =	slt.u32 s8, $0xFFFFF086  }
0x1c: {  	p1 =	slt.u32 s9, $0xF7A;
	s5 =	simm.s32 @!p2 $0x0  }
0x1d: {  	s5 =	simm.s32 @p1 $0x1;
	p0 =	seq.s32 s7, s2  }
0x1e: {  	s7 =	smul.u32 @!p0 $0xF7A, s2;
	p2 =	seq.s32 @!p0 s5, $0x0  }
0x1f: {  	s9 =	smul.u32 $0xF7A, s1;
	s8 =	simm.s32 @!p0 $0x1BF5;
	p2 =	por !p2, p0  }
0x20: {  	[sflag:s8] =	ssyncset.s32 @!p0 $0xFFFFF086;
	s6 =	sadd.s32 @!p0 s3, s7;
	s7 =	simm.s32 @!p0 $0x108  }
0x21: {  	s3 =	sadd.s32 s3, s9;
	s6 =	sadd.s32 @!p0 $0x88, s6;
	s7 =	simm.s32 @p2 $0x1082  }
0x22: {  	[simem:s7], [sflag:s8] =	dma.local @!p0 [hbm:s6], $0xF7A  }
0x23: {  	s9 =	sor.u32 $0xD0000000, s2;
	s6 =	simm.s32 $0x108;
	_ =	swait.ge @!p0 [sflag:s8], $0x0  }
0x24: {  	s3 =	sadd.s32 $0x88, s3;
	s6 =	simm.s32 @!p1 $0x1082;
	[sflag:s4] =	ssyncset.s32 $0xFFFFF086  }
0x25: {  	[simem:s6], [sflag:s4] =	dma.local [hbm:s3], $0xF7A  }
0x26: {  	[smem:$0x3F98] =	sst s1;
	(tag) =	ssettag s2;
	_ =	strace s9  }
0x27: {  	s1 =	sld [smem:$0x3FA8]  }
0x28: {  	s2 =	sld [smem:$0x3FA9]  }
0x29: {  	s4 =	sld [smem:$0x3FAB]  }
0x2a: {  	p0 =	seq.s32 s5, $0x0;
	s5 =	sld [smem:$0x3FAC]  }
0x2b: {  	s6 =	sld [smem:$0x3FAD]  }
0x2c: {  	s7 =	sld [smem:$0x3FAE]  }
0x2d: {  	s3 =	simm.s32 $0x108;
	s8 =	sld [smem:$0x3FAF]  }
0x2e: {  	s3 =	simm.s32 @!p0 $0x1082;
	s9 =	sld [smem:$0x3FB0]  }
0x2f: {  	lr =	sadd.s32 s0, s3;
	s0 =	sld [smem:$0x3FA7]  }
0x30: {  	s3 =	sld [smem:$0x3FAA]  }
0x31: {  	[smem:$0x3FB3] =	sst s10  }
0x32: {  	s10 =	sld [smem:$0x3FB1];
	_ =	sdelay $0x3  }
0x33: {  	p0 =	seq.s32 s10, $0x1;
	s10 =	sld [smem:$0x3FB3];
	_ =	sdelay $0x3  }
0x34: {  	[smem:$0x3FB3] =	sst s10  }
0x35: {  	s10 =	sld [smem:$0x3FB2];
	_ =	sdelay $0x3  }
0x36: {  	p1 =	seq.s32 s10, $0x1;
	s10 =	sld [smem:$0x3FB3];
	_ =	sdelay $0x3  }
0x37: {  	[smem:$0x3FB3] =	sst s10  }
0x38: {  	s10 =	sld [smem:$0x3FB4]  }
0x39: {  	_ = 	snop;
	(pc) =	sbr.ind lr, $3  }
0x3a: {  	_ = 	snop  }
0x3b: {  	_ = 	snop  }
0x3c: {  	p2 =	seq.s32 s10, $0x1;
	s10 =	sld [smem:$0x3FB3]  }
0x3d: {  	_ =	shalt  }
0x3e: {  	_ =	shalt  }
0x3f: {  	_ =	shalt  }
0x40: {  	_ =	shalt  }
0x41: {  	_ =	shalt  }
0x42: {  	_ =	shalt  }
0x43: {  	_ =	shalt  }
0x44: {  	_ =	shalt  }
0x45: {  	_ =	shalt  }
0x46: {  	_ =	shalt  }
0x47: {  	_ =	shalt  }
0x48: {  	_ =	shalt  }
0x49: {  	_ =	shalt  }
0x4a: {  	_ =	shalt  }
0x4b: {  	_ =	shalt  }
0x4c: {  	_ =	shalt  }
0x4d: {  	_ =	shalt  }
0x4e: {  	_ =	shalt  }
0x4f: {  	_ =	shalt  }
0x50: {  	_ =	shalt  }
0x51: {  	_ =	shalt  }
0x52: {  	_ =	shalt  }
0x53: {  	_ =	shalt  }
0x54: {  	_ =	shalt  }
0x55: {  	_ =	shalt  }
0x56: {  	_ =	shalt  }
0x57: {  	_ =	shalt  }
0x58: {  	_ =	shalt  }
0x59: {  	_ =	shalt  }
0x5a: {  	_ =	shalt  }
0x5b: {  	_ =	shalt  }
0x5c: {  	_ =	shalt  }
0x5d: {  	_ =	shalt  }
0x5e: {  	_ =	shalt  }
0x5f: {  	_ =	shalt  }
0x60: {  	_ =	shalt  }
0x61: {  	_ =	shalt  }
0x62: {  	_ =	shalt  }
0x63: {  	_ =	shalt  }
0x64: {  	_ =	shalt  }
0x65: {  	_ =	shalt  }
0x66: {  	_ =	shalt  }
0x67: {  	_ =	shalt  }
0x68: {  	_ =	shalt  }
0x69: {  	_ =	shalt  }
0x6a: {  	_ =	shalt  }
0x6b: {  	_ =	shalt  }
0x6c: {  	_ =	shalt  }
0x6d: {  	_ =	shalt  }
0x6e: {  	_ =	shalt  }
0x6f: {  	_ =	shalt  }
0x70: {  	_ =	shalt  }
0x71: {  	_ =	shalt  }
0x72: {  	_ =	shalt  }
0x73: {  	_ =	shalt  }
0x74: {  	_ =	shalt  }
0x75: {  	_ =	shalt  }
0x76: {  	_ =	shalt  }
0x77: {  	_ =	shalt  }
0x78: {  	_ =	shalt  }
0x79: {  	_ =	shalt  }
0x7a: {  	_ =	shalt  }
0x7b: {  	_ =	shalt  }
0x7c: {  	_ =	shalt  }
0x7d: {  	_ =	shalt  }
0x7e: {  	_ =	shalt  }
0x7f: {  	_ =	shalt  }
0x80: {  	_ =	shalt  }
0x81: {  	_ =	shalt  }
0x82: {  	_ =	shalt  }
0x83: {  	_ =	shalt  }
0x84: {  	_ =	shalt  }
0x85: {  	_ =	shalt  }
0x86: {  	_ =	shalt  }
0x87: {  	_ =	shalt  }
.Lfunc_end0:
.L_simem_size_0:
called_computation.6_lowered:
.L_overlay_start_0:
0x88: {  	s2 =	sld [smem:$0x3FD9]  }
0x89: {  	s3 =	sld [smem:$0x3FFE];
	_ =	sdelay $0x1  }
0x8a: {  	s1 =	srdreg.scid  }
0x8b: {  	s0 =	sand.u32 $0x1, s1  }
0x8c: {  	s16 =	sshll.u32 s0, $0xA;
	s2 =	sadd.s32 s3, s2  }
0x8d: {  	s2 =	sadd.s32 s2, s16  }
0x8e: {  	[smem:$0x3FBF] =	sst s2  }
0x8f: {  	_ = 	snop  }
0x90: {  	(tm) =	ssettm $0x1  }
0x91: {  	s17 =	sld [smem:$0x3FFB];
	_ =	sdelay $0x3  }
0x92: {  	_ =	strace s17  }
0x93: {  	s2 =	sld [smem:$0x3FFC];
	_ =	sdelay $0x3  }
0x94: {  	_ =	strace s2  }
0x95: {  	s2 =	sld [smem:$0x3FFD];
	_ =	sdelay $0x3  }
0x96: {  	_ =	strace s2  }
0x97: {  	_ =	strace $0x8FFFFFFF  }
0x98: {  	s18 =	sld [smem:$0x3FDB];
	_ =	sdelay $0x1  }
0x99: {  	s19 =	simm.s32 $_scs_section_size  }
0x9a: {  	s4 =	simm.s32 $_size__tile_overlayer_lowered;
	s5 =	simm.s32 $_tile_overlayer_lowered  }
0x9b: {  	s22 =	simm.s32 $0x1BFF;
	s21 =	sshll.u32 s5, $0x1;
	s2 =	sadd.s32 s19, s18  }
0x9c: {  	s6 =	simm.s32 $0x0;
	s20 =	sshll.u32 s4, $0x1;
	s4 =	sadd.s32 s21, s2  }
0x9d: {  	[timem:s6], [sflag:s22] =	dma.local [hbm:s4], s20  }
0x9e: {  	_ =	swait.ge [sflag:s22], s20  }
0x9f: {  	s3 =	ssub.s32 $0x0, s20;
	[sflag:s22] =	ssyncset.done $0x0  }
0xa0: {  	[sflag:s22] =	ssyncadd.s32 s3;
	_ =	sdelay $0x1  }
0xa1: {  	s23 =	simm.s32 $0x1B8B  }
0xa2: {  	_ =	swait.ge [sflag:s23], $0x1  }
0xa3: {  	[sflag:s23] =	ssyncset.done $0x0  }
0xa4: {  	s25 =	simm.s32 $0x1B8E;
	s24 =	sld [smem:$0x3FFE];
	[sflag:s23] =	ssyncadd.s32 $0xFFFFFFFF  }
0xa5: {  	s26 =	simm.s32 $execute0_lowered;
	[smem:$0x3FD2] =	sst s25  }
0xa6: {  	s4 =	sshll.u32 s26, $0x1;
	_ =	strace $0x80000058;
	[dreg:$0x1] =	wrdreg $0xFFFFFFFF  }
0xa7: {  	s28 =	simm.s32 $_size_execute0_lowered;
	s2 =	sadd.s32 s2, s4;
	[dreg:$0x0] =	wrdreg $0x0  }
0xa8: {  	s4 =	sshll.u32 s28, $0x1;
	[dreg:$0x2] =	wrdreg s2  }
0xa9: {  	[dreg:$0x3] =	wrdreg s4  }
0xaa: {  	[dreg:$0x4] =	wrdreg $0xC0  }
0xab: {  	_ =	task [dreg:s6], $0x5FFFF  }
0xac: {  	[dreg:$0x1] =	wrdreg $0xFFFFFFFF  }
0xad: {  	[dreg:$0x0] =	wrdreg $0x60  }
0xae: {  	[dreg:$0x2] =	wrdreg s24  }
0xaf: {  	[dreg:$0x3] =	wrdreg $0xB0000  }
0xb0: {  	[dreg:$0x4] =	wrdreg $0x9  }
0xb1: {  	_ =	task.clear_ibuf [dreg:s6], $0x5FFFF;
	_ =	strace $0x90000058  }
0xb2: {  	s29 =	simm.s32 $0x9;
	_ =	strace $0x8000005A  }
0xb3: {  	_ =	swait.ge [sflag:s29], $0x1  }
0xb4: {  	[sflag:s29] =	ssyncadd.s32 $0xFFFFFFFF  }
0xb5: {  	_ =	strace $0x9000005A  }
0xb6: {  	_ =	sfence  }
0xb7: {  	s30 =	sld [smem:$0x0];
	_ =	sdelay $0x2  }
0xb8: {  	s31 =	sshll.u32 s1, $0xD;
	s1 =	sshrl.u32 s1, $0x2  }
0xb9: {  	s3 =	sand.u32 $0x4000, s31;
	s1 =	sadd.s32 s1, s30  }
0xba: {  	s0 =	sor.u32 s3, s0;
	s1 =	sshll.u32 s1, $0x11  }
0xbb: {  	s0 =	sor.u32 s1, s0  }
0xbc: {  	s0 =	sadd.s32 $0x8F2B, s0  }
0xbd: {  	[sflag:s0] =	ssyncadd.remote.s32 $0x1  }
0xbe: {  	_ =	sfence.sel $0xFFFF  }
0xbf: {  	[dreg:$0x0] =	wrdreg $0xFFFFFFFF;
	(pc) =	sbr.abs _section_cstart, $3  }
0xc0: {  	[dreg:$0x1] =	wrdreg $0xFFFFFFFF  }
0xc1: {  	_ =	task.clear_ibuf [dreg:s6], $0x2FFFF;
	_ =	strace $0x9FFFFFFF  }
0xc2: {  	(tm) =	ssettm $0x7FFFFFFF  }
0xc3: {  	_ =	shalt  }
tec
execute0_lowered:
.L_overlay_start_1:
0x0: {  	(tag) =	ssettag $0x1  }
0x1: {  	s6 =	rddreg [dreg:$0x0]  }
0x2: {  	s1 =	rddreg [dreg:$0x1]  }
0x3: {  	s0 =	rddreg [dreg:$0x2];
	s2 =	simm.s32 $0x0;
	s3 =	srdreg.scid  }
0x4: {  	s16 =	simm.s32 $0x80;
	s17 =	simm.s32 $0x3000;
	s18 =	simm.s32 $0x7000  }
0x5: {  	s19 =	simm.s32 $0x1;
	s20 =	simm.s32 $0x2;
	s21 =	simm.s32 $0x3  }
0x6: {  	s22 =	simm.s32 $0x4;
	s23 =	simm.s32 $0x0;
	[smem:$0x7FF] =	sst s2  }
0x7: {  	s7 =	sand.u32 $0x1, s3;
	s4 =	sadd.s32 $0x10800, s6;
	s3 =	stileid.u32  }
0x8: {  	s5 =	sadd.s32 $0x13000, s6;
	s12 =	sadd.s32 $0x63800, s6;
	s8 =	smul.u32 $0x140000, s7  }
0x9: {  	s25 =	sadd.s32 $0x4800, s6;
	_ =	strace $0x80000059;
	s9 =	smul.u32 $0x14000, s3  }
0xa: {  	s10 =	sshll.u32 s7, $0x5;
	s11 =	sshll.u32 s3, $0x1;
	s7 =	ssub.s32 $0x2, s7  }
0xb: {  	s29 =	smul.u32 $0x50000, s3;
	s31 =	sshll.u32 s3, $0x6;
	s10 =	sor.u32 s11, s10  }
0xc: {  	s28 =	sshrl.u32 s7, $0x1;
	s8 =	sadd.s32 s9, s8;
	s26 =	smul.u32 $0x300, s10  }
0xd: {  	s10 =	smul.u32 $0x1800, s10;
	s14 =	ssub.s32 s7, s28;
	s8 =	sshrl.u32 s8, $0x3  }
0xe: {  	s11 =	smax.u32 s14, $0x1;
	s14 =	sor.u32 $0x1C05, s31;
	s13 =	sadd.s32 s8, s6  }
0xf: {  	s6 =	sadd.s32 s12, s26;
	s10 =	sshrl.u32 s10, $0x3;
	s8 =	sshrl.u32 s29, $0x2  }
0x10: {  	s7 =	sadd.s32 s25, s26;
	s30 =	sadd.s32 $0x300, s10;
	s15 =	sadd.s32 s8, s1  }
0x11: {  	s10 =	sadd.s32 $0x6F800, s13;
	s13 =	simm.s32 $0x1800;
	s8 =	sadd.s32 s12, s30  }
0x12: {  	s9 =	sadd.s32 s25, s30;
	s12 =	simm.s32 $0x5;
	s15 =	sshrl.u32 s15, $0x3  }
.LBB2_1:
0x13: {  	[tilespmem:s2], [sflag:$0x5] =	stream.linear.gather [hbm4b:s6+s2], $0x1500, $0x38;
	[tilespmem:$0x1F000] =	vst v63  }
0x14: {  	_ =	swait.ge [sflag:s12], $0x1500  }
0x15: {  	[sflag:s12] =	ssyncset.done $0x0  }
0x16: {  	[sflag:s12] =	ssyncadd.s32 $0xFFFFEB00  }
0x17: {  	[tilespmem:s13], [sflag:$0x5] =	stream.linear.gather [hbm4b:s7+s2], $0x1500, $0x38;
	[tilespmem:$0x1F000] =	vst v63  }
0x18: {  	_ =	swait.ge [sflag:s12], $0x1500  }
0x19: {  	[sflag:s12] =	ssyncset.done $0x0  }
0x1a: {  	[sflag:s12] =	ssyncadd.s32 $0xFFFFEB00  }
0x1b: {  	[spmem:s15], [sflag:s14] =	dma.local [hbm:s4], $0x2800  }
0x1c: {  	_ =	swait.ge [sflag:s12], $0x2800  }
0x1d: {  	[sflag:s12] =	ssyncset.done $0x0  }
0x1e: {  	[sflag:s12] =	ssyncadd.s32 $0xFFFFD800  }
0x1f: {  	s24 =	simm.s32 $0x0;
	[bflag:$0x0] =	sbarrier.arrive $0xFFFF  }
0x20: {  	[tilespmem:s17], [sflag:$0x1] =	stream.indirect.gather [hbm4b:s5+s16], $0x80, s24, s16, $0xb8;
	[tilespmem:$0x1F000] =	vst v63  }
0x21: {  	s29 =	simm.s32 $0x80  }
0x22: {  	[tilespmem:s18], [sflag:$0x2] =	stream.indirect.gather [hbm4b:s5+s16], $0x80, s29, s16, $0xb8;
	[tilespmem:$0x1F000] =	vst v63  }
0x23: {  	_ =	swait.ge [sflag:s19], $0x4000  }
0x24: {  	[sflag:s19] =	ssyncset.done $0x0  }
0x25: {  	s30 =	simm.s32 $0x1800;
	[sflag:s19] =	ssyncadd.s32 $0xFFFFC000  }
0x26: {  	[spmem:s1] =	stream.indirect.scatter.add.f32 [tilespmem:s17], [sflag:$0x3], $0x80, s30, s16, $0xb8;
	[tilespmem:$0x1F000] =	vst v63  }
0x27: {  	_ =	swait.ge [sflag:s20], $0x4000  }
0x28: {  	[sflag:s20] =	ssyncset.done $0x0  }
0x29: {  	s31 =	simm.s32 $0x1880;
	[sflag:s20] =	ssyncadd.s32 $0xFFFFC000  }
0x2a: {  	[spmem:s1] =	stream.indirect.scatter.add.f32 [tilespmem:s18], [sflag:$0x4], $0x80, s31, s16, $0xb8;
	[tilespmem:$0x1F000] =	vst v63  }
0x2b: {  	_ =	swait.ge [sflag:s21], $0x4000  }
0x2c: {  	[sflag:s21] =	ssyncset.done $0x0  }
0x2d: {  	[sflag:s21] =	ssyncadd.s32 $0xFFFFC000  }
0x2e: {  	_ =	swait.ge [sflag:s22], $0x4000  }
0x2f: {  	s25 =	simm.s32 $0x800;
	s24 =	simm.s32 $0x400;
	[sflag:s22] =	ssyncset.done $0x0  }
.LBB2_2:
0x30: {  	s26 =	sshra.s32 s24, $0x2  }
0x31: {  	[sflag:s22] =	ssyncadd.s32 $0xFFFFC000;
	s24 =	smov.u32 s25;
	s28 =	sadd.s32 $0x400, s25  }
0x32: {  	[tilespmem:s17], [sflag:$0x1] =	stream.indirect.gather [hbm4b:s5+s16], $0x80, s26, s16, $0xb8;
	[tilespmem:$0x1F000] =	vst v63  }
0x33: {  	p0 =	sne.s32 s25, $0x5000;
	s25 =	sadd.s32 $0x80, s26  }
0x34: {  	[tilespmem:s18], [sflag:$0x2] =	stream.indirect.gather [hbm4b:s5+s16], $0x80, s25, s16, $0xb8;
	[tilespmem:$0x1F000] =	vst v63  }
0x35: {  	_ =	swait.ge [sflag:s19], $0x4000  }
0x36: {  	[sflag:s19] =	ssyncset.done $0x0  }
0x37: {  	s25 =	sadd.s32 $0x1800, s26;
	[sflag:s19] =	ssyncadd.s32 $0xFFFFC000  }
0x38: {  	[spmem:s1] =	stream.indirect.scatter.add.f32 [tilespmem:s17], [sflag:$0x3], $0x80, s25, s16, $0xb8;
	[tilespmem:$0x1F000] =	vst v63  }
0x39: {  	_ =	swait.ge [sflag:s20], $0x4000  }
0x3a: {  	[sflag:s20] =	ssyncset.done $0x0  }
0x3b: {  	s25 =	sadd.s32 $0x1880, s26;
	[sflag:s20] =	ssyncadd.s32 $0xFFFFC000  }
0x3c: {  	[spmem:s1] =	stream.indirect.scatter.add.f32 [tilespmem:s18], [sflag:$0x4], $0x80, s25, s16, $0xb8;
	[tilespmem:$0x1F000] =	vst v63  }
.Ltmp0:
0x3d: {  	_ =	swait.ge [sflag:s21], $0x4000;
	(pc) =	sbr.rel @p0 .LBB2_2-.Ltmp0, $4  }
0x3e: {  	[sflag:s21] =	ssyncset.done $0x0  }
0x3f: {  	[sflag:s21] =	ssyncadd.s32 $0xFFFFC000  }
0x40: {  	_ =	swait.ge [sflag:s22], $0x4000  }
0x41: {  	s25 =	smov.u32 s28;
	[sflag:s22] =	ssyncset.done $0x0  }
0x42: {  	s24 =	sshra.s32 s24, $0x2;
	[sflag:s22] =	ssyncadd.s32 $0xFFFFC000  }
0x43: {  	[tilespmem:s17], [sflag:$0x1] =	stream.indirect.gather [hbm4b:s5+s16], $0x80, s24, s16, $0xb8;
	[tilespmem:$0x1F000] =	vst v63  }
0x44: {  	s25 =	sadd.s32 $0x80, s24  }
0x45: {  	[tilespmem:s18], [sflag:$0x2] =	stream.indirect.gather [hbm4b:s5+s16], $0x80, s25, s16, $0xb8;
	[tilespmem:$0x1F000] =	vst v63  }
0x46: {  	_ =	swait.ge [sflag:s19], $0x4000  }
0x47: {  	[sflag:s19] =	ssyncset.done $0x0  }
0x48: {  	s31 =	sadd.s32 $0x1800, s24;
	[sflag:s19] =	ssyncadd.s32 $0xFFFFC000  }
0x49: {  	[spmem:s1] =	stream.indirect.scatter.add.f32 [tilespmem:s17], [sflag:$0x3], $0x80, s31, s16, $0xb8;
	[tilespmem:$0x1F000] =	vst v63  }
0x4a: {  	_ =	swait.ge [sflag:s20], $0x4000  }
0x4b: {  	[sflag:s20] =	ssyncset.done $0x0  }
0x4c: {  	s24 =	sadd.s32 $0x1880, s24;
	[sflag:s20] =	ssyncadd.s32 $0xFFFFC000  }
0x4d: {  	[spmem:s1] =	stream.indirect.scatter.add.f32 [tilespmem:s18], [sflag:$0x4], $0x80, s24, s16, $0xb8;
	[tilespmem:$0x1F000] =	vst v63  }
0x4e: {  	_ =	swait.ge [sflag:s21], $0x4000  }
0x4f: {  	[sflag:s21] =	ssyncset.done $0x0  }
0x50: {  	[sflag:s21] =	ssyncadd.s32 $0xFFFFC000  }
0x51: {  	_ =	swait.ge [sflag:s22], $0x4000  }
0x52: {  	[sflag:s22] =	ssyncset.done $0x0  }
0x53: {  	s26 =	simm.s32 $0x0;
	[sflag:s22] =	ssyncadd.s32 $0xFFFFC000  }
0x54: {  	[tilespmem:s26], [sflag:$0x5] =	stream.linear.gather [hbm4b:s8+s26], $0x1500, $0x38;
	[tilespmem:$0x1F000] =	vst v63  }
0x55: {  	_ =	swait.ge [sflag:s12], $0x1500  }
0x56: {  	[sflag:s12] =	ssyncset.done $0x0  }
0x57: {  	[sflag:s12] =	ssyncadd.s32 $0xFFFFEB00  }
0x58: {  	[tilespmem:s13], [sflag:$0x5] =	stream.linear.gather [hbm4b:s9+s26], $0x1500, $0x38;
	[tilespmem:$0x1F000] =	vst v63  }
0x59: {  	_ =	swait.ge [sflag:s12], $0x1500  }
0x5a: {  	[sflag:s12] =	ssyncset.done $0x0  }
0x5b: {  	s28 =	simm.s32 $0x0;
	[sflag:s12] =	ssyncadd.s32 $0xFFFFEB00  }
0x5c: {  	[tilespmem:s17], [sflag:$0x1] =	stream.indirect.gather [hbm4b:s5+s16], $0x80, s28, s16, $0xb8;
	[tilespmem:$0x1F000] =	vst v63  }
0x5d: {  	s29 =	simm.s32 $0x80  }
0x5e: {  	[tilespmem:s18], [sflag:$0x2] =	stream.indirect.gather [hbm4b:s5+s16], $0x80, s29, s16, $0xb8;
	[tilespmem:$0x1F000] =	vst v63  }
0x5f: {  	_ =	swait.ge [sflag:s19], $0x4000  }
0x60: {  	[sflag:s19] =	ssyncset.done $0x0  }
0x61: {  	s30 =	simm.s32 $0x1800;
	[sflag:s19] =	ssyncadd.s32 $0xFFFFC000  }
0x62: {  	[spmem:s1] =	stream.indirect.scatter.add.f32 [tilespmem:s17], [sflag:$0x3], $0x80, s30, s16, $0xb8;
	[tilespmem:$0x1F000] =	vst v63  }
0x63: {  	_ =	swait.ge [sflag:s20], $0x4000  }
0x64: {  	[sflag:s20] =	ssyncset.done $0x0  }
0x65: {  	s31 =	simm.s32 $0x1880;
	[sflag:s20] =	ssyncadd.s32 $0xFFFFC000  }
0x66: {  	[spmem:s1] =	stream.indirect.scatter.add.f32 [tilespmem:s18], [sflag:$0x4], $0x80, s31, s16, $0xb8;
	[tilespmem:$0x1F000] =	vst v63  }
0x67: {  	_ =	swait.ge [sflag:s21], $0x4000  }
0x68: {  	[sflag:s21] =	ssyncset.done $0x0  }
0x69: {  	[sflag:s21] =	ssyncadd.s32 $0xFFFFC000  }
0x6a: {  	_ =	swait.ge [sflag:s22], $0x4000  }
0x6b: {  	s25 =	simm.s32 $0x800;
	s24 =	simm.s32 $0x400;
	[sflag:s22] =	ssyncset.done $0x0  }
.LBB2_4:
0x6c: {  	s26 =	sshra.s32 s24, $0x2  }
0x6d: {  	[sflag:s22] =	ssyncadd.s32 $0xFFFFC000;
	s24 =	smov.u32 s25;
	s28 =	sadd.s32 $0x400, s25  }
0x6e: {  	[tilespmem:s17], [sflag:$0x1] =	stream.indirect.gather [hbm4b:s5+s16], $0x80, s26, s16, $0xb8;
	[tilespmem:$0x1F000] =	vst v63  }
0x6f: {  	p0 =	sne.s32 s25, $0x5000;
	s25 =	sadd.s32 $0x80, s26  }
0x70: {  	[tilespmem:s18], [sflag:$0x2] =	stream.indirect.gather [hbm4b:s5+s16], $0x80, s25, s16, $0xb8;
	[tilespmem:$0x1F000] =	vst v63  }
0x71: {  	_ =	swait.ge [sflag:s19], $0x4000  }
0x72: {  	[sflag:s19] =	ssyncset.done $0x0  }
0x73: {  	s25 =	sadd.s32 $0x1800, s26;
	[sflag:s19] =	ssyncadd.s32 $0xFFFFC000  }
0x74: {  	[spmem:s1] =	stream.indirect.scatter.add.f32 [tilespmem:s17], [sflag:$0x3], $0x80, s25, s16, $0xb8;
	[tilespmem:$0x1F000] =	vst v63  }
0x75: {  	_ =	swait.ge [sflag:s20], $0x4000  }
0x76: {  	[sflag:s20] =	ssyncset.done $0x0  }
0x77: {  	s25 =	sadd.s32 $0x1880, s26;
	[sflag:s20] =	ssyncadd.s32 $0xFFFFC000  }
0x78: {  	[spmem:s1] =	stream.indirect.scatter.add.f32 [tilespmem:s18], [sflag:$0x4], $0x80, s25, s16, $0xb8;
	[tilespmem:$0x1F000] =	vst v63  }
.Ltmp1:
0x79: {  	_ =	swait.ge [sflag:s21], $0x4000;
	(pc) =	sbr.rel @p0 .LBB2_4-.Ltmp1, $4  }
0x7a: {  	[sflag:s21] =	ssyncset.done $0x0  }
0x7b: {  	[sflag:s21] =	ssyncadd.s32 $0xFFFFC000  }
0x7c: {  	_ =	swait.ge [sflag:s22], $0x4000  }
0x7d: {  	s25 =	smov.u32 s28;
	[sflag:s22] =	ssyncset.done $0x0  }
0x7e: {  	s24 =	sshra.s32 s24, $0x2;
	[sflag:s22] =	ssyncadd.s32 $0xFFFFC000  }
0x7f: {  	[tilespmem:s17], [sflag:$0x1] =	stream.indirect.gather [hbm4b:s5+s16], $0x80, s24, s16, $0xb8;
	[tilespmem:$0x1F000] =	vst v63  }
0x80: {  	s25 =	sadd.s32 $0x80, s24  }
0x81: {  	[tilespmem:s18], [sflag:$0x2] =	stream.indirect.gather [hbm4b:s5+s16], $0x80, s25, s16, $0xb8;
	[tilespmem:$0x1F000] =	vst v63  }
0x82: {  	_ =	swait.ge [sflag:s19], $0x4000  }
0x83: {  	[sflag:s19] =	ssyncset.done $0x0  }
0x84: {  	s31 =	sadd.s32 $0x1800, s24;
	[sflag:s19] =	ssyncadd.s32 $0xFFFFC000  }
0x85: {  	[spmem:s1] =	stream.indirect.scatter.add.f32 [tilespmem:s17], [sflag:$0x3], $0x80, s31, s16, $0xb8;
	[tilespmem:$0x1F000] =	vst v63  }
0x86: {  	_ =	swait.ge [sflag:s20], $0x4000  }
0x87: {  	[sflag:s20] =	ssyncset.done $0x0  }
0x88: {  	s24 =	sadd.s32 $0x1880, s24;
	[sflag:s20] =	ssyncadd.s32 $0xFFFFC000  }
0x89: {  	[spmem:s1] =	stream.indirect.scatter.add.f32 [tilespmem:s18], [sflag:$0x4], $0x80, s24, s16, $0xb8;
	[tilespmem:$0x1F000] =	vst v63  }
0x8a: {  	_ =	swait.ge [sflag:s21], $0x4000  }
0x8b: {  	[sflag:s21] =	ssyncset.done $0x0  }
0x8c: {  	[sflag:s21] =	ssyncadd.s32 $0xFFFFC000  }
0x8d: {  	_ =	swait.ge [sflag:s22], $0x4000  }
0x8e: {  	s23 =	sadd.s32 $0x1, s23;
	[sflag:s22] =	ssyncset.done $0x0  }
0x8f: {  	p0 =	sne.s32 s23, s11;
	[sflag:s22] =	ssyncadd.s32 $0xFFFFC000  }
.Ltmp2:
0x90: {  	[bflag:$0x0] =	sbarrier.arrive $0xFFFF;
	(pc) =	sbr.rel @p0 .LBB2_1-.Ltmp2, $4  }
0x91: {  	[hbm:s10], [sflag:s14] =	dma.local [spmem:s15], $0x2800  }
0x92: {  	_ =	swait.ge [sflag:s12], $0x2800  }
0x93: {  	[sflag:s12] =	ssyncset.done $0x0  }
0x94: {  	[sflag:s12] =	ssyncadd.s32 $0xFFFFD800  }
0x95: {  	_ =	sfence.sel $0x180000  }
0x96: {  	[bflag:$0x0] =	sbarrier.arrive $0xFFFF  }
0x97: {  	p0 =	sne.s32 s3, $0x0;
	_ =	strace $0x90000059  }
0x98: {  	s0 =	sadd.s32 @!p0 $0x100000, s0;
	[bflag:$0x2] =	sbarrier.arrive $0xFFFF  }
0x99: {  	[sflag:s0] =	ssyncadd.tile.s32 @!p0 $0x1;
	_ =	shalt  }
.Lfunc_end2:
_tile_overlayer_lowered:
.L_overlay_start_2:
0x9a: {  	(tag) =	ssettag $0x2  }
0x9b: {  	s0 =	rddreg [dreg:$0x0];
	s2 =	stileid.u32  }
0x9c: {  	s1 =	rddreg [dreg:$0x1];
	p0 =	sne.s32 s2, $0x0  }
0x9d: {  	s3 =	rddreg [dreg:$0x2];
	[bflag:$0x3] =	sbarrier.arrive $0xFFFF;
	s2 =	simm.s32 @!p0 $0x1C05  }
0x9e: {  	[timem:s3], [sflag:s2] =	dma.local @!p0 [hbm:s0], s1  }
0x9f: {  	s0 =	simm.s32 @!p0 $0x5  }
0xa0: {  	_ =	swait.ge @!p0 [sflag:s0], s1  }
0xa1: {  	s1 =	ssub.s32 @!p0 $0x0, s1;
	[sflag:s0] =	ssyncset.done @!p0 $0x0  }
0xa2: {  	[sflag:s0] =	ssyncadd.s32 @!p0 s1  }
0xa3: {  	[bflag:$0x3] =	sbarrier.arrive $0xFFFF  }
0xa4: {  	_ =	shalt  }

// kernel: kernel.40.cloned.1.call-start
scs
__scs_entry_jumppad:
0x0: {  	(pc) =	sbr.rel $0x88, $3  }
0x1: {  	(tag) =	ssettag $0x0;
	lr =	simm.s32 $0x1  }
0x2: {  	[smem:$0x3F98] =	sst lr;
	_ =	strace $0xD0000000  }
0x3: {  	_ = 	snop  }
0x4: {  	_ = 	snop  }
0x5: {  	_ = 	snop  }
0x6: {  	_ = 	snop  }
0x7: {  	_ = 	snop  }
__scs_overlays_trampoline_lowered:
0x8: {  	[smem:$0x3FA7] =	sst s0  }
0x9: {  	[smem:$0x3FA8] =	sst s1  }
0xa: {  	[smem:$0x3FA9] =	sst s2  }
0xb: {  	[smem:$0x3FAA] =	sst s3  }
0xc: {  	[smem:$0x3FAB] =	sst s4  }
0xd: {  	[smem:$0x3FAC] =	sst s5  }
0xe: {  	[smem:$0x3FAD] =	sst s6  }
0xf: {  	[smem:$0x3FAE] =	sst s7  }
0x10: {  	[smem:$0x3FAF] =	sst s8  }
0x11: {  	[smem:$0x3FB0] =	sst s9;
	s0 =	simm.s32 @!p0 $0x0  }
0x12: {  	s1 =	sld [smem:$0x3F96];
	s0 =	simm.s32 @p0 $0x1  }
0x13: {  	[smem:$0x3FB1] =	sst s0;
	s0 =	simm.s32 @!p1 $0x0  }
0x14: {  	s2 =	sld [smem:$0x3F95];
	s0 =	simm.s32 @p1 $0x1  }
0x15: {  	[smem:$0x3FB2] =	sst s0;
	s0 =	simm.s32 @!p2 $0x0  }
0x16: {  	s3 =	sld [smem:$0x3FDB];
	s0 =	simm.s32 @p2 $0x1  }
0x17: {  	s4 =	simm.s32 $0x1BF5;
	[smem:$0x3FB4] =	sst s0  }
0x18: {  	s0 =	sld [smem:$0x3F97];
	_ =	swait.ge [sflag:s4], $0x0  }
0x19: {  	s7 =	sld [smem:$0x3F98]  }
0x1a: {  	s8 =	sadd.s32 $0xFFFFE003, lr  }
0x1b: {  	s9 =	sadd.s32 $0xFFFFFEF7, lr;
	s5 =	simm.s32 $0xFFFFFFFF;
	p2 =	slt.u32 s8, $0xFFFFF086  }
0x1c: {  	p1 =	slt.u32 s9, $0xF7A;
	s5 =	simm.s32 @!p2 $0x0  }
0x1d: {  	s5 =	simm.s32 @p1 $0x1;
	p0 =	seq.s32 s7, s2  }
0x1e: {  	s7 =	smul.u32 @!p0 $0xF7A, s2;
	p2 =	seq.s32 @!p0 s5, $0x0  }
0x1f: {  	s9 =	smul.u32 $0xF7A, s1;
	s8 =	simm.s32 @!p0 $0x1BF5;
	p2 =	por !p2, p0  }
0x20: {  	[sflag:s8] =	ssyncset.s32 @!p0 $0xFFFFF086;
	s6 =	sadd.s32 @!p0 s3, s7;
	s7 =	simm.s32 @!p0 $0x108  }
0x21: {  	s3 =	sadd.s32 s3, s9;
	s6 =	sadd.s32 @!p0 $0x88, s6;
	s7 =	simm.s32 @p2 $0x1082  }
0x22: {  	[simem:s7], [sflag:s8] =	dma.local @!p0 [hbm:s6], $0xF7A  }
0x23: {  	s9 =	sor.u32 $0xD0000000, s2;
	s6 =	simm.s32 $0x108;
	_ =	swait.ge @!p0 [sflag:s8], $0x0  }
0x24: {  	s3 =	sadd.s32 $0x88, s3;
	s6 =	simm.s32 @!p1 $0x1082;
	[sflag:s4] =	ssyncset.s32 $0xFFFFF086  }
0x25: {  	[simem:s6], [sflag:s4] =	dma.local [hbm:s3], $0xF7A  }
0x26: {  	[smem:$0x3F98] =	sst s1;
	(tag) =	ssettag s2;
	_ =	strace s9  }
0x27: {  	s1 =	sld [smem:$0x3FA8]  }
0x28: {  	s2 =	sld [smem:$0x3FA9]  }
0x29: {  	s4 =	sld [smem:$0x3FAB]  }
0x2a: {  	p0 =	seq.s32 s5, $0x0;
	s5 =	sld [smem:$0x3FAC]  }
0x2b: {  	s6 =	sld [smem:$0x3FAD]  }
0x2c: {  	s7 =	sld [smem:$0x3FAE]  }
0x2d: {  	s3 =	simm.s32 $0x108;
	s8 =	sld [smem:$0x3FAF]  }
0x2e: {  	s3 =	simm.s32 @!p0 $0x1082;
	s9 =	sld [smem:$0x3FB0]  }
0x2f: {  	lr =	sadd.s32 s0, s3;
	s0 =	sld [smem:$0x3FA7]  }
0x30: {  	s3 =	sld [smem:$0x3FAA]  }
0x31: {  	[smem:$0x3FB3] =	sst s10  }
0x32: {  	s10 =	sld [smem:$0x3FB1];
	_ =	sdelay $0x3  }
0x33: {  	p0 =	seq.s32 s10, $0x1;
	s10 =	sld [smem:$0x3FB3];
	_ =	sdelay $0x3  }
0x34: {  	[smem:$0x3FB3] =	sst s10  }
0x35: {  	s10 =	sld [smem:$0x3FB2];
	_ =	sdelay $0x3  }
0x36: {  	p1 =	seq.s32 s10, $0x1;
	s10 =	sld [smem:$0x3FB3];
	_ =	sdelay $0x3  }
0x37: {  	[smem:$0x3FB3] =	sst s10  }
0x38: {  	s10 =	sld [smem:$0x3FB4]  }
0x39: {  	_ = 	snop;
	(pc) =	sbr.ind lr, $3  }
0x3a: {  	_ = 	snop  }
0x3b: {  	_ = 	snop  }
0x3c: {  	p2 =	seq.s32 s10, $0x1;
	s10 =	sld [smem:$0x3FB3]  }
0x3d: {  	_ =	shalt  }
0x3e: {  	_ =	shalt  }
0x3f: {  	_ =	shalt  }
0x40: {  	_ =	shalt  }
0x41: {  	_ =	shalt  }
0x42: {  	_ =	shalt  }
0x43: {  	_ =	shalt  }
0x44: {  	_ =	shalt  }
0x45: {  	_ =	shalt  }
0x46: {  	_ =	shalt  }
0x47: {  	_ =	shalt  }
0x48: {  	_ =	shalt  }
0x49: {  	_ =	shalt  }
0x4a: {  	_ =	shalt  }
0x4b: {  	_ =	shalt  }
0x4c: {  	_ =	shalt  }
0x4d: {  	_ =	shalt  }
0x4e: {  	_ =	shalt  }
0x4f: {  	_ =	shalt  }
0x50: {  	_ =	shalt  }
0x51: {  	_ =	shalt  }
0x52: {  	_ =	shalt  }
0x53: {  	_ =	shalt  }
0x54: {  	_ =	shalt  }
0x55: {  	_ =	shalt  }
0x56: {  	_ =	shalt  }
0x57: {  	_ =	shalt  }
0x58: {  	_ =	shalt  }
0x59: {  	_ =	shalt  }
0x5a: {  	_ =	shalt  }
0x5b: {  	_ =	shalt  }
0x5c: {  	_ =	shalt  }
0x5d: {  	_ =	shalt  }
0x5e: {  	_ =	shalt  }
0x5f: {  	_ =	shalt  }
0x60: {  	_ =	shalt  }
0x61: {  	_ =	shalt  }
0x62: {  	_ =	shalt  }
0x63: {  	_ =	shalt  }
0x64: {  	_ =	shalt  }
0x65: {  	_ =	shalt  }
0x66: {  	_ =	shalt  }
0x67: {  	_ =	shalt  }
0x68: {  	_ =	shalt  }
0x69: {  	_ =	shalt  }
0x6a: {  	_ =	shalt  }
0x6b: {  	_ =	shalt  }
0x6c: {  	_ =	shalt  }
0x6d: {  	_ =	shalt  }
0x6e: {  	_ =	shalt  }
0x6f: {  	_ =	shalt  }
0x70: {  	_ =	shalt  }
0x71: {  	_ =	shalt  }
0x72: {  	_ =	shalt  }
0x73: {  	_ =	shalt  }
0x74: {  	_ =	shalt  }
0x75: {  	_ =	shalt  }
0x76: {  	_ =	shalt  }
0x77: {  	_ =	shalt  }
0x78: {  	_ =	shalt  }
0x79: {  	_ =	shalt  }
0x7a: {  	_ =	shalt  }
0x7b: {  	_ =	shalt  }
0x7c: {  	_ =	shalt  }
0x7d: {  	_ =	shalt  }
0x7e: {  	_ =	shalt  }
0x7f: {  	_ =	shalt  }
0x80: {  	_ =	shalt  }
0x81: {  	_ =	shalt  }
0x82: {  	_ =	shalt  }
0x83: {  	_ =	shalt  }
0x84: {  	_ =	shalt  }
0x85: {  	_ =	shalt  }
0x86: {  	_ =	shalt  }
0x87: {  	_ =	shalt  }
.Lfunc_end0:
.L_simem_size_0:
called_computation.7_lowered:
.L_overlay_start_0:
0x88: {  	s2 =	sld [smem:$0x3FD9]  }
0x89: {  	s3 =	sld [smem:$0x3FFE];
	_ =	sdelay $0x1  }
0x8a: {  	s1 =	srdreg.scid  }
0x8b: {  	s0 =	sand.u32 $0x1, s1  }
0x8c: {  	s16 =	sshll.u32 s0, $0xA;
	s2 =	sadd.s32 s3, s2  }
0x8d: {  	s2 =	sadd.s32 s2, s16  }
0x8e: {  	[smem:$0x3FBF] =	sst s2  }
0x8f: {  	_ = 	snop  }
0x90: {  	(tm) =	ssettm $0x1  }
0x91: {  	s17 =	sld [smem:$0x3FFB];
	_ =	sdelay $0x3  }
0x92: {  	_ =	strace s17  }
0x93: {  	s2 =	sld [smem:$0x3FFC];
	_ =	sdelay $0x3  }
0x94: {  	_ =	strace s2  }
0x95: {  	s2 =	sld [smem:$0x3FFD];
	_ =	sdelay $0x3  }
0x96: {  	_ =	strace s2  }
0x97: {  	_ =	strace $0x8FFFFFFF  }
0x98: {  	s18 =	sld [smem:$0x3FDB];
	_ =	sdelay $0x1  }
0x99: {  	s19 =	simm.s32 $_scs_section_size  }
0x9a: {  	s4 =	simm.s32 $_size__tile_overlayer_lowered;
	s5 =	simm.s32 $_tile_overlayer_lowered  }
0x9b: {  	s22 =	simm.s32 $0x1BFF;
	s21 =	sshll.u32 s5, $0x1;
	s2 =	sadd.s32 s19, s18  }
0x9c: {  	s6 =	simm.s32 $0x0;
	s20 =	sshll.u32 s4, $0x1;
	s4 =	sadd.s32 s21, s2  }
0x9d: {  	[timem:s6], [sflag:s22] =	dma.local [hbm:s4], s20  }
0x9e: {  	_ =	swait.ge [sflag:s22], s20  }
0x9f: {  	s3 =	ssub.s32 $0x0, s20;
	[sflag:s22] =	ssyncset.done $0x0  }
0xa0: {  	[sflag:s22] =	ssyncadd.s32 s3;
	_ =	sdelay $0x1  }
0xa1: {  	s23 =	simm.s32 $0x1B8B  }
0xa2: {  	_ =	swait.ge [sflag:s23], $0x1  }
0xa3: {  	[sflag:s23] =	ssyncset.done $0x0  }
0xa4: {  	s25 =	simm.s32 $0x1B8E;
	s24 =	sld [smem:$0x3FFE];
	[sflag:s23] =	ssyncadd.s32 $0xFFFFFFFF  }
0xa5: {  	s26 =	simm.s32 $execute0_lowered;
	[smem:$0x3FD2] =	sst s25  }
0xa6: {  	s4 =	sshll.u32 s26, $0x1;
	_ =	strace $0x8000005B;
	[dreg:$0x1] =	wrdreg $0xFFFFFFFF  }
0xa7: {  	s28 =	simm.s32 $_size_execute0_lowered;
	s2 =	sadd.s32 s2, s4;
	[dreg:$0x0] =	wrdreg $0x0  }
0xa8: {  	s4 =	sshll.u32 s28, $0x1;
	[dreg:$0x2] =	wrdreg s2  }
0xa9: {  	[dreg:$0x3] =	wrdreg s4  }
0xaa: {  	[dreg:$0x4] =	wrdreg $0xC0  }
0xab: {  	_ =	task [dreg:s6], $0x5FFFF  }
0xac: {  	[dreg:$0x1] =	wrdreg $0xFFFFFFFF  }
0xad: {  	[dreg:$0x0] =	wrdreg $0x60  }
0xae: {  	[dreg:$0x2] =	wrdreg s24  }
0xaf: {  	[dreg:$0x3] =	wrdreg $0xB0000  }
0xb0: {  	[dreg:$0x4] =	wrdreg $0x9  }
0xb1: {  	_ =	task.clear_ibuf [dreg:s6], $0x5FFFF;
	_ =	strace $0x9000005B  }
0xb2: {  	s29 =	simm.s32 $0x9;
	_ =	strace $0x8000005D  }
0xb3: {  	_ =	swait.ge [sflag:s29], $0x1  }
0xb4: {  	[sflag:s29] =	ssyncadd.s32 $0xFFFFFFFF  }
0xb5: {  	_ =	strace $0x9000005D  }
0xb6: {  	_ =	sfence  }
0xb7: {  	s30 =	sld [smem:$0x0];
	_ =	sdelay $0x2  }
0xb8: {  	s31 =	sshll.u32 s1, $0xD;
	s1 =	sshrl.u32 s1, $0x2  }
0xb9: {  	s3 =	sand.u32 $0x4000, s31;
	s1 =	sadd.s32 s1, s30  }
0xba: {  	s0 =	sor.u32 s3, s0;
	s1 =	sshll.u32 s1, $0x11  }
0xbb: {  	s0 =	sor.u32 s1, s0  }
0xbc: {  	s0 =	sadd.s32 $0x8F2B, s0  }
0xbd: {  	[sflag:s0] =	ssyncadd.remote.s32 $0x1  }
0xbe: {  	_ =	sfence.sel $0xFFFF  }
0xbf: {  	[dreg:$0x0] =	wrdreg $0xFFFFFFFF;
	(pc) =	sbr.abs _section_cstart, $3  }
0xc0: {  	[dreg:$0x1] =	wrdreg $0xFFFFFFFF  }
0xc1: {  	_ =	task.clear_ibuf [dreg:s6], $0x2FFFF;
	_ =	strace $0x9FFFFFFF  }
0xc2: {  	(tm) =	ssettm $0x7FFFFFFF  }
0xc3: {  	_ =	shalt  }
tec
execute0_lowered:
.L_overlay_start_1:
0x0: {  	(tag) =	ssettag $0x1  }
0x1: {  	s6 =	rddreg [dreg:$0x0]  }
0x2: {  	s1 =	rddreg [dreg:$0x1]  }
0x3: {  	s0 =	rddreg [dreg:$0x2];
	s2 =	simm.s32 $0x0;
	s3 =	srdreg.scid  }
0x4: {  	s16 =	simm.s32 $0x80;
	s17 =	simm.s32 $0x3000;
	s18 =	simm.s32 $0x7000  }
0x5: {  	s19 =	simm.s32 $0x1;
	s20 =	simm.s32 $0x2;
	s21 =	simm.s32 $0x3  }
0x6: {  	s22 =	simm.s32 $0x4;
	s23 =	simm.s32 $0x0;
	[smem:$0x7FF] =	sst s2  }
0x7: {  	s7 =	sand.u32 $0x1, s3;
	s4 =	sadd.s32 $0x10800, s6;
	s3 =	stileid.u32  }
0x8: {  	s5 =	sadd.s32 $0x13000, s6;
	s12 =	sadd.s32 $0x63800, s6;
	s8 =	smul.u32 $0x140000, s7  }
0x9: {  	s25 =	sadd.s32 $0x4800, s6;
	_ =	strace $0x8000005C;
	s9 =	smul.u32 $0x14000, s3  }
0xa: {  	s10 =	sshll.u32 s7, $0x5;
	s11 =	sshll.u32 s3, $0x1;
	s7 =	ssub.s32 $0x2, s7  }
0xb: {  	s29 =	smul.u32 $0x50000, s3;
	s31 =	sshll.u32 s3, $0x6;
	s10 =	sor.u32 s11, s10  }
0xc: {  	s28 =	sshrl.u32 s7, $0x1;
	s8 =	sadd.s32 s9, s8;
	s26 =	smul.u32 $0x300, s10  }
0xd: {  	s10 =	smul.u32 $0x1800, s10;
	s14 =	ssub.s32 s7, s28;
	s8 =	sshrl.u32 s8, $0x3  }
0xe: {  	s11 =	smax.u32 s14, $0x1;
	s14 =	sor.u32 $0x1C05, s31;
	s13 =	sadd.s32 s8, s6  }
0xf: {  	s6 =	sadd.s32 s12, s26;
	s10 =	sshrl.u32 s10, $0x3;
	s8 =	sshrl.u32 s29, $0x2  }
0x10: {  	s7 =	sadd.s32 s25, s26;
	s30 =	sadd.s32 $0x300, s10;
	s15 =	sadd.s32 s8, s1  }
0x11: {  	s10 =	sadd.s32 $0x6F800, s13;
	s13 =	simm.s32 $0x1800;
	s8 =	sadd.s32 s12, s30  }
0x12: {  	s9 =	sadd.s32 s25, s30;
	s12 =	simm.s32 $0x5;
	s15 =	sshrl.u32 s15, $0x3  }
.LBB2_1:
0x13: {  	[tilespmem:s2], [sflag:$0x5] =	stream.linear.gather [hbm4b:s6+s2], $0x1500, $0x38;
	[tilespmem:$0x1F000] =	vst v63  }
0x14: {  	_ =	swait.ge [sflag:s12], $0x1500  }
0x15: {  	[sflag:s12] =	ssyncset.done $0x0  }
0x16: {  	[sflag:s12] =	ssyncadd.s32 $0xFFFFEB00  }
0x17: {  	[tilespmem:s13], [sflag:$0x5] =	stream.linear.gather [hbm4b:s7+s2], $0x1500, $0x38;
	[tilespmem:$0x1F000] =	vst v63  }
0x18: {  	_ =	swait.ge [sflag:s12], $0x1500  }
0x19: {  	[sflag:s12] =	ssyncset.done $0x0  }
0x1a: {  	[sflag:s12] =	ssyncadd.s32 $0xFFFFEB00  }
0x1b: {  	[spmem:s15], [sflag:s14] =	dma.local [hbm:s4], $0x2800  }
0x1c: {  	_ =	swait.ge [sflag:s12], $0x2800  }
0x1d: {  	[sflag:s12] =	ssyncset.done $0x0  }
0x1e: {  	[sflag:s12] =	ssyncadd.s32 $0xFFFFD800  }
0x1f: {  	s24 =	simm.s32 $0x0;
	[bflag:$0x0] =	sbarrier.arrive $0xFFFF  }
0x20: {  	[tilespmem:s17], [sflag:$0x1] =	stream.indirect.gather [hbm4b:s5+s16], $0x80, s24, s16, $0xb8;
	[tilespmem:$0x1F000] =	vst v63  }
0x21: {  	s29 =	simm.s32 $0x80  }
0x22: {  	[tilespmem:s18], [sflag:$0x2] =	stream.indirect.gather [hbm4b:s5+s16], $0x80, s29, s16, $0xb8;
	[tilespmem:$0x1F000] =	vst v63  }
0x23: {  	_ =	swait.ge [sflag:s19], $0x4000  }
0x24: {  	[sflag:s19] =	ssyncset.done $0x0  }
0x25: {  	s30 =	simm.s32 $0x1800;
	[sflag:s19] =	ssyncadd.s32 $0xFFFFC000  }
0x26: {  	[spmem:s1] =	stream.indirect.scatter.add.f32 [tilespmem:s17], [sflag:$0x3], $0x80, s30, s16, $0xb8;
	[tilespmem:$0x1F000] =	vst v63  }
0x27: {  	_ =	swait.ge [sflag:s20], $0x4000  }
0x28: {  	[sflag:s20] =	ssyncset.done $0x0  }
0x29: {  	s31 =	simm.s32 $0x1880;
	[sflag:s20] =	ssyncadd.s32 $0xFFFFC000  }
0x2a: {  	[spmem:s1] =	stream.indirect.scatter.add.f32 [tilespmem:s18], [sflag:$0x4], $0x80, s31, s16, $0xb8;
	[tilespmem:$0x1F000] =	vst v63  }
0x2b: {  	_ =	swait.ge [sflag:s21], $0x4000  }
0x2c: {  	[sflag:s21] =	ssyncset.done $0x0  }
0x2d: {  	[sflag:s21] =	ssyncadd.s32 $0xFFFFC000  }
0x2e: {  	_ =	swait.ge [sflag:s22], $0x4000  }
0x2f: {  	s25 =	simm.s32 $0x800;
	s24 =	simm.s32 $0x400;
	[sflag:s22] =	ssyncset.done $0x0  }
.LBB2_2:
0x30: {  	s26 =	sshra.s32 s24, $0x2  }
0x31: {  	[sflag:s22] =	ssyncadd.s32 $0xFFFFC000;
	s24 =	smov.u32 s25;
	s28 =	sadd.s32 $0x400, s25  }
0x32: {  	[tilespmem:s17], [sflag:$0x1] =	stream.indirect.gather [hbm4b:s5+s16], $0x80, s26, s16, $0xb8;
	[tilespmem:$0x1F000] =	vst v63  }
0x33: {  	p0 =	sne.s32 s25, $0x5000;
	s25 =	sadd.s32 $0x80, s26  }
0x34: {  	[tilespmem:s18], [sflag:$0x2] =	stream.indirect.gather [hbm4b:s5+s16], $0x80, s25, s16, $0xb8;
	[tilespmem:$0x1F000] =	vst v63  }
0x35: {  	_ =	swait.ge [sflag:s19], $0x4000  }
0x36: {  	[sflag:s19] =	ssyncset.done $0x0  }
0x37: {  	s25 =	sadd.s32 $0x1800, s26;
	[sflag:s19] =	ssyncadd.s32 $0xFFFFC000  }
0x38: {  	[spmem:s1] =	stream.indirect.scatter.add.f32 [tilespmem:s17], [sflag:$0x3], $0x80, s25, s16, $0xb8;
	[tilespmem:$0x1F000] =	vst v63  }
0x39: {  	_ =	swait.ge [sflag:s20], $0x4000  }
0x3a: {  	[sflag:s20] =	ssyncset.done $0x0  }
0x3b: {  	s25 =	sadd.s32 $0x1880, s26;
	[sflag:s20] =	ssyncadd.s32 $0xFFFFC000  }
0x3c: {  	[spmem:s1] =	stream.indirect.scatter.add.f32 [tilespmem:s18], [sflag:$0x4], $0x80, s25, s16, $0xb8;
	[tilespmem:$0x1F000] =	vst v63  }
.Ltmp0:
0x3d: {  	_ =	swait.ge [sflag:s21], $0x4000;
	(pc) =	sbr.rel @p0 .LBB2_2-.Ltmp0, $4  }
0x3e: {  	[sflag:s21] =	ssyncset.done $0x0  }
0x3f: {  	[sflag:s21] =	ssyncadd.s32 $0xFFFFC000  }
0x40: {  	_ =	swait.ge [sflag:s22], $0x4000  }
0x41: {  	s25 =	smov.u32 s28;
	[sflag:s22] =	ssyncset.done $0x0  }
0x42: {  	s24 =	sshra.s32 s24, $0x2;
	[sflag:s22] =	ssyncadd.s32 $0xFFFFC000  }
0x43: {  	[tilespmem:s17], [sflag:$0x1] =	stream.indirect.gather [hbm4b:s5+s16], $0x80, s24, s16, $0xb8;
	[tilespmem:$0x1F000] =	vst v63  }
0x44: {  	s25 =	sadd.s32 $0x80, s24  }
0x45: {  	[tilespmem:s18], [sflag:$0x2] =	stream.indirect.gather [hbm4b:s5+s16], $0x80, s25, s16, $0xb8;
	[tilespmem:$0x1F000] =	vst v63  }
0x46: {  	_ =	swait.ge [sflag:s19], $0x4000  }
0x47: {  	[sflag:s19] =	ssyncset.done $0x0  }
0x48: {  	s31 =	sadd.s32 $0x1800, s24;
	[sflag:s19] =	ssyncadd.s32 $0xFFFFC000  }
0x49: {  	[spmem:s1] =	stream.indirect.scatter.add.f32 [tilespmem:s17], [sflag:$0x3], $0x80, s31, s16, $0xb8;
	[tilespmem:$0x1F000] =	vst v63  }
0x4a: {  	_ =	swait.ge [sflag:s20], $0x4000  }
0x4b: {  	[sflag:s20] =	ssyncset.done $0x0  }
0x4c: {  	s24 =	sadd.s32 $0x1880, s24;
	[sflag:s20] =	ssyncadd.s32 $0xFFFFC000  }
0x4d: {  	[spmem:s1] =	stream.indirect.scatter.add.f32 [tilespmem:s18], [sflag:$0x4], $0x80, s24, s16, $0xb8;
	[tilespmem:$0x1F000] =	vst v63  }
0x4e: {  	_ =	swait.ge [sflag:s21], $0x4000  }
0x4f: {  	[sflag:s21] =	ssyncset.done $0x0  }
0x50: {  	[sflag:s21] =	ssyncadd.s32 $0xFFFFC000  }
0x51: {  	_ =	swait.ge [sflag:s22], $0x4000  }
0x52: {  	[sflag:s22] =	ssyncset.done $0x0  }
0x53: {  	s26 =	simm.s32 $0x0;
	[sflag:s22] =	ssyncadd.s32 $0xFFFFC000  }
0x54: {  	[tilespmem:s26], [sflag:$0x5] =	stream.linear.gather [hbm4b:s8+s26], $0x1500, $0x38;
	[tilespmem:$0x1F000] =	vst v63  }
0x55: {  	_ =	swait.ge [sflag:s12], $0x1500  }
0x56: {  	[sflag:s12] =	ssyncset.done $0x0  }
0x57: {  	[sflag:s12] =	ssyncadd.s32 $0xFFFFEB00  }
0x58: {  	[tilespmem:s13], [sflag:$0x5] =	stream.linear.gather [hbm4b:s9+s26], $0x1500, $0x38;
	[tilespmem:$0x1F000] =	vst v63  }
0x59: {  	_ =	swait.ge [sflag:s12], $0x1500  }
0x5a: {  	[sflag:s12] =	ssyncset.done $0x0  }
0x5b: {  	s28 =	simm.s32 $0x0;
	[sflag:s12] =	ssyncadd.s32 $0xFFFFEB00  }
0x5c: {  	[tilespmem:s17], [sflag:$0x1] =	stream.indirect.gather [hbm4b:s5+s16], $0x80, s28, s16, $0xb8;
	[tilespmem:$0x1F000] =	vst v63  }
0x5d: {  	s29 =	simm.s32 $0x80  }
0x5e: {  	[tilespmem:s18], [sflag:$0x2] =	stream.indirect.gather [hbm4b:s5+s16], $0x80, s29, s16, $0xb8;
	[tilespmem:$0x1F000] =	vst v63  }
0x5f: {  	_ =	swait.ge [sflag:s19], $0x4000  }
0x60: {  	[sflag:s19] =	ssyncset.done $0x0  }
0x61: {  	s30 =	simm.s32 $0x1800;
	[sflag:s19] =	ssyncadd.s32 $0xFFFFC000  }
0x62: {  	[spmem:s1] =	stream.indirect.scatter.add.f32 [tilespmem:s17], [sflag:$0x3], $0x80, s30, s16, $0xb8;
	[tilespmem:$0x1F000] =	vst v63  }
0x63: {  	_ =	swait.ge [sflag:s20], $0x4000  }
0x64: {  	[sflag:s20] =	ssyncset.done $0x0  }
0x65: {  	s31 =	simm.s32 $0x1880;
	[sflag:s20] =	ssyncadd.s32 $0xFFFFC000  }
0x66: {  	[spmem:s1] =	stream.indirect.scatter.add.f32 [tilespmem:s18], [sflag:$0x4], $0x80, s31, s16, $0xb8;
	[tilespmem:$0x1F000] =	vst v63  }
0x67: {  	_ =	swait.ge [sflag:s21], $0x4000  }
0x68: {  	[sflag:s21] =	ssyncset.done $0x0  }
0x69: {  	[sflag:s21] =	ssyncadd.s32 $0xFFFFC000  }
0x6a: {  	_ =	swait.ge [sflag:s22], $0x4000  }
0x6b: {  	s25 =	simm.s32 $0x800;
	s24 =	simm.s32 $0x400;
	[sflag:s22] =	ssyncset.done $0x0  }
.LBB2_4:
0x6c: {  	s26 =	sshra.s32 s24, $0x2  }
0x6d: {  	[sflag:s22] =	ssyncadd.s32 $0xFFFFC000;
	s24 =	smov.u32 s25;
	s28 =	sadd.s32 $0x400, s25  }
0x6e: {  	[tilespmem:s17], [sflag:$0x1] =	stream.indirect.gather [hbm4b:s5+s16], $0x80, s26, s16, $0xb8;
	[tilespmem:$0x1F000] =	vst v63  }
0x6f: {  	p0 =	sne.s32 s25, $0x5000;
	s25 =	sadd.s32 $0x80, s26  }
0x70: {  	[tilespmem:s18], [sflag:$0x2] =	stream.indirect.gather [hbm4b:s5+s16], $0x80, s25, s16, $0xb8;
	[tilespmem:$0x1F000] =	vst v63  }
0x71: {  	_ =	swait.ge [sflag:s19], $0x4000  }
0x72: {  	[sflag:s19] =	ssyncset.done $0x0  }
0x73: {  	s25 =	sadd.s32 $0x1800, s26;
	[sflag:s19] =	ssyncadd.s32 $0xFFFFC000  }
0x74: {  	[spmem:s1] =	stream.indirect.scatter.add.f32 [tilespmem:s17], [sflag:$0x3], $0x80, s25, s16, $0xb8;
	[tilespmem:$0x1F000] =	vst v63  }
0x75: {  	_ =	swait.ge [sflag:s20], $0x4000  }
0x76: {  	[sflag:s20] =	ssyncset.done $0x0  }
0x77: {  	s25 =	sadd.s32 $0x1880, s26;
	[sflag:s20] =	ssyncadd.s32 $0xFFFFC000  }
0x78: {  	[spmem:s1] =	stream.indirect.scatter.add.f32 [tilespmem:s18], [sflag:$0x4], $0x80, s25, s16, $0xb8;
	[tilespmem:$0x1F000] =	vst v63  }
.Ltmp1:
0x79: {  	_ =	swait.ge [sflag:s21], $0x4000;
	(pc) =	sbr.rel @p0 .LBB2_4-.Ltmp1, $4  }
0x7a: {  	[sflag:s21] =	ssyncset.done $0x0  }
0x7b: {  	[sflag:s21] =	ssyncadd.s32 $0xFFFFC000  }
0x7c: {  	_ =	swait.ge [sflag:s22], $0x4000  }
0x7d: {  	s25 =	smov.u32 s28;
	[sflag:s22] =	ssyncset.done $0x0  }
0x7e: {  	s24 =	sshra.s32 s24, $0x2;
	[sflag:s22] =	ssyncadd.s32 $0xFFFFC000  }
0x7f: {  	[tilespmem:s17], [sflag:$0x1] =	stream.indirect.gather [hbm4b:s5+s16], $0x80, s24, s16, $0xb8;
	[tilespmem:$0x1F000] =	vst v63  }
0x80: {  	s25 =	sadd.s32 $0x80, s24  }
0x81: {  	[tilespmem:s18], [sflag:$0x2] =	stream.indirect.gather [hbm4b:s5+s16], $0x80, s25, s16, $0xb8;
	[tilespmem:$0x1F000] =	vst v63  }
0x82: {  	_ =	swait.ge [sflag:s19], $0x4000  }
0x83: {  	[sflag:s19] =	ssyncset.done $0x0  }
0x84: {  	s31 =	sadd.s32 $0x1800, s24;
	[sflag:s19] =	ssyncadd.s32 $0xFFFFC000  }
0x85: {  	[spmem:s1] =	stream.indirect.scatter.add.f32 [tilespmem:s17], [sflag:$0x3], $0x80, s31, s16, $0xb8;
	[tilespmem:$0x1F000] =	vst v63  }
0x86: {  	_ =	swait.ge [sflag:s20], $0x4000  }
0x87: {  	[sflag:s20] =	ssyncset.done $0x0  }
0x88: {  	s24 =	sadd.s32 $0x1880, s24;
	[sflag:s20] =	ssyncadd.s32 $0xFFFFC000  }
0x89: {  	[spmem:s1] =	stream.indirect.scatter.add.f32 [tilespmem:s18], [sflag:$0x4], $0x80, s24, s16, $0xb8;
	[tilespmem:$0x1F000] =	vst v63  }
0x8a: {  	_ =	swait.ge [sflag:s21], $0x4000  }
0x8b: {  	[sflag:s21] =	ssyncset.done $0x0  }
0x8c: {  	[sflag:s21] =	ssyncadd.s32 $0xFFFFC000  }
0x8d: {  	_ =	swait.ge [sflag:s22], $0x4000  }
0x8e: {  	s23 =	sadd.s32 $0x1, s23;
	[sflag:s22] =	ssyncset.done $0x0  }
0x8f: {  	p0 =	sne.s32 s23, s11;
	[sflag:s22] =	ssyncadd.s32 $0xFFFFC000  }
.Ltmp2:
0x90: {  	[bflag:$0x0] =	sbarrier.arrive $0xFFFF;
	(pc) =	sbr.rel @p0 .LBB2_1-.Ltmp2, $4  }
0x91: {  	[hbm:s10], [sflag:s14] =	dma.local [spmem:s15], $0x2800  }
0x92: {  	_ =	swait.ge [sflag:s12], $0x2800  }
0x93: {  	[sflag:s12] =	ssyncset.done $0x0  }
0x94: {  	[sflag:s12] =	ssyncadd.s32 $0xFFFFD800  }
0x95: {  	_ =	sfence.sel $0x180000  }
0x96: {  	[bflag:$0x0] =	sbarrier.arrive $0xFFFF  }
0x97: {  	p0 =	sne.s32 s3, $0x0;
	_ =	strace $0x9000005C  }
0x98: {  	s0 =	sadd.s32 @!p0 $0x100000, s0;
	[bflag:$0x2] =	sbarrier.arrive $0xFFFF  }
0x99: {  	[sflag:s0] =	ssyncadd.tile.s32 @!p0 $0x1;
	_ =	shalt  }
.Lfunc_end2:
_tile_overlayer_lowered:
.L_overlay_start_2:
0x9a: {  	(tag) =	ssettag $0x2  }
0x9b: {  	s0 =	rddreg [dreg:$0x0];
	s2 =	stileid.u32  }
0x9c: {  	s1 =	rddreg [dreg:$0x1];
	p0 =	sne.s32 s2, $0x0  }
0x9d: {  	s3 =	rddreg [dreg:$0x2];
	[bflag:$0x3] =	sbarrier.arrive $0xFFFF;
	s2 =	simm.s32 @!p0 $0x1C05  }
0x9e: {  	[timem:s3], [sflag:s2] =	dma.local @!p0 [hbm:s0], s1  }
0x9f: {  	s0 =	simm.s32 @!p0 $0x5  }
0xa0: {  	_ =	swait.ge @!p0 [sflag:s0], s1  }
0xa1: {  	s1 =	ssub.s32 @!p0 $0x0, s1;
	[sflag:s0] =	ssyncset.done @!p0 $0x0  }
0xa2: {  	[sflag:s0] =	ssyncadd.s32 @!p0 s1  }
0xa3: {  	[bflag:$0x3] =	sbarrier.arrive $0xFFFF  }
0xa4: {  	_ =	shalt  }

</sc_bundles>
